<compile_context>
chip_gen: v7x
topology: tpu7x:2x2x1
jax: 0.10.2.dev20260603
libtpu: 0.0.44.dev20260713+nightly
codegen_flags: <defaults>
</compile_context>

<pallas_src>
import functools

import jax
import jax.numpy as jnp
from jax import lax
from jax.experimental import pallas as pl
from jax.experimental.pallas import tpu as pltpu
from jax.experimental.pallas import tpu_sc as plsc

N = 10000
E = 320000
D = 128

NC = 2
NS = 16
L = 16
DH = D // NC
EPT = E // NS
BB = 80
NB = EPT // BB
G = BB // L
R = 6
CNB = 25
NCH = NB // CNB


def _prep_body(h_ref, d_ref, wd_ref, ws_ref, gb_ref, yn_ref, yw_ref, nw_ref,
               hs_ref, u2_ref, v2_ref, c_ref):
    h = h_ref[...]
    hs = h * d_ref[...]
    hs_ref[0] = hs[:, :DH]
    hs_ref[1] = hs[:, DH:]
    u2_ref[...] = 2.0 * (jnp.sum(h * wd_ref[...], axis=1) + gb_ref[0, 0])
    v2_ref[...] = 2.0 * jnp.sum(h * ws_ref[...], axis=1)
    yn = yn_ref[...]
    c_ref[...] = 0.5 * (1.0 + jnp.tanh(yn * yw_ref[0, 0] + (1.0 - yn) * nw_ref[0, 0]))


def _sc_body(hs_hbm, u_hbm, v_hbm, d_hbm, src_hbm, dst_hbm, c_hbm, zero_hbm,
             zp_hbm, tsrc, tdst, c_v, u_v, v_v, d_v, w_v, rows_v, z_sh,
             gsem, ssem, tsem):
    cid = lax.axis_index("c")
    sid = lax.axis_index("s")

    pltpu.sync_copy(u_hbm, u_v)
    pltpu.sync_copy(v_hbm, v_v)
    pltpu.sync_copy(d_hbm, d_v)
    pltpu.sync_copy(c_hbm.at[sid], c_v)
    base = sid * NCH
    pltpu.sync_copy(src_hbm.at[base], tsrc.at[0])
    pltpu.sync_copy(dst_hbm.at[base], tdst.at[0])
    pltpu.async_copy(src_hbm.at[base + 1], tsrc.at[1], tsem)
    pltpu.async_copy(dst_hbm.at[base + 1], tdst.at[1], tsem)

    r0 = sid * (N // NS)
    pltpu.sync_copy(zero_hbm.at[pl.ds(r0, N // NS)],
                    z_sh.at[pl.ds(r0, N // NS)])

    plsc.subcore_barrier()

    pltpu.async_copy(hs_hbm.at[cid].at[tsrc.at[0, 0]], rows_v.at[0], gsem)
    pltpu.async_copy(hs_hbm.at[cid].at[tsrc.at[0, 1]], rows_v.at[1], gsem)

    def body(j, carry):
        p, pg, jloc, jgloc, chs, gs, chnum = carry

        @pl.when(jnp.logical_and(jgloc == 0, j < NB - 2))
        def _():
            pltpu.make_async_copy(src_hbm.at[base], tsrc.at[0], tsem).wait()
            pltpu.make_async_copy(dst_hbm.at[base], tdst.at[0], tsem).wait()

        @pl.when(j >= R - 2)
        def _():
            pltpu.make_async_copy(rows_v.at[pg], z_sh.at[tdst.at[0, 0]],
                                  ssem).wait()

        @pl.when(j < NB - 2)
        def _():
            pltpu.async_copy(hs_hbm.at[cid].at[tsrc.at[gs, jgloc]],
                             rows_v.at[pg], gsem)

        for g in range(G):
            sl = pl.ds(g * L, L)
            dvec = tdst[chs, jloc, sl]
            uu = plsc.load_gather(u_v, [dvec])
            vv = plsc.load_gather(v_v, [tsrc[chs, jloc, sl]])
            dd = plsc.load_gather(d_v, [dvec])
            w_v[sl] = (c_v[j, sl] - 1.0 / (1.0 + jnp.exp(uu + vv))) * dd

        pltpu.make_async_copy(hs_hbm.at[cid].at[tsrc.at[chs, jloc]],
                              rows_v.at[p], gsem).wait()
        for g in range(G):
            wv = w_v[pl.ds(g * L, L)]
            for e16 in range(L):
                e = g * L + e16
                we = wv[e16]
                for b in range(DH // L):
                    s2 = pl.ds(b * L, L)
                    rows_v[p, e, s2] = rows_v[p, e, s2] * we
        pltpu.async_copy(rows_v.at[p], z_sh.at[tdst.at[chs, jloc]], ssem,
                         add=True)

        @pl.when(jnp.logical_and(jloc == 4,
                                 jnp.logical_and(chnum >= 1, chnum <= NCH - 2)))
        def _():
            pltpu.async_copy(src_hbm.at[base + chnum + 1], tsrc.at[1 - chs],
                             tsem)
            pltpu.async_copy(dst_hbm.at[base + chnum + 1], tdst.at[1 - chs],
                             tsem)

        wrap = jloc == CNB - 1
        gwrap = jgloc == CNB - 1
        return (jnp.where(p == R - 1, 0, p + 1),
                jnp.where(pg == R - 1, 0, pg + 1),
                jnp.where(wrap, 0, jloc + 1),
                jnp.where(gwrap, 0, jgloc + 1),
                jnp.where(wrap, 1 - chs, chs),
                jnp.where(gwrap, 1 - gs, gs),
                jnp.where(wrap, chnum + 1, chnum))

    zero = jnp.int32(0)
    lax.fori_loop(0, NB, body,
                  (zero, jnp.int32(2), zero, jnp.int32(2), zero, zero, zero))

    for _ in range(R - 2):
        pltpu.make_async_copy(rows_v.at[0], z_sh.at[tdst.at[0, 0]],
                              ssem).wait()

    plsc.subcore_barrier()

    pltpu.sync_copy(z_sh.at[pl.ds(r0, N // NS)],
                    zp_hbm.at[cid].at[pl.ds(r0, N // NS)])


_sc_call = functools.partial(
    pl.kernel,
    out_type=jax.ShapeDtypeStruct((NC, N, DH), jnp.float32),
    mesh=plsc.VectorSubcoreMesh(core_axis_name="c", subcore_axis_name="s",
                                num_cores=NC, num_subcores=NS),
    compiler_params=pltpu.CompilerParams(needs_layout_passes=False,
                                         use_tc_tiling_on_sc=False),
    scratch_types=[
        pltpu.VMEM((2, CNB, BB), jnp.int32),
        pltpu.VMEM((2, CNB, BB), jnp.int32),
        pltpu.VMEM((NB, BB), jnp.float32),
        pltpu.VMEM((N,), jnp.float32),
        pltpu.VMEM((N,), jnp.float32),
        pltpu.VMEM((N,), jnp.float32),
        pltpu.VMEM((BB,), jnp.float32),
        pltpu.VMEM((R, BB, DH), jnp.float32),
        pltpu.VMEM_SHARED((N, DH), jnp.float32),
        pltpu.SemaphoreType.DMA,
        pltpu.SemaphoreType.DMA,
        pltpu.SemaphoreType.DMA,
    ],
)(_sc_body)


def kernel(h, yes_weight, no_weight, d, yes_no, gate_w, gate_b, edge_index):
    d_col = d.reshape(N, 1)
    wd = gate_w[:, :D]
    ws = gate_w[:, D:]
    gb = gate_b.reshape(1, 1)
    yw = yes_weight.reshape(1, 1)
    nw = no_weight.reshape(1, 1)
    yn2 = yes_no.reshape(E // D, D)

    hs2, u2, v2, c = pl.pallas_call(
        _prep_body,
        out_shape=[
            jax.ShapeDtypeStruct((NC, N, DH), jnp.float32),
            jax.ShapeDtypeStruct((N,), jnp.float32),
            jax.ShapeDtypeStruct((N,), jnp.float32),
            jax.ShapeDtypeStruct((E // D, D), jnp.float32),
        ],
    )(h, d_col, wd, ws, gb, yn2, yw, nw)

    src3 = edge_index[0].reshape(NS * NCH, CNB, BB)
    dst3 = edge_index[1].reshape(NS * NCH, CNB, BB)
    c3 = c.reshape(NS, NB, BB)
    zeros = jnp.zeros((N, DH), jnp.float32)

    zp = _sc_call(hs2, u2, v2, d, src3, dst3, c3, zeros)
    return jnp.concatenate([zp[0], zp[1]], axis=1)

# --- scband reference (transcript-rebuilt; emitter-appended) ---
"""Pipeline reference for scband-falayer-28449863368913 (READ-ONLY COPY).

The authoritative reference and input builder live on the scoring server;
editing this copy changes nothing except your own understanding.
"""

import jax, jax.numpy as jnp
import numpy as np

N = 10000
E = 320000
D = 128


def setup_inputs(seed: int = 0) -> dict:
    key = jax.random.key(seed)
    ks = jax.random.split(key, 8)
    h = jax.random.normal(ks[0], (N, D), dtype=jnp.float32)
    yes_weight = jax.random.normal(ks[1], (1,), dtype=jnp.float32)
    no_weight = jax.random.normal(ks[2], (1,), dtype=jnp.float32)
    # graph structure (held by self.g in the torch/DGL module)
    edge_index = jax.random.randint(ks[3], (2, E), 0, N, dtype=jnp.int32)
    # symmetric degree normalization d = 1/sqrt(deg+1), as in FAGCN preprocessing
    deg = jnp.zeros((N,), dtype=jnp.float32).at[edge_index[1]].add(1.0)
    d = 1.0 / jnp.sqrt(deg + 1.0)
    # binary edge attribute 'yes_no'
    yes_no = jax.random.bernoulli(ks[4], 0.5, (E,)).astype(jnp.float32)
    # gate: Linear(2*D -> 1), xavier_normal with gain=1.414
    std = 1.414 * np.sqrt(2.0 / (2 * D + 1))
    gate_w = jax.random.normal(ks[5], (1, 2 * D), dtype=jnp.float32) * std
    gate_b = jnp.zeros((1,), dtype=jnp.float32)
    return {"h": h, "yes_weight": yes_weight, "no_weight": no_weight,
            "d": d, "yes_no": yes_no, "gate_w": gate_w, "gate_b": gate_b,
            "edge_index": edge_index}


def reference(h, yes_weight, no_weight, d, yes_no, gate_w, gate_b, edge_index):
    src = edge_index[0]
    dst = edge_index[1]
    h_src = h[src]                      # gather src features
    h_dst = h[dst]                      # gather dst features
    h2 = jnp.concatenate([h_dst, h_src], axis=1)          # [E, 2D]
    g = jnp.tanh(h2 @ gate_w.T + gate_b).squeeze(-1)       # [E]
    yn = jnp.tanh(yes_no * yes_weight + (1.0 - yes_no) * no_weight)  # [E]
    e = (g + yn) / 2.0 * d[dst] * d[src]                   # [E]
    # dropout skipped (eval mode / deterministic reference)
    msg = h_src * e[:, None]                               # u_mul_e
    z = jnp.zeros_like(h).at[dst].add(msg)                 # sum into dst
    return z

if __name__ == "__main__":
    import jax
    _d = setup_inputs()
    print(jax.jit(kernel)(*tuple(_d.values())))

</pallas_src>

<mosaic_0001>
#map = affine_map<(d0, d1) -> (0, 0, 0)>
#map1 = affine_map<(d0, d1) -> (0)>
#map2 = affine_map<(d0, d1) -> (0, 0)>
module attributes {stable_mosaic.version = 14 : i64} {
  func.func @_sc_body(%arg0: i32, %arg1: i32, %arg2: memref<2x10000x64xf32, #tpu.memory_space<hbm>>, %arg3: memref<10000xf32, #tpu.memory_space<hbm>>, %arg4: memref<10000xf32, #tpu.memory_space<hbm>>, %arg5: memref<10000xf32, #tpu.memory_space<hbm>>, %arg6: memref<160x25x80xi32, #tpu.memory_space<hbm>>, %arg7: memref<160x25x80xi32, #tpu.memory_space<hbm>>, %arg8: memref<16x250x80xf32, #tpu.memory_space<hbm>>, %arg9: memref<10000x64xf32, #tpu.memory_space<hbm>>, %arg10: memref<2x10000x64xf32, #tpu.memory_space<hbm>>, %arg11: memref<2x25x80xi32, #tpu.memory_space<vmem>>, %arg12: memref<2x25x80xi32, #tpu.memory_space<vmem>>, %arg13: memref<250x80xf32, #tpu.memory_space<vmem>>, %arg14: memref<10000xf32, #tpu.memory_space<vmem>>, %arg15: memref<10000xf32, #tpu.memory_space<vmem>>, %arg16: memref<10000xf32, #tpu.memory_space<vmem>>, %arg17: memref<80xf32, #tpu.memory_space<vmem>>, %arg18: memref<6x80x64xf32, #tpu.memory_space<vmem>>, %arg19: memref<10000x64xf32, #tpu.memory_space<vmem_shared>>, %arg20: memref<!tpu.dma_semaphore, #tpu.memory_space<semaphore_mem>>, %arg21: memref<!tpu.dma_semaphore, #tpu.memory_space<semaphore_mem>>, %arg22: memref<!tpu.dma_semaphore, #tpu.memory_space<semaphore_mem>>) attributes {dimension_semantics = [#tpu.dimension_semantics<core_parallel>, #tpu.dimension_semantics<subcore_parallel>], iteration_bounds = array<i64: 2, 16>, scalar_prefetch = 0 : i64, scratch_operands = 12 : i64, tpu.core_type = #tpu.core_type<sc_vector_subcore>, window_params = [{transform_indices = #map}, {transform_indices = #map1}, {transform_indices = #map1}, {transform_indices = #map1}, {transform_indices = #map}, {transform_indices = #map}, {transform_indices = #map}, {transform_indices = #map2}, {transform_indices = #map}]} {
    "tpu.region"() ({
      %run_scoped3A_138 = tpu.sem_alloc : memref<!tpu.dma_semaphore, #tpu.memory_space<semaphore_mem>>
      tpu.enqueue_dma source(%arg3 : memref<10000xf32, #tpu.memory_space<hbm>>) target(%arg14 : memref<10000xf32, #tpu.memory_space<vmem>>) target_semaphore(%run_scoped3A_138 : memref<!tpu.dma_semaphore, #tpu.memory_space<semaphore_mem>>)
      tpu.wait_dma2 semaphore(%run_scoped3A_138 : memref<!tpu.dma_semaphore, #tpu.memory_space<semaphore_mem>>) src(%arg3 : memref<10000xf32, #tpu.memory_space<hbm>>) dst(%arg14 : memref<10000xf32, #tpu.memory_space<vmem>>)
      tpu.yield
    }) : () -> ()
    "tpu.region"() ({
      %run_scoped3A_138 = tpu.sem_alloc : memref<!tpu.dma_semaphore, #tpu.memory_space<semaphore_mem>>
      tpu.enqueue_dma source(%arg4 : memref<10000xf32, #tpu.memory_space<hbm>>) target(%arg15 : memref<10000xf32, #tpu.memory_space<vmem>>) target_semaphore(%run_scoped3A_138 : memref<!tpu.dma_semaphore, #tpu.memory_space<semaphore_mem>>)
      tpu.wait_dma2 semaphore(%run_scoped3A_138 : memref<!tpu.dma_semaphore, #tpu.memory_space<semaphore_mem>>) src(%arg4 : memref<10000xf32, #tpu.memory_space<hbm>>) dst(%arg15 : memref<10000xf32, #tpu.memory_space<vmem>>)
      tpu.yield
    }) : () -> ()
    "tpu.region"() ({
      %run_scoped3A_138 = tpu.sem_alloc : memref<!tpu.dma_semaphore, #tpu.memory_space<semaphore_mem>>
      tpu.enqueue_dma source(%arg5 : memref<10000xf32, #tpu.memory_space<hbm>>) target(%arg16 : memref<10000xf32, #tpu.memory_space<vmem>>) target_semaphore(%run_scoped3A_138 : memref<!tpu.dma_semaphore, #tpu.memory_space<semaphore_mem>>)
      tpu.wait_dma2 semaphore(%run_scoped3A_138 : memref<!tpu.dma_semaphore, #tpu.memory_space<semaphore_mem>>) src(%arg5 : memref<10000xf32, #tpu.memory_space<hbm>>) dst(%arg16 : memref<10000xf32, #tpu.memory_space<vmem>>)
      tpu.yield
    }) : () -> ()
    "tpu.region"() ({
      %run_scoped3A_138 = tpu.sem_alloc : memref<!tpu.dma_semaphore, #tpu.memory_space<semaphore_mem>>
      %dma_start3A_139 = arith.constant 0 : i32
      %dma_start3A_140 = arith.constant 0 : i32
      %dma_start3A_141 = tpu.memref_slice %arg8[%arg1, %dma_start3A_139, %dma_start3A_140] : memref<16x250x80xf32, #tpu.memory_space<hbm>> -> memref<1x250x80xf32, #tpu.memory_space<hbm>>
      %dma_start3A_142 = tpu.memref_squeeze %dma_start3A_141 : memref<1x250x80xf32, #tpu.memory_space<hbm>> -> memref<250x80xf32, #tpu.memory_space<hbm>>
      %dma_start3A_143 = arith.constant 0 : i32
      %dma_start3A_144 = arith.constant 0 : i32
      %dma_start3A_145 = tpu.memref_slice %arg8[%arg1, %dma_start3A_143, %dma_start3A_144] : memref<16x250x80xf32, #tpu.memory_space<hbm>> -> memref<1x250x80xf32, #tpu.memory_space<hbm>>
      %dma_start3A_146 = tpu.memref_squeeze %dma_start3A_145 : memref<1x250x80xf32, #tpu.memory_space<hbm>> -> memref<250x80xf32, #tpu.memory_space<hbm>>
      tpu.enqueue_dma source(%dma_start3A_146 : memref<250x80xf32, #tpu.memory_space<hbm>>) target(%arg13 : memref<250x80xf32, #tpu.memory_space<vmem>>) target_semaphore(%run_scoped3A_138 : memref<!tpu.dma_semaphore, #tpu.memory_space<semaphore_mem>>)
      %dma_wait3A_147 = arith.constant 0 : i32
      %dma_wait3A_148 = arith.constant 0 : i32
      %dma_wait3A_149 = tpu.memref_slice %arg8[%arg1, %dma_wait3A_147, %dma_wait3A_148] : memref<16x250x80xf32, #tpu.memory_space<hbm>> -> memref<1x250x80xf32, #tpu.memory_space<hbm>>
      %dma_wait3A_150 = tpu.memref_squeeze %dma_wait3A_149 : memref<1x250x80xf32, #tpu.memory_space<hbm>> -> memref<250x80xf32, #tpu.memory_space<hbm>>
      %dma_wait3A_151 = arith.constant 0 : i32
      %dma_wait3A_152 = arith.constant 0 : i32
      %dma_wait3A_153 = tpu.memref_slice %arg8[%arg1, %dma_wait3A_151, %dma_wait3A_152] : memref<16x250x80xf32, #tpu.memory_space<hbm>> -> memref<1x250x80xf32, #tpu.memory_space<hbm>>
      %dma_wait3A_154 = tpu.memref_squeeze %dma_wait3A_153 : memref<1x250x80xf32, #tpu.memory_space<hbm>> -> memref<250x80xf32, #tpu.memory_space<hbm>>
      tpu.wait_dma2 semaphore(%run_scoped3A_138 : memref<!tpu.dma_semaphore, #tpu.memory_space<semaphore_mem>>) src(%dma_wait3A_154 : memref<250x80xf32, #tpu.memory_space<hbm>>) dst(%arg13 : memref<250x80xf32, #tpu.memory_space<vmem>>)
      tpu.yield
    }) : () -> ()
    %mul3A = arith.constant 10 : i32
    %mul3A_0 = arith.muli %arg1, %mul3A : i32
    %run_scoped3A = arith.constant 0 : i32
    "tpu.region"() ({
      %run_scoped3A_138 = tpu.sem_alloc : memref<!tpu.dma_semaphore, #tpu.memory_space<semaphore_mem>>
      %dma_start3A_139 = arith.constant 0 : i32
      %dma_start3A_140 = arith.constant 0 : i32
      %dma_start3A_141 = tpu.memref_slice %arg11[%run_scoped3A, %dma_start3A_139, %dma_start3A_140] : memref<2x25x80xi32, #tpu.memory_space<vmem>> -> memref<1x25x80xi32, #tpu.memory_space<vmem>>
      %dma_start3A_142 = tpu.memref_squeeze %dma_start3A_141 : memref<1x25x80xi32, #tpu.memory_space<vmem>> -> memref<25x80xi32, #tpu.memory_space<vmem>>
      %dma_start3A_143 = arith.constant 0 : i32
      %dma_start3A_144 = arith.constant 0 : i32
      %dma_start3A_145 = tpu.memref_slice %arg6[%mul3A_0, %dma_start3A_143, %dma_start3A_144] : memref<160x25x80xi32, #tpu.memory_space<hbm>> -> memref<1x25x80xi32, #tpu.memory_space<hbm>>
      %dma_start3A_146 = tpu.memref_squeeze %dma_start3A_145 : memref<1x25x80xi32, #tpu.memory_space<hbm>> -> memref<25x80xi32, #tpu.memory_space<hbm>>
      %dma_start3A_147 = arith.constant 0 : i32
      %dma_start3A_148 = arith.constant 0 : i32
      %dma_start3A_149 = tpu.memref_slice %arg11[%run_scoped3A, %dma_start3A_147, %dma_start3A_148] : memref<2x25x80xi32, #tpu.memory_space<vmem>> -> memref<1x25x80xi32, #tpu.memory_space<vmem>>
      %dma_start3A_150 = tpu.memref_squeeze %dma_start3A_149 : memref<1x25x80xi32, #tpu.memory_space<vmem>> -> memref<25x80xi32, #tpu.memory_space<vmem>>
      %dma_start3A_151 = arith.constant 0 : i32
      %dma_start3A_152 = arith.constant 0 : i32
      %dma_start3A_153 = tpu.memref_slice %arg6[%mul3A_0, %dma_start3A_151, %dma_start3A_152] : memref<160x25x80xi32, #tpu.memory_space<hbm>> -> memref<1x25x80xi32, #tpu.memory_space<hbm>>
      %dma_start3A_154 = tpu.memref_squeeze %dma_start3A_153 : memref<1x25x80xi32, #tpu.memory_space<hbm>> -> memref<25x80xi32, #tpu.memory_space<hbm>>
      tpu.enqueue_dma source(%dma_start3A_154 : memref<25x80xi32, #tpu.memory_space<hbm>>) target(%dma_start3A_150 : memref<25x80xi32, #tpu.memory_space<vmem>>) target_semaphore(%run_scoped3A_138 : memref<!tpu.dma_semaphore, #tpu.memory_space<semaphore_mem>>)
      %dma_wait3A_155 = arith.constant 0 : i32
      %dma_wait3A_156 = arith.constant 0 : i32
      %dma_wait3A_157 = tpu.memref_slice %arg11[%run_scoped3A, %dma_wait3A_155, %dma_wait3A_156] : memref<2x25x80xi32, #tpu.memory_space<vmem>> -> memref<1x25x80xi32, #tpu.memory_space<vmem>>
      %dma_wait3A_158 = tpu.memref_squeeze %dma_wait3A_157 : memref<1x25x80xi32, #tpu.memory_space<vmem>> -> memref<25x80xi32, #tpu.memory_space<vmem>>
      %dma_wait3A_159 = arith.constant 0 : i32
      %dma_wait3A_160 = arith.constant 0 : i32
      %dma_wait3A_161 = tpu.memref_slice %arg6[%mul3A_0, %dma_wait3A_159, %dma_wait3A_160] : memref<160x25x80xi32, #tpu.memory_space<hbm>> -> memref<1x25x80xi32, #tpu.memory_space<hbm>>
      %dma_wait3A_162 = tpu.memref_squeeze %dma_wait3A_161 : memref<1x25x80xi32, #tpu.memory_space<hbm>> -> memref<25x80xi32, #tpu.memory_space<hbm>>
      %dma_wait3A_163 = arith.constant 0 : i32
      %dma_wait3A_164 = arith.constant 0 : i32
      %dma_wait3A_165 = tpu.memref_slice %arg11[%run_scoped3A, %dma_wait3A_163, %dma_wait3A_164] : memref<2x25x80xi32, #tpu.memory_space<vmem>> -> memref<1x25x80xi32, #tpu.memory_space<vmem>>
      %dma_wait3A_166 = tpu.memref_squeeze %dma_wait3A_165 : memref<1x25x80xi32, #tpu.memory_space<vmem>> -> memref<25x80xi32, #tpu.memory_space<vmem>>
      %dma_wait3A_167 = arith.constant 0 : i32
      %dma_wait3A_168 = arith.constant 0 : i32
      %dma_wait3A_169 = tpu.memref_slice %arg6[%mul3A_0, %dma_wait3A_167, %dma_wait3A_168] : memref<160x25x80xi32, #tpu.memory_space<hbm>> -> memref<1x25x80xi32, #tpu.memory_space<hbm>>
      %dma_wait3A_170 = tpu.memref_squeeze %dma_wait3A_169 : memref<1x25x80xi32, #tpu.memory_space<hbm>> -> memref<25x80xi32, #tpu.memory_space<hbm>>
      tpu.wait_dma2 semaphore(%run_scoped3A_138 : memref<!tpu.dma_semaphore, #tpu.memory_space<semaphore_mem>>) src(%dma_wait3A_170 : memref<25x80xi32, #tpu.memory_space<hbm>>) dst(%dma_wait3A_166 : memref<25x80xi32, #tpu.memory_space<vmem>>)
      tpu.yield
    }) : () -> ()
    %run_scoped3A_1 = arith.constant 0 : i32
    "tpu.region"() ({
      %run_scoped3A_138 = tpu.sem_alloc : memref<!tpu.dma_semaphore, #tpu.memory_space<semaphore_mem>>
      %dma_start3A_139 = arith.constant 0 : i32
      %dma_start3A_140 = arith.constant 0 : i32
      %dma_start3A_141 = tpu.memref_slice %arg12[%run_scoped3A_1, %dma_start3A_139, %dma_start3A_140] : memref<2x25x80xi32, #tpu.memory_space<vmem>> -> memref<1x25x80xi32, #tpu.memory_space<vmem>>
      %dma_start3A_142 = tpu.memref_squeeze %dma_start3A_141 : memref<1x25x80xi32, #tpu.memory_space<vmem>> -> memref<25x80xi32, #tpu.memory_space<vmem>>
      %dma_start3A_143 = arith.constant 0 : i32
      %dma_start3A_144 = arith.constant 0 : i32
      %dma_start3A_145 = tpu.memref_slice %arg7[%mul3A_0, %dma_start3A_143, %dma_start3A_144] : memref<160x25x80xi32, #tpu.memory_space<hbm>> -> memref<1x25x80xi32, #tpu.memory_space<hbm>>
      %dma_start3A_146 = tpu.memref_squeeze %dma_start3A_145 : memref<1x25x80xi32, #tpu.memory_space<hbm>> -> memref<25x80xi32, #tpu.memory_space<hbm>>
      %dma_start3A_147 = arith.constant 0 : i32
      %dma_start3A_148 = arith.constant 0 : i32
      %dma_start3A_149 = tpu.memref_slice %arg12[%run_scoped3A_1, %dma_start3A_147, %dma_start3A_148] : memref<2x25x80xi32, #tpu.memory_space<vmem>> -> memref<1x25x80xi32, #tpu.memory_space<vmem>>
      %dma_start3A_150 = tpu.memref_squeeze %dma_start3A_149 : memref<1x25x80xi32, #tpu.memory_space<vmem>> -> memref<25x80xi32, #tpu.memory_space<vmem>>
      %dma_start3A_151 = arith.constant 0 : i32
      %dma_start3A_152 = arith.constant 0 : i32
      %dma_start3A_153 = tpu.memref_slice %arg7[%mul3A_0, %dma_start3A_151, %dma_start3A_152] : memref<160x25x80xi32, #tpu.memory_space<hbm>> -> memref<1x25x80xi32, #tpu.memory_space<hbm>>
      %dma_start3A_154 = tpu.memref_squeeze %dma_start3A_153 : memref<1x25x80xi32, #tpu.memory_space<hbm>> -> memref<25x80xi32, #tpu.memory_space<hbm>>
      tpu.enqueue_dma source(%dma_start3A_154 : memref<25x80xi32, #tpu.memory_space<hbm>>) target(%dma_start3A_150 : memref<25x80xi32, #tpu.memory_space<vmem>>) target_semaphore(%run_scoped3A_138 : memref<!tpu.dma_semaphore, #tpu.memory_space<semaphore_mem>>)
      %dma_wait3A_155 = arith.constant 0 : i32
      %dma_wait3A_156 = arith.constant 0 : i32
      %dma_wait3A_157 = tpu.memref_slice %arg12[%run_scoped3A_1, %dma_wait3A_155, %dma_wait3A_156] : memref<2x25x80xi32, #tpu.memory_space<vmem>> -> memref<1x25x80xi32, #tpu.memory_space<vmem>>
      %dma_wait3A_158 = tpu.memref_squeeze %dma_wait3A_157 : memref<1x25x80xi32, #tpu.memory_space<vmem>> -> memref<25x80xi32, #tpu.memory_space<vmem>>
      %dma_wait3A_159 = arith.constant 0 : i32
      %dma_wait3A_160 = arith.constant 0 : i32
      %dma_wait3A_161 = tpu.memref_slice %arg7[%mul3A_0, %dma_wait3A_159, %dma_wait3A_160] : memref<160x25x80xi32, #tpu.memory_space<hbm>> -> memref<1x25x80xi32, #tpu.memory_space<hbm>>
      %dma_wait3A_162 = tpu.memref_squeeze %dma_wait3A_161 : memref<1x25x80xi32, #tpu.memory_space<hbm>> -> memref<25x80xi32, #tpu.memory_space<hbm>>
      %dma_wait3A_163 = arith.constant 0 : i32
      %dma_wait3A_164 = arith.constant 0 : i32
      %dma_wait3A_165 = tpu.memref_slice %arg12[%run_scoped3A_1, %dma_wait3A_163, %dma_wait3A_164] : memref<2x25x80xi32, #tpu.memory_space<vmem>> -> memref<1x25x80xi32, #tpu.memory_space<vmem>>
      %dma_wait3A_166 = tpu.memref_squeeze %dma_wait3A_165 : memref<1x25x80xi32, #tpu.memory_space<vmem>> -> memref<25x80xi32, #tpu.memory_space<vmem>>
      %dma_wait3A_167 = arith.constant 0 : i32
      %dma_wait3A_168 = arith.constant 0 : i32
      %dma_wait3A_169 = tpu.memref_slice %arg7[%mul3A_0, %dma_wait3A_167, %dma_wait3A_168] : memref<160x25x80xi32, #tpu.memory_space<hbm>> -> memref<1x25x80xi32, #tpu.memory_space<hbm>>
      %dma_wait3A_170 = tpu.memref_squeeze %dma_wait3A_169 : memref<1x25x80xi32, #tpu.memory_space<hbm>> -> memref<25x80xi32, #tpu.memory_space<hbm>>
      tpu.wait_dma2 semaphore(%run_scoped3A_138 : memref<!tpu.dma_semaphore, #tpu.memory_space<semaphore_mem>>) src(%dma_wait3A_170 : memref<25x80xi32, #tpu.memory_space<hbm>>) dst(%dma_wait3A_166 : memref<25x80xi32, #tpu.memory_space<vmem>>)
      tpu.yield
    }) : () -> ()
    %add3A = arith.constant 1 : i32
    %add3A_2 = arith.addi %mul3A_0, %add3A : i32
    %dma_start3A = arith.constant 1 : i32
    %dma_start3A_3 = arith.constant 0 : i32
    %dma_start3A_4 = arith.constant 0 : i32
    %dma_start3A_5 = tpu.memref_slice %arg11[%dma_start3A, %dma_start3A_3, %dma_start3A_4] : memref<2x25x80xi32, #tpu.memory_space<vmem>> -> memref<1x25x80xi32, #tpu.memory_space<vmem>>
    %dma_start3A_6 = tpu.memref_squeeze %dma_start3A_5 : memref<1x25x80xi32, #tpu.memory_space<vmem>> -> memref<25x80xi32, #tpu.memory_space<vmem>>
    %dma_start3A_7 = arith.constant 0 : i32
    %dma_start3A_8 = arith.constant 0 : i32
    %dma_start3A_9 = tpu.memref_slice %arg6[%add3A_2, %dma_start3A_7, %dma_start3A_8] : memref<160x25x80xi32, #tpu.memory_space<hbm>> -> memref<1x25x80xi32, #tpu.memory_space<hbm>>
    %dma_start3A_10 = tpu.memref_squeeze %dma_start3A_9 : memref<1x25x80xi32, #tpu.memory_space<hbm>> -> memref<25x80xi32, #tpu.memory_space<hbm>>
    %dma_start3A_11 = arith.constant 0 : i32
    %dma_start3A_12 = arith.constant 0 : i32
    %dma_start3A_13 = tpu.memref_slice %arg11[%dma_start3A, %dma_start3A_11, %dma_start3A_12] : memref<2x25x80xi32, #tpu.memory_space<vmem>> -> memref<1x25x80xi32, #tpu.memory_space<vmem>>
    %dma_start3A_14 = tpu.memref_squeeze %dma_start3A_13 : memref<1x25x80xi32, #tpu.memory_space<vmem>> -> memref<25x80xi32, #tpu.memory_space<vmem>>
    %dma_start3A_15 = arith.constant 0 : i32
    %dma_start3A_16 = arith.constant 0 : i32
    %dma_start3A_17 = tpu.memref_slice %arg6[%add3A_2, %dma_start3A_15, %dma_start3A_16] : memref<160x25x80xi32, #tpu.memory_space<hbm>> -> memref<1x25x80xi32, #tpu.memory_space<hbm>>
    %dma_start3A_18 = tpu.memref_squeeze %dma_start3A_17 : memref<1x25x80xi32, #tpu.memory_space<hbm>> -> memref<25x80xi32, #tpu.memory_space<hbm>>
    tpu.enqueue_dma source(%dma_start3A_18 : memref<25x80xi32, #tpu.memory_space<hbm>>) target(%dma_start3A_14 : memref<25x80xi32, #tpu.memory_space<vmem>>) target_semaphore(%arg22 : memref<!tpu.dma_semaphore, #tpu.memory_space<semaphore_mem>>)
    %add3A_19 = arith.constant 1 : i32
    %add3A_20 = arith.addi %mul3A_0, %add3A_19 : i32
    %dma_start3A_21 = arith.constant 1 : i32
    %dma_start3A_22 = arith.constant 0 : i32
    %dma_start3A_23 = arith.constant 0 : i32
    %dma_start3A_24 = tpu.memref_slice %arg12[%dma_start3A_21, %dma_start3A_22, %dma_start3A_23] : memref<2x25x80xi32, #tpu.memory_space<vmem>> -> memref<1x25x80xi32, #tpu.memory_space<vmem>>
    %dma_start3A_25 = tpu.memref_squeeze %dma_start3A_24 : memref<1x25x80xi32, #tpu.memory_space<vmem>> -> memref<25x80xi32, #tpu.memory_space<vmem>>
    %dma_start3A_26 = arith.constant 0 : i32
    %dma_start3A_27 = arith.constant 0 : i32
    %dma_start3A_28 = tpu.memref_slice %arg7[%add3A_20, %dma_start3A_26, %dma_start3A_27] : memref<160x25x80xi32, #tpu.memory_space<hbm>> -> memref<1x25x80xi32, #tpu.memory_space<hbm>>
    %dma_start3A_29 = tpu.memref_squeeze %dma_start3A_28 : memref<1x25x80xi32, #tpu.memory_space<hbm>> -> memref<25x80xi32, #tpu.memory_space<hbm>>
    %dma_start3A_30 = arith.constant 0 : i32
    %dma_start3A_31 = arith.constant 0 : i32
    %dma_start3A_32 = tpu.memref_slice %arg12[%dma_start3A_21, %dma_start3A_30, %dma_start3A_31] : memref<2x25x80xi32, #tpu.memory_space<vmem>> -> memref<1x25x80xi32, #tpu.memory_space<vmem>>
    %dma_start3A_33 = tpu.memref_squeeze %dma_start3A_32 : memref<1x25x80xi32, #tpu.memory_space<vmem>> -> memref<25x80xi32, #tpu.memory_space<vmem>>
    %dma_start3A_34 = arith.constant 0 : i32
    %dma_start3A_35 = arith.constant 0 : i32
    %dma_start3A_36 = tpu.memref_slice %arg7[%add3A_20, %dma_start3A_34, %dma_start3A_35] : memref<160x25x80xi32, #tpu.memory_space<hbm>> -> memref<1x25x80xi32, #tpu.memory_space<hbm>>
    %dma_start3A_37 = tpu.memref_squeeze %dma_start3A_36 : memref<1x25x80xi32, #tpu.memory_space<hbm>> -> memref<25x80xi32, #tpu.memory_space<hbm>>
    tpu.enqueue_dma source(%dma_start3A_37 : memref<25x80xi32, #tpu.memory_space<hbm>>) target(%dma_start3A_33 : memref<25x80xi32, #tpu.memory_space<vmem>>) target_semaphore(%arg22 : memref<!tpu.dma_semaphore, #tpu.memory_space<semaphore_mem>>)
    %mul3A_38 = arith.constant 625 : i32
    %mul3A_39 = arith.muli %arg1, %mul3A_38 : i32
    "tpu.region"() ({
      %run_scoped3A_138 = tpu.sem_alloc : memref<!tpu.dma_semaphore, #tpu.memory_space<semaphore_mem>>
      %dma_start3A_139 = arith.constant 0 : i32
      %dma_start3A_140 = tpu.memref_slice %arg19[%mul3A_39, %dma_start3A_139] : memref<10000x64xf32, #tpu.memory_space<vmem_shared>> -> memref<625x64xf32, #tpu.memory_space<vmem_shared>>
      %dma_start3A_141 = arith.constant 0 : i32
      %dma_start3A_142 = tpu.memref_slice %arg9[%mul3A_39, %dma_start3A_141] : memref<10000x64xf32, #tpu.memory_space<hbm>> -> memref<625x64xf32, #tpu.memory_space<hbm>>
      tpu.enqueue_dma source(%dma_start3A_142 : memref<625x64xf32, #tpu.memory_space<hbm>>) target(%dma_start3A_140 : memref<625x64xf32, #tpu.memory_space<vmem_shared>>) target_semaphore(%run_scoped3A_138 : memref<!tpu.dma_semaphore, #tpu.memory_space<semaphore_mem>>)
      %dma_wait3A_143 = arith.constant 0 : i32
      %dma_wait3A_144 = tpu.memref_slice %arg19[%mul3A_39, %dma_wait3A_143] : memref<10000x64xf32, #tpu.memory_space<vmem_shared>> -> memref<625x64xf32, #tpu.memory_space<vmem_shared>>
      %dma_wait3A_145 = arith.constant 0 : i32
      %dma_wait3A_146 = tpu.memref_slice %arg9[%mul3A_39, %dma_wait3A_145] : memref<10000x64xf32, #tpu.memory_space<hbm>> -> memref<625x64xf32, #tpu.memory_space<hbm>>
      tpu.wait_dma2 semaphore(%run_scoped3A_138 : memref<!tpu.dma_semaphore, #tpu.memory_space<semaphore_mem>>) src(%dma_wait3A_146 : memref<625x64xf32, #tpu.memory_space<hbm>>) dst(%dma_wait3A_144 : memref<625x64xf32, #tpu.memory_space<vmem_shared>>)
      tpu.yield
    }) : () -> ()
    %barrier3A = arith.constant 0 : index
    tpu.barrier barrier_id(%barrier3A)
    %dma_start3A_40 = arith.constant 0 : i32
    %dma_start3A_41 = arith.constant 0 : i32
    %dma_start3A_42 = arith.constant 0 : i32
    %dma_start3A_43 = arith.constant 0 : i32
    %dma_start3A_44 = arith.constant 0 : i32
    %dma_start3A_45 = tpu.memref_slice %arg18[%dma_start3A_42, %dma_start3A_43, %dma_start3A_44] : memref<6x80x64xf32, #tpu.memory_space<vmem>> -> memref<1x80x64xf32, #tpu.memory_space<vmem>>
    %dma_start3A_46 = tpu.memref_squeeze %dma_start3A_45 : memref<1x80x64xf32, #tpu.memory_space<vmem>> -> memref<80x64xf32, #tpu.memory_space<vmem>>
    %dma_start3A_47 = arith.constant 0 : i32
    %dma_start3A_48 = tpu.memref_slice %arg11[%dma_start3A_40, %dma_start3A_41, %dma_start3A_47] : memref<2x25x80xi32, #tpu.memory_space<vmem>> -> memref<1x1x80xi32, #tpu.memory_space<vmem>>
    %dma_start3A_49 = tpu.memref_squeeze %dma_start3A_48 : memref<1x1x80xi32, #tpu.memory_space<vmem>> -> memref<80xi32, #tpu.memory_space<vmem>>
    %dma_start3A_50 = arith.constant 0 : i32
    %dma_start3A_51 = arith.constant 0 : i32
    %dma_start3A_52 = tpu.memref_slice %arg2[%arg0, %dma_start3A_50, %dma_start3A_51] : memref<2x10000x64xf32, #tpu.memory_space<hbm>> -> memref<1x10000x64xf32, #tpu.memory_space<hbm>>
    %dma_start3A_53 = tpu.memref_squeeze %dma_start3A_52 : memref<1x10000x64xf32, #tpu.memory_space<hbm>> -> memref<10000x64xf32, #tpu.memory_space<hbm>>
    %dma_start3A_54 = arith.constant 0 : i32
    %dma_start3A_55 = arith.constant 0 : i32
    %dma_start3A_56 = tpu.memref_slice %dma_start3A_53[%dma_start3A_54, %dma_start3A_55] : memref<10000x64xf32, #tpu.memory_space<hbm>> -> memref<10000x64xf32, #tpu.memory_space<hbm>>
    tpu.enqueue_indirect_dma source(%dma_start3A_56 : memref<10000x64xf32, #tpu.memory_space<hbm>>) target(%dma_start3A_46 : memref<80x64xf32, #tpu.memory_space<vmem>>) offsets(%dma_start3A_49 : memref<80xi32, #tpu.memory_space<vmem>>) semaphore(%arg20 : memref<!tpu.dma_semaphore, #tpu.memory_space<semaphore_mem>>)
    %dma_start3A_57 = arith.constant 0 : i32
    %dma_start3A_58 = arith.constant 1 : i32
    %dma_start3A_59 = arith.constant 1 : i32
    %dma_start3A_60 = arith.constant 0 : i32
    %dma_start3A_61 = arith.constant 0 : i32
    %dma_start3A_62 = tpu.memref_slice %arg18[%dma_start3A_59, %dma_start3A_60, %dma_start3A_61] : memref<6x80x64xf32, #tpu.memory_space<vmem>> -> memref<1x80x64xf32, #tpu.memory_space<vmem>>
    %dma_start3A_63 = tpu.memref_squeeze %dma_start3A_62 : memref<1x80x64xf32, #tpu.memory_space<vmem>> -> memref<80x64xf32, #tpu.memory_space<vmem>>
    %dma_start3A_64 = arith.constant 0 : i32
    %dma_start3A_65 = tpu.memref_slice %arg11[%dma_start3A_57, %dma_start3A_58, %dma_start3A_64] : memref<2x25x80xi32, #tpu.memory_space<vmem>> -> memref<1x1x80xi32, #tpu.memory_space<vmem>>
    %dma_start3A_66 = tpu.memref_squeeze %dma_start3A_65 : memref<1x1x80xi32, #tpu.memory_space<vmem>> -> memref<80xi32, #tpu.memory_space<vmem>>
    %dma_start3A_67 = arith.constant 0 : i32
    %dma_start3A_68 = arith.constant 0 : i32
    %dma_start3A_69 = tpu.memref_slice %arg2[%arg0, %dma_start3A_67, %dma_start3A_68] : memref<2x10000x64xf32, #tpu.memory_space<hbm>> -> memref<1x10000x64xf32, #tpu.memory_space<hbm>>
    %dma_start3A_70 = tpu.memref_squeeze %dma_start3A_69 : memref<1x10000x64xf32, #tpu.memory_space<hbm>> -> memref<10000x64xf32, #tpu.memory_space<hbm>>
    %dma_start3A_71 = arith.constant 0 : i32
    %dma_start3A_72 = arith.constant 0 : i32
    %dma_start3A_73 = tpu.memref_slice %dma_start3A_70[%dma_start3A_71, %dma_start3A_72] : memref<10000x64xf32, #tpu.memory_space<hbm>> -> memref<10000x64xf32, #tpu.memory_space<hbm>>
    tpu.enqueue_indirect_dma source(%dma_start3A_73 : memref<10000x64xf32, #tpu.memory_space<hbm>>) target(%dma_start3A_63 : memref<80x64xf32, #tpu.memory_space<vmem>>) offsets(%dma_start3A_66 : memref<80xi32, #tpu.memory_space<vmem>>) semaphore(%arg20 : memref<!tpu.dma_semaphore, #tpu.memory_space<semaphore_mem>>)
    %scan3A = arith.constant 0 : i32
    %scan3A_74 = arith.constant 2 : i32
    %scan3A_75 = arith.constant 0 : i32
    %scan3A_76 = arith.constant 2 : i32
    %scan3A_77 = arith.constant 0 : i32
    %scan3A_78 = arith.constant 0 : i32
    %scan3A_79 = arith.constant 0 : i32
    %scan3A_80 = arith.constant 0 : i32
    %scan3A_81 = arith.constant 250 : i32
    %scan3A_82 = arith.addi %scan3A_80, %scan3A_81 : i32
    %scan3A_83 = arith.constant 1 : i32
    %scan3A_84:7 = scf.for %scan3A_138 = %scan3A_80 to %scan3A_82 step %scan3A_83 iter_args(%scan3A_139 = %scan3A, %scan3A_140 = %scan3A_74, %scan3A_141 = %scan3A_75, %scan3A_142 = %scan3A_76, %scan3A_143 = %scan3A_77, %scan3A_144 = %scan3A_78, %scan3A_145 = %scan3A_79) -> (i32, i32, i32, i32, i32, i32, i32)  : i32 {
      %eq3A = arith.constant 0 : i32
      %eq3A_146 = arith.cmpi eq, %scan3A_142, %eq3A : i32
      %lt3A = arith.constant 248 : i32
      %lt3A_147 = arith.cmpi slt, %scan3A_138, %lt3A : i32
      %and3A = arith.andi %eq3A_146, %lt3A_147 : i1
      %convert_element_type3A = arith.extui %and3A : i1 to i32
      %cond3A = arith.constant 0 : i32
      %cond3A_148 = arith.cmpi ne, %convert_element_type3A, %cond3A : i32
      scf.if %cond3A_148 {
        %dma_wait3A_4355 = arith.constant 0 : i32
        %dma_wait3A_4356 = arith.constant 0 : i32
        %dma_wait3A_4357 = arith.constant 0 : i32
        %dma_wait3A_4358 = tpu.memref_slice %arg11[%dma_wait3A_4355, %dma_wait3A_4356, %dma_wait3A_4357] : memref<2x25x80xi32, #tpu.memory_space<vmem>> -> memref<1x25x80xi32, #tpu.memory_space<vmem>>
        %dma_wait3A_4359 = tpu.memref_squeeze %dma_wait3A_4358 : memref<1x25x80xi32, #tpu.memory_space<vmem>> -> memref<25x80xi32, #tpu.memory_space<vmem>>
        %dma_wait3A_4360 = arith.constant 0 : i32
        %dma_wait3A_4361 = arith.constant 0 : i32
        %dma_wait3A_4362 = tpu.memref_slice %arg6[%mul3A_0, %dma_wait3A_4360, %dma_wait3A_4361] : memref<160x25x80xi32, #tpu.memory_space<hbm>> -> memref<1x25x80xi32, #tpu.memory_space<hbm>>
        %dma_wait3A_4363 = tpu.memref_squeeze %dma_wait3A_4362 : memref<1x25x80xi32, #tpu.memory_space<hbm>> -> memref<25x80xi32, #tpu.memory_space<hbm>>
        %dma_wait3A_4364 = arith.constant 0 : i32
        %dma_wait3A_4365 = arith.constant 0 : i32
        %dma_wait3A_4366 = tpu.memref_slice %arg11[%dma_wait3A_4355, %dma_wait3A_4364, %dma_wait3A_4365] : memref<2x25x80xi32, #tpu.memory_space<vmem>> -> memref<1x25x80xi32, #tpu.memory_space<vmem>>
        %dma_wait3A_4367 = tpu.memref_squeeze %dma_wait3A_4366 : memref<1x25x80xi32, #tpu.memory_space<vmem>> -> memref<25x80xi32, #tpu.memory_space<vmem>>
        %dma_wait3A_4368 = arith.constant 0 : i32
        %dma_wait3A_4369 = arith.constant 0 : i32
        %dma_wait3A_4370 = tpu.memref_slice %arg6[%mul3A_0, %dma_wait3A_4368, %dma_wait3A_4369] : memref<160x25x80xi32, #tpu.memory_space<hbm>> -> memref<1x25x80xi32, #tpu.memory_space<hbm>>
        %dma_wait3A_4371 = tpu.memref_squeeze %dma_wait3A_4370 : memref<1x25x80xi32, #tpu.memory_space<hbm>> -> memref<25x80xi32, #tpu.memory_space<hbm>>
        tpu.wait_dma2 semaphore(%arg22 : memref<!tpu.dma_semaphore, #tpu.memory_space<semaphore_mem>>) src(%dma_wait3A_4371 : memref<25x80xi32, #tpu.memory_space<hbm>>) dst(%dma_wait3A_4367 : memref<25x80xi32, #tpu.memory_space<vmem>>)
        %dma_wait3A_4372 = arith.constant 0 : i32
        %dma_wait3A_4373 = arith.constant 0 : i32
        %dma_wait3A_4374 = arith.constant 0 : i32
        %dma_wait3A_4375 = tpu.memref_slice %arg12[%dma_wait3A_4372, %dma_wait3A_4373, %dma_wait3A_4374] : memref<2x25x80xi32, #tpu.memory_space<vmem>> -> memref<1x25x80xi32, #tpu.memory_space<vmem>>
        %dma_wait3A_4376 = tpu.memref_squeeze %dma_wait3A_4375 : memref<1x25x80xi32, #tpu.memory_space<vmem>> -> memref<25x80xi32, #tpu.memory_space<vmem>>
        %dma_wait3A_4377 = arith.constant 0 : i32
        %dma_wait3A_4378 = arith.constant 0 : i32
        %dma_wait3A_4379 = tpu.memref_slice %arg7[%mul3A_0, %dma_wait3A_4377, %dma_wait3A_4378] : memref<160x25x80xi32, #tpu.memory_space<hbm>> -> memref<1x25x80xi32, #tpu.memory_space<hbm>>
        %dma_wait3A_4380 = tpu.memref_squeeze %dma_wait3A_4379 : memref<1x25x80xi32, #tpu.memory_space<hbm>> -> memref<25x80xi32, #tpu.memory_space<hbm>>
        %dma_wait3A_4381 = arith.constant 0 : i32
        %dma_wait3A_4382 = arith.constant 0 : i32
        %dma_wait3A_4383 = tpu.memref_slice %arg12[%dma_wait3A_4372, %dma_wait3A_4381, %dma_wait3A_4382] : memref<2x25x80xi32, #tpu.memory_space<vmem>> -> memref<1x25x80xi32, #tpu.memory_space<vmem>>
        %dma_wait3A_4384 = tpu.memref_squeeze %dma_wait3A_4383 : memref<1x25x80xi32, #tpu.memory_space<vmem>> -> memref<25x80xi32, #tpu.memory_space<vmem>>
        %dma_wait3A_4385 = arith.constant 0 : i32
        %dma_wait3A_4386 = arith.constant 0 : i32
        %dma_wait3A_4387 = tpu.memref_slice %arg7[%mul3A_0, %dma_wait3A_4385, %dma_wait3A_4386] : memref<160x25x80xi32, #tpu.memory_space<hbm>> -> memref<1x25x80xi32, #tpu.memory_space<hbm>>
        %dma_wait3A_4388 = tpu.memref_squeeze %dma_wait3A_4387 : memref<1x25x80xi32, #tpu.memory_space<hbm>> -> memref<25x80xi32, #tpu.memory_space<hbm>>
        tpu.wait_dma2 semaphore(%arg22 : memref<!tpu.dma_semaphore, #tpu.memory_space<semaphore_mem>>) src(%dma_wait3A_4388 : memref<25x80xi32, #tpu.memory_space<hbm>>) dst(%dma_wait3A_4384 : memref<25x80xi32, #tpu.memory_space<vmem>>)
      } else {
      }
      %ge3A = arith.constant 4 : i32
      %ge3A_149 = arith.cmpi sge, %scan3A_138, %ge3A : i32
      %convert_element_type3A_150 = arith.extui %ge3A_149 : i1 to i32
      %cond3A_151 = arith.constant 0 : i32
      %cond3A_152 = arith.cmpi ne, %convert_element_type3A_150, %cond3A_151 : i32
      scf.if %cond3A_152 {
        %dma_wait3A_4355 = arith.constant 0 : i32
        %dma_wait3A_4356 = arith.constant 0 : i32
        %dma_wait3A_4357 = arith.constant 0 : i32
        %dma_wait3A_4358 = arith.constant 0 : i32
        %dma_wait3A_4359 = tpu.memref_slice %arg18[%scan3A_140, %dma_wait3A_4357, %dma_wait3A_4358] : memref<6x80x64xf32, #tpu.memory_space<vmem>> -> memref<1x80x64xf32, #tpu.memory_space<vmem>>
        %dma_wait3A_4360 = tpu.memref_squeeze %dma_wait3A_4359 : memref<1x80x64xf32, #tpu.memory_space<vmem>> -> memref<80x64xf32, #tpu.memory_space<vmem>>
        %dma_wait3A_4361 = arith.constant 0 : i32
        %dma_wait3A_4362 = tpu.memref_slice %arg12[%dma_wait3A_4355, %dma_wait3A_4356, %dma_wait3A_4361] : memref<2x25x80xi32, #tpu.memory_space<vmem>> -> memref<1x1x80xi32, #tpu.memory_space<vmem>>
        %dma_wait3A_4363 = tpu.memref_squeeze %dma_wait3A_4362 : memref<1x1x80xi32, #tpu.memory_space<vmem>> -> memref<80xi32, #tpu.memory_space<vmem>>
        %dma_wait3A_4364 = arith.constant 0 : i32
        %dma_wait3A_4365 = arith.constant 0 : i32
        %dma_wait3A_4366 = tpu.memref_slice %arg19[%dma_wait3A_4364, %dma_wait3A_4365] : memref<10000x64xf32, #tpu.memory_space<vmem_shared>> -> memref<10000x64xf32, #tpu.memory_space<vmem_shared>>
        tpu.wait_indirect_dma semaphore(%arg21 : memref<!tpu.dma_semaphore, #tpu.memory_space<semaphore_mem>>) src(%dma_wait3A_4360 : memref<80x64xf32, #tpu.memory_space<vmem>>) dst(%dma_wait3A_4366 : memref<10000x64xf32, #tpu.memory_space<vmem_shared>>)
      } else {
      }
      %lt3A_153 = arith.constant 248 : i32
      %lt3A_154 = arith.cmpi slt, %scan3A_138, %lt3A_153 : i32
      %convert_element_type3A_155 = arith.extui %lt3A_154 : i1 to i32
      %cond3A_156 = arith.constant 0 : i32
      %cond3A_157 = arith.cmpi ne, %convert_element_type3A_155, %cond3A_156 : i32
      scf.if %cond3A_157 {
        %dma_start3A_4355 = arith.constant 0 : i32
        %dma_start3A_4356 = arith.constant 0 : i32
        %dma_start3A_4357 = tpu.memref_slice %arg18[%scan3A_140, %dma_start3A_4355, %dma_start3A_4356] : memref<6x80x64xf32, #tpu.memory_space<vmem>> -> memref<1x80x64xf32, #tpu.memory_space<vmem>>
        %dma_start3A_4358 = tpu.memref_squeeze %dma_start3A_4357 : memref<1x80x64xf32, #tpu.memory_space<vmem>> -> memref<80x64xf32, #tpu.memory_space<vmem>>
        %dma_start3A_4359 = arith.constant 0 : i32
        %dma_start3A_4360 = tpu.memref_slice %arg11[%scan3A_144, %scan3A_142, %dma_start3A_4359] : memref<2x25x80xi32, #tpu.memory_space<vmem>> -> memref<1x1x80xi32, #tpu.memory_space<vmem>>
        %dma_start3A_4361 = tpu.memref_squeeze %dma_start3A_4360 : memref<1x1x80xi32, #tpu.memory_space<vmem>> -> memref<80xi32, #tpu.memory_space<vmem>>
        %dma_start3A_4362 = arith.constant 0 : i32
        %dma_start3A_4363 = arith.constant 0 : i32
        %dma_start3A_4364 = tpu.memref_slice %arg2[%arg0, %dma_start3A_4362, %dma_start3A_4363] : memref<2x10000x64xf32, #tpu.memory_space<hbm>> -> memref<1x10000x64xf32, #tpu.memory_space<hbm>>
        %dma_start3A_4365 = tpu.memref_squeeze %dma_start3A_4364 : memref<1x10000x64xf32, #tpu.memory_space<hbm>> -> memref<10000x64xf32, #tpu.memory_space<hbm>>
        %dma_start3A_4366 = arith.constant 0 : i32
        %dma_start3A_4367 = arith.constant 0 : i32
        %dma_start3A_4368 = tpu.memref_slice %dma_start3A_4365[%dma_start3A_4366, %dma_start3A_4367] : memref<10000x64xf32, #tpu.memory_space<hbm>> -> memref<10000x64xf32, #tpu.memory_space<hbm>>
        tpu.enqueue_indirect_dma source(%dma_start3A_4368 : memref<10000x64xf32, #tpu.memory_space<hbm>>) target(%dma_start3A_4358 : memref<80x64xf32, #tpu.memory_space<vmem>>) offsets(%dma_start3A_4361 : memref<80xi32, #tpu.memory_space<vmem>>) semaphore(%arg20 : memref<!tpu.dma_semaphore, #tpu.memory_space<semaphore_mem>>)
      } else {
      }
      %get3A = arith.index_cast %scan3A_143 : i32 to index
      %get3A_158 = arith.index_cast %scan3A_141 : i32 to index
      %get3A_159 = arith.constant 0 : index
      %get3A_160 = tpu.vector_load %arg12[%get3A, %get3A_158, %get3A_159] {strides = array<i32>} : memref<2x25x80xi32, #tpu.memory_space<vmem>>, vector<16xi32>,
      %gather3A = tpu.vector_load_idx %arg14[%get3A_160] : memref<10000xf32, #tpu.memory_space<vmem>>[vector<16xi32>], vector<16xf32>,
      %get3A_161 = arith.index_cast %scan3A_143 : i32 to index
      %get3A_162 = arith.index_cast %scan3A_141 : i32 to index
      %get3A_163 = arith.constant 0 : index
      %get3A_164 = tpu.vector_load %arg11[%get3A_161, %get3A_162, %get3A_163] {strides = array<i32>} : memref<2x25x80xi32, #tpu.memory_space<vmem>>, vector<16xi32>,
      %gather3A_165 = tpu.vector_load_idx %arg15[%get3A_164] : memref<10000xf32, #tpu.memory_space<vmem>>[vector<16xi32>], vector<16xf32>,
      %gather3A_166 = tpu.vector_load_idx %arg16[%get3A_160] : memref<10000xf32, #tpu.memory_space<vmem>>[vector<16xi32>], vector<16xf32>,
      %get3A_167 = arith.index_cast %scan3A_138 : i32 to index
      %get3A_168 = arith.constant 0 : index
      %get3A_169 = tpu.vector_load %arg13[%get3A_167, %get3A_168] {strides = array<i32>} : memref<250x80xf32, #tpu.memory_space<vmem>>, vector<16xf32>,
      %add3A_170 = arith.addf %gather3A, %gather3A_165 : vector<16xf32>
      %exp3A = math.exp %add3A_170 : vector<16xf32>
      %add3A_171 = arith.constant 1.000000e+00 : f32
      %add3A_172 = vector.broadcast %add3A_171 : f32 to vector<16xf32>
      %add3A_173 = arith.addf %add3A_172, %exp3A : vector<16xf32>
      %div3A = arith.constant 1.000000e+00 : f32
      %div3A_174 = vector.broadcast %div3A : f32 to vector<16xf32>
      %div3A_175 = arith.divf %div3A_174, %add3A_173 : vector<16xf32>
      %sub3A = arith.subf %get3A_169, %div3A_175 : vector<16xf32>
      %mul3A_176 = arith.mulf %sub3A, %gather3A_166 : vector<16xf32>
      %swap3A = arith.constant 0 : index
      %swap3A_177 = tpu.vector_load %arg17[%swap3A] {strides = array<i32>} : memref<80xf32, #tpu.memory_space<vmem>>, vector<16xf32>,
      tpu.vector_store %arg17[%swap3A], %mul3A_176 {strides = array<i32>} : memref<80xf32, #tpu.memory_space<vmem>>, vector<16xf32>,
      %get3A_178 = arith.index_cast %scan3A_143 : i32 to index
      %get3A_179 = arith.index_cast %scan3A_141 : i32 to index
      %get3A_180 = arith.constant 16 : index
      %get3A_181 = tpu.vector_load %arg12[%get3A_178, %get3A_179, %get3A_180] {strides = array<i32>} : memref<2x25x80xi32, #tpu.memory_space<vmem>>, vector<16xi32>,
      %gather3A_182 = tpu.vector_load_idx %arg14[%get3A_181] : memref<10000xf32, #tpu.memory_space<vmem>>[vector<16xi32>], vector<16xf32>,
      %get3A_183 = arith.index_cast %scan3A_143 : i32 to index
      %get3A_184 = arith.index_cast %scan3A_141 : i32 to index
      %get3A_185 = arith.constant 16 : index
      %get3A_186 = tpu.vector_load %arg11[%get3A_183, %get3A_184, %get3A_185] {strides = array<i32>} : memref<2x25x80xi32, #tpu.memory_space<vmem>>, vector<16xi32>,
      %gather3A_187 = tpu.vector_load_idx %arg15[%get3A_186] : memref<10000xf32, #tpu.memory_space<vmem>>[vector<16xi32>], vector<16xf32>,
      %gather3A_188 = tpu.vector_load_idx %arg16[%get3A_181] : memref<10000xf32, #tpu.memory_space<vmem>>[vector<16xi32>], vector<16xf32>,
      %get3A_189 = arith.index_cast %scan3A_138 : i32 to index
      %get3A_190 = arith.constant 16 : index
      %get3A_191 = tpu.vector_load %arg13[%get3A_189, %get3A_190] {strides = array<i32>} : memref<250x80xf32, #tpu.memory_space<vmem>>, vector<16xf32>,
      %add3A_192 = arith.addf %gather3A_182, %gather3A_187 : vector<16xf32>
      %exp3A_193 = math.exp %add3A_192 : vector<16xf32>
      %add3A_194 = arith.constant 1.000000e+00 : f32
      %add3A_195 = vector.broadcast %add3A_194 : f32 to vector<16xf32>
      %add3A_196 = arith.addf %add3A_195, %exp3A_193 : vector<16xf32>
      %div3A_197 = arith.constant 1.000000e+00 : f32
      %div3A_198 = vector.broadcast %div3A_197 : f32 to vector<16xf32>
      %div3A_199 = arith.divf %div3A_198, %add3A_196 : vector<16xf32>
      %sub3A_200 = arith.subf %get3A_191, %div3A_199 : vector<16xf32>
      %mul3A_201 = arith.mulf %sub3A_200, %gather3A_188 : vector<16xf32>
      %swap3A_202 = arith.constant 16 : index
      %swap3A_203 = tpu.vector_load %arg17[%swap3A_202] {strides = array<i32>} : memref<80xf32, #tpu.memory_space<vmem>>, vector<16xf32>,
      tpu.vector_store %arg17[%swap3A_202], %mul3A_201 {strides = array<i32>} : memref<80xf32, #tpu.memory_space<vmem>>, vector<16xf32>,
      %get3A_204 = arith.index_cast %scan3A_143 : i32 to index
      %get3A_205 = arith.index_cast %scan3A_141 : i32 to index
      %get3A_206 = arith.constant 32 : index
      %get3A_207 = tpu.vector_load %arg12[%get3A_204, %get3A_205, %get3A_206] {strides = array<i32>} : memref<2x25x80xi32, #tpu.memory_space<vmem>>, vector<16xi32>,
      %gather3A_208 = tpu.vector_load_idx %arg14[%get3A_207] : memref<10000xf32, #tpu.memory_space<vmem>>[vector<16xi32>], vector<16xf32>,
      %get3A_209 = arith.index_cast %scan3A_143 : i32 to index
      %get3A_210 = arith.index_cast %scan3A_141 : i32 to index
      %get3A_211 = arith.constant 32 : index
      %get3A_212 = tpu.vector_load %arg11[%get3A_209, %get3A_210, %get3A_211] {strides = array<i32>} : memref<2x25x80xi32, #tpu.memory_space<vmem>>, vector<16xi32>,
      %gather3A_213 = tpu.vector_load_idx %arg15[%get3A_212] : memref<10000xf32, #tpu.memory_space<vmem>>[vector<16xi32>], vector<16xf32>,
      %gather3A_214 = tpu.vector_load_idx %arg16[%get3A_207] : memref<10000xf32, #tpu.memory_space<vmem>>[vector<16xi32>], vector<16xf32>,
      %get3A_215 = arith.index_cast %scan3A_138 : i32 to index
      %get3A_216 = arith.constant 32 : index
      %get3A_217 = tpu.vector_load %arg13[%get3A_215, %get3A_216] {strides = array<i32>} : memref<250x80xf32, #tpu.memory_space<vmem>>, vector<16xf32>,
      %add3A_218 = arith.addf %gather3A_208, %gather3A_213 : vector<16xf32>
      %exp3A_219 = math.exp %add3A_218 : vector<16xf32>
      %add3A_220 = arith.constant 1.000000e+00 : f32
      %add3A_221 = vector.broadcast %add3A_220 : f32 to vector<16xf32>
      %add3A_222 = arith.addf %add3A_221, %exp3A_219 : vector<16xf32>
      %div3A_223 = arith.constant 1.000000e+00 : f32
      %div3A_224 = vector.broadcast %div3A_223 : f32 to vector<16xf32>
      %div3A_225 = arith.divf %div3A_224, %add3A_222 : vector<16xf32>
      %sub3A_226 = arith.subf %get3A_217, %div3A_225 : vector<16xf32>
      %mul3A_227 = arith.mulf %sub3A_226, %gather3A_214 : vector<16xf32>
      %swap3A_228 = arith.constant 32 : index
      %swap3A_229 = tpu.vector_load %arg17[%swap3A_228] {strides = array<i32>} : memref<80xf32, #tpu.memory_space<vmem>>, vector<16xf32>,
      tpu.vector_store %arg17[%swap3A_228], %mul3A_227 {strides = array<i32>} : memref<80xf32, #tpu.memory_space<vmem>>, vector<16xf32>,
      %get3A_230 = arith.index_cast %scan3A_143 : i32 to index
      %get3A_231 = arith.index_cast %scan3A_141 : i32 to index
      %get3A_232 = arith.constant 48 : index
      %get3A_233 = tpu.vector_load %arg12[%get3A_230, %get3A_231, %get3A_232] {strides = array<i32>} : memref<2x25x80xi32, #tpu.memory_space<vmem>>, vector<16xi32>,
      %gather3A_234 = tpu.vector_load_idx %arg14[%get3A_233] : memref<10000xf32, #tpu.memory_space<vmem>>[vector<16xi32>], vector<16xf32>,
      %get3A_235 = arith.index_cast %scan3A_143 : i32 to index
      %get3A_236 = arith.index_cast %scan3A_141 : i32 to index
      %get3A_237 = arith.constant 48 : index
      %get3A_238 = tpu.vector_load %arg11[%get3A_235, %get3A_236, %get3A_237] {strides = array<i32>} : memref<2x25x80xi32, #tpu.memory_space<vmem>>, vector<16xi32>,
      %gather3A_239 = tpu.vector_load_idx %arg15[%get3A_238] : memref<10000xf32, #tpu.memory_space<vmem>>[vector<16xi32>], vector<16xf32>,
      %gather3A_240 = tpu.vector_load_idx %arg16[%get3A_233] : memref<10000xf32, #tpu.memory_space<vmem>>[vector<16xi32>], vector<16xf32>,
      %get3A_241 = arith.index_cast %scan3A_138 : i32 to index
      %get3A_242 = arith.constant 48 : index
      %get3A_243 = tpu.vector_load %arg13[%get3A_241, %get3A_242] {strides = array<i32>} : memref<250x80xf32, #tpu.memory_space<vmem>>, vector<16xf32>,
      %add3A_244 = arith.addf %gather3A_234, %gather3A_239 : vector<16xf32>
      %exp3A_245 = math.exp %add3A_244 : vector<16xf32>
      %add3A_246 = arith.constant 1.000000e+00 : f32
      %add3A_247 = vector.broadcast %add3A_246 : f32 to vector<16xf32>
      %add3A_248 = arith.addf %add3A_247, %exp3A_245 : vector<16xf32>
      %div3A_249 = arith.constant 1.000000e+00 : f32
      %div3A_250 = vector.broadcast %div3A_249 : f32 to vector<16xf32>
      %div3A_251 = arith.divf %div3A_250, %add3A_248 : vector<16xf32>
      %sub3A_252 = arith.subf %get3A_243, %div3A_251 : vector<16xf32>
      %mul3A_253 = arith.mulf %sub3A_252, %gather3A_240 : vector<16xf32>
      %swap3A_254 = arith.constant 48 : index
      %swap3A_255 = tpu.vector_load %arg17[%swap3A_254] {strides = array<i32>} : memref<80xf32, #tpu.memory_space<vmem>>, vector<16xf32>,
      tpu.vector_store %arg17[%swap3A_254], %mul3A_253 {strides = array<i32>} : memref<80xf32, #tpu.memory_space<vmem>>, vector<16xf32>,
      %get3A_256 = arith.index_cast %scan3A_143 : i32 to index
      %get3A_257 = arith.index_cast %scan3A_141 : i32 to index
      %get3A_258 = arith.constant 64 : index
      %get3A_259 = tpu.vector_load %arg12[%get3A_256, %get3A_257, %get3A_258] {strides = array<i32>} : memref<2x25x80xi32, #tpu.memory_space<vmem>>, vector<16xi32>,
      %gather3A_260 = tpu.vector_load_idx %arg14[%get3A_259] : memref<10000xf32, #tpu.memory_space<vmem>>[vector<16xi32>], vector<16xf32>,
      %get3A_261 = arith.index_cast %scan3A_143 : i32 to index
      %get3A_262 = arith.index_cast %scan3A_141 : i32 to index
      %get3A_263 = arith.constant 64 : index
      %get3A_264 = tpu.vector_load %arg11[%get3A_261, %get3A_262, %get3A_263] {strides = array<i32>} : memref<2x25x80xi32, #tpu.memory_space<vmem>>, vector<16xi32>,
      %gather3A_265 = tpu.vector_load_idx %arg15[%get3A_264] : memref<10000xf32, #tpu.memory_space<vmem>>[vector<16xi32>], vector<16xf32>,
      %gather3A_266 = tpu.vector_load_idx %arg16[%get3A_259] : memref<10000xf32, #tpu.memory_space<vmem>>[vector<16xi32>], vector<16xf32>,
      %get3A_267 = arith.index_cast %scan3A_138 : i32 to index
      %get3A_268 = arith.constant 64 : index
      %get3A_269 = tpu.vector_load %arg13[%get3A_267, %get3A_268] {strides = array<i32>} : memref<250x80xf32, #tpu.memory_space<vmem>>, vector<16xf32>,
      %add3A_270 = arith.addf %gather3A_260, %gather3A_265 : vector<16xf32>
      %exp3A_271 = math.exp %add3A_270 : vector<16xf32>
      %add3A_272 = arith.constant 1.000000e+00 : f32
      %add3A_273 = vector.broadcast %add3A_272 : f32 to vector<16xf32>
      %add3A_274 = arith.addf %add3A_273, %exp3A_271 : vector<16xf32>
      %div3A_275 = arith.constant 1.000000e+00 : f32
      %div3A_276 = vector.broadcast %div3A_275 : f32 to vector<16xf32>
      %div3A_277 = arith.divf %div3A_276, %add3A_274 : vector<16xf32>
      %sub3A_278 = arith.subf %get3A_269, %div3A_277 : vector<16xf32>
      %mul3A_279 = arith.mulf %sub3A_278, %gather3A_266 : vector<16xf32>
      %swap3A_280 = arith.constant 64 : index
      %swap3A_281 = tpu.vector_load %arg17[%swap3A_280] {strides = array<i32>} : memref<80xf32, #tpu.memory_space<vmem>>, vector<16xf32>,
      tpu.vector_store %arg17[%swap3A_280], %mul3A_279 {strides = array<i32>} : memref<80xf32, #tpu.memory_space<vmem>>, vector<16xf32>,
      %dma_wait3A_282 = arith.constant 0 : i32
      %dma_wait3A_283 = arith.constant 0 : i32
      %dma_wait3A_284 = tpu.memref_slice %arg18[%scan3A_139, %dma_wait3A_282, %dma_wait3A_283] : memref<6x80x64xf32, #tpu.memory_space<vmem>> -> memref<1x80x64xf32, #tpu.memory_space<vmem>>
      %dma_wait3A_285 = tpu.memref_squeeze %dma_wait3A_284 : memref<1x80x64xf32, #tpu.memory_space<vmem>> -> memref<80x64xf32, #tpu.memory_space<vmem>>
      %dma_wait3A_286 = arith.constant 0 : i32
      %dma_wait3A_287 = tpu.memref_slice %arg11[%scan3A_143, %scan3A_141, %dma_wait3A_286] : memref<2x25x80xi32, #tpu.memory_space<vmem>> -> memref<1x1x80xi32, #tpu.memory_space<vmem>>
      %dma_wait3A_288 = tpu.memref_squeeze %dma_wait3A_287 : memref<1x1x80xi32, #tpu.memory_space<vmem>> -> memref<80xi32, #tpu.memory_space<vmem>>
      %dma_wait3A_289 = arith.constant 0 : i32
      %dma_wait3A_290 = arith.constant 0 : i32
      %dma_wait3A_291 = tpu.memref_slice %arg2[%arg0, %dma_wait3A_289, %dma_wait3A_290] : memref<2x10000x64xf32, #tpu.memory_space<hbm>> -> memref<1x10000x64xf32, #tpu.memory_space<hbm>>
      %dma_wait3A_292 = tpu.memref_squeeze %dma_wait3A_291 : memref<1x10000x64xf32, #tpu.memory_space<hbm>> -> memref<10000x64xf32, #tpu.memory_space<hbm>>
      %dma_wait3A_293 = arith.constant 0 : i32
      %dma_wait3A_294 = arith.constant 0 : i32
      %dma_wait3A_295 = tpu.memref_slice %dma_wait3A_292[%dma_wait3A_293, %dma_wait3A_294] : memref<10000x64xf32, #tpu.memory_space<hbm>> -> memref<10000x64xf32, #tpu.memory_space<hbm>>
      tpu.wait_indirect_dma semaphore(%arg20 : memref<!tpu.dma_semaphore, #tpu.memory_space<semaphore_mem>>) src(%dma_wait3A_295 : memref<10000x64xf32, #tpu.memory_space<hbm>>) dst(%dma_wait3A_285 : memref<80x64xf32, #tpu.memory_space<vmem>>)
      %get3A_296 = arith.constant 0 : index
      %get3A_297 = tpu.vector_load %arg17[%get3A_296] {strides = array<i32>} : memref<80xf32, #tpu.memory_space<vmem>>, vector<16xf32>,
      %slice3A = vector.extract_strided_slice %get3A_297 {offsets = [0], sizes = [1], strides = [1]} : vector<16xf32> to vector<1xf32>
      %squeeze3A = vector.extract %slice3A[0] : f32 from vector<1xf32>
      %get3A_298 = arith.constant 0 : i32
      %get3A_299 = arith.index_cast %scan3A_139 : i32 to index
      %get3A_300 = arith.index_cast %get3A_298 : i32 to index
      %get3A_301 = arith.constant 0 : index
      %get3A_302 = tpu.vector_load %arg18[%get3A_299, %get3A_300, %get3A_301] {strides = array<i32>} : memref<6x80x64xf32, #tpu.memory_space<vmem>>, vector<16xf32>,
      %mul3A_303 = vector.broadcast %squeeze3A : f32 to vector<16xf32>
      %mul3A_304 = arith.mulf %get3A_302, %mul3A_303 : vector<16xf32>
      %swap3A_305 = arith.constant 0 : i32
      %swap3A_306 = arith.index_cast %scan3A_139 : i32 to index
      %swap3A_307 = arith.index_cast %swap3A_305 : i32 to index
      %swap3A_308 = arith.constant 0 : index
      %swap3A_309 = tpu.vector_load %arg18[%swap3A_306, %swap3A_307, %swap3A_308] {strides = array<i32>} : memref<6x80x64xf32, #tpu.memory_space<vmem>>, vector<16xf32>,
      tpu.vector_store %arg18[%swap3A_306, %swap3A_307, %swap3A_308], %mul3A_304 {strides = array<i32>} : memref<6x80x64xf32, #tpu.memory_space<vmem>>, vector<16xf32>,
      %get3A_310 = arith.constant 0 : i32
      %get3A_311 = arith.index_cast %scan3A_139 : i32 to index
      %get3A_312 = arith.index_cast %get3A_310 : i32 to index
      %get3A_313 = arith.constant 16 : index
      %get3A_314 = tpu.vector_load %arg18[%get3A_311, %get3A_312, %get3A_313] {strides = array<i32>} : memref<6x80x64xf32, #tpu.memory_space<vmem>>, vector<16xf32>,
      %mul3A_315 = vector.broadcast %squeeze3A : f32 to vector<16xf32>
      %mul3A_316 = arith.mulf %get3A_314, %mul3A_315 : vector<16xf32>
      %swap3A_317 = arith.constant 0 : i32
      %swap3A_318 = arith.index_cast %scan3A_139 : i32 to index
      %swap3A_319 = arith.index_cast %swap3A_317 : i32 to index
      %swap3A_320 = arith.constant 16 : index
      %swap3A_321 = tpu.vector_load %arg18[%swap3A_318, %swap3A_319, %swap3A_320] {strides = array<i32>} : memref<6x80x64xf32, #tpu.memory_space<vmem>>, vector<16xf32>,
      tpu.vector_store %arg18[%swap3A_318, %swap3A_319, %swap3A_320], %mul3A_316 {strides = array<i32>} : memref<6x80x64xf32, #tpu.memory_space<vmem>>, vector<16xf32>,
      %get3A_322 = arith.constant 0 : i32
      %get3A_323 = arith.index_cast %scan3A_139 : i32 to index
      %get3A_324 = arith.index_cast %get3A_322 : i32 to index
      %get3A_325 = arith.constant 32 : index
      %get3A_326 = tpu.vector_load %arg18[%get3A_323, %get3A_324, %get3A_325] {strides = array<i32>} : memref<6x80x64xf32, #tpu.memory_space<vmem>>, vector<16xf32>,
      %mul3A_327 = vector.broadcast %squeeze3A : f32 to vector<16xf32>
      %mul3A_328 = arith.mulf %get3A_326, %mul3A_327 : vector<16xf32>
      %swap3A_329 = arith.constant 0 : i32
      %swap3A_330 = arith.index_cast %scan3A_139 : i32 to index
      %swap3A_331 = arith.index_cast %swap3A_329 : i32 to index
      %swap3A_332 = arith.constant 32 : index
      %swap3A_333 = tpu.vector_load %arg18[%swap3A_330, %swap3A_331, %swap3A_332] {strides = array<i32>} : memref<6x80x64xf32, #tpu.memory_space<vmem>>, vector<16xf32>,
      tpu.vector_store %arg18[%swap3A_330, %swap3A_331, %swap3A_332], %mul3A_328 {strides = array<i32>} : memref<6x80x64xf32, #tpu.memory_space<vmem>>, vector<16xf32>,
      %get3A_334 = arith.constant 0 : i32
      %get3A_335 = arith.index_cast %scan3A_139 : i32 to index
      %get3A_336 = arith.index_cast %get3A_334 : i32 to index
      %get3A_337 = arith.constant 48 : index
      %get3A_338 = tpu.vector_load %arg18[%get3A_335, %get3A_336, %get3A_337] {strides = array<i32>} : memref<6x80x64xf32, #tpu.memory_space<vmem>>, vector<16xf32>,
      %mul3A_339 = vector.broadcast %squeeze3A : f32 to vector<16xf32>
      %mul3A_340 = arith.mulf %get3A_338, %mul3A_339 : vector<16xf32>
      %swap3A_341 = arith.constant 0 : i32
      %swap3A_342 = arith.index_cast %scan3A_139 : i32 to index
      %swap3A_343 = arith.index_cast %swap3A_341 : i32 to index
      %swap3A_344 = arith.constant 48 : index
      %swap3A_345 = tpu.vector_load %arg18[%swap3A_342, %swap3A_343, %swap3A_344] {strides = array<i32>} : memref<6x80x64xf32, #tpu.memory_space<vmem>>, vector<16xf32>,
      tpu.vector_store %arg18[%swap3A_342, %swap3A_343, %swap3A_344], %mul3A_340 {strides = array<i32>} : memref<6x80x64xf32, #tpu.memory_space<vmem>>, vector<16xf32>,
      %slice3A_346 = vector.extract_strided_slice %get3A_297 {offsets = [1], sizes = [1], strides = [1]} : vector<16xf32> to vector<1xf32>
      %squeeze3A_347 = vector.extract %slice3A_346[0] : f32 from vector<1xf32>
      %get3A_348 = arith.constant 1 : i32
      %get3A_349 = arith.index_cast %scan3A_139 : i32 to index
      %get3A_350 = arith.index_cast %get3A_348 : i32 to index
      %get3A_351 = arith.constant 0 : index
      %get3A_352 = tpu.vector_load %arg18[%get3A_349, %get3A_350, %get3A_351] {strides = array<i32>} : memref<6x80x64xf32, #tpu.memory_space<vmem>>, vector<16xf32>,
      %mul3A_353 = vector.broadcast %squeeze3A_347 : f32 to vector<16xf32>
      %mul3A_354 = arith.mulf %get3A_352, %mul3A_353 : vector<16xf32>
      %swap3A_355 = arith.constant 1 : i32
      %swap3A_356 = arith.index_cast %scan3A_139 : i32 to index
      %swap3A_357 = arith.index_cast %swap3A_355 : i32 to index
      %swap3A_358 = arith.constant 0 : index
      %swap3A_359 = tpu.vector_load %arg18[%swap3A_356, %swap3A_357, %swap3A_358] {strides = array<i32>} : memref<6x80x64xf32, #tpu.memory_space<vmem>>, vector<16xf32>,
      tpu.vector_store %arg18[%swap3A_356, %swap3A_357, %swap3A_358], %mul3A_354 {strides = array<i32>} : memref<6x80x64xf32, #tpu.memory_space<vmem>>, vector<16xf32>,
      %get3A_360 = arith.constant 1 : i32
      %get3A_361 = arith.index_cast %scan3A_139 : i32 to index
      %get3A_362 = arith.index_cast %get3A_360 : i32 to index
      %get3A_363 = arith.constant 16 : index
      %get3A_364 = tpu.vector_load %arg18[%get3A_361, %get3A_362, %get3A_363] {strides = array<i32>} : memref<6x80x64xf32, #tpu.memory_space<vmem>>, vector<16xf32>,
      %mul3A_365 = vector.broadcast %squeeze3A_347 : f32 to vector<16xf32>
      %mul3A_366 = arith.mulf %get3A_364, %mul3A_365 : vector<16xf32>
      %swap3A_367 = arith.constant 1 : i32
      %swap3A_368 = arith.index_cast %scan3A_139 : i32 to index
      %swap3A_369 = arith.index_cast %swap3A_367 : i32 to index
      %swap3A_370 = arith.constant 16 : index
      %swap3A_371 = tpu.vector_load %arg18[%swap3A_368, %swap3A_369, %swap3A_370] {strides = array<i32>} : memref<6x80x64xf32, #tpu.memory_space<vmem>>, vector<16xf32>,
      tpu.vector_store %arg18[%swap3A_368, %swap3A_369, %swap3A_370], %mul3A_366 {strides = array<i32>} : memref<6x80x64xf32, #tpu.memory_space<vmem>>, vector<16xf32>,
      %get3A_372 = arith.constant 1 : i32
      %get3A_373 = arith.index_cast %scan3A_139 : i32 to index
      %get3A_374 = arith.index_cast %get3A_372 : i32 to index
      %get3A_375 = arith.constant 32 : index
      %get3A_376 = tpu.vector_load %arg18[%get3A_373, %get3A_374, %get3A_375] {strides = array<i32>} : memref<6x80x64xf32, #tpu.memory_space<vmem>>, vector<16xf32>,
      %mul3A_377 = vector.broadcast %squeeze3A_347 : f32 to vector<16xf32>
      %mul3A_378 = arith.mulf %get3A_376, %mul3A_377 : vector<16xf32>
      %swap3A_379 = arith.constant 1 : i32
      %swap3A_380 = arith.index_cast %scan3A_139 : i32 to index
      %swap3A_381 = arith.index_cast %swap3A_379 : i32 to index
      %swap3A_382 = arith.constant 32 : index
      %swap3A_383 = tpu.vector_load %arg18[%swap3A_380, %swap3A_381, %swap3A_382] {strides = array<i32>} : memref<6x80x64xf32, #tpu.memory_space<vmem>>, vector<16xf32>,
      tpu.vector_store %arg18[%swap3A_380, %swap3A_381, %swap3A_382], %mul3A_378 {strides = array<i32>} : memref<6x80x64xf32, #tpu.memory_space<vmem>>, vector<16xf32>,
      %get3A_384 = arith.constant 1 : i32
      %get3A_385 = arith.index_cast %scan3A_139 : i32 to index
      %get3A_386 = arith.index_cast %get3A_384 : i32 to index
      %get3A_387 = arith.constant 48 : index
      %get3A_388 = tpu.vector_load %arg18[%get3A_385, %get3A_386, %get3A_387] {strides = array<i32>} : memref<6x80x64xf32, #tpu.memory_space<vmem>>, vector<16xf32>,
      %mul3A_389 = vector.broadcast %squeeze3A_347 : f32 to vector<16xf32>
      %mul3A_390 = arith.mulf %get3A_388, %mul3A_389 : vector<16xf32>
      %swap3A_391 = arith.constant 1 : i32
      %swap3A_392 = arith.index_cast %scan3A_139 : i32 to index
      %swap3A_393 = arith.index_cast %swap3A_391 : i32 to index
      %swap3A_394 = arith.constant 48 : index
      %swap3A_395 = tpu.vector_load %arg18[%swap3A_392, %swap3A_393, %swap3A_394] {strides = array<i32>} : memref<6x80x64xf32, #tpu.memory_space<vmem>>, vector<16xf32>,
      tpu.vector_store %arg18[%swap3A_392, %swap3A_393, %swap3A_394], %mul3A_390 {strides = array<i32>} : memref<6x80x64xf32, #tpu.memory_space<vmem>>, vector<16xf32>,
      %slice3A_396 = vector.extract_strided_slice %get3A_297 {offsets = [2], sizes = [1], strides = [1]} : vector<16xf32> to vector<1xf32>
      %squeeze3A_397 = vector.extract %slice3A_396[0] : f32 from vector<1xf32>
      %get3A_398 = arith.constant 2 : i32
      %get3A_399 = arith.index_cast %scan3A_139 : i32 to index
      %get3A_400 = arith.index_cast %get3A_398 : i32 to index
      %get3A_401 = arith.constant 0 : index
      %get3A_402 = tpu.vector_load %arg18[%get3A_399, %get3A_400, %get3A_401] {strides = array<i32>} : memref<6x80x64xf32, #tpu.memory_space<vmem>>, vector<16xf32>,
      %mul3A_403 = vector.broadcast %squeeze3A_397 : f32 to vector<16xf32>
      %mul3A_404 = arith.mulf %get3A_402, %mul3A_403 : vector<16xf32>
      %swap3A_405 = arith.constant 2 : i32
      %swap3A_406 = arith.index_cast %scan3A_139 : i32 to index
      %swap3A_407 = arith.index_cast %swap3A_405 : i32 to index
      %swap3A_408 = arith.constant 0 : index
      %swap3A_409 = tpu.vector_load %arg18[%swap3A_406, %swap3A_407, %swap3A_408] {strides = array<i32>} : memref<6x80x64xf32, #tpu.memory_space<vmem>>, vector<16xf32>,
      tpu.vector_store %arg18[%swap3A_406, %swap3A_407, %swap3A_408], %mul3A_404 {strides = array<i32>} : memref<6x80x64xf32, #tpu.memory_space<vmem>>, vector<16xf32>,
      %get3A_410 = arith.constant 2 : i32
      %get3A_411 = arith.index_cast %scan3A_139 : i32 to index
      %get3A_412 = arith.index_cast %get3A_410 : i32 to index
      %get3A_413 = arith.constant 16 : index
      %get3A_414 = tpu.vector_load %arg18[%get3A_411, %get3A_412, %get3A_413] {strides = array<i32>} : memref<6x80x64xf32, #tpu.memory_space<vmem>>, vector<16xf32>,
      %mul3A_415 = vector.broadcast %squeeze3A_397 : f32 to vector<16xf32>
      %mul3A_416 = arith.mulf %get3A_414, %mul3A_415 : vector<16xf32>
      %swap3A_417 = arith.constant 2 : i32
      %swap3A_418 = arith.index_cast %scan3A_139 : i32 to index
      %swap3A_419 = arith.index_cast %swap3A_417 : i32 to index
      %swap3A_420 = arith.constant 16 : index
      %swap3A_421 = tpu.vector_load %arg18[%swap3A_418, %swap3A_419, %swap3A_420] {strides = array<i32>} : memref<6x80x64xf32, #tpu.memory_space<vmem>>, vector<16xf32>,
      tpu.vector_store %arg18[%swap3A_418, %swap3A_419, %swap3A_420], %mul3A_416 {strides = array<i32>} : memref<6x80x64xf32, #tpu.memory_space<vmem>>, vector<16xf32>,
      %get3A_422 = arith.constant 2 : i32
      %get3A_423 = arith.index_cast %scan3A_139 : i32 to index
      %get3A_424 = arith.index_cast %get3A_422 : i32 to index
      %get3A_425 = arith.constant 32 : index
      %get3A_426 = tpu.vector_load %arg18[%get3A_423, %get3A_424, %get3A_425] {strides = array<i32>} : memref<6x80x64xf32, #tpu.memory_space<vmem>>, vector<16xf32>,
      %mul3A_427 = vector.broadcast %squeeze3A_397 : f32 to vector<16xf32>
      %mul3A_428 = arith.mulf %get3A_426, %mul3A_427 : vector<16xf32>
      %swap3A_429 = arith.constant 2 : i32
      %swap3A_430 = arith.index_cast %scan3A_139 : i32 to index
      %swap3A_431 = arith.index_cast %swap3A_429 : i32 to index
      %swap3A_432 = arith.constant 32 : index
      %swap3A_433 = tpu.vector_load %arg18[%swap3A_430, %swap3A_431, %swap3A_432] {strides = array<i32>} : memref<6x80x64xf32, #tpu.memory_space<vmem>>, vector<16xf32>,
      tpu.vector_store %arg18[%swap3A_430, %swap3A_431, %swap3A_432], %mul3A_428 {strides = array<i32>} : memref<6x80x64xf32, #tpu.memory_space<vmem>>, vector<16xf32>,
      %get3A_434 = arith.constant 2 : i32
      %get3A_435 = arith.index_cast %scan3A_139 : i32 to index
      %get3A_436 = arith.index_cast %get3A_434 : i32 to index
      %get3A_437 = arith.constant 48 : index
      %get3A_438 = tpu.vector_load %arg18[%get3A_435, %get3A_436, %get3A_437] {strides = array<i32>} : memref<6x80x64xf32, #tpu.memory_space<vmem>>, vector<16xf32>,
      %mul3A_439 = vector.broadcast %squeeze3A_397 : f32 to vector<16xf32>
      %mul3A_440 = arith.mulf %get3A_438, %mul3A_439 : vector<16xf32>
      %swap3A_441 = arith.constant 2 : i32
      %swap3A_442 = arith.index_cast %scan3A_139 : i32 to index
      %swap3A_443 = arith.index_cast %swap3A_441 : i32 to index
      %swap3A_444 = arith.constant 48 : index
      %swap3A_445 = tpu.vector_load %arg18[%swap3A_442, %swap3A_443, %swap3A_444] {strides = array<i32>} : memref<6x80x64xf32, #tpu.memory_space<vmem>>, vector<16xf32>,
      tpu.vector_store %arg18[%swap3A_442, %swap3A_443, %swap3A_444], %mul3A_440 {strides = array<i32>} : memref<6x80x64xf32, #tpu.memory_space<vmem>>, vector<16xf32>,
      %slice3A_446 = vector.extract_strided_slice %get3A_297 {offsets = [3], sizes = [1], strides = [1]} : vector<16xf32> to vector<1xf32>
      %squeeze3A_447 = vector.extract %slice3A_446[0] : f32 from vector<1xf32>
      %get3A_448 = arith.constant 3 : i32
      %get3A_449 = arith.index_cast %scan3A_139 : i32 to index
      %get3A_450 = arith.index_cast %get3A_448 : i32 to index
      %get3A_451 = arith.constant 0 : index
      %get3A_452 = tpu.vector_load %arg18[%get3A_449, %get3A_450, %get3A_451] {strides = array<i32>} : memref<6x80x64xf32, #tpu.memory_space<vmem>>, vector<16xf32>,
      %mul3A_453 = vector.broadcast %squeeze3A_447 : f32 to vector<16xf32>
      %mul3A_454 = arith.mulf %get3A_452, %mul3A_453 : vector<16xf32>
      %swap3A_455 = arith.constant 3 : i32
      %swap3A_456 = arith.index_cast %scan3A_139 : i32 to index
      %swap3A_457 = arith.index_cast %swap3A_455 : i32 to index
      %swap3A_458 = arith.constant 0 : index
      %swap3A_459 = tpu.vector_load %arg18[%swap3A_456, %swap3A_457, %swap3A_458] {strides = array<i32>} : memref<6x80x64xf32, #tpu.memory_space<vmem>>, vector<16xf32>,
      tpu.vector_store %arg18[%swap3A_456, %swap3A_457, %swap3A_458], %mul3A_454 {strides = array<i32>} : memref<6x80x64xf32, #tpu.memory_space<vmem>>, vector<16xf32>,
      %get3A_460 = arith.constant 3 : i32
      %get3A_461 = arith.index_cast %scan3A_139 : i32 to index
      %get3A_462 = arith.index_cast %get3A_460 : i32 to index
      %get3A_463 = arith.constant 16 : index
      %get3A_464 = tpu.vector_load %arg18[%get3A_461, %get3A_462, %get3A_463] {strides = array<i32>} : memref<6x80x64xf32, #tpu.memory_space<vmem>>, vector<16xf32>,
      %mul3A_465 = vector.broadcast %squeeze3A_447 : f32 to vector<16xf32>
      %mul3A_466 = arith.mulf %get3A_464, %mul3A_465 : vector<16xf32>
      %swap3A_467 = arith.constant 3 : i32
      %swap3A_468 = arith.index_cast %scan3A_139 : i32 to index
      %swap3A_469 = arith.index_cast %swap3A_467 : i32 to index
      %swap3A_470 = arith.constant 16 : index
      %swap3A_471 = tpu.vector_load %arg18[%swap3A_468, %swap3A_469, %swap3A_470] {strides = array<i32>} : memref<6x80x64xf32, #tpu.memory_space<vmem>>, vector<16xf32>,
      tpu.vector_store %arg18[%swap3A_468, %swap3A_469, %swap3A_470], %mul3A_466 {strides = array<i32>} : memref<6x80x64xf32, #tpu.memory_space<vmem>>, vector<16xf32>,
      %get3A_472 = arith.constant 3 : i32
      %get3A_473 = arith.index_cast %scan3A_139 : i32 to index
      %get3A_474 = arith.index_cast %get3A_472 : i32 to index
      %get3A_475 = arith.constant 32 : index
      %get3A_476 = tpu.vector_load %arg18[%get3A_473, %get3A_474, %get3A_475] {strides = array<i32>} : memref<6x80x64xf32, #tpu.memory_space<vmem>>, vector<16xf32>,
      %mul3A_477 = vector.broadcast %squeeze3A_447 : f32 to vector<16xf32>
      %mul3A_478 = arith.mulf %get3A_476, %mul3A_477 : vector<16xf32>
      %swap3A_479 = arith.constant 3 : i32
      %swap3A_480 = arith.index_cast %scan3A_139 : i32 to index
      %swap3A_481 = arith.index_cast %swap3A_479 : i32 to index
      %swap3A_482 = arith.constant 32 : index
      %swap3A_483 = tpu.vector_load %arg18[%swap3A_480, %swap3A_481, %swap3A_482] {strides = array<i32>} : memref<6x80x64xf32, #tpu.memory_space<vmem>>, vector<16xf32>,
      tpu.vector_store %arg18[%swap3A_480, %swap3A_481, %swap3A_482], %mul3A_478 {strides = array<i32>} : memref<6x80x64xf32, #tpu.memory_space<vmem>>, vector<16xf32>,
      %get3A_484 = arith.constant 3 : i32
      %get3A_485 = arith.index_cast %scan3A_139 : i32 to index
      %get3A_486 = arith.index_cast %get3A_484 : i32 to index
      %get3A_487 = arith.constant 48 : index
      %get3A_488 = tpu.vector_load %arg18[%get3A_485, %get3A_486, %get3A_487] {strides = array<i32>} : memref<6x80x64xf32, #tpu.memory_space<vmem>>, vector<16xf32>,
      %mul3A_489 = vector.broadcast %squeeze3A_447 : f32 to vector<16xf32>
      %mul3A_490 = arith.mulf %get3A_488, %mul3A_489 : vector<16xf32>
      %swap3A_491 = arith.constant 3 : i32
      %swap3A_492 = arith.index_cast %scan3A_139 : i32 to index
      %swap3A_493 = arith.index_cast %swap3A_491 : i32 to index
      %swap3A_494 = arith.constant 48 : index
      %swap3A_495 = tpu.vector_load %arg18[%swap3A_492, %swap3A_493, %swap3A_494] {strides = array<i32>} : memref<6x80x64xf32, #tpu.memory_space<vmem>>, vector<16xf32>,
      tpu.vector_store %arg18[%swap3A_492, %swap3A_493, %swap3A_494], %mul3A_490 {strides = array<i32>} : memref<6x80x64xf32, #tpu.memory_space<vmem>>, vector<16xf32>,
      %slice3A_496 = vector.extract_strided_slice %get3A_297 {offsets = [4], sizes = [1], strides = [1]} : vector<16xf32> to vector<1xf32>
      %squeeze3A_497 = vector.extract %slice3A_496[0] : f32 from vector<1xf32>
      %get3A_498 = arith.constant 4 : i32
      %get3A_499 = arith.index_cast %scan3A_139 : i32 to index
      %get3A_500 = arith.index_cast %get3A_498 : i32 to index
      %get3A_501 = arith.constant 0 : index
      %get3A_502 = tpu.vector_load %arg18[%get3A_499, %get3A_500, %get3A_501] {strides = array<i32>} : memref<6x80x64xf32, #tpu.memory_space<vmem>>, vector<16xf32>,
      %mul3A_503 = vector.broadcast %squeeze3A_497 : f32 to vector<16xf32>
      %mul3A_504 = arith.mulf %get3A_502, %mul3A_503 : vector<16xf32>
      %swap3A_505 = arith.constant 4 : i32
      %swap3A_506 = arith.index_cast %scan3A_139 : i32 to index
      %swap3A_507 = arith.index_cast %swap3A_505 : i32 to index
      %swap3A_508 = arith.constant 0 : index
      %swap3A_509 = tpu.vector_load %arg18[%swap3A_506, %swap3A_507, %swap3A_508] {strides = array<i32>} : memref<6x80x64xf32, #tpu.memory_space<vmem>>, vector<16xf32>,
      tpu.vector_store %arg18[%swap3A_506, %swap3A_507, %swap3A_508], %mul3A_504 {strides = array<i32>} : memref<6x80x64xf32, #tpu.memory_space<vmem>>, vector<16xf32>,
      %get3A_510 = arith.constant 4 : i32
      %get3A_511 = arith.index_cast %scan3A_139 : i32 to index
      %get3A_512 = arith.index_cast %get3A_510 : i32 to index
      %get3A_513 = arith.constant 16 : index
      %get3A_514 = tpu.vector_load %arg18[%get3A_511, %get3A_512, %get3A_513] {strides = array<i32>} : memref<6x80x64xf32, #tpu.memory_space<vmem>>, vector<16xf32>,
      %mul3A_515 = vector.broadcast %squeeze3A_497 : f32 to vector<16xf32>
      %mul3A_516 = arith.mulf %get3A_514, %mul3A_515 : vector<16xf32>
      %swap3A_517 = arith.constant 4 : i32
      %swap3A_518 = arith.index_cast %scan3A_139 : i32 to index
      %swap3A_519 = arith.index_cast %swap3A_517 : i32 to index
      %swap3A_520 = arith.constant 16 : index
      %swap3A_521 = tpu.vector_load %arg18[%swap3A_518, %swap3A_519, %swap3A_520] {strides = array<i32>} : memref<6x80x64xf32, #tpu.memory_space<vmem>>, vector<16xf32>,
      tpu.vector_store %arg18[%swap3A_518, %swap3A_519, %swap3A_520], %mul3A_516 {strides = array<i32>} : memref<6x80x64xf32, #tpu.memory_space<vmem>>, vector<16xf32>,
      %get3A_522 = arith.constant 4 : i32
      %get3A_523 = arith.index_cast %scan3A_139 : i32 to index
      %get3A_524 = arith.index_cast %get3A_522 : i32 to index
      %get3A_525 = arith.constant 32 : index
      %get3A_526 = tpu.vector_load %arg18[%get3A_523, %get3A_524, %get3A_525] {strides = array<i32>} : memref<6x80x64xf32, #tpu.memory_space<vmem>>, vector<16xf32>,
      %mul3A_527 = vector.broadcast %squeeze3A_497 : f32 to vector<16xf32>
      %mul3A_528 = arith.mulf %get3A_526, %mul3A_527 : vector<16xf32>
      %swap3A_529 = arith.constant 4 : i32
      %swap3A_530 = arith.index_cast %scan3A_139 : i32 to index
      %swap3A_531 = arith.index_cast %swap3A_529 : i32 to index
      %swap3A_532 = arith.constant 32 : index
      %swap3A_533 = tpu.vector_load %arg18[%swap3A_530, %swap3A_531, %swap3A_532] {strides = array<i32>} : memref<6x80x64xf32, #tpu.memory_space<vmem>>, vector<16xf32>,
      tpu.vector_store %arg18[%swap3A_530, %swap3A_531, %swap3A_532], %mul3A_528 {strides = array<i32>} : memref<6x80x64xf32, #tpu.memory_space<vmem>>, vector<16xf32>,
      %get3A_534 = arith.constant 4 : i32
      %get3A_535 = arith.index_cast %scan3A_139 : i32 to index
      %get3A_536 = arith.index_cast %get3A_534 : i32 to index
      %get3A_537 = arith.constant 48 : index
      %get3A_538 = tpu.vector_load %arg18[%get3A_535, %get3A_536, %get3A_537] {strides = array<i32>} : memref<6x80x64xf32, #tpu.memory_space<vmem>>, vector<16xf32>,
      %mul3A_539 = vector.broadcast %squeeze3A_497 : f32 to vector<16xf32>
      %mul3A_540 = arith.mulf %get3A_538, %mul3A_539 : vector<16xf32>
      %swap3A_541 = arith.constant 4 : i32
      %swap3A_542 = arith.index_cast %scan3A_139 : i32 to index
      %swap3A_543 = arith.index_cast %swap3A_541 : i32 to index
      %swap3A_544 = arith.constant 48 : index
      %swap3A_545 = tpu.vector_load %arg18[%swap3A_542, %swap3A_543, %swap3A_544] {strides = array<i32>} : memref<6x80x64xf32, #tpu.memory_space<vmem>>, vector<16xf32>,
      tpu.vector_store %arg18[%swap3A_542, %swap3A_543, %swap3A_544], %mul3A_540 {strides = array<i32>} : memref<6x80x64xf32, #tpu.memory_space<vmem>>, vector<16xf32>,
      %slice3A_546 = vector.extract_strided_slice %get3A_297 {offsets = [5], sizes = [1], strides = [1]} : vector<16xf32> to vector<1xf32>
      %squeeze3A_547 = vector.extract %slice3A_546[0] : f32 from vector<1xf32>
      %get3A_548 = arith.constant 5 : i32
      %get3A_549 = arith.index_cast %scan3A_139 : i32 to index
      %get3A_550 = arith.index_cast %get3A_548 : i32 to index
      %get3A_551 = arith.constant 0 : index
      %get3A_552 = tpu.vector_load %arg18[%get3A_549, %get3A_550, %get3A_551] {strides = array<i32>} : memref<6x80x64xf32, #tpu.memory_space<vmem>>, vector<16xf32>,
      %mul3A_553 = vector.broadcast %squeeze3A_547 : f32 to vector<16xf32>
      %mul3A_554 = arith.mulf %get3A_552, %mul3A_553 : vector<16xf32>
      %swap3A_555 = arith.constant 5 : i32
      %swap3A_556 = arith.index_cast %scan3A_139 : i32 to index
      %swap3A_557 = arith.index_cast %swap3A_555 : i32 to index
      %swap3A_558 = arith.constant 0 : index
      %swap3A_559 = tpu.vector_load %arg18[%swap3A_556, %swap3A_557, %swap3A_558] {strides = array<i32>} : memref<6x80x64xf32, #tpu.memory_space<vmem>>, vector<16xf32>,
      tpu.vector_store %arg18[%swap3A_556, %swap3A_557, %swap3A_558], %mul3A_554 {strides = array<i32>} : memref<6x80x64xf32, #tpu.memory_space<vmem>>, vector<16xf32>,
      %get3A_560 = arith.constant 5 : i32
      %get3A_561 = arith.index_cast %scan3A_139 : i32 to index
      %get3A_562 = arith.index_cast %get3A_560 : i32 to index
      %get3A_563 = arith.constant 16 : index
      %get3A_564 = tpu.vector_load %arg18[%get3A_561, %get3A_562, %get3A_563] {strides = array<i32>} : memref<6x80x64xf32, #tpu.memory_space<vmem>>, vector<16xf32>,
      %mul3A_565 = vector.broadcast %squeeze3A_547 : f32 to vector<16xf32>
      %mul3A_566 = arith.mulf %get3A_564, %mul3A_565 : vector<16xf32>
      %swap3A_567 = arith.constant 5 : i32
      %swap3A_568 = arith.index_cast %scan3A_139 : i32 to index
      %swap3A_569 = arith.index_cast %swap3A_567 : i32 to index
      %swap3A_570 = arith.constant 16 : index
      %swap3A_571 = tpu.vector_load %arg18[%swap3A_568, %swap3A_569, %swap3A_570] {strides = array<i32>} : memref<6x80x64xf32, #tpu.memory_space<vmem>>, vector<16xf32>,
      tpu.vector_store %arg18[%swap3A_568, %swap3A_569, %swap3A_570], %mul3A_566 {strides = array<i32>} : memref<6x80x64xf32, #tpu.memory_space<vmem>>, vector<16xf32>,
      %get3A_572 = arith.constant 5 : i32
      %get3A_573 = arith.index_cast %scan3A_139 : i32 to index
      %get3A_574 = arith.index_cast %get3A_572 : i32 to index
      %get3A_575 = arith.constant 32 : index
      %get3A_576 = tpu.vector_load %arg18[%get3A_573, %get3A_574, %get3A_575] {strides = array<i32>} : memref<6x80x64xf32, #tpu.memory_space<vmem>>, vector<16xf32>,
      %mul3A_577 = vector.broadcast %squeeze3A_547 : f32 to vector<16xf32>
      %mul3A_578 = arith.mulf %get3A_576, %mul3A_577 : vector<16xf32>
      %swap3A_579 = arith.constant 5 : i32
      %swap3A_580 = arith.index_cast %scan3A_139 : i32 to index
      %swap3A_581 = arith.index_cast %swap3A_579 : i32 to index
      %swap3A_582 = arith.constant 32 : index
      %swap3A_583 = tpu.vector_load %arg18[%swap3A_580, %swap3A_581, %swap3A_582] {strides = array<i32>} : memref<6x80x64xf32, #tpu.memory_space<vmem>>, vector<16xf32>,
      tpu.vector_store %arg18[%swap3A_580, %swap3A_581, %swap3A_582], %mul3A_578 {strides = array<i32>} : memref<6x80x64xf32, #tpu.memory_space<vmem>>, vector<16xf32>,
      %get3A_584 = arith.constant 5 : i32
      %get3A_585 = arith.index_cast %scan3A_139 : i32 to index
      %get3A_586 = arith.index_cast %get3A_584 : i32 to index
      %get3A_587 = arith.constant 48 : index
      %get3A_588 = tpu.vector_load %arg18[%get3A_585, %get3A_586, %get3A_587] {strides = array<i32>} : memref<6x80x64xf32, #tpu.memory_space<vmem>>, vector<16xf32>,
      %mul3A_589 = vector.broadcast %squeeze3A_547 : f32 to vector<16xf32>
      %mul3A_590 = arith.mulf %get3A_588, %mul3A_589 : vector<16xf32>
      %swap3A_591 = arith.constant 5 : i32
      %swap3A_592 = arith.index_cast %scan3A_139 : i32 to index
      %swap3A_593 = arith.index_cast %swap3A_591 : i32 to index
      %swap3A_594 = arith.constant 48 : index
      %swap3A_595 = tpu.vector_load %arg18[%swap3A_592, %swap3A_593, %swap3A_594] {strides = array<i32>} : memref<6x80x64xf32, #tpu.memory_space<vmem>>, vector<16xf32>,
      tpu.vector_store %arg18[%swap3A_592, %swap3A_593, %swap3A_594], %mul3A_590 {strides = array<i32>} : memref<6x80x64xf32, #tpu.memory_space<vmem>>, vector<16xf32>,
      %slice3A_596 = vector.extract_strided_slice %get3A_297 {offsets = [6], sizes = [1], strides = [1]} : vector<16xf32> to vector<1xf32>
      %squeeze3A_597 = vector.extract %slice3A_596[0] : f32 from vector<1xf32>
      %get3A_598 = arith.constant 6 : i32
      %get3A_599 = arith.index_cast %scan3A_139 : i32 to index
      %get3A_600 = arith.index_cast %get3A_598 : i32 to index
      %get3A_601 = arith.constant 0 : index
      %get3A_602 = tpu.vector_load %arg18[%get3A_599, %get3A_600, %get3A_601] {strides = array<i32>} : memref<6x80x64xf32, #tpu.memory_space<vmem>>, vector<16xf32>,
      %mul3A_603 = vector.broadcast %squeeze3A_597 : f32 to vector<16xf32>
      %mul3A_604 = arith.mulf %get3A_602, %mul3A_603 : vector<16xf32>
      %swap3A_605 = arith.constant 6 : i32
      %swap3A_606 = arith.index_cast %scan3A_139 : i32 to index
      %swap3A_607 = arith.index_cast %swap3A_605 : i32 to index
      %swap3A_608 = arith.constant 0 : index
      %swap3A_609 = tpu.vector_load %arg18[%swap3A_606, %swap3A_607, %swap3A_608] {strides = array<i32>} : memref<6x80x64xf32, #tpu.memory_space<vmem>>, vector<16xf32>,
      tpu.vector_store %arg18[%swap3A_606, %swap3A_607, %swap3A_608], %mul3A_604 {strides = array<i32>} : memref<6x80x64xf32, #tpu.memory_space<vmem>>, vector<16xf32>,
      %get3A_610 = arith.constant 6 : i32
      %get3A_611 = arith.index_cast %scan3A_139 : i32 to index
      %get3A_612 = arith.index_cast %get3A_610 : i32 to index
      %get3A_613 = arith.constant 16 : index
      %get3A_614 = tpu.vector_load %arg18[%get3A_611, %get3A_612, %get3A_613] {strides = array<i32>} : memref<6x80x64xf32, #tpu.memory_space<vmem>>, vector<16xf32>,
      %mul3A_615 = vector.broadcast %squeeze3A_597 : f32 to vector<16xf32>
      %mul3A_616 = arith.mulf %get3A_614, %mul3A_615 : vector<16xf32>
      %swap3A_617 = arith.constant 6 : i32
      %swap3A_618 = arith.index_cast %scan3A_139 : i32 to index
      %swap3A_619 = arith.index_cast %swap3A_617 : i32 to index
      %swap3A_620 = arith.constant 16 : index
      %swap3A_621 = tpu.vector_load %arg18[%swap3A_618, %swap3A_619, %swap3A_620] {strides = array<i32>} : memref<6x80x64xf32, #tpu.memory_space<vmem>>, vector<16xf32>,
      tpu.vector_store %arg18[%swap3A_618, %swap3A_619, %swap3A_620], %mul3A_616 {strides = array<i32>} : memref<6x80x64xf32, #tpu.memory_space<vmem>>, vector<16xf32>,
      %get3A_622 = arith.constant 6 : i32
      %get3A_623 = arith.index_cast %scan3A_139 : i32 to index
      %get3A_624 = arith.index_cast %get3A_622 : i32 to index
      %get3A_625 = arith.constant 32 : index
      %get3A_626 = tpu.vector_load %arg18[%get3A_623, %get3A_624, %get3A_625] {strides = array<i32>} : memref<6x80x64xf32, #tpu.memory_space<vmem>>, vector<16xf32>,
      %mul3A_627 = vector.broadcast %squeeze3A_597 : f32 to vector<16xf32>
      %mul3A_628 = arith.mulf %get3A_626, %mul3A_627 : vector<16xf32>
      %swap3A_629 = arith.constant 6 : i32
      %swap3A_630 = arith.index_cast %scan3A_139 : i32 to index
      %swap3A_631 = arith.index_cast %swap3A_629 : i32 to index
      %swap3A_632 = arith.constant 32 : index
      %swap3A_633 = tpu.vector_load %arg18[%swap3A_630, %swap3A_631, %swap3A_632] {strides = array<i32>} : memref<6x80x64xf32, #tpu.memory_space<vmem>>, vector<16xf32>,
      tpu.vector_store %arg18[%swap3A_630, %swap3A_631, %swap3A_632], %mul3A_628 {strides = array<i32>} : memref<6x80x64xf32, #tpu.memory_space<vmem>>, vector<16xf32>,
      %get3A_634 = arith.constant 6 : i32
      %get3A_635 = arith.index_cast %scan3A_139 : i32 to index
      %get3A_636 = arith.index_cast %get3A_634 : i32 to index
      %get3A_637 = arith.constant 48 : index
      %get3A_638 = tpu.vector_load %arg18[%get3A_635, %get3A_636, %get3A_637] {strides = array<i32>} : memref<6x80x64xf32, #tpu.memory_space<vmem>>, vector<16xf32>,
      %mul3A_639 = vector.broadcast %squeeze3A_597 : f32 to vector<16xf32>
      %mul3A_640 = arith.mulf %get3A_638, %mul3A_639 : vector<16xf32>
      %swap3A_641 = arith.constant 6 : i32
      %swap3A_642 = arith.index_cast %scan3A_139 : i32 to index
      %swap3A_643 = arith.index_cast %swap3A_641 : i32 to index
      %swap3A_644 = arith.constant 48 : index
      %swap3A_645 = tpu.vector_load %arg18[%swap3A_642, %swap3A_643, %swap3A_644] {strides = array<i32>} : memref<6x80x64xf32, #tpu.memory_space<vmem>>, vector<16xf32>,
      tpu.vector_store %arg18[%swap3A_642, %swap3A_643, %swap3A_644], %mul3A_640 {strides = array<i32>} : memref<6x80x64xf32, #tpu.memory_space<vmem>>, vector<16xf32>,
      %slice3A_646 = vector.extract_strided_slice %get3A_297 {offsets = [7], sizes = [1], strides = [1]} : vector<16xf32> to vector<1xf32>
      %squeeze3A_647 = vector.extract %slice3A_646[0] : f32 from vector<1xf32>
      %get3A_648 = arith.constant 7 : i32
      %get3A_649 = arith.index_cast %scan3A_139 : i32 to index
      %get3A_650 = arith.index_cast %get3A_648 : i32 to index
      %get3A_651 = arith.constant 0 : index
      %get3A_652 = tpu.vector_load %arg18[%get3A_649, %get3A_650, %get3A_651] {strides = array<i32>} : memref<6x80x64xf32, #tpu.memory_space<vmem>>, vector<16xf32>,
      %mul3A_653 = vector.broadcast %squeeze3A_647 : f32 to vector<16xf32>
      %mul3A_654 = arith.mulf %get3A_652, %mul3A_653 : vector<16xf32>
      %swap3A_655 = arith.constant 7 : i32
      %swap3A_656 = arith.index_cast %scan3A_139 : i32 to index
      %swap3A_657 = arith.index_cast %swap3A_655 : i32 to index
      %swap3A_658 = arith.constant 0 : index
      %swap3A_659 = tpu.vector_load %arg18[%swap3A_656, %swap3A_657, %swap3A_658] {strides = array<i32>} : memref<6x80x64xf32, #tpu.memory_space<vmem>>, vector<16xf32>,
      tpu.vector_store %arg18[%swap3A_656, %swap3A_657, %swap3A_658], %mul3A_654 {strides = array<i32>} : memref<6x80x64xf32, #tpu.memory_space<vmem>>, vector<16xf32>,
      %get3A_660 = arith.constant 7 : i32
      %get3A_661 = arith.index_cast %scan3A_139 : i32 to index
      %get3A_662 = arith.index_cast %get3A_660 : i32 to index
      %get3A_663 = arith.constant 16 : index
      %get3A_664 = tpu.vector_load %arg18[%get3A_661, %get3A_662, %get3A_663] {strides = array<i32>} : memref<6x80x64xf32, #tpu.memory_space<vmem>>, vector<16xf32>,
      %mul3A_665 = vector.broadcast %squeeze3A_647 : f32 to vector<16xf32>
      %mul3A_666 = arith.mulf %get3A_664, %mul3A_665 : vector<16xf32>
      %swap3A_667 = arith.constant 7 : i32
      %swap3A_668 = arith.index_cast %scan3A_139 : i32 to index
      %swap3A_669 = arith.index_cast %swap3A_667 : i32 to index
      %swap3A_670 = arith.constant 16 : index
      %swap3A_671 = tpu.vector_load %arg18[%swap3A_668, %swap3A_669, %swap3A_670] {strides = array<i32>} : memref<6x80x64xf32, #tpu.memory_space<vmem>>, vector<16xf32>,
      tpu.vector_store %arg18[%swap3A_668, %swap3A_669, %swap3A_670], %mul3A_666 {strides = array<i32>} : memref<6x80x64xf32, #tpu.memory_space<vmem>>, vector<16xf32>,
      %get3A_672 = arith.constant 7 : i32
      %get3A_673 = arith.index_cast %scan3A_139 : i32 to index
      %get3A_674 = arith.index_cast %get3A_672 : i32 to index
      %get3A_675 = arith.constant 32 : index
      %get3A_676 = tpu.vector_load %arg18[%get3A_673, %get3A_674, %get3A_675] {strides = array<i32>} : memref<6x80x64xf32, #tpu.memory_space<vmem>>, vector<16xf32>,
      %mul3A_677 = vector.broadcast %squeeze3A_647 : f32 to vector<16xf32>
      %mul3A_678 = arith.mulf %get3A_676, %mul3A_677 : vector<16xf32>
      %swap3A_679 = arith.constant 7 : i32
      %swap3A_680 = arith.index_cast %scan3A_139 : i32 to index
      %swap3A_681 = arith.index_cast %swap3A_679 : i32 to index
      %swap3A_682 = arith.constant 32 : index
      %swap3A_683 = tpu.vector_load %arg18[%swap3A_680, %swap3A_681, %swap3A_682] {strides = array<i32>} : memref<6x80x64xf32, #tpu.memory_space<vmem>>, vector<16xf32>,
      tpu.vector_store %arg18[%swap3A_680, %swap3A_681, %swap3A_682], %mul3A_678 {strides = array<i32>} : memref<6x80x64xf32, #tpu.memory_space<vmem>>, vector<16xf32>,
      %get3A_684 = arith.constant 7 : i32
      %get3A_685 = arith.index_cast %scan3A_139 : i32 to index
      %get3A_686 = arith.index_cast %get3A_684 : i32 to index
      %get3A_687 = arith.constant 48 : index
      %get3A_688 = tpu.vector_load %arg18[%get3A_685, %get3A_686, %get3A_687] {strides = array<i32>} : memref<6x80x64xf32, #tpu.memory_space<vmem>>, vector<16xf32>,
      %mul3A_689 = vector.broadcast %squeeze3A_647 : f32 to vector<16xf32>
      %mul3A_690 = arith.mulf %get3A_688, %mul3A_689 : vector<16xf32>
      %swap3A_691 = arith.constant 7 : i32
      %swap3A_692 = arith.index_cast %scan3A_139 : i32 to index
      %swap3A_693 = arith.index_cast %swap3A_691 : i32 to index
      %swap3A_694 = arith.constant 48 : index
      %swap3A_695 = tpu.vector_load %arg18[%swap3A_692, %swap3A_693, %swap3A_694] {strides = array<i32>} : memref<6x80x64xf32, #tpu.memory_space<vmem>>, vector<16xf32>,
      tpu.vector_store %arg18[%swap3A_692, %swap3A_693, %swap3A_694], %mul3A_690 {strides = array<i32>} : memref<6x80x64xf32, #tpu.memory_space<vmem>>, vector<16xf32>,
      %slice3A_696 = vector.extract_strided_slice %get3A_297 {offsets = [8], sizes = [1], strides = [1]} : vector<16xf32> to vector<1xf32>
      %squeeze3A_697 = vector.extract %slice3A_696[0] : f32 from vector<1xf32>
      %get3A_698 = arith.constant 8 : i32
      %get3A_699 = arith.index_cast %scan3A_139 : i32 to index
      %get3A_700 = arith.index_cast %get3A_698 : i32 to index
      %get3A_701 = arith.constant 0 : index
      %get3A_702 = tpu.vector_load %arg18[%get3A_699, %get3A_700, %get3A_701] {strides = array<i32>} : memref<6x80x64xf32, #tpu.memory_space<vmem>>, vector<16xf32>,
      %mul3A_703 = vector.broadcast %squeeze3A_697 : f32 to vector<16xf32>
      %mul3A_704 = arith.mulf %get3A_702, %mul3A_703 : vector<16xf32>
      %swap3A_705 = arith.constant 8 : i32
      %swap3A_706 = arith.index_cast %scan3A_139 : i32 to index
      %swap3A_707 = arith.index_cast %swap3A_705 : i32 to index
      %swap3A_708 = arith.constant 0 : index
      %swap3A_709 = tpu.vector_load %arg18[%swap3A_706, %swap3A_707, %swap3A_708] {strides = array<i32>} : memref<6x80x64xf32, #tpu.memory_space<vmem>>, vector<16xf32>,
      tpu.vector_store %arg18[%swap3A_706, %swap3A_707, %swap3A_708], %mul3A_704 {strides = array<i32>} : memref<6x80x64xf32, #tpu.memory_space<vmem>>, vector<16xf32>,
      %get3A_710 = arith.constant 8 : i32
      %get3A_711 = arith.index_cast %scan3A_139 : i32 to index
      %get3A_712 = arith.index_cast %get3A_710 : i32 to index
      %get3A_713 = arith.constant 16 : index
      %get3A_714 = tpu.vector_load %arg18[%get3A_711, %get3A_712, %get3A_713] {strides = array<i32>} : memref<6x80x64xf32, #tpu.memory_space<vmem>>, vector<16xf32>,
      %mul3A_715 = vector.broadcast %squeeze3A_697 : f32 to vector<16xf32>
      %mul3A_716 = arith.mulf %get3A_714, %mul3A_715 : vector<16xf32>
      %swap3A_717 = arith.constant 8 : i32
      %swap3A_718 = arith.index_cast %scan3A_139 : i32 to index
      %swap3A_719 = arith.index_cast %swap3A_717 : i32 to index
      %swap3A_720 = arith.constant 16 : index
      %swap3A_721 = tpu.vector_load %arg18[%swap3A_718, %swap3A_719, %swap3A_720] {strides = array<i32>} : memref<6x80x64xf32, #tpu.memory_space<vmem>>, vector<16xf32>,
      tpu.vector_store %arg18[%swap3A_718, %swap3A_719, %swap3A_720], %mul3A_716 {strides = array<i32>} : memref<6x80x64xf32, #tpu.memory_space<vmem>>, vector<16xf32>,
      %get3A_722 = arith.constant 8 : i32
      %get3A_723 = arith.index_cast %scan3A_139 : i32 to index
      %get3A_724 = arith.index_cast %get3A_722 : i32 to index
      %get3A_725 = arith.constant 32 : index
      %get3A_726 = tpu.vector_load %arg18[%get3A_723, %get3A_724, %get3A_725] {strides = array<i32>} : memref<6x80x64xf32, #tpu.memory_space<vmem>>, vector<16xf32>,
      %mul3A_727 = vector.broadcast %squeeze3A_697 : f32 to vector<16xf32>
      %mul3A_728 = arith.mulf %get3A_726, %mul3A_727 : vector<16xf32>
      %swap3A_729 = arith.constant 8 : i32
      %swap3A_730 = arith.index_cast %scan3A_139 : i32 to index
      %swap3A_731 = arith.index_cast %swap3A_729 : i32 to index
      %swap3A_732 = arith.constant 32 : index
      %swap3A_733 = tpu.vector_load %arg18[%swap3A_730, %swap3A_731, %swap3A_732] {strides = array<i32>} : memref<6x80x64xf32, #tpu.memory_space<vmem>>, vector<16xf32>,
      tpu.vector_store %arg18[%swap3A_730, %swap3A_731, %swap3A_732], %mul3A_728 {strides = array<i32>} : memref<6x80x64xf32, #tpu.memory_space<vmem>>, vector<16xf32>,
      %get3A_734 = arith.constant 8 : i32
      %get3A_735 = arith.index_cast %scan3A_139 : i32 to index
      %get3A_736 = arith.index_cast %get3A_734 : i32 to index
      %get3A_737 = arith.constant 48 : index
      %get3A_738 = tpu.vector_load %arg18[%get3A_735, %get3A_736, %get3A_737] {strides = array<i32>} : memref<6x80x64xf32, #tpu.memory_space<vmem>>, vector<16xf32>,
      %mul3A_739 = vector.broadcast %squeeze3A_697 : f32 to vector<16xf32>
      %mul3A_740 = arith.mulf %get3A_738, %mul3A_739 : vector<16xf32>
      %swap3A_741 = arith.constant 8 : i32
      %swap3A_742 = arith.index_cast %scan3A_139 : i32 to index
      %swap3A_743 = arith.index_cast %swap3A_741 : i32 to index
      %swap3A_744 = arith.constant 48 : index
      %swap3A_745 = tpu.vector_load %arg18[%swap3A_742, %swap3A_743, %swap3A_744] {strides = array<i32>} : memref<6x80x64xf32, #tpu.memory_space<vmem>>, vector<16xf32>,
      tpu.vector_store %arg18[%swap3A_742, %swap3A_743, %swap3A_744], %mul3A_740 {strides = array<i32>} : memref<6x80x64xf32, #tpu.memory_space<vmem>>, vector<16xf32>,
      %slice3A_746 = vector.extract_strided_slice %get3A_297 {offsets = [9], sizes = [1], strides = [1]} : vector<16xf32> to vector<1xf32>
      %squeeze3A_747 = vector.extract %slice3A_746[0] : f32 from vector<1xf32>
      %get3A_748 = arith.constant 9 : i32
      %get3A_749 = arith.index_cast %scan3A_139 : i32 to index
      %get3A_750 = arith.index_cast %get3A_748 : i32 to index
      %get3A_751 = arith.constant 0 : index
      %get3A_752 = tpu.vector_load %arg18[%get3A_749, %get3A_750, %get3A_751] {strides = array<i32>} : memref<6x80x64xf32, #tpu.memory_space<vmem>>, vector<16xf32>,
      %mul3A_753 = vector.broadcast %squeeze3A_747 : f32 to vector<16xf32>
      %mul3A_754 = arith.mulf %get3A_752, %mul3A_753 : vector<16xf32>
      %swap3A_755 = arith.constant 9 : i32
      %swap3A_756 = arith.index_cast %scan3A_139 : i32 to index
      %swap3A_757 = arith.index_cast %swap3A_755 : i32 to index
      %swap3A_758 = arith.constant 0 : index
      %swap3A_759 = tpu.vector_load %arg18[%swap3A_756, %swap3A_757, %swap3A_758] {strides = array<i32>} : memref<6x80x64xf32, #tpu.memory_space<vmem>>, vector<16xf32>,
      tpu.vector_store %arg18[%swap3A_756, %swap3A_757, %swap3A_758], %mul3A_754 {strides = array<i32>} : memref<6x80x64xf32, #tpu.memory_space<vmem>>, vector<16xf32>,
      %get3A_760 = arith.constant 9 : i32
      %get3A_761 = arith.index_cast %scan3A_139 : i32 to index
      %get3A_762 = arith.index_cast %get3A_760 : i32 to index
      %get3A_763 = arith.constant 16 : index
      %get3A_764 = tpu.vector_load %arg18[%get3A_761, %get3A_762, %get3A_763] {strides = array<i32>} : memref<6x80x64xf32, #tpu.memory_space<vmem>>, vector<16xf32>,
      %mul3A_765 = vector.broadcast %squeeze3A_747 : f32 to vector<16xf32>
      %mul3A_766 = arith.mulf %get3A_764, %mul3A_765 : vector<16xf32>
      %swap3A_767 = arith.constant 9 : i32
      %swap3A_768 = arith.index_cast %scan3A_139 : i32 to index
      %swap3A_769 = arith.index_cast %swap3A_767 : i32 to index
      %swap3A_770 = arith.constant 16 : index
      %swap3A_771 = tpu.vector_load %arg18[%swap3A_768, %swap3A_769, %swap3A_770] {strides = array<i32>} : memref<6x80x64xf32, #tpu.memory_space<vmem>>, vector<16xf32>,
      tpu.vector_store %arg18[%swap3A_768, %swap3A_769, %swap3A_770], %mul3A_766 {strides = array<i32>} : memref<6x80x64xf32, #tpu.memory_space<vmem>>, vector<16xf32>,
      %get3A_772 = arith.constant 9 : i32
      %get3A_773 = arith.index_cast %scan3A_139 : i32 to index
      %get3A_774 = arith.index_cast %get3A_772 : i32 to index
      %get3A_775 = arith.constant 32 : index
      %get3A_776 = tpu.vector_load %arg18[%get3A_773, %get3A_774, %get3A_775] {strides = array<i32>} : memref<6x80x64xf32, #tpu.memory_space<vmem>>, vector<16xf32>,
      %mul3A_777 = vector.broadcast %squeeze3A_747 : f32 to vector<16xf32>
      %mul3A_778 = arith.mulf %get3A_776, %mul3A_777 : vector<16xf32>
      %swap3A_779 = arith.constant 9 : i32
      %swap3A_780 = arith.index_cast %scan3A_139 : i32 to index
      %swap3A_781 = arith.index_cast %swap3A_779 : i32 to index
      %swap3A_782 = arith.constant 32 : index
      %swap3A_783 = tpu.vector_load %arg18[%swap3A_780, %swap3A_781, %swap3A_782] {strides = array<i32>} : memref<6x80x64xf32, #tpu.memory_space<vmem>>, vector<16xf32>,
      tpu.vector_store %arg18[%swap3A_780, %swap3A_781, %swap3A_782], %mul3A_778 {strides = array<i32>} : memref<6x80x64xf32, #tpu.memory_space<vmem>>, vector<16xf32>,
      %get3A_784 = arith.constant 9 : i32
      %get3A_785 = arith.index_cast %scan3A_139 : i32 to index
      %get3A_786 = arith.index_cast %get3A_784 : i32 to index
      %get3A_787 = arith.constant 48 : index
      %get3A_788 = tpu.vector_load %arg18[%get3A_785, %get3A_786, %get3A_787] {strides = array<i32>} : memref<6x80x64xf32, #tpu.memory_space<vmem>>, vector<16xf32>,
      %mul3A_789 = vector.broadcast %squeeze3A_747 : f32 to vector<16xf32>
      %mul3A_790 = arith.mulf %get3A_788, %mul3A_789 : vector<16xf32>
      %swap3A_791 = arith.constant 9 : i32
      %swap3A_792 = arith.index_cast %scan3A_139 : i32 to index
      %swap3A_793 = arith.index_cast %swap3A_791 : i32 to index
      %swap3A_794 = arith.constant 48 : index
      %swap3A_795 = tpu.vector_load %arg18[%swap3A_792, %swap3A_793, %swap3A_794] {strides = array<i32>} : memref<6x80x64xf32, #tpu.memory_space<vmem>>, vector<16xf32>,
      tpu.vector_store %arg18[%swap3A_792, %swap3A_793, %swap3A_794], %mul3A_790 {strides = array<i32>} : memref<6x80x64xf32, #tpu.memory_space<vmem>>, vector<16xf32>,
      %slice3A_796 = vector.extract_strided_slice %get3A_297 {offsets = [10], sizes = [1], strides = [1]} : vector<16xf32> to vector<1xf32>
      %squeeze3A_797 = vector.extract %slice3A_796[0] : f32 from vector<1xf32>
      %get3A_798 = arith.constant 10 : i32
      %get3A_799 = arith.index_cast %scan3A_139 : i32 to index
      %get3A_800 = arith.index_cast %get3A_798 : i32 to index
      %get3A_801 = arith.constant 0 : index
      %get3A_802 = tpu.vector_load %arg18[%get3A_799, %get3A_800, %get3A_801] {strides = array<i32>} : memref<6x80x64xf32, #tpu.memory_space<vmem>>, vector<16xf32>,
      %mul3A_803 = vector.broadcast %squeeze3A_797 : f32 to vector<16xf32>
      %mul3A_804 = arith.mulf %get3A_802, %mul3A_803 : vector<16xf32>
      %swap3A_805 = arith.constant 10 : i32
      %swap3A_806 = arith.index_cast %scan3A_139 : i32 to index
      %swap3A_807 = arith.index_cast %swap3A_805 : i32 to index
      %swap3A_808 = arith.constant 0 : index
      %swap3A_809 = tpu.vector_load %arg18[%swap3A_806, %swap3A_807, %swap3A_808] {strides = array<i32>} : memref<6x80x64xf32, #tpu.memory_space<vmem>>, vector<16xf32>,
      tpu.vector_store %arg18[%swap3A_806, %swap3A_807, %swap3A_808], %mul3A_804 {strides = array<i32>} : memref<6x80x64xf32, #tpu.memory_space<vmem>>, vector<16xf32>,
      %get3A_810 = arith.constant 10 : i32
      %get3A_811 = arith.index_cast %scan3A_139 : i32 to index
      %get3A_812 = arith.index_cast %get3A_810 : i32 to index
      %get3A_813 = arith.constant 16 : index
      %get3A_814 = tpu.vector_load %arg18[%get3A_811, %get3A_812, %get3A_813] {strides = array<i32>} : memref<6x80x64xf32, #tpu.memory_space<vmem>>, vector<16xf32>,
      %mul3A_815 = vector.broadcast %squeeze3A_797 : f32 to vector<16xf32>
      %mul3A_816 = arith.mulf %get3A_814, %mul3A_815 : vector<16xf32>
      %swap3A_817 = arith.constant 10 : i32
      %swap3A_818 = arith.index_cast %scan3A_139 : i32 to index
      %swap3A_819 = arith.index_cast %swap3A_817 : i32 to index
      %swap3A_820 = arith.constant 16 : index
      %swap3A_821 = tpu.vector_load %arg18[%swap3A_818, %swap3A_819, %swap3A_820] {strides = array<i32>} : memref<6x80x64xf32, #tpu.memory_space<vmem>>, vector<16xf32>,
      tpu.vector_store %arg18[%swap3A_818, %swap3A_819, %swap3A_820], %mul3A_816 {strides = array<i32>} : memref<6x80x64xf32, #tpu.memory_space<vmem>>, vector<16xf32>,
      %get3A_822 = arith.constant 10 : i32
      %get3A_823 = arith.index_cast %scan3A_139 : i32 to index
      %get3A_824 = arith.index_cast %get3A_822 : i32 to index
      %get3A_825 = arith.constant 32 : index
      %get3A_826 = tpu.vector_load %arg18[%get3A_823, %get3A_824, %get3A_825] {strides = array<i32>} : memref<6x80x64xf32, #tpu.memory_space<vmem>>, vector<16xf32>,
      %mul3A_827 = vector.broadcast %squeeze3A_797 : f32 to vector<16xf32>
      %mul3A_828 = arith.mulf %get3A_826, %mul3A_827 : vector<16xf32>
      %swap3A_829 = arith.constant 10 : i32
      %swap3A_830 = arith.index_cast %scan3A_139 : i32 to index
      %swap3A_831 = arith.index_cast %swap3A_829 : i32 to index
      %swap3A_832 = arith.constant 32 : index
      %swap3A_833 = tpu.vector_load %arg18[%swap3A_830, %swap3A_831, %swap3A_832] {strides = array<i32>} : memref<6x80x64xf32, #tpu.memory_space<vmem>>, vector<16xf32>,
      tpu.vector_store %arg18[%swap3A_830, %swap3A_831, %swap3A_832], %mul3A_828 {strides = array<i32>} : memref<6x80x64xf32, #tpu.memory_space<vmem>>, vector<16xf32>,
      %get3A_834 = arith.constant 10 : i32
      %get3A_835 = arith.index_cast %scan3A_139 : i32 to index
      %get3A_836 = arith.index_cast %get3A_834 : i32 to index
      %get3A_837 = arith.constant 48 : index
      %get3A_838 = tpu.vector_load %arg18[%get3A_835, %get3A_836, %get3A_837] {strides = array<i32>} : memref<6x80x64xf32, #tpu.memory_space<vmem>>, vector<16xf32>,
      %mul3A_839 = vector.broadcast %squeeze3A_797 : f32 to vector<16xf32>
      %mul3A_840 = arith.mulf %get3A_838, %mul3A_839 : vector<16xf32>
      %swap3A_841 = arith.constant 10 : i32
      %swap3A_842 = arith.index_cast %scan3A_139 : i32 to index
      %swap3A_843 = arith.index_cast %swap3A_841 : i32 to index
      %swap3A_844 = arith.constant 48 : index
      %swap3A_845 = tpu.vector_load %arg18[%swap3A_842, %swap3A_843, %swap3A_844] {strides = array<i32>} : memref<6x80x64xf32, #tpu.memory_space<vmem>>, vector<16xf32>,
      tpu.vector_store %arg18[%swap3A_842, %swap3A_843, %swap3A_844], %mul3A_840 {strides = array<i32>} : memref<6x80x64xf32, #tpu.memory_space<vmem>>, vector<16xf32>,
      %slice3A_846 = vector.extract_strided_slice %get3A_297 {offsets = [11], sizes = [1], strides = [1]} : vector<16xf32> to vector<1xf32>
      %squeeze3A_847 = vector.extract %slice3A_846[0] : f32 from vector<1xf32>
      %get3A_848 = arith.constant 11 : i32
      %get3A_849 = arith.index_cast %scan3A_139 : i32 to index
      %get3A_850 = arith.index_cast %get3A_848 : i32 to index
      %get3A_851 = arith.constant 0 : index
      %get3A_852 = tpu.vector_load %arg18[%get3A_849, %get3A_850, %get3A_851] {strides = array<i32>} : memref<6x80x64xf32, #tpu.memory_space<vmem>>, vector<16xf32>,
      %mul3A_853 = vector.broadcast %squeeze3A_847 : f32 to vector<16xf32>
      %mul3A_854 = arith.mulf %get3A_852, %mul3A_853 : vector<16xf32>
      %swap3A_855 = arith.constant 11 : i32
      %swap3A_856 = arith.index_cast %scan3A_139 : i32 to index
      %swap3A_857 = arith.index_cast %swap3A_855 : i32 to index
      %swap3A_858 = arith.constant 0 : index
      %swap3A_859 = tpu.vector_load %arg18[%swap3A_856, %swap3A_857, %swap3A_858] {strides = array<i32>} : memref<6x80x64xf32, #tpu.memory_space<vmem>>, vector<16xf32>,
      tpu.vector_store %arg18[%swap3A_856, %swap3A_857, %swap3A_858], %mul3A_854 {strides = array<i32>} : memref<6x80x64xf32, #tpu.memory_space<vmem>>, vector<16xf32>,
      %get3A_860 = arith.constant 11 : i32
      %get3A_861 = arith.index_cast %scan3A_139 : i32 to index
      %get3A_862 = arith.index_cast %get3A_860 : i32 to index
      %get3A_863 = arith.constant 16 : index
      %get3A_864 = tpu.vector_load %arg18[%get3A_861, %get3A_862, %get3A_863] {strides = array<i32>} : memref<6x80x64xf32, #tpu.memory_space<vmem>>, vector<16xf32>,
      %mul3A_865 = vector.broadcast %squeeze3A_847 : f32 to vector<16xf32>
      %mul3A_866 = arith.mulf %get3A_864, %mul3A_865 : vector<16xf32>
      %swap3A_867 = arith.constant 11 : i32
      %swap3A_868 = arith.index_cast %scan3A_139 : i32 to index
      %swap3A_869 = arith.index_cast %swap3A_867 : i32 to index
      %swap3A_870 = arith.constant 16 : index
      %swap3A_871 = tpu.vector_load %arg18[%swap3A_868, %swap3A_869, %swap3A_870] {strides = array<i32>} : memref<6x80x64xf32, #tpu.memory_space<vmem>>, vector<16xf32>,
      tpu.vector_store %arg18[%swap3A_868, %swap3A_869, %swap3A_870], %mul3A_866 {strides = array<i32>} : memref<6x80x64xf32, #tpu.memory_space<vmem>>, vector<16xf32>,
      %get3A_872 = arith.constant 11 : i32
      %get3A_873 = arith.index_cast %scan3A_139 : i32 to index
      %get3A_874 = arith.index_cast %get3A_872 : i32 to index
      %get3A_875 = arith.constant 32 : index
      %get3A_876 = tpu.vector_load %arg18[%get3A_873, %get3A_874, %get3A_875] {strides = array<i32>} : memref<6x80x64xf32, #tpu.memory_space<vmem>>, vector<16xf32>,
      %mul3A_877 = vector.broadcast %squeeze3A_847 : f32 to vector<16xf32>
      %mul3A_878 = arith.mulf %get3A_876, %mul3A_877 : vector<16xf32>
      %swap3A_879 = arith.constant 11 : i32
      %swap3A_880 = arith.index_cast %scan3A_139 : i32 to index
      %swap3A_881 = arith.index_cast %swap3A_879 : i32 to index
      %swap3A_882 = arith.constant 32 : index
      %swap3A_883 = tpu.vector_load %arg18[%swap3A_880, %swap3A_881, %swap3A_882] {strides = array<i32>} : memref<6x80x64xf32, #tpu.memory_space<vmem>>, vector<16xf32>,
      tpu.vector_store %arg18[%swap3A_880, %swap3A_881, %swap3A_882], %mul3A_878 {strides = array<i32>} : memref<6x80x64xf32, #tpu.memory_space<vmem>>, vector<16xf32>,
      %get3A_884 = arith.constant 11 : i32
      %get3A_885 = arith.index_cast %scan3A_139 : i32 to index
      %get3A_886 = arith.index_cast %get3A_884 : i32 to index
      %get3A_887 = arith.constant 48 : index
      %get3A_888 = tpu.vector_load %arg18[%get3A_885, %get3A_886, %get3A_887] {strides = array<i32>} : memref<6x80x64xf32, #tpu.memory_space<vmem>>, vector<16xf32>,
      %mul3A_889 = vector.broadcast %squeeze3A_847 : f32 to vector<16xf32>
      %mul3A_890 = arith.mulf %get3A_888, %mul3A_889 : vector<16xf32>
      %swap3A_891 = arith.constant 11 : i32
      %swap3A_892 = arith.index_cast %scan3A_139 : i32 to index
      %swap3A_893 = arith.index_cast %swap3A_891 : i32 to index
      %swap3A_894 = arith.constant 48 : index
      %swap3A_895 = tpu.vector_load %arg18[%swap3A_892, %swap3A_893, %swap3A_894] {strides = array<i32>} : memref<6x80x64xf32, #tpu.memory_space<vmem>>, vector<16xf32>,
      tpu.vector_store %arg18[%swap3A_892, %swap3A_893, %swap3A_894], %mul3A_890 {strides = array<i32>} : memref<6x80x64xf32, #tpu.memory_space<vmem>>, vector<16xf32>,
      %slice3A_896 = vector.extract_strided_slice %get3A_297 {offsets = [12], sizes = [1], strides = [1]} : vector<16xf32> to vector<1xf32>
      %squeeze3A_897 = vector.extract %slice3A_896[0] : f32 from vector<1xf32>
      %get3A_898 = arith.constant 12 : i32
      %get3A_899 = arith.index_cast %scan3A_139 : i32 to index
      %get3A_900 = arith.index_cast %get3A_898 : i32 to index
      %get3A_901 = arith.constant 0 : index
      %get3A_902 = tpu.vector_load %arg18[%get3A_899, %get3A_900, %get3A_901] {strides = array<i32>} : memref<6x80x64xf32, #tpu.memory_space<vmem>>, vector<16xf32>,
      %mul3A_903 = vector.broadcast %squeeze3A_897 : f32 to vector<16xf32>
      %mul3A_904 = arith.mulf %get3A_902, %mul3A_903 : vector<16xf32>
      %swap3A_905 = arith.constant 12 : i32
      %swap3A_906 = arith.index_cast %scan3A_139 : i32 to index
      %swap3A_907 = arith.index_cast %swap3A_905 : i32 to index
      %swap3A_908 = arith.constant 0 : index
      %swap3A_909 = tpu.vector_load %arg18[%swap3A_906, %swap3A_907, %swap3A_908] {strides = array<i32>} : memref<6x80x64xf32, #tpu.memory_space<vmem>>, vector<16xf32>,
      tpu.vector_store %arg18[%swap3A_906, %swap3A_907, %swap3A_908], %mul3A_904 {strides = array<i32>} : memref<6x80x64xf32, #tpu.memory_space<vmem>>, vector<16xf32>,
      %get3A_910 = arith.constant 12 : i32
      %get3A_911 = arith.index_cast %scan3A_139 : i32 to index
      %get3A_912 = arith.index_cast %get3A_910 : i32 to index
      %get3A_913 = arith.constant 16 : index
      %get3A_914 = tpu.vector_load %arg18[%get3A_911, %get3A_912, %get3A_913] {strides = array<i32>} : memref<6x80x64xf32, #tpu.memory_space<vmem>>, vector<16xf32>,
      %mul3A_915 = vector.broadcast %squeeze3A_897 : f32 to vector<16xf32>
      %mul3A_916 = arith.mulf %get3A_914, %mul3A_915 : vector<16xf32>
      %swap3A_917 = arith.constant 12 : i32
      %swap3A_918 = arith.index_cast %scan3A_139 : i32 to index
      %swap3A_919 = arith.index_cast %swap3A_917 : i32 to index
      %swap3A_920 = arith.constant 16 : index
      %swap3A_921 = tpu.vector_load %arg18[%swap3A_918, %swap3A_919, %swap3A_920] {strides = array<i32>} : memref<6x80x64xf32, #tpu.memory_space<vmem>>, vector<16xf32>,
      tpu.vector_store %arg18[%swap3A_918, %swap3A_919, %swap3A_920], %mul3A_916 {strides = array<i32>} : memref<6x80x64xf32, #tpu.memory_space<vmem>>, vector<16xf32>,
      %get3A_922 = arith.constant 12 : i32
      %get3A_923 = arith.index_cast %scan3A_139 : i32 to index
      %get3A_924 = arith.index_cast %get3A_922 : i32 to index
      %get3A_925 = arith.constant 32 : index
      %get3A_926 = tpu.vector_load %arg18[%get3A_923, %get3A_924, %get3A_925] {strides = array<i32>} : memref<6x80x64xf32, #tpu.memory_space<vmem>>, vector<16xf32>,
      %mul3A_927 = vector.broadcast %squeeze3A_897 : f32 to vector<16xf32>
      %mul3A_928 = arith.mulf %get3A_926, %mul3A_927 : vector<16xf32>
      %swap3A_929 = arith.constant 12 : i32
      %swap3A_930 = arith.index_cast %scan3A_139 : i32 to index
      %swap3A_931 = arith.index_cast %swap3A_929 : i32 to index
      %swap3A_932 = arith.constant 32 : index
      %swap3A_933 = tpu.vector_load %arg18[%swap3A_930, %swap3A_931, %swap3A_932] {strides = array<i32>} : memref<6x80x64xf32, #tpu.memory_space<vmem>>, vector<16xf32>,
      tpu.vector_store %arg18[%swap3A_930, %swap3A_931, %swap3A_932], %mul3A_928 {strides = array<i32>} : memref<6x80x64xf32, #tpu.memory_space<vmem>>, vector<16xf32>,
      %get3A_934 = arith.constant 12 : i32
      %get3A_935 = arith.index_cast %scan3A_139 : i32 to index
      %get3A_936 = arith.index_cast %get3A_934 : i32 to index
      %get3A_937 = arith.constant 48 : index
      %get3A_938 = tpu.vector_load %arg18[%get3A_935, %get3A_936, %get3A_937] {strides = array<i32>} : memref<6x80x64xf32, #tpu.memory_space<vmem>>, vector<16xf32>,
      %mul3A_939 = vector.broadcast %squeeze3A_897 : f32 to vector<16xf32>
      %mul3A_940 = arith.mulf %get3A_938, %mul3A_939 : vector<16xf32>
      %swap3A_941 = arith.constant 12 : i32
      %swap3A_942 = arith.index_cast %scan3A_139 : i32 to index
      %swap3A_943 = arith.index_cast %swap3A_941 : i32 to index
      %swap3A_944 = arith.constant 48 : index
      %swap3A_945 = tpu.vector_load %arg18[%swap3A_942, %swap3A_943, %swap3A_944] {strides = array<i32>} : memref<6x80x64xf32, #tpu.memory_space<vmem>>, vector<16xf32>,
      tpu.vector_store %arg18[%swap3A_942, %swap3A_943, %swap3A_944], %mul3A_940 {strides = array<i32>} : memref<6x80x64xf32, #tpu.memory_space<vmem>>, vector<16xf32>,
      %slice3A_946 = vector.extract_strided_slice %get3A_297 {offsets = [13], sizes = [1], strides = [1]} : vector<16xf32> to vector<1xf32>
      %squeeze3A_947 = vector.extract %slice3A_946[0] : f32 from vector<1xf32>
      %get3A_948 = arith.constant 13 : i32
      %get3A_949 = arith.index_cast %scan3A_139 : i32 to index
      %get3A_950 = arith.index_cast %get3A_948 : i32 to index
      %get3A_951 = arith.constant 0 : index
      %get3A_952 = tpu.vector_load %arg18[%get3A_949, %get3A_950, %get3A_951] {strides = array<i32>} : memref<6x80x64xf32, #tpu.memory_space<vmem>>, vector<16xf32>,
      %mul3A_953 = vector.broadcast %squeeze3A_947 : f32 to vector<16xf32>
      %mul3A_954 = arith.mulf %get3A_952, %mul3A_953 : vector<16xf32>
      %swap3A_955 = arith.constant 13 : i32
      %swap3A_956 = arith.index_cast %scan3A_139 : i32 to index
      %swap3A_957 = arith.index_cast %swap3A_955 : i32 to index
      %swap3A_958 = arith.constant 0 : index
      %swap3A_959 = tpu.vector_load %arg18[%swap3A_956, %swap3A_957, %swap3A_958] {strides = array<i32>} : memref<6x80x64xf32, #tpu.memory_space<vmem>>, vector<16xf32>,
      tpu.vector_store %arg18[%swap3A_956, %swap3A_957, %swap3A_958], %mul3A_954 {strides = array<i32>} : memref<6x80x64xf32, #tpu.memory_space<vmem>>, vector<16xf32>,
      %get3A_960 = arith.constant 13 : i32
      %get3A_961 = arith.index_cast %scan3A_139 : i32 to index
      %get3A_962 = arith.index_cast %get3A_960 : i32 to index
      %get3A_963 = arith.constant 16 : index
      %get3A_964 = tpu.vector_load %arg18[%get3A_961, %get3A_962, %get3A_963] {strides = array<i32>} : memref<6x80x64xf32, #tpu.memory_space<vmem>>, vector<16xf32>,
      %mul3A_965 = vector.broadcast %squeeze3A_947 : f32 to vector<16xf32>
      %mul3A_966 = arith.mulf %get3A_964, %mul3A_965 : vector<16xf32>
      %swap3A_967 = arith.constant 13 : i32
      %swap3A_968 = arith.index_cast %scan3A_139 : i32 to index
      %swap3A_969 = arith.index_cast %swap3A_967 : i32 to index
      %swap3A_970 = arith.constant 16 : index
      %swap3A_971 = tpu.vector_load %arg18[%swap3A_968, %swap3A_969, %swap3A_970] {strides = array<i32>} : memref<6x80x64xf32, #tpu.memory_space<vmem>>, vector<16xf32>,
      tpu.vector_store %arg18[%swap3A_968, %swap3A_969, %swap3A_970], %mul3A_966 {strides = array<i32>} : memref<6x80x64xf32, #tpu.memory_space<vmem>>, vector<16xf32>,
      %get3A_972 = arith.constant 13 : i32
      %get3A_973 = arith.index_cast %scan3A_139 : i32 to index
      %get3A_974 = arith.index_cast %get3A_972 : i32 to index
      %get3A_975 = arith.constant 32 : index
      %get3A_976 = tpu.vector_load %arg18[%get3A_973, %get3A_974, %get3A_975] {strides = array<i32>} : memref<6x80x64xf32, #tpu.memory_space<vmem>>, vector<16xf32>,
      %mul3A_977 = vector.broadcast %squeeze3A_947 : f32 to vector<16xf32>
      %mul3A_978 = arith.mulf %get3A_976, %mul3A_977 : vector<16xf32>
      %swap3A_979 = arith.constant 13 : i32
      %swap3A_980 = arith.index_cast %scan3A_139 : i32 to index
      %swap3A_981 = arith.index_cast %swap3A_979 : i32 to index
      %swap3A_982 = arith.constant 32 : index
      %swap3A_983 = tpu.vector_load %arg18[%swap3A_980, %swap3A_981, %swap3A_982] {strides = array<i32>} : memref<6x80x64xf32, #tpu.memory_space<vmem>>, vector<16xf32>,
      tpu.vector_store %arg18[%swap3A_980, %swap3A_981, %swap3A_982], %mul3A_978 {strides = array<i32>} : memref<6x80x64xf32, #tpu.memory_space<vmem>>, vector<16xf32>,
      %get3A_984 = arith.constant 13 : i32
      %get3A_985 = arith.index_cast %scan3A_139 : i32 to index
      %get3A_986 = arith.index_cast %get3A_984 : i32 to index
      %get3A_987 = arith.constant 48 : index
      %get3A_988 = tpu.vector_load %arg18[%get3A_985, %get3A_986, %get3A_987] {strides = array<i32>} : memref<6x80x64xf32, #tpu.memory_space<vmem>>, vector<16xf32>,
      %mul3A_989 = vector.broadcast %squeeze3A_947 : f32 to vector<16xf32>
      %mul3A_990 = arith.mulf %get3A_988, %mul3A_989 : vector<16xf32>
      %swap3A_991 = arith.constant 13 : i32
      %swap3A_992 = arith.index_cast %scan3A_139 : i32 to index
      %swap3A_993 = arith.index_cast %swap3A_991 : i32 to index
      %swap3A_994 = arith.constant 48 : index
      %swap3A_995 = tpu.vector_load %arg18[%swap3A_992, %swap3A_993, %swap3A_994] {strides = array<i32>} : memref<6x80x64xf32, #tpu.memory_space<vmem>>, vector<16xf32>,
      tpu.vector_store %arg18[%swap3A_992, %swap3A_993, %swap3A_994], %mul3A_990 {strides = array<i32>} : memref<6x80x64xf32, #tpu.memory_space<vmem>>, vector<16xf32>,
      %slice3A_996 = vector.extract_strided_slice %get3A_297 {offsets = [14], sizes = [1], strides = [1]} : vector<16xf32> to vector<1xf32>
      %squeeze3A_997 = vector.extract %slice3A_996[0] : f32 from vector<1xf32>
      %get3A_998 = arith.constant 14 : i32
      %get3A_999 = arith.index_cast %scan3A_139 : i32 to index
      %get3A_1000 = arith.index_cast %get3A_998 : i32 to index
      %get3A_1001 = arith.constant 0 : index
      %get3A_1002 = tpu.vector_load %arg18[%get3A_999, %get3A_1000, %get3A_1001] {strides = array<i32>} : memref<6x80x64xf32, #tpu.memory_space<vmem>>, vector<16xf32>,
      %mul3A_1003 = vector.broadcast %squeeze3A_997 : f32 to vector<16xf32>
      %mul3A_1004 = arith.mulf %get3A_1002, %mul3A_1003 : vector<16xf32>
      %swap3A_1005 = arith.constant 14 : i32
      %swap3A_1006 = arith.index_cast %scan3A_139 : i32 to index
      %swap3A_1007 = arith.index_cast %swap3A_1005 : i32 to index
      %swap3A_1008 = arith.constant 0 : index
      %swap3A_1009 = tpu.vector_load %arg18[%swap3A_1006, %swap3A_1007, %swap3A_1008] {strides = array<i32>} : memref<6x80x64xf32, #tpu.memory_space<vmem>>, vector<16xf32>,
      tpu.vector_store %arg18[%swap3A_1006, %swap3A_1007, %swap3A_1008], %mul3A_1004 {strides = array<i32>} : memref<6x80x64xf32, #tpu.memory_space<vmem>>, vector<16xf32>,
      %get3A_1010 = arith.constant 14 : i32
      %get3A_1011 = arith.index_cast %scan3A_139 : i32 to index
      %get3A_1012 = arith.index_cast %get3A_1010 : i32 to index
      %get3A_1013 = arith.constant 16 : index
      %get3A_1014 = tpu.vector_load %arg18[%get3A_1011, %get3A_1012, %get3A_1013] {strides = array<i32>} : memref<6x80x64xf32, #tpu.memory_space<vmem>>, vector<16xf32>,
      %mul3A_1015 = vector.broadcast %squeeze3A_997 : f32 to vector<16xf32>
      %mul3A_1016 = arith.mulf %get3A_1014, %mul3A_1015 : vector<16xf32>
      %swap3A_1017 = arith.constant 14 : i32
      %swap3A_1018 = arith.index_cast %scan3A_139 : i32 to index
      %swap3A_1019 = arith.index_cast %swap3A_1017 : i32 to index
      %swap3A_1020 = arith.constant 16 : index
      %swap3A_1021 = tpu.vector_load %arg18[%swap3A_1018, %swap3A_1019, %swap3A_1020] {strides = array<i32>} : memref<6x80x64xf32, #tpu.memory_space<vmem>>, vector<16xf32>,
      tpu.vector_store %arg18[%swap3A_1018, %swap3A_1019, %swap3A_1020], %mul3A_1016 {strides = array<i32>} : memref<6x80x64xf32, #tpu.memory_space<vmem>>, vector<16xf32>,
      %get3A_1022 = arith.constant 14 : i32
      %get3A_1023 = arith.index_cast %scan3A_139 : i32 to index
      %get3A_1024 = arith.index_cast %get3A_1022 : i32 to index
      %get3A_1025 = arith.constant 32 : index
      %get3A_1026 = tpu.vector_load %arg18[%get3A_1023, %get3A_1024, %get3A_1025] {strides = array<i32>} : memref<6x80x64xf32, #tpu.memory_space<vmem>>, vector<16xf32>,
      %mul3A_1027 = vector.broadcast %squeeze3A_997 : f32 to vector<16xf32>
      %mul3A_1028 = arith.mulf %get3A_1026, %mul3A_1027 : vector<16xf32>
      %swap3A_1029 = arith.constant 14 : i32
      %swap3A_1030 = arith.index_cast %scan3A_139 : i32 to index
      %swap3A_1031 = arith.index_cast %swap3A_1029 : i32 to index
      %swap3A_1032 = arith.constant 32 : index
      %swap3A_1033 = tpu.vector_load %arg18[%swap3A_1030, %swap3A_1031, %swap3A_1032] {strides = array<i32>} : memref<6x80x64xf32, #tpu.memory_space<vmem>>, vector<16xf32>,
      tpu.vector_store %arg18[%swap3A_1030, %swap3A_1031, %swap3A_1032], %mul3A_1028 {strides = array<i32>} : memref<6x80x64xf32, #tpu.memory_space<vmem>>, vector<16xf32>,
      %get3A_1034 = arith.constant 14 : i32
      %get3A_1035 = arith.index_cast %scan3A_139 : i32 to index
      %get3A_1036 = arith.index_cast %get3A_1034 : i32 to index
      %get3A_1037 = arith.constant 48 : index
      %get3A_1038 = tpu.vector_load %arg18[%get3A_1035, %get3A_1036, %get3A_1037] {strides = array<i32>} : memref<6x80x64xf32, #tpu.memory_space<vmem>>, vector<16xf32>,
      %mul3A_1039 = vector.broadcast %squeeze3A_997 : f32 to vector<16xf32>
      %mul3A_1040 = arith.mulf %get3A_1038, %mul3A_1039 : vector<16xf32>
      %swap3A_1041 = arith.constant 14 : i32
      %swap3A_1042 = arith.index_cast %scan3A_139 : i32 to index
      %swap3A_1043 = arith.index_cast %swap3A_1041 : i32 to index
      %swap3A_1044 = arith.constant 48 : index
      %swap3A_1045 = tpu.vector_load %arg18[%swap3A_1042, %swap3A_1043, %swap3A_1044] {strides = array<i32>} : memref<6x80x64xf32, #tpu.memory_space<vmem>>, vector<16xf32>,
      tpu.vector_store %arg18[%swap3A_1042, %swap3A_1043, %swap3A_1044], %mul3A_1040 {strides = array<i32>} : memref<6x80x64xf32, #tpu.memory_space<vmem>>, vector<16xf32>,
      %slice3A_1046 = vector.extract_strided_slice %get3A_297 {offsets = [15], sizes = [1], strides = [1]} : vector<16xf32> to vector<1xf32>
      %squeeze3A_1047 = vector.extract %slice3A_1046[0] : f32 from vector<1xf32>
      %get3A_1048 = arith.constant 15 : i32
      %get3A_1049 = arith.index_cast %scan3A_139 : i32 to index
      %get3A_1050 = arith.index_cast %get3A_1048 : i32 to index
      %get3A_1051 = arith.constant 0 : index
      %get3A_1052 = tpu.vector_load %arg18[%get3A_1049, %get3A_1050, %get3A_1051] {strides = array<i32>} : memref<6x80x64xf32, #tpu.memory_space<vmem>>, vector<16xf32>,
      %mul3A_1053 = vector.broadcast %squeeze3A_1047 : f32 to vector<16xf32>
      %mul3A_1054 = arith.mulf %get3A_1052, %mul3A_1053 : vector<16xf32>
      %swap3A_1055 = arith.constant 15 : i32
      %swap3A_1056 = arith.index_cast %scan3A_139 : i32 to index
      %swap3A_1057 = arith.index_cast %swap3A_1055 : i32 to index
      %swap3A_1058 = arith.constant 0 : index
      %swap3A_1059 = tpu.vector_load %arg18[%swap3A_1056, %swap3A_1057, %swap3A_1058] {strides = array<i32>} : memref<6x80x64xf32, #tpu.memory_space<vmem>>, vector<16xf32>,
      tpu.vector_store %arg18[%swap3A_1056, %swap3A_1057, %swap3A_1058], %mul3A_1054 {strides = array<i32>} : memref<6x80x64xf32, #tpu.memory_space<vmem>>, vector<16xf32>,
      %get3A_1060 = arith.constant 15 : i32
      %get3A_1061 = arith.index_cast %scan3A_139 : i32 to index
      %get3A_1062 = arith.index_cast %get3A_1060 : i32 to index
      %get3A_1063 = arith.constant 16 : index
      %get3A_1064 = tpu.vector_load %arg18[%get3A_1061, %get3A_1062, %get3A_1063] {strides = array<i32>} : memref<6x80x64xf32, #tpu.memory_space<vmem>>, vector<16xf32>,
      %mul3A_1065 = vector.broadcast %squeeze3A_1047 : f32 to vector<16xf32>
      %mul3A_1066 = arith.mulf %get3A_1064, %mul3A_1065 : vector<16xf32>
      %swap3A_1067 = arith.constant 15 : i32
      %swap3A_1068 = arith.index_cast %scan3A_139 : i32 to index
      %swap3A_1069 = arith.index_cast %swap3A_1067 : i32 to index
      %swap3A_1070 = arith.constant 16 : index
      %swap3A_1071 = tpu.vector_load %arg18[%swap3A_1068, %swap3A_1069, %swap3A_1070] {strides = array<i32>} : memref<6x80x64xf32, #tpu.memory_space<vmem>>, vector<16xf32>,
      tpu.vector_store %arg18[%swap3A_1068, %swap3A_1069, %swap3A_1070], %mul3A_1066 {strides = array<i32>} : memref<6x80x64xf32, #tpu.memory_space<vmem>>, vector<16xf32>,
      %get3A_1072 = arith.constant 15 : i32
      %get3A_1073 = arith.index_cast %scan3A_139 : i32 to index
      %get3A_1074 = arith.index_cast %get3A_1072 : i32 to index
      %get3A_1075 = arith.constant 32 : index
      %get3A_1076 = tpu.vector_load %arg18[%get3A_1073, %get3A_1074, %get3A_1075] {strides = array<i32>} : memref<6x80x64xf32, #tpu.memory_space<vmem>>, vector<16xf32>,
      %mul3A_1077 = vector.broadcast %squeeze3A_1047 : f32 to vector<16xf32>
      %mul3A_1078 = arith.mulf %get3A_1076, %mul3A_1077 : vector<16xf32>
      %swap3A_1079 = arith.constant 15 : i32
      %swap3A_1080 = arith.index_cast %scan3A_139 : i32 to index
      %swap3A_1081 = arith.index_cast %swap3A_1079 : i32 to index
      %swap3A_1082 = arith.constant 32 : index
      %swap3A_1083 = tpu.vector_load %arg18[%swap3A_1080, %swap3A_1081, %swap3A_1082] {strides = array<i32>} : memref<6x80x64xf32, #tpu.memory_space<vmem>>, vector<16xf32>,
      tpu.vector_store %arg18[%swap3A_1080, %swap3A_1081, %swap3A_1082], %mul3A_1078 {strides = array<i32>} : memref<6x80x64xf32, #tpu.memory_space<vmem>>, vector<16xf32>,
      %get3A_1084 = arith.constant 15 : i32
      %get3A_1085 = arith.index_cast %scan3A_139 : i32 to index
      %get3A_1086 = arith.index_cast %get3A_1084 : i32 to index
      %get3A_1087 = arith.constant 48 : index
      %get3A_1088 = tpu.vector_load %arg18[%get3A_1085, %get3A_1086, %get3A_1087] {strides = array<i32>} : memref<6x80x64xf32, #tpu.memory_space<vmem>>, vector<16xf32>,
      %mul3A_1089 = vector.broadcast %squeeze3A_1047 : f32 to vector<16xf32>
      %mul3A_1090 = arith.mulf %get3A_1088, %mul3A_1089 : vector<16xf32>
      %swap3A_1091 = arith.constant 15 : i32
      %swap3A_1092 = arith.index_cast %scan3A_139 : i32 to index
      %swap3A_1093 = arith.index_cast %swap3A_1091 : i32 to index
      %swap3A_1094 = arith.constant 48 : index
      %swap3A_1095 = tpu.vector_load %arg18[%swap3A_1092, %swap3A_1093, %swap3A_1094] {strides = array<i32>} : memref<6x80x64xf32, #tpu.memory_space<vmem>>, vector<16xf32>,
      tpu.vector_store %arg18[%swap3A_1092, %swap3A_1093, %swap3A_1094], %mul3A_1090 {strides = array<i32>} : memref<6x80x64xf32, #tpu.memory_space<vmem>>, vector<16xf32>,
      %get3A_1096 = arith.constant 16 : index
      %get3A_1097 = tpu.vector_load %arg17[%get3A_1096] {strides = array<i32>} : memref<80xf32, #tpu.memory_space<vmem>>, vector<16xf32>,
      %slice3A_1098 = vector.extract_strided_slice %get3A_1097 {offsets = [0], sizes = [1], strides = [1]} : vector<16xf32> to vector<1xf32>
      %squeeze3A_1099 = vector.extract %slice3A_1098[0] : f32 from vector<1xf32>
      %get3A_1100 = arith.constant 16 : i32
      %get3A_1101 = arith.index_cast %scan3A_139 : i32 to index
      %get3A_1102 = arith.index_cast %get3A_1100 : i32 to index
      %get3A_1103 = arith.constant 0 : index
      %get3A_1104 = tpu.vector_load %arg18[%get3A_1101, %get3A_1102, %get3A_1103] {strides = array<i32>} : memref<6x80x64xf32, #tpu.memory_space<vmem>>, vector<16xf32>,
      %mul3A_1105 = vector.broadcast %squeeze3A_1099 : f32 to vector<16xf32>
      %mul3A_1106 = arith.mulf %get3A_1104, %mul3A_1105 : vector<16xf32>
      %swap3A_1107 = arith.constant 16 : i32
      %swap3A_1108 = arith.index_cast %scan3A_139 : i32 to index
      %swap3A_1109 = arith.index_cast %swap3A_1107 : i32 to index
      %swap3A_1110 = arith.constant 0 : index
      %swap3A_1111 = tpu.vector_load %arg18[%swap3A_1108, %swap3A_1109, %swap3A_1110] {strides = array<i32>} : memref<6x80x64xf32, #tpu.memory_space<vmem>>, vector<16xf32>,
      tpu.vector_store %arg18[%swap3A_1108, %swap3A_1109, %swap3A_1110], %mul3A_1106 {strides = array<i32>} : memref<6x80x64xf32, #tpu.memory_space<vmem>>, vector<16xf32>,
      %get3A_1112 = arith.constant 16 : i32
      %get3A_1113 = arith.index_cast %scan3A_139 : i32 to index
      %get3A_1114 = arith.index_cast %get3A_1112 : i32 to index
      %get3A_1115 = arith.constant 16 : index
      %get3A_1116 = tpu.vector_load %arg18[%get3A_1113, %get3A_1114, %get3A_1115] {strides = array<i32>} : memref<6x80x64xf32, #tpu.memory_space<vmem>>, vector<16xf32>,
      %mul3A_1117 = vector.broadcast %squeeze3A_1099 : f32 to vector<16xf32>
      %mul3A_1118 = arith.mulf %get3A_1116, %mul3A_1117 : vector<16xf32>
      %swap3A_1119 = arith.constant 16 : i32
      %swap3A_1120 = arith.index_cast %scan3A_139 : i32 to index
      %swap3A_1121 = arith.index_cast %swap3A_1119 : i32 to index
      %swap3A_1122 = arith.constant 16 : index
      %swap3A_1123 = tpu.vector_load %arg18[%swap3A_1120, %swap3A_1121, %swap3A_1122] {strides = array<i32>} : memref<6x80x64xf32, #tpu.memory_space<vmem>>, vector<16xf32>,
      tpu.vector_store %arg18[%swap3A_1120, %swap3A_1121, %swap3A_1122], %mul3A_1118 {strides = array<i32>} : memref<6x80x64xf32, #tpu.memory_space<vmem>>, vector<16xf32>,
      %get3A_1124 = arith.constant 16 : i32
      %get3A_1125 = arith.index_cast %scan3A_139 : i32 to index
      %get3A_1126 = arith.index_cast %get3A_1124 : i32 to index
      %get3A_1127 = arith.constant 32 : index
      %get3A_1128 = tpu.vector_load %arg18[%get3A_1125, %get3A_1126, %get3A_1127] {strides = array<i32>} : memref<6x80x64xf32, #tpu.memory_space<vmem>>, vector<16xf32>,
      %mul3A_1129 = vector.broadcast %squeeze3A_1099 : f32 to vector<16xf32>
      %mul3A_1130 = arith.mulf %get3A_1128, %mul3A_1129 : vector<16xf32>
      %swap3A_1131 = arith.constant 16 : i32
      %swap3A_1132 = arith.index_cast %scan3A_139 : i32 to index
      %swap3A_1133 = arith.index_cast %swap3A_1131 : i32 to index
      %swap3A_1134 = arith.constant 32 : index
      %swap3A_1135 = tpu.vector_load %arg18[%swap3A_1132, %swap3A_1133, %swap3A_1134] {strides = array<i32>} : memref<6x80x64xf32, #tpu.memory_space<vmem>>, vector<16xf32>,
      tpu.vector_store %arg18[%swap3A_1132, %swap3A_1133, %swap3A_1134], %mul3A_1130 {strides = array<i32>} : memref<6x80x64xf32, #tpu.memory_space<vmem>>, vector<16xf32>,
      %get3A_1136 = arith.constant 16 : i32
      %get3A_1137 = arith.index_cast %scan3A_139 : i32 to index
      %get3A_1138 = arith.index_cast %get3A_1136 : i32 to index
      %get3A_1139 = arith.constant 48 : index
      %get3A_1140 = tpu.vector_load %arg18[%get3A_1137, %get3A_1138, %get3A_1139] {strides = array<i32>} : memref<6x80x64xf32, #tpu.memory_space<vmem>>, vector<16xf32>,
      %mul3A_1141 = vector.broadcast %squeeze3A_1099 : f32 to vector<16xf32>
      %mul3A_1142 = arith.mulf %get3A_1140, %mul3A_1141 : vector<16xf32>
      %swap3A_1143 = arith.constant 16 : i32
      %swap3A_1144 = arith.index_cast %scan3A_139 : i32 to index
      %swap3A_1145 = arith.index_cast %swap3A_1143 : i32 to index
      %swap3A_1146 = arith.constant 48 : index
      %swap3A_1147 = tpu.vector_load %arg18[%swap3A_1144, %swap3A_1145, %swap3A_1146] {strides = array<i32>} : memref<6x80x64xf32, #tpu.memory_space<vmem>>, vector<16xf32>,
      tpu.vector_store %arg18[%swap3A_1144, %swap3A_1145, %swap3A_1146], %mul3A_1142 {strides = array<i32>} : memref<6x80x64xf32, #tpu.memory_space<vmem>>, vector<16xf32>,
      %slice3A_1148 = vector.extract_strided_slice %get3A_1097 {offsets = [1], sizes = [1], strides = [1]} : vector<16xf32> to vector<1xf32>
      %squeeze3A_1149 = vector.extract %slice3A_1148[0] : f32 from vector<1xf32>
      %get3A_1150 = arith.constant 17 : i32
      %get3A_1151 = arith.index_cast %scan3A_139 : i32 to index
      %get3A_1152 = arith.index_cast %get3A_1150 : i32 to index
      %get3A_1153 = arith.constant 0 : index
      %get3A_1154 = tpu.vector_load %arg18[%get3A_1151, %get3A_1152, %get3A_1153] {strides = array<i32>} : memref<6x80x64xf32, #tpu.memory_space<vmem>>, vector<16xf32>,
      %mul3A_1155 = vector.broadcast %squeeze3A_1149 : f32 to vector<16xf32>
      %mul3A_1156 = arith.mulf %get3A_1154, %mul3A_1155 : vector<16xf32>
      %swap3A_1157 = arith.constant 17 : i32
      %swap3A_1158 = arith.index_cast %scan3A_139 : i32 to index
      %swap3A_1159 = arith.index_cast %swap3A_1157 : i32 to index
      %swap3A_1160 = arith.constant 0 : index
      %swap3A_1161 = tpu.vector_load %arg18[%swap3A_1158, %swap3A_1159, %swap3A_1160] {strides = array<i32>} : memref<6x80x64xf32, #tpu.memory_space<vmem>>, vector<16xf32>,
      tpu.vector_store %arg18[%swap3A_1158, %swap3A_1159, %swap3A_1160], %mul3A_1156 {strides = array<i32>} : memref<6x80x64xf32, #tpu.memory_space<vmem>>, vector<16xf32>,
      %get3A_1162 = arith.constant 17 : i32
      %get3A_1163 = arith.index_cast %scan3A_139 : i32 to index
      %get3A_1164 = arith.index_cast %get3A_1162 : i32 to index
      %get3A_1165 = arith.constant 16 : index
      %get3A_1166 = tpu.vector_load %arg18[%get3A_1163, %get3A_1164, %get3A_1165] {strides = array<i32>} : memref<6x80x64xf32, #tpu.memory_space<vmem>>, vector<16xf32>,
      %mul3A_1167 = vector.broadcast %squeeze3A_1149 : f32 to vector<16xf32>
      %mul3A_1168 = arith.mulf %get3A_1166, %mul3A_1167 : vector<16xf32>
      %swap3A_1169 = arith.constant 17 : i32
      %swap3A_1170 = arith.index_cast %scan3A_139 : i32 to index
      %swap3A_1171 = arith.index_cast %swap3A_1169 : i32 to index
      %swap3A_1172 = arith.constant 16 : index
      %swap3A_1173 = tpu.vector_load %arg18[%swap3A_1170, %swap3A_1171, %swap3A_1172] {strides = array<i32>} : memref<6x80x64xf32, #tpu.memory_space<vmem>>, vector<16xf32>,
      tpu.vector_store %arg18[%swap3A_1170, %swap3A_1171, %swap3A_1172], %mul3A_1168 {strides = array<i32>} : memref<6x80x64xf32, #tpu.memory_space<vmem>>, vector<16xf32>,
      %get3A_1174 = arith.constant 17 : i32
      %get3A_1175 = arith.index_cast %scan3A_139 : i32 to index
      %get3A_1176 = arith.index_cast %get3A_1174 : i32 to index
      %get3A_1177 = arith.constant 32 : index
      %get3A_1178 = tpu.vector_load %arg18[%get3A_1175, %get3A_1176, %get3A_1177] {strides = array<i32>} : memref<6x80x64xf32, #tpu.memory_space<vmem>>, vector<16xf32>,
      %mul3A_1179 = vector.broadcast %squeeze3A_1149 : f32 to vector<16xf32>
      %mul3A_1180 = arith.mulf %get3A_1178, %mul3A_1179 : vector<16xf32>
      %swap3A_1181 = arith.constant 17 : i32
      %swap3A_1182 = arith.index_cast %scan3A_139 : i32 to index
      %swap3A_1183 = arith.index_cast %swap3A_1181 : i32 to index
      %swap3A_1184 = arith.constant 32 : index
      %swap3A_1185 = tpu.vector_load %arg18[%swap3A_1182, %swap3A_1183, %swap3A_1184] {strides = array<i32>} : memref<6x80x64xf32, #tpu.memory_space<vmem>>, vector<16xf32>,
      tpu.vector_store %arg18[%swap3A_1182, %swap3A_1183, %swap3A_1184], %mul3A_1180 {strides = array<i32>} : memref<6x80x64xf32, #tpu.memory_space<vmem>>, vector<16xf32>,
      %get3A_1186 = arith.constant 17 : i32
      %get3A_1187 = arith.index_cast %scan3A_139 : i32 to index
      %get3A_1188 = arith.index_cast %get3A_1186 : i32 to index
      %get3A_1189 = arith.constant 48 : index
      %get3A_1190 = tpu.vector_load %arg18[%get3A_1187, %get3A_1188, %get3A_1189] {strides = array<i32>} : memref<6x80x64xf32, #tpu.memory_space<vmem>>, vector<16xf32>,
      %mul3A_1191 = vector.broadcast %squeeze3A_1149 : f32 to vector<16xf32>
      %mul3A_1192 = arith.mulf %get3A_1190, %mul3A_1191 : vector<16xf32>
      %swap3A_1193 = arith.constant 17 : i32
      %swap3A_1194 = arith.index_cast %scan3A_139 : i32 to index
      %swap3A_1195 = arith.index_cast %swap3A_1193 : i32 to index
      %swap3A_1196 = arith.constant 48 : index
      %swap3A_1197 = tpu.vector_load %arg18[%swap3A_1194, %swap3A_1195, %swap3A_1196] {strides = array<i32>} : memref<6x80x64xf32, #tpu.memory_space<vmem>>, vector<16xf32>,
      tpu.vector_store %arg18[%swap3A_1194, %swap3A_1195, %swap3A_1196], %mul3A_1192 {strides = array<i32>} : memref<6x80x64xf32, #tpu.memory_space<vmem>>, vector<16xf32>,
      %slice3A_1198 = vector.extract_strided_slice %get3A_1097 {offsets = [2], sizes = [1], strides = [1]} : vector<16xf32> to vector<1xf32>
      %squeeze3A_1199 = vector.extract %slice3A_1198[0] : f32 from vector<1xf32>
      %get3A_1200 = arith.constant 18 : i32
      %get3A_1201 = arith.index_cast %scan3A_139 : i32 to index
      %get3A_1202 = arith.index_cast %get3A_1200 : i32 to index
      %get3A_1203 = arith.constant 0 : index
      %get3A_1204 = tpu.vector_load %arg18[%get3A_1201, %get3A_1202, %get3A_1203] {strides = array<i32>} : memref<6x80x64xf32, #tpu.memory_space<vmem>>, vector<16xf32>,
      %mul3A_1205 = vector.broadcast %squeeze3A_1199 : f32 to vector<16xf32>
      %mul3A_1206 = arith.mulf %get3A_1204, %mul3A_1205 : vector<16xf32>
      %swap3A_1207 = arith.constant 18 : i32
      %swap3A_1208 = arith.index_cast %scan3A_139 : i32 to index
      %swap3A_1209 = arith.index_cast %swap3A_1207 : i32 to index
      %swap3A_1210 = arith.constant 0 : index
      %swap3A_1211 = tpu.vector_load %arg18[%swap3A_1208, %swap3A_1209, %swap3A_1210] {strides = array<i32>} : memref<6x80x64xf32, #tpu.memory_space<vmem>>, vector<16xf32>,
      tpu.vector_store %arg18[%swap3A_1208, %swap3A_1209, %swap3A_1210], %mul3A_1206 {strides = array<i32>} : memref<6x80x64xf32, #tpu.memory_space<vmem>>, vector<16xf32>,
      %get3A_1212 = arith.constant 18 : i32
      %get3A_1213 = arith.index_cast %scan3A_139 : i32 to index
      %get3A_1214 = arith.index_cast %get3A_1212 : i32 to index
      %get3A_1215 = arith.constant 16 : index
      %get3A_1216 = tpu.vector_load %arg18[%get3A_1213, %get3A_1214, %get3A_1215] {strides = array<i32>} : memref<6x80x64xf32, #tpu.memory_space<vmem>>, vector<16xf32>,
      %mul3A_1217 = vector.broadcast %squeeze3A_1199 : f32 to vector<16xf32>
      %mul3A_1218 = arith.mulf %get3A_1216, %mul3A_1217 : vector<16xf32>
      %swap3A_1219 = arith.constant 18 : i32
      %swap3A_1220 = arith.index_cast %scan3A_139 : i32 to index
      %swap3A_1221 = arith.index_cast %swap3A_1219 : i32 to index
      %swap3A_1222 = arith.constant 16 : index
      %swap3A_1223 = tpu.vector_load %arg18[%swap3A_1220, %swap3A_1221, %swap3A_1222] {strides = array<i32>} : memref<6x80x64xf32, #tpu.memory_space<vmem>>, vector<16xf32>,
      tpu.vector_store %arg18[%swap3A_1220, %swap3A_1221, %swap3A_1222], %mul3A_1218 {strides = array<i32>} : memref<6x80x64xf32, #tpu.memory_space<vmem>>, vector<16xf32>,
      %get3A_1224 = arith.constant 18 : i32
      %get3A_1225 = arith.index_cast %scan3A_139 : i32 to index
      %get3A_1226 = arith.index_cast %get3A_1224 : i32 to index
      %get3A_1227 = arith.constant 32 : index
      %get3A_1228 = tpu.vector_load %arg18[%get3A_1225, %get3A_1226, %get3A_1227] {strides = array<i32>} : memref<6x80x64xf32, #tpu.memory_space<vmem>>, vector<16xf32>,
      %mul3A_1229 = vector.broadcast %squeeze3A_1199 : f32 to vector<16xf32>
      %mul3A_1230 = arith.mulf %get3A_1228, %mul3A_1229 : vector<16xf32>
      %swap3A_1231 = arith.constant 18 : i32
      %swap3A_1232 = arith.index_cast %scan3A_139 : i32 to index
      %swap3A_1233 = arith.index_cast %swap3A_1231 : i32 to index
      %swap3A_1234 = arith.constant 32 : index
      %swap3A_1235 = tpu.vector_load %arg18[%swap3A_1232, %swap3A_1233, %swap3A_1234] {strides = array<i32>} : memref<6x80x64xf32, #tpu.memory_space<vmem>>, vector<16xf32>,
      tpu.vector_store %arg18[%swap3A_1232, %swap3A_1233, %swap3A_1234], %mul3A_1230 {strides = array<i32>} : memref<6x80x64xf32, #tpu.memory_space<vmem>>, vector<16xf32>,
      %get3A_1236 = arith.constant 18 : i32
      %get3A_1237 = arith.index_cast %scan3A_139 : i32 to index
      %get3A_1238 = arith.index_cast %get3A_1236 : i32 to index
      %get3A_1239 = arith.constant 48 : index
      %get3A_1240 = tpu.vector_load %arg18[%get3A_1237, %get3A_1238, %get3A_1239] {strides = array<i32>} : memref<6x80x64xf32, #tpu.memory_space<vmem>>, vector<16xf32>,
      %mul3A_1241 = vector.broadcast %squeeze3A_1199 : f32 to vector<16xf32>
      %mul3A_1242 = arith.mulf %get3A_1240, %mul3A_1241 : vector<16xf32>
      %swap3A_1243 = arith.constant 18 : i32
      %swap3A_1244 = arith.index_cast %scan3A_139 : i32 to index
      %swap3A_1245 = arith.index_cast %swap3A_1243 : i32 to index
      %swap3A_1246 = arith.constant 48 : index
      %swap3A_1247 = tpu.vector_load %arg18[%swap3A_1244, %swap3A_1245, %swap3A_1246] {strides = array<i32>} : memref<6x80x64xf32, #tpu.memory_space<vmem>>, vector<16xf32>,
      tpu.vector_store %arg18[%swap3A_1244, %swap3A_1245, %swap3A_1246], %mul3A_1242 {strides = array<i32>} : memref<6x80x64xf32, #tpu.memory_space<vmem>>, vector<16xf32>,
      %slice3A_1248 = vector.extract_strided_slice %get3A_1097 {offsets = [3], sizes = [1], strides = [1]} : vector<16xf32> to vector<1xf32>
      %squeeze3A_1249 = vector.extract %slice3A_1248[0] : f32 from vector<1xf32>
      %get3A_1250 = arith.constant 19 : i32
      %get3A_1251 = arith.index_cast %scan3A_139 : i32 to index
      %get3A_1252 = arith.index_cast %get3A_1250 : i32 to index
      %get3A_1253 = arith.constant 0 : index
      %get3A_1254 = tpu.vector_load %arg18[%get3A_1251, %get3A_1252, %get3A_1253] {strides = array<i32>} : memref<6x80x64xf32, #tpu.memory_space<vmem>>, vector<16xf32>,
      %mul3A_1255 = vector.broadcast %squeeze3A_1249 : f32 to vector<16xf32>
      %mul3A_1256 = arith.mulf %get3A_1254, %mul3A_1255 : vector<16xf32>
      %swap3A_1257 = arith.constant 19 : i32
      %swap3A_1258 = arith.index_cast %scan3A_139 : i32 to index
      %swap3A_1259 = arith.index_cast %swap3A_1257 : i32 to index
      %swap3A_1260 = arith.constant 0 : index
      %swap3A_1261 = tpu.vector_load %arg18[%swap3A_1258, %swap3A_1259, %swap3A_1260] {strides = array<i32>} : memref<6x80x64xf32, #tpu.memory_space<vmem>>, vector<16xf32>,
      tpu.vector_store %arg18[%swap3A_1258, %swap3A_1259, %swap3A_1260], %mul3A_1256 {strides = array<i32>} : memref<6x80x64xf32, #tpu.memory_space<vmem>>, vector<16xf32>,
      %get3A_1262 = arith.constant 19 : i32
      %get3A_1263 = arith.index_cast %scan3A_139 : i32 to index
      %get3A_1264 = arith.index_cast %get3A_1262 : i32 to index
      %get3A_1265 = arith.constant 16 : index
      %get3A_1266 = tpu.vector_load %arg18[%get3A_1263, %get3A_1264, %get3A_1265] {strides = array<i32>} : memref<6x80x64xf32, #tpu.memory_space<vmem>>, vector<16xf32>,
      %mul3A_1267 = vector.broadcast %squeeze3A_1249 : f32 to vector<16xf32>
      %mul3A_1268 = arith.mulf %get3A_1266, %mul3A_1267 : vector<16xf32>
      %swap3A_1269 = arith.constant 19 : i32
      %swap3A_1270 = arith.index_cast %scan3A_139 : i32 to index
      %swap3A_1271 = arith.index_cast %swap3A_1269 : i32 to index
      %swap3A_1272 = arith.constant 16 : index
      %swap3A_1273 = tpu.vector_load %arg18[%swap3A_1270, %swap3A_1271, %swap3A_1272] {strides = array<i32>} : memref<6x80x64xf32, #tpu.memory_space<vmem>>, vector<16xf32>,
      tpu.vector_store %arg18[%swap3A_1270, %swap3A_1271, %swap3A_1272], %mul3A_1268 {strides = array<i32>} : memref<6x80x64xf32, #tpu.memory_space<vmem>>, vector<16xf32>,
      %get3A_1274 = arith.constant 19 : i32
      %get3A_1275 = arith.index_cast %scan3A_139 : i32 to index
      %get3A_1276 = arith.index_cast %get3A_1274 : i32 to index
      %get3A_1277 = arith.constant 32 : index
      %get3A_1278 = tpu.vector_load %arg18[%get3A_1275, %get3A_1276, %get3A_1277] {strides = array<i32>} : memref<6x80x64xf32, #tpu.memory_space<vmem>>, vector<16xf32>,
      %mul3A_1279 = vector.broadcast %squeeze3A_1249 : f32 to vector<16xf32>
      %mul3A_1280 = arith.mulf %get3A_1278, %mul3A_1279 : vector<16xf32>
      %swap3A_1281 = arith.constant 19 : i32
      %swap3A_1282 = arith.index_cast %scan3A_139 : i32 to index
      %swap3A_1283 = arith.index_cast %swap3A_1281 : i32 to index
      %swap3A_1284 = arith.constant 32 : index
      %swap3A_1285 = tpu.vector_load %arg18[%swap3A_1282, %swap3A_1283, %swap3A_1284] {strides = array<i32>} : memref<6x80x64xf32, #tpu.memory_space<vmem>>, vector<16xf32>,
      tpu.vector_store %arg18[%swap3A_1282, %swap3A_1283, %swap3A_1284], %mul3A_1280 {strides = array<i32>} : memref<6x80x64xf32, #tpu.memory_space<vmem>>, vector<16xf32>,
      %get3A_1286 = arith.constant 19 : i32
      %get3A_1287 = arith.index_cast %scan3A_139 : i32 to index
      %get3A_1288 = arith.index_cast %get3A_1286 : i32 to index
      %get3A_1289 = arith.constant 48 : index
      %get3A_1290 = tpu.vector_load %arg18[%get3A_1287, %get3A_1288, %get3A_1289] {strides = array<i32>} : memref<6x80x64xf32, #tpu.memory_space<vmem>>, vector<16xf32>,
      %mul3A_1291 = vector.broadcast %squeeze3A_1249 : f32 to vector<16xf32>
      %mul3A_1292 = arith.mulf %get3A_1290, %mul3A_1291 : vector<16xf32>
      %swap3A_1293 = arith.constant 19 : i32
      %swap3A_1294 = arith.index_cast %scan3A_139 : i32 to index
      %swap3A_1295 = arith.index_cast %swap3A_1293 : i32 to index
      %swap3A_1296 = arith.constant 48 : index
      %swap3A_1297 = tpu.vector_load %arg18[%swap3A_1294, %swap3A_1295, %swap3A_1296] {strides = array<i32>} : memref<6x80x64xf32, #tpu.memory_space<vmem>>, vector<16xf32>,
      tpu.vector_store %arg18[%swap3A_1294, %swap3A_1295, %swap3A_1296], %mul3A_1292 {strides = array<i32>} : memref<6x80x64xf32, #tpu.memory_space<vmem>>, vector<16xf32>,
      %slice3A_1298 = vector.extract_strided_slice %get3A_1097 {offsets = [4], sizes = [1], strides = [1]} : vector<16xf32> to vector<1xf32>
      %squeeze3A_1299 = vector.extract %slice3A_1298[0] : f32 from vector<1xf32>
      %get3A_1300 = arith.constant 20 : i32
      %get3A_1301 = arith.index_cast %scan3A_139 : i32 to index
      %get3A_1302 = arith.index_cast %get3A_1300 : i32 to index
      %get3A_1303 = arith.constant 0 : index
      %get3A_1304 = tpu.vector_load %arg18[%get3A_1301, %get3A_1302, %get3A_1303] {strides = array<i32>} : memref<6x80x64xf32, #tpu.memory_space<vmem>>, vector<16xf32>,
      %mul3A_1305 = vector.broadcast %squeeze3A_1299 : f32 to vector<16xf32>
      %mul3A_1306 = arith.mulf %get3A_1304, %mul3A_1305 : vector<16xf32>
      %swap3A_1307 = arith.constant 20 : i32
      %swap3A_1308 = arith.index_cast %scan3A_139 : i32 to index
      %swap3A_1309 = arith.index_cast %swap3A_1307 : i32 to index
      %swap3A_1310 = arith.constant 0 : index
      %swap3A_1311 = tpu.vector_load %arg18[%swap3A_1308, %swap3A_1309, %swap3A_1310] {strides = array<i32>} : memref<6x80x64xf32, #tpu.memory_space<vmem>>, vector<16xf32>,
      tpu.vector_store %arg18[%swap3A_1308, %swap3A_1309, %swap3A_1310], %mul3A_1306 {strides = array<i32>} : memref<6x80x64xf32, #tpu.memory_space<vmem>>, vector<16xf32>,
      %get3A_1312 = arith.constant 20 : i32
      %get3A_1313 = arith.index_cast %scan3A_139 : i32 to index
      %get3A_1314 = arith.index_cast %get3A_1312 : i32 to index
      %get3A_1315 = arith.constant 16 : index
      %get3A_1316 = tpu.vector_load %arg18[%get3A_1313, %get3A_1314, %get3A_1315] {strides = array<i32>} : memref<6x80x64xf32, #tpu.memory_space<vmem>>, vector<16xf32>,
      %mul3A_1317 = vector.broadcast %squeeze3A_1299 : f32 to vector<16xf32>
      %mul3A_1318 = arith.mulf %get3A_1316, %mul3A_1317 : vector<16xf32>
      %swap3A_1319 = arith.constant 20 : i32
      %swap3A_1320 = arith.index_cast %scan3A_139 : i32 to index
      %swap3A_1321 = arith.index_cast %swap3A_1319 : i32 to index
      %swap3A_1322 = arith.constant 16 : index
      %swap3A_1323 = tpu.vector_load %arg18[%swap3A_1320, %swap3A_1321, %swap3A_1322] {strides = array<i32>} : memref<6x80x64xf32, #tpu.memory_space<vmem>>, vector<16xf32>,
      tpu.vector_store %arg18[%swap3A_1320, %swap3A_1321, %swap3A_1322], %mul3A_1318 {strides = array<i32>} : memref<6x80x64xf32, #tpu.memory_space<vmem>>, vector<16xf32>,
      %get3A_1324 = arith.constant 20 : i32
      %get3A_1325 = arith.index_cast %scan3A_139 : i32 to index
      %get3A_1326 = arith.index_cast %get3A_1324 : i32 to index
      %get3A_1327 = arith.constant 32 : index
      %get3A_1328 = tpu.vector_load %arg18[%get3A_1325, %get3A_1326, %get3A_1327] {strides = array<i32>} : memref<6x80x64xf32, #tpu.memory_space<vmem>>, vector<16xf32>,
      %mul3A_1329 = vector.broadcast %squeeze3A_1299 : f32 to vector<16xf32>
      %mul3A_1330 = arith.mulf %get3A_1328, %mul3A_1329 : vector<16xf32>
      %swap3A_1331 = arith.constant 20 : i32
      %swap3A_1332 = arith.index_cast %scan3A_139 : i32 to index
      %swap3A_1333 = arith.index_cast %swap3A_1331 : i32 to index
      %swap3A_1334 = arith.constant 32 : index
      %swap3A_1335 = tpu.vector_load %arg18[%swap3A_1332, %swap3A_1333, %swap3A_1334] {strides = array<i32>} : memref<6x80x64xf32, #tpu.memory_space<vmem>>, vector<16xf32>,
      tpu.vector_store %arg18[%swap3A_1332, %swap3A_1333, %swap3A_1334], %mul3A_1330 {strides = array<i32>} : memref<6x80x64xf32, #tpu.memory_space<vmem>>, vector<16xf32>,
      %get3A_1336 = arith.constant 20 : i32
      %get3A_1337 = arith.index_cast %scan3A_139 : i32 to index
      %get3A_1338 = arith.index_cast %get3A_1336 : i32 to index
      %get3A_1339 = arith.constant 48 : index
      %get3A_1340 = tpu.vector_load %arg18[%get3A_1337, %get3A_1338, %get3A_1339] {strides = array<i32>} : memref<6x80x64xf32, #tpu.memory_space<vmem>>, vector<16xf32>,
      %mul3A_1341 = vector.broadcast %squeeze3A_1299 : f32 to vector<16xf32>
      %mul3A_1342 = arith.mulf %get3A_1340, %mul3A_1341 : vector<16xf32>
      %swap3A_1343 = arith.constant 20 : i32
      %swap3A_1344 = arith.index_cast %scan3A_139 : i32 to index
      %swap3A_1345 = arith.index_cast %swap3A_1343 : i32 to index
      %swap3A_1346 = arith.constant 48 : index
      %swap3A_1347 = tpu.vector_load %arg18[%swap3A_1344, %swap3A_1345, %swap3A_1346] {strides = array<i32>} : memref<6x80x64xf32, #tpu.memory_space<vmem>>, vector<16xf32>,
      tpu.vector_store %arg18[%swap3A_1344, %swap3A_1345, %swap3A_1346], %mul3A_1342 {strides = array<i32>} : memref<6x80x64xf32, #tpu.memory_space<vmem>>, vector<16xf32>,
      %slice3A_1348 = vector.extract_strided_slice %get3A_1097 {offsets = [5], sizes = [1], strides = [1]} : vector<16xf32> to vector<1xf32>
      %squeeze3A_1349 = vector.extract %slice3A_1348[0] : f32 from vector<1xf32>
      %get3A_1350 = arith.constant 21 : i32
      %get3A_1351 = arith.index_cast %scan3A_139 : i32 to index
      %get3A_1352 = arith.index_cast %get3A_1350 : i32 to index
      %get3A_1353 = arith.constant 0 : index
      %get3A_1354 = tpu.vector_load %arg18[%get3A_1351, %get3A_1352, %get3A_1353] {strides = array<i32>} : memref<6x80x64xf32, #tpu.memory_space<vmem>>, vector<16xf32>,
      %mul3A_1355 = vector.broadcast %squeeze3A_1349 : f32 to vector<16xf32>
      %mul3A_1356 = arith.mulf %get3A_1354, %mul3A_1355 : vector<16xf32>
      %swap3A_1357 = arith.constant 21 : i32
      %swap3A_1358 = arith.index_cast %scan3A_139 : i32 to index
      %swap3A_1359 = arith.index_cast %swap3A_1357 : i32 to index
      %swap3A_1360 = arith.constant 0 : index
      %swap3A_1361 = tpu.vector_load %arg18[%swap3A_1358, %swap3A_1359, %swap3A_1360] {strides = array<i32>} : memref<6x80x64xf32, #tpu.memory_space<vmem>>, vector<16xf32>,
      tpu.vector_store %arg18[%swap3A_1358, %swap3A_1359, %swap3A_1360], %mul3A_1356 {strides = array<i32>} : memref<6x80x64xf32, #tpu.memory_space<vmem>>, vector<16xf32>,
      %get3A_1362 = arith.constant 21 : i32
      %get3A_1363 = arith.index_cast %scan3A_139 : i32 to index
      %get3A_1364 = arith.index_cast %get3A_1362 : i32 to index
      %get3A_1365 = arith.constant 16 : index
      %get3A_1366 = tpu.vector_load %arg18[%get3A_1363, %get3A_1364, %get3A_1365] {strides = array<i32>} : memref<6x80x64xf32, #tpu.memory_space<vmem>>, vector<16xf32>,
      %mul3A_1367 = vector.broadcast %squeeze3A_1349 : f32 to vector<16xf32>
      %mul3A_1368 = arith.mulf %get3A_1366, %mul3A_1367 : vector<16xf32>
      %swap3A_1369 = arith.constant 21 : i32
      %swap3A_1370 = arith.index_cast %scan3A_139 : i32 to index
      %swap3A_1371 = arith.index_cast %swap3A_1369 : i32 to index
      %swap3A_1372 = arith.constant 16 : index
      %swap3A_1373 = tpu.vector_load %arg18[%swap3A_1370, %swap3A_1371, %swap3A_1372] {strides = array<i32>} : memref<6x80x64xf32, #tpu.memory_space<vmem>>, vector<16xf32>,
      tpu.vector_store %arg18[%swap3A_1370, %swap3A_1371, %swap3A_1372], %mul3A_1368 {strides = array<i32>} : memref<6x80x64xf32, #tpu.memory_space<vmem>>, vector<16xf32>,
      %get3A_1374 = arith.constant 21 : i32
      %get3A_1375 = arith.index_cast %scan3A_139 : i32 to index
      %get3A_1376 = arith.index_cast %get3A_1374 : i32 to index
      %get3A_1377 = arith.constant 32 : index
      %get3A_1378 = tpu.vector_load %arg18[%get3A_1375, %get3A_1376, %get3A_1377] {strides = array<i32>} : memref<6x80x64xf32, #tpu.memory_space<vmem>>, vector<16xf32>,
      %mul3A_1379 = vector.broadcast %squeeze3A_1349 : f32 to vector<16xf32>
      %mul3A_1380 = arith.mulf %get3A_1378, %mul3A_1379 : vector<16xf32>
      %swap3A_1381 = arith.constant 21 : i32
      %swap3A_1382 = arith.index_cast %scan3A_139 : i32 to index
      %swap3A_1383 = arith.index_cast %swap3A_1381 : i32 to index
      %swap3A_1384 = arith.constant 32 : index
      %swap3A_1385 = tpu.vector_load %arg18[%swap3A_1382, %swap3A_1383, %swap3A_1384] {strides = array<i32>} : memref<6x80x64xf32, #tpu.memory_space<vmem>>, vector<16xf32>,
      tpu.vector_store %arg18[%swap3A_1382, %swap3A_1383, %swap3A_1384], %mul3A_1380 {strides = array<i32>} : memref<6x80x64xf32, #tpu.memory_space<vmem>>, vector<16xf32>,
      %get3A_1386 = arith.constant 21 : i32
      %get3A_1387 = arith.index_cast %scan3A_139 : i32 to index
      %get3A_1388 = arith.index_cast %get3A_1386 : i32 to index
      %get3A_1389 = arith.constant 48 : index
      %get3A_1390 = tpu.vector_load %arg18[%get3A_1387, %get3A_1388, %get3A_1389] {strides = array<i32>} : memref<6x80x64xf32, #tpu.memory_space<vmem>>, vector<16xf32>,
      %mul3A_1391 = vector.broadcast %squeeze3A_1349 : f32 to vector<16xf32>
      %mul3A_1392 = arith.mulf %get3A_1390, %mul3A_1391 : vector<16xf32>
      %swap3A_1393 = arith.constant 21 : i32
      %swap3A_1394 = arith.index_cast %scan3A_139 : i32 to index
      %swap3A_1395 = arith.index_cast %swap3A_1393 : i32 to index
      %swap3A_1396 = arith.constant 48 : index
      %swap3A_1397 = tpu.vector_load %arg18[%swap3A_1394, %swap3A_1395, %swap3A_1396] {strides = array<i32>} : memref<6x80x64xf32, #tpu.memory_space<vmem>>, vector<16xf32>,
      tpu.vector_store %arg18[%swap3A_1394, %swap3A_1395, %swap3A_1396], %mul3A_1392 {strides = array<i32>} : memref<6x80x64xf32, #tpu.memory_space<vmem>>, vector<16xf32>,
      %slice3A_1398 = vector.extract_strided_slice %get3A_1097 {offsets = [6], sizes = [1], strides = [1]} : vector<16xf32> to vector<1xf32>
      %squeeze3A_1399 = vector.extract %slice3A_1398[0] : f32 from vector<1xf32>
      %get3A_1400 = arith.constant 22 : i32
      %get3A_1401 = arith.index_cast %scan3A_139 : i32 to index
      %get3A_1402 = arith.index_cast %get3A_1400 : i32 to index
      %get3A_1403 = arith.constant 0 : index
      %get3A_1404 = tpu.vector_load %arg18[%get3A_1401, %get3A_1402, %get3A_1403] {strides = array<i32>} : memref<6x80x64xf32, #tpu.memory_space<vmem>>, vector<16xf32>,
      %mul3A_1405 = vector.broadcast %squeeze3A_1399 : f32 to vector<16xf32>
      %mul3A_1406 = arith.mulf %get3A_1404, %mul3A_1405 : vector<16xf32>
      %swap3A_1407 = arith.constant 22 : i32
      %swap3A_1408 = arith.index_cast %scan3A_139 : i32 to index
      %swap3A_1409 = arith.index_cast %swap3A_1407 : i32 to index
      %swap3A_1410 = arith.constant 0 : index
      %swap3A_1411 = tpu.vector_load %arg18[%swap3A_1408, %swap3A_1409, %swap3A_1410] {strides = array<i32>} : memref<6x80x64xf32, #tpu.memory_space<vmem>>, vector<16xf32>,
      tpu.vector_store %arg18[%swap3A_1408, %swap3A_1409, %swap3A_1410], %mul3A_1406 {strides = array<i32>} : memref<6x80x64xf32, #tpu.memory_space<vmem>>, vector<16xf32>,
      %get3A_1412 = arith.constant 22 : i32
      %get3A_1413 = arith.index_cast %scan3A_139 : i32 to index
      %get3A_1414 = arith.index_cast %get3A_1412 : i32 to index
      %get3A_1415 = arith.constant 16 : index
      %get3A_1416 = tpu.vector_load %arg18[%get3A_1413, %get3A_1414, %get3A_1415] {strides = array<i32>} : memref<6x80x64xf32, #tpu.memory_space<vmem>>, vector<16xf32>,
      %mul3A_1417 = vector.broadcast %squeeze3A_1399 : f32 to vector<16xf32>
      %mul3A_1418 = arith.mulf %get3A_1416, %mul3A_1417 : vector<16xf32>
      %swap3A_1419 = arith.constant 22 : i32
      %swap3A_1420 = arith.index_cast %scan3A_139 : i32 to index
      %swap3A_1421 = arith.index_cast %swap3A_1419 : i32 to index
      %swap3A_1422 = arith.constant 16 : index
      %swap3A_1423 = tpu.vector_load %arg18[%swap3A_1420, %swap3A_1421, %swap3A_1422] {strides = array<i32>} : memref<6x80x64xf32, #tpu.memory_space<vmem>>, vector<16xf32>,
      tpu.vector_store %arg18[%swap3A_1420, %swap3A_1421, %swap3A_1422], %mul3A_1418 {strides = array<i32>} : memref<6x80x64xf32, #tpu.memory_space<vmem>>, vector<16xf32>,
      %get3A_1424 = arith.constant 22 : i32
      %get3A_1425 = arith.index_cast %scan3A_139 : i32 to index
      %get3A_1426 = arith.index_cast %get3A_1424 : i32 to index
      %get3A_1427 = arith.constant 32 : index
      %get3A_1428 = tpu.vector_load %arg18[%get3A_1425, %get3A_1426, %get3A_1427] {strides = array<i32>} : memref<6x80x64xf32, #tpu.memory_space<vmem>>, vector<16xf32>,
      %mul3A_1429 = vector.broadcast %squeeze3A_1399 : f32 to vector<16xf32>
      %mul3A_1430 = arith.mulf %get3A_1428, %mul3A_1429 : vector<16xf32>
      %swap3A_1431 = arith.constant 22 : i32
      %swap3A_1432 = arith.index_cast %scan3A_139 : i32 to index
      %swap3A_1433 = arith.index_cast %swap3A_1431 : i32 to index
      %swap3A_1434 = arith.constant 32 : index
      %swap3A_1435 = tpu.vector_load %arg18[%swap3A_1432, %swap3A_1433, %swap3A_1434] {strides = array<i32>} : memref<6x80x64xf32, #tpu.memory_space<vmem>>, vector<16xf32>,
      tpu.vector_store %arg18[%swap3A_1432, %swap3A_1433, %swap3A_1434], %mul3A_1430 {strides = array<i32>} : memref<6x80x64xf32, #tpu.memory_space<vmem>>, vector<16xf32>,
      %get3A_1436 = arith.constant 22 : i32
      %get3A_1437 = arith.index_cast %scan3A_139 : i32 to index
      %get3A_1438 = arith.index_cast %get3A_1436 : i32 to index
      %get3A_1439 = arith.constant 48 : index
      %get3A_1440 = tpu.vector_load %arg18[%get3A_1437, %get3A_1438, %get3A_1439] {strides = array<i32>} : memref<6x80x64xf32, #tpu.memory_space<vmem>>, vector<16xf32>,
      %mul3A_1441 = vector.broadcast %squeeze3A_1399 : f32 to vector<16xf32>
      %mul3A_1442 = arith.mulf %get3A_1440, %mul3A_1441 : vector<16xf32>
      %swap3A_1443 = arith.constant 22 : i32
      %swap3A_1444 = arith.index_cast %scan3A_139 : i32 to index
      %swap3A_1445 = arith.index_cast %swap3A_1443 : i32 to index
      %swap3A_1446 = arith.constant 48 : index
      %swap3A_1447 = tpu.vector_load %arg18[%swap3A_1444, %swap3A_1445, %swap3A_1446] {strides = array<i32>} : memref<6x80x64xf32, #tpu.memory_space<vmem>>, vector<16xf32>,
      tpu.vector_store %arg18[%swap3A_1444, %swap3A_1445, %swap3A_1446], %mul3A_1442 {strides = array<i32>} : memref<6x80x64xf32, #tpu.memory_space<vmem>>, vector<16xf32>,
      %slice3A_1448 = vector.extract_strided_slice %get3A_1097 {offsets = [7], sizes = [1], strides = [1]} : vector<16xf32> to vector<1xf32>
      %squeeze3A_1449 = vector.extract %slice3A_1448[0] : f32 from vector<1xf32>
      %get3A_1450 = arith.constant 23 : i32
      %get3A_1451 = arith.index_cast %scan3A_139 : i32 to index
      %get3A_1452 = arith.index_cast %get3A_1450 : i32 to index
      %get3A_1453 = arith.constant 0 : index
      %get3A_1454 = tpu.vector_load %arg18[%get3A_1451, %get3A_1452, %get3A_1453] {strides = array<i32>} : memref<6x80x64xf32, #tpu.memory_space<vmem>>, vector<16xf32>,
      %mul3A_1455 = vector.broadcast %squeeze3A_1449 : f32 to vector<16xf32>
      %mul3A_1456 = arith.mulf %get3A_1454, %mul3A_1455 : vector<16xf32>
      %swap3A_1457 = arith.constant 23 : i32
      %swap3A_1458 = arith.index_cast %scan3A_139 : i32 to index
      %swap3A_1459 = arith.index_cast %swap3A_1457 : i32 to index
      %swap3A_1460 = arith.constant 0 : index
      %swap3A_1461 = tpu.vector_load %arg18[%swap3A_1458, %swap3A_1459, %swap3A_1460] {strides = array<i32>} : memref<6x80x64xf32, #tpu.memory_space<vmem>>, vector<16xf32>,
      tpu.vector_store %arg18[%swap3A_1458, %swap3A_1459, %swap3A_1460], %mul3A_1456 {strides = array<i32>} : memref<6x80x64xf32, #tpu.memory_space<vmem>>, vector<16xf32>,
      %get3A_1462 = arith.constant 23 : i32
      %get3A_1463 = arith.index_cast %scan3A_139 : i32 to index
      %get3A_1464 = arith.index_cast %get3A_1462 : i32 to index
      %get3A_1465 = arith.constant 16 : index
      %get3A_1466 = tpu.vector_load %arg18[%get3A_1463, %get3A_1464, %get3A_1465] {strides = array<i32>} : memref<6x80x64xf32, #tpu.memory_space<vmem>>, vector<16xf32>,
      %mul3A_1467 = vector.broadcast %squeeze3A_1449 : f32 to vector<16xf32>
      %mul3A_1468 = arith.mulf %get3A_1466, %mul3A_1467 : vector<16xf32>
      %swap3A_1469 = arith.constant 23 : i32
      %swap3A_1470 = arith.index_cast %scan3A_139 : i32 to index
      %swap3A_1471 = arith.index_cast %swap3A_1469 : i32 to index
      %swap3A_1472 = arith.constant 16 : index
      %swap3A_1473 = tpu.vector_load %arg18[%swap3A_1470, %swap3A_1471, %swap3A_1472] {strides = array<i32>} : memref<6x80x64xf32, #tpu.memory_space<vmem>>, vector<16xf32>,
      tpu.vector_store %arg18[%swap3A_1470, %swap3A_1471, %swap3A_1472], %mul3A_1468 {strides = array<i32>} : memref<6x80x64xf32, #tpu.memory_space<vmem>>, vector<16xf32>,
      %get3A_1474 = arith.constant 23 : i32
      %get3A_1475 = arith.index_cast %scan3A_139 : i32 to index
      %get3A_1476 = arith.index_cast %get3A_1474 : i32 to index
      %get3A_1477 = arith.constant 32 : index
      %get3A_1478 = tpu.vector_load %arg18[%get3A_1475, %get3A_1476, %get3A_1477] {strides = array<i32>} : memref<6x80x64xf32, #tpu.memory_space<vmem>>, vector<16xf32>,
      %mul3A_1479 = vector.broadcast %squeeze3A_1449 : f32 to vector<16xf32>
      %mul3A_1480 = arith.mulf %get3A_1478, %mul3A_1479 : vector<16xf32>
      %swap3A_1481 = arith.constant 23 : i32
      %swap3A_1482 = arith.index_cast %scan3A_139 : i32 to index
      %swap3A_1483 = arith.index_cast %swap3A_1481 : i32 to index
      %swap3A_1484 = arith.constant 32 : index
      %swap3A_1485 = tpu.vector_load %arg18[%swap3A_1482, %swap3A_1483, %swap3A_1484] {strides = array<i32>} : memref<6x80x64xf32, #tpu.memory_space<vmem>>, vector<16xf32>,
      tpu.vector_store %arg18[%swap3A_1482, %swap3A_1483, %swap3A_1484], %mul3A_1480 {strides = array<i32>} : memref<6x80x64xf32, #tpu.memory_space<vmem>>, vector<16xf32>,
      %get3A_1486 = arith.constant 23 : i32
      %get3A_1487 = arith.index_cast %scan3A_139 : i32 to index
      %get3A_1488 = arith.index_cast %get3A_1486 : i32 to index
      %get3A_1489 = arith.constant 48 : index
      %get3A_1490 = tpu.vector_load %arg18[%get3A_1487, %get3A_1488, %get3A_1489] {strides = array<i32>} : memref<6x80x64xf32, #tpu.memory_space<vmem>>, vector<16xf32>,
      %mul3A_1491 = vector.broadcast %squeeze3A_1449 : f32 to vector<16xf32>
      %mul3A_1492 = arith.mulf %get3A_1490, %mul3A_1491 : vector<16xf32>
      %swap3A_1493 = arith.constant 23 : i32
      %swap3A_1494 = arith.index_cast %scan3A_139 : i32 to index
      %swap3A_1495 = arith.index_cast %swap3A_1493 : i32 to index
      %swap3A_1496 = arith.constant 48 : index
      %swap3A_1497 = tpu.vector_load %arg18[%swap3A_1494, %swap3A_1495, %swap3A_1496] {strides = array<i32>} : memref<6x80x64xf32, #tpu.memory_space<vmem>>, vector<16xf32>,
      tpu.vector_store %arg18[%swap3A_1494, %swap3A_1495, %swap3A_1496], %mul3A_1492 {strides = array<i32>} : memref<6x80x64xf32, #tpu.memory_space<vmem>>, vector<16xf32>,
      %slice3A_1498 = vector.extract_strided_slice %get3A_1097 {offsets = [8], sizes = [1], strides = [1]} : vector<16xf32> to vector<1xf32>
      %squeeze3A_1499 = vector.extract %slice3A_1498[0] : f32 from vector<1xf32>
      %get3A_1500 = arith.constant 24 : i32
      %get3A_1501 = arith.index_cast %scan3A_139 : i32 to index
      %get3A_1502 = arith.index_cast %get3A_1500 : i32 to index
      %get3A_1503 = arith.constant 0 : index
      %get3A_1504 = tpu.vector_load %arg18[%get3A_1501, %get3A_1502, %get3A_1503] {strides = array<i32>} : memref<6x80x64xf32, #tpu.memory_space<vmem>>, vector<16xf32>,
      %mul3A_1505 = vector.broadcast %squeeze3A_1499 : f32 to vector<16xf32>
      %mul3A_1506 = arith.mulf %get3A_1504, %mul3A_1505 : vector<16xf32>
      %swap3A_1507 = arith.constant 24 : i32
      %swap3A_1508 = arith.index_cast %scan3A_139 : i32 to index
      %swap3A_1509 = arith.index_cast %swap3A_1507 : i32 to index
      %swap3A_1510 = arith.constant 0 : index
      %swap3A_1511 = tpu.vector_load %arg18[%swap3A_1508, %swap3A_1509, %swap3A_1510] {strides = array<i32>} : memref<6x80x64xf32, #tpu.memory_space<vmem>>, vector<16xf32>,
      tpu.vector_store %arg18[%swap3A_1508, %swap3A_1509, %swap3A_1510], %mul3A_1506 {strides = array<i32>} : memref<6x80x64xf32, #tpu.memory_space<vmem>>, vector<16xf32>,
      %get3A_1512 = arith.constant 24 : i32
      %get3A_1513 = arith.index_cast %scan3A_139 : i32 to index
      %get3A_1514 = arith.index_cast %get3A_1512 : i32 to index
      %get3A_1515 = arith.constant 16 : index
      %get3A_1516 = tpu.vector_load %arg18[%get3A_1513, %get3A_1514, %get3A_1515] {strides = array<i32>} : memref<6x80x64xf32, #tpu.memory_space<vmem>>, vector<16xf32>,
      %mul3A_1517 = vector.broadcast %squeeze3A_1499 : f32 to vector<16xf32>
      %mul3A_1518 = arith.mulf %get3A_1516, %mul3A_1517 : vector<16xf32>
      %swap3A_1519 = arith.constant 24 : i32
      %swap3A_1520 = arith.index_cast %scan3A_139 : i32 to index
      %swap3A_1521 = arith.index_cast %swap3A_1519 : i32 to index
      %swap3A_1522 = arith.constant 16 : index
      %swap3A_1523 = tpu.vector_load %arg18[%swap3A_1520, %swap3A_1521, %swap3A_1522] {strides = array<i32>} : memref<6x80x64xf32, #tpu.memory_space<vmem>>, vector<16xf32>,
      tpu.vector_store %arg18[%swap3A_1520, %swap3A_1521, %swap3A_1522], %mul3A_1518 {strides = array<i32>} : memref<6x80x64xf32, #tpu.memory_space<vmem>>, vector<16xf32>,
      %get3A_1524 = arith.constant 24 : i32
      %get3A_1525 = arith.index_cast %scan3A_139 : i32 to index
      %get3A_1526 = arith.index_cast %get3A_1524 : i32 to index
      %get3A_1527 = arith.constant 32 : index
      %get3A_1528 = tpu.vector_load %arg18[%get3A_1525, %get3A_1526, %get3A_1527] {strides = array<i32>} : memref<6x80x64xf32, #tpu.memory_space<vmem>>, vector<16xf32>,
      %mul3A_1529 = vector.broadcast %squeeze3A_1499 : f32 to vector<16xf32>
      %mul3A_1530 = arith.mulf %get3A_1528, %mul3A_1529 : vector<16xf32>
      %swap3A_1531 = arith.constant 24 : i32
      %swap3A_1532 = arith.index_cast %scan3A_139 : i32 to index
      %swap3A_1533 = arith.index_cast %swap3A_1531 : i32 to index
      %swap3A_1534 = arith.constant 32 : index
      %swap3A_1535 = tpu.vector_load %arg18[%swap3A_1532, %swap3A_1533, %swap3A_1534] {strides = array<i32>} : memref<6x80x64xf32, #tpu.memory_space<vmem>>, vector<16xf32>,
      tpu.vector_store %arg18[%swap3A_1532, %swap3A_1533, %swap3A_1534], %mul3A_1530 {strides = array<i32>} : memref<6x80x64xf32, #tpu.memory_space<vmem>>, vector<16xf32>,
      %get3A_1536 = arith.constant 24 : i32
      %get3A_1537 = arith.index_cast %scan3A_139 : i32 to index
      %get3A_1538 = arith.index_cast %get3A_1536 : i32 to index
      %get3A_1539 = arith.constant 48 : index
      %get3A_1540 = tpu.vector_load %arg18[%get3A_1537, %get3A_1538, %get3A_1539] {strides = array<i32>} : memref<6x80x64xf32, #tpu.memory_space<vmem>>, vector<16xf32>,
      %mul3A_1541 = vector.broadcast %squeeze3A_1499 : f32 to vector<16xf32>
      %mul3A_1542 = arith.mulf %get3A_1540, %mul3A_1541 : vector<16xf32>
      %swap3A_1543 = arith.constant 24 : i32
      %swap3A_1544 = arith.index_cast %scan3A_139 : i32 to index
      %swap3A_1545 = arith.index_cast %swap3A_1543 : i32 to index
      %swap3A_1546 = arith.constant 48 : index
      %swap3A_1547 = tpu.vector_load %arg18[%swap3A_1544, %swap3A_1545, %swap3A_1546] {strides = array<i32>} : memref<6x80x64xf32, #tpu.memory_space<vmem>>, vector<16xf32>,
      tpu.vector_store %arg18[%swap3A_1544, %swap3A_1545, %swap3A_1546], %mul3A_1542 {strides = array<i32>} : memref<6x80x64xf32, #tpu.memory_space<vmem>>, vector<16xf32>,
      %slice3A_1548 = vector.extract_strided_slice %get3A_1097 {offsets = [9], sizes = [1], strides = [1]} : vector<16xf32> to vector<1xf32>
      %squeeze3A_1549 = vector.extract %slice3A_1548[0] : f32 from vector<1xf32>
      %get3A_1550 = arith.constant 25 : i32
      %get3A_1551 = arith.index_cast %scan3A_139 : i32 to index
      %get3A_1552 = arith.index_cast %get3A_1550 : i32 to index
      %get3A_1553 = arith.constant 0 : index
      %get3A_1554 = tpu.vector_load %arg18[%get3A_1551, %get3A_1552, %get3A_1553] {strides = array<i32>} : memref<6x80x64xf32, #tpu.memory_space<vmem>>, vector<16xf32>,
      %mul3A_1555 = vector.broadcast %squeeze3A_1549 : f32 to vector<16xf32>
      %mul3A_1556 = arith.mulf %get3A_1554, %mul3A_1555 : vector<16xf32>
      %swap3A_1557 = arith.constant 25 : i32
      %swap3A_1558 = arith.index_cast %scan3A_139 : i32 to index
      %swap3A_1559 = arith.index_cast %swap3A_1557 : i32 to index
      %swap3A_1560 = arith.constant 0 : index
      %swap3A_1561 = tpu.vector_load %arg18[%swap3A_1558, %swap3A_1559, %swap3A_1560] {strides = array<i32>} : memref<6x80x64xf32, #tpu.memory_space<vmem>>, vector<16xf32>,
      tpu.vector_store %arg18[%swap3A_1558, %swap3A_1559, %swap3A_1560], %mul3A_1556 {strides = array<i32>} : memref<6x80x64xf32, #tpu.memory_space<vmem>>, vector<16xf32>,
      %get3A_1562 = arith.constant 25 : i32
      %get3A_1563 = arith.index_cast %scan3A_139 : i32 to index
      %get3A_1564 = arith.index_cast %get3A_1562 : i32 to index
      %get3A_1565 = arith.constant 16 : index
      %get3A_1566 = tpu.vector_load %arg18[%get3A_1563, %get3A_1564, %get3A_1565] {strides = array<i32>} : memref<6x80x64xf32, #tpu.memory_space<vmem>>, vector<16xf32>,
      %mul3A_1567 = vector.broadcast %squeeze3A_1549 : f32 to vector<16xf32>
      %mul3A_1568 = arith.mulf %get3A_1566, %mul3A_1567 : vector<16xf32>
      %swap3A_1569 = arith.constant 25 : i32
      %swap3A_1570 = arith.index_cast %scan3A_139 : i32 to index
      %swap3A_1571 = arith.index_cast %swap3A_1569 : i32 to index
      %swap3A_1572 = arith.constant 16 : index
      %swap3A_1573 = tpu.vector_load %arg18[%swap3A_1570, %swap3A_1571, %swap3A_1572] {strides = array<i32>} : memref<6x80x64xf32, #tpu.memory_space<vmem>>, vector<16xf32>,
      tpu.vector_store %arg18[%swap3A_1570, %swap3A_1571, %swap3A_1572], %mul3A_1568 {strides = array<i32>} : memref<6x80x64xf32, #tpu.memory_space<vmem>>, vector<16xf32>,
      %get3A_1574 = arith.constant 25 : i32
      %get3A_1575 = arith.index_cast %scan3A_139 : i32 to index
      %get3A_1576 = arith.index_cast %get3A_1574 : i32 to index
      %get3A_1577 = arith.constant 32 : index
      %get3A_1578 = tpu.vector_load %arg18[%get3A_1575, %get3A_1576, %get3A_1577] {strides = array<i32>} : memref<6x80x64xf32, #tpu.memory_space<vmem>>, vector<16xf32>,
      %mul3A_1579 = vector.broadcast %squeeze3A_1549 : f32 to vector<16xf32>
      %mul3A_1580 = arith.mulf %get3A_1578, %mul3A_1579 : vector<16xf32>
      %swap3A_1581 = arith.constant 25 : i32
      %swap3A_1582 = arith.index_cast %scan3A_139 : i32 to index
      %swap3A_1583 = arith.index_cast %swap3A_1581 : i32 to index
      %swap3A_1584 = arith.constant 32 : index
      %swap3A_1585 = tpu.vector_load %arg18[%swap3A_1582, %swap3A_1583, %swap3A_1584] {strides = array<i32>} : memref<6x80x64xf32, #tpu.memory_space<vmem>>, vector<16xf32>,
      tpu.vector_store %arg18[%swap3A_1582, %swap3A_1583, %swap3A_1584], %mul3A_1580 {strides = array<i32>} : memref<6x80x64xf32, #tpu.memory_space<vmem>>, vector<16xf32>,
      %get3A_1586 = arith.constant 25 : i32
      %get3A_1587 = arith.index_cast %scan3A_139 : i32 to index
      %get3A_1588 = arith.index_cast %get3A_1586 : i32 to index
      %get3A_1589 = arith.constant 48 : index
      %get3A_1590 = tpu.vector_load %arg18[%get3A_1587, %get3A_1588, %get3A_1589] {strides = array<i32>} : memref<6x80x64xf32, #tpu.memory_space<vmem>>, vector<16xf32>,
      %mul3A_1591 = vector.broadcast %squeeze3A_1549 : f32 to vector<16xf32>
      %mul3A_1592 = arith.mulf %get3A_1590, %mul3A_1591 : vector<16xf32>
      %swap3A_1593 = arith.constant 25 : i32
      %swap3A_1594 = arith.index_cast %scan3A_139 : i32 to index
      %swap3A_1595 = arith.index_cast %swap3A_1593 : i32 to index
      %swap3A_1596 = arith.constant 48 : index
      %swap3A_1597 = tpu.vector_load %arg18[%swap3A_1594, %swap3A_1595, %swap3A_1596] {strides = array<i32>} : memref<6x80x64xf32, #tpu.memory_space<vmem>>, vector<16xf32>,
      tpu.vector_store %arg18[%swap3A_1594, %swap3A_1595, %swap3A_1596], %mul3A_1592 {strides = array<i32>} : memref<6x80x64xf32, #tpu.memory_space<vmem>>, vector<16xf32>,
      %slice3A_1598 = vector.extract_strided_slice %get3A_1097 {offsets = [10], sizes = [1], strides = [1]} : vector<16xf32> to vector<1xf32>
      %squeeze3A_1599 = vector.extract %slice3A_1598[0] : f32 from vector<1xf32>
      %get3A_1600 = arith.constant 26 : i32
      %get3A_1601 = arith.index_cast %scan3A_139 : i32 to index
      %get3A_1602 = arith.index_cast %get3A_1600 : i32 to index
      %get3A_1603 = arith.constant 0 : index
      %get3A_1604 = tpu.vector_load %arg18[%get3A_1601, %get3A_1602, %get3A_1603] {strides = array<i32>} : memref<6x80x64xf32, #tpu.memory_space<vmem>>, vector<16xf32>,
      %mul3A_1605 = vector.broadcast %squeeze3A_1599 : f32 to vector<16xf32>
      %mul3A_1606 = arith.mulf %get3A_1604, %mul3A_1605 : vector<16xf32>
      %swap3A_1607 = arith.constant 26 : i32
      %swap3A_1608 = arith.index_cast %scan3A_139 : i32 to index
      %swap3A_1609 = arith.index_cast %swap3A_1607 : i32 to index
      %swap3A_1610 = arith.constant 0 : index
      %swap3A_1611 = tpu.vector_load %arg18[%swap3A_1608, %swap3A_1609, %swap3A_1610] {strides = array<i32>} : memref<6x80x64xf32, #tpu.memory_space<vmem>>, vector<16xf32>,
      tpu.vector_store %arg18[%swap3A_1608, %swap3A_1609, %swap3A_1610], %mul3A_1606 {strides = array<i32>} : memref<6x80x64xf32, #tpu.memory_space<vmem>>, vector<16xf32>,
      %get3A_1612 = arith.constant 26 : i32
      %get3A_1613 = arith.index_cast %scan3A_139 : i32 to index
      %get3A_1614 = arith.index_cast %get3A_1612 : i32 to index
      %get3A_1615 = arith.constant 16 : index
      %get3A_1616 = tpu.vector_load %arg18[%get3A_1613, %get3A_1614, %get3A_1615] {strides = array<i32>} : memref<6x80x64xf32, #tpu.memory_space<vmem>>, vector<16xf32>,
      %mul3A_1617 = vector.broadcast %squeeze3A_1599 : f32 to vector<16xf32>
      %mul3A_1618 = arith.mulf %get3A_1616, %mul3A_1617 : vector<16xf32>
      %swap3A_1619 = arith.constant 26 : i32
      %swap3A_1620 = arith.index_cast %scan3A_139 : i32 to index
      %swap3A_1621 = arith.index_cast %swap3A_1619 : i32 to index
      %swap3A_1622 = arith.constant 16 : index
      %swap3A_1623 = tpu.vector_load %arg18[%swap3A_1620, %swap3A_1621, %swap3A_1622] {strides = array<i32>} : memref<6x80x64xf32, #tpu.memory_space<vmem>>, vector<16xf32>,
      tpu.vector_store %arg18[%swap3A_1620, %swap3A_1621, %swap3A_1622], %mul3A_1618 {strides = array<i32>} : memref<6x80x64xf32, #tpu.memory_space<vmem>>, vector<16xf32>,
      %get3A_1624 = arith.constant 26 : i32
      %get3A_1625 = arith.index_cast %scan3A_139 : i32 to index
      %get3A_1626 = arith.index_cast %get3A_1624 : i32 to index
      %get3A_1627 = arith.constant 32 : index
      %get3A_1628 = tpu.vector_load %arg18[%get3A_1625, %get3A_1626, %get3A_1627] {strides = array<i32>} : memref<6x80x64xf32, #tpu.memory_space<vmem>>, vector<16xf32>,
      %mul3A_1629 = vector.broadcast %squeeze3A_1599 : f32 to vector<16xf32>
      %mul3A_1630 = arith.mulf %get3A_1628, %mul3A_1629 : vector<16xf32>
      %swap3A_1631 = arith.constant 26 : i32
      %swap3A_1632 = arith.index_cast %scan3A_139 : i32 to index
      %swap3A_1633 = arith.index_cast %swap3A_1631 : i32 to index
      %swap3A_1634 = arith.constant 32 : index
      %swap3A_1635 = tpu.vector_load %arg18[%swap3A_1632, %swap3A_1633, %swap3A_1634] {strides = array<i32>} : memref<6x80x64xf32, #tpu.memory_space<vmem>>, vector<16xf32>,
      tpu.vector_store %arg18[%swap3A_1632, %swap3A_1633, %swap3A_1634], %mul3A_1630 {strides = array<i32>} : memref<6x80x64xf32, #tpu.memory_space<vmem>>, vector<16xf32>,
      %get3A_1636 = arith.constant 26 : i32
      %get3A_1637 = arith.index_cast %scan3A_139 : i32 to index
      %get3A_1638 = arith.index_cast %get3A_1636 : i32 to index
      %get3A_1639 = arith.constant 48 : index
      %get3A_1640 = tpu.vector_load %arg18[%get3A_1637, %get3A_1638, %get3A_1639] {strides = array<i32>} : memref<6x80x64xf32, #tpu.memory_space<vmem>>, vector<16xf32>,
      %mul3A_1641 = vector.broadcast %squeeze3A_1599 : f32 to vector<16xf32>
      %mul3A_1642 = arith.mulf %get3A_1640, %mul3A_1641 : vector<16xf32>
      %swap3A_1643 = arith.constant 26 : i32
      %swap3A_1644 = arith.index_cast %scan3A_139 : i32 to index
      %swap3A_1645 = arith.index_cast %swap3A_1643 : i32 to index
      %swap3A_1646 = arith.constant 48 : index
      %swap3A_1647 = tpu.vector_load %arg18[%swap3A_1644, %swap3A_1645, %swap3A_1646] {strides = array<i32>} : memref<6x80x64xf32, #tpu.memory_space<vmem>>, vector<16xf32>,
      tpu.vector_store %arg18[%swap3A_1644, %swap3A_1645, %swap3A_1646], %mul3A_1642 {strides = array<i32>} : memref<6x80x64xf32, #tpu.memory_space<vmem>>, vector<16xf32>,
      %slice3A_1648 = vector.extract_strided_slice %get3A_1097 {offsets = [11], sizes = [1], strides = [1]} : vector<16xf32> to vector<1xf32>
      %squeeze3A_1649 = vector.extract %slice3A_1648[0] : f32 from vector<1xf32>
      %get3A_1650 = arith.constant 27 : i32
      %get3A_1651 = arith.index_cast %scan3A_139 : i32 to index
      %get3A_1652 = arith.index_cast %get3A_1650 : i32 to index
      %get3A_1653 = arith.constant 0 : index
      %get3A_1654 = tpu.vector_load %arg18[%get3A_1651, %get3A_1652, %get3A_1653] {strides = array<i32>} : memref<6x80x64xf32, #tpu.memory_space<vmem>>, vector<16xf32>,
      %mul3A_1655 = vector.broadcast %squeeze3A_1649 : f32 to vector<16xf32>
      %mul3A_1656 = arith.mulf %get3A_1654, %mul3A_1655 : vector<16xf32>
      %swap3A_1657 = arith.constant 27 : i32
      %swap3A_1658 = arith.index_cast %scan3A_139 : i32 to index
      %swap3A_1659 = arith.index_cast %swap3A_1657 : i32 to index
      %swap3A_1660 = arith.constant 0 : index
      %swap3A_1661 = tpu.vector_load %arg18[%swap3A_1658, %swap3A_1659, %swap3A_1660] {strides = array<i32>} : memref<6x80x64xf32, #tpu.memory_space<vmem>>, vector<16xf32>,
      tpu.vector_store %arg18[%swap3A_1658, %swap3A_1659, %swap3A_1660], %mul3A_1656 {strides = array<i32>} : memref<6x80x64xf32, #tpu.memory_space<vmem>>, vector<16xf32>,
      %get3A_1662 = arith.constant 27 : i32
      %get3A_1663 = arith.index_cast %scan3A_139 : i32 to index
      %get3A_1664 = arith.index_cast %get3A_1662 : i32 to index
      %get3A_1665 = arith.constant 16 : index
      %get3A_1666 = tpu.vector_load %arg18[%get3A_1663, %get3A_1664, %get3A_1665] {strides = array<i32>} : memref<6x80x64xf32, #tpu.memory_space<vmem>>, vector<16xf32>,
      %mul3A_1667 = vector.broadcast %squeeze3A_1649 : f32 to vector<16xf32>
      %mul3A_1668 = arith.mulf %get3A_1666, %mul3A_1667 : vector<16xf32>
      %swap3A_1669 = arith.constant 27 : i32
      %swap3A_1670 = arith.index_cast %scan3A_139 : i32 to index
      %swap3A_1671 = arith.index_cast %swap3A_1669 : i32 to index
      %swap3A_1672 = arith.constant 16 : index
      %swap3A_1673 = tpu.vector_load %arg18[%swap3A_1670, %swap3A_1671, %swap3A_1672] {strides = array<i32>} : memref<6x80x64xf32, #tpu.memory_space<vmem>>, vector<16xf32>,
      tpu.vector_store %arg18[%swap3A_1670, %swap3A_1671, %swap3A_1672], %mul3A_1668 {strides = array<i32>} : memref<6x80x64xf32, #tpu.memory_space<vmem>>, vector<16xf32>,
      %get3A_1674 = arith.constant 27 : i32
      %get3A_1675 = arith.index_cast %scan3A_139 : i32 to index
      %get3A_1676 = arith.index_cast %get3A_1674 : i32 to index
      %get3A_1677 = arith.constant 32 : index
      %get3A_1678 = tpu.vector_load %arg18[%get3A_1675, %get3A_1676, %get3A_1677] {strides = array<i32>} : memref<6x80x64xf32, #tpu.memory_space<vmem>>, vector<16xf32>,
      %mul3A_1679 = vector.broadcast %squeeze3A_1649 : f32 to vector<16xf32>
      %mul3A_1680 = arith.mulf %get3A_1678, %mul3A_1679 : vector<16xf32>
      %swap3A_1681 = arith.constant 27 : i32
      %swap3A_1682 = arith.index_cast %scan3A_139 : i32 to index
      %swap3A_1683 = arith.index_cast %swap3A_1681 : i32 to index
      %swap3A_1684 = arith.constant 32 : index
      %swap3A_1685 = tpu.vector_load %arg18[%swap3A_1682, %swap3A_1683, %swap3A_1684] {strides = array<i32>} : memref<6x80x64xf32, #tpu.memory_space<vmem>>, vector<16xf32>,
      tpu.vector_store %arg18[%swap3A_1682, %swap3A_1683, %swap3A_1684], %mul3A_1680 {strides = array<i32>} : memref<6x80x64xf32, #tpu.memory_space<vmem>>, vector<16xf32>,
      %get3A_1686 = arith.constant 27 : i32
      %get3A_1687 = arith.index_cast %scan3A_139 : i32 to index
      %get3A_1688 = arith.index_cast %get3A_1686 : i32 to index
      %get3A_1689 = arith.constant 48 : index
      %get3A_1690 = tpu.vector_load %arg18[%get3A_1687, %get3A_1688, %get3A_1689] {strides = array<i32>} : memref<6x80x64xf32, #tpu.memory_space<vmem>>, vector<16xf32>,
      %mul3A_1691 = vector.broadcast %squeeze3A_1649 : f32 to vector<16xf32>
      %mul3A_1692 = arith.mulf %get3A_1690, %mul3A_1691 : vector<16xf32>
      %swap3A_1693 = arith.constant 27 : i32
      %swap3A_1694 = arith.index_cast %scan3A_139 : i32 to index
      %swap3A_1695 = arith.index_cast %swap3A_1693 : i32 to index
      %swap3A_1696 = arith.constant 48 : index
      %swap3A_1697 = tpu.vector_load %arg18[%swap3A_1694, %swap3A_1695, %swap3A_1696] {strides = array<i32>} : memref<6x80x64xf32, #tpu.memory_space<vmem>>, vector<16xf32>,
      tpu.vector_store %arg18[%swap3A_1694, %swap3A_1695, %swap3A_1696], %mul3A_1692 {strides = array<i32>} : memref<6x80x64xf32, #tpu.memory_space<vmem>>, vector<16xf32>,
      %slice3A_1698 = vector.extract_strided_slice %get3A_1097 {offsets = [12], sizes = [1], strides = [1]} : vector<16xf32> to vector<1xf32>
      %squeeze3A_1699 = vector.extract %slice3A_1698[0] : f32 from vector<1xf32>
      %get3A_1700 = arith.constant 28 : i32
      %get3A_1701 = arith.index_cast %scan3A_139 : i32 to index
      %get3A_1702 = arith.index_cast %get3A_1700 : i32 to index
      %get3A_1703 = arith.constant 0 : index
      %get3A_1704 = tpu.vector_load %arg18[%get3A_1701, %get3A_1702, %get3A_1703] {strides = array<i32>} : memref<6x80x64xf32, #tpu.memory_space<vmem>>, vector<16xf32>,
      %mul3A_1705 = vector.broadcast %squeeze3A_1699 : f32 to vector<16xf32>
      %mul3A_1706 = arith.mulf %get3A_1704, %mul3A_1705 : vector<16xf32>
      %swap3A_1707 = arith.constant 28 : i32
      %swap3A_1708 = arith.index_cast %scan3A_139 : i32 to index
      %swap3A_1709 = arith.index_cast %swap3A_1707 : i32 to index
      %swap3A_1710 = arith.constant 0 : index
      %swap3A_1711 = tpu.vector_load %arg18[%swap3A_1708, %swap3A_1709, %swap3A_1710] {strides = array<i32>} : memref<6x80x64xf32, #tpu.memory_space<vmem>>, vector<16xf32>,
      tpu.vector_store %arg18[%swap3A_1708, %swap3A_1709, %swap3A_1710], %mul3A_1706 {strides = array<i32>} : memref<6x80x64xf32, #tpu.memory_space<vmem>>, vector<16xf32>,
      %get3A_1712 = arith.constant 28 : i32
      %get3A_1713 = arith.index_cast %scan3A_139 : i32 to index
      %get3A_1714 = arith.index_cast %get3A_1712 : i32 to index
      %get3A_1715 = arith.constant 16 : index
      %get3A_1716 = tpu.vector_load %arg18[%get3A_1713, %get3A_1714, %get3A_1715] {strides = array<i32>} : memref<6x80x64xf32, #tpu.memory_space<vmem>>, vector<16xf32>,
      %mul3A_1717 = vector.broadcast %squeeze3A_1699 : f32 to vector<16xf32>
      %mul3A_1718 = arith.mulf %get3A_1716, %mul3A_1717 : vector<16xf32>
      %swap3A_1719 = arith.constant 28 : i32
      %swap3A_1720 = arith.index_cast %scan3A_139 : i32 to index
      %swap3A_1721 = arith.index_cast %swap3A_1719 : i32 to index
      %swap3A_1722 = arith.constant 16 : index
      %swap3A_1723 = tpu.vector_load %arg18[%swap3A_1720, %swap3A_1721, %swap3A_1722] {strides = array<i32>} : memref<6x80x64xf32, #tpu.memory_space<vmem>>, vector<16xf32>,
      tpu.vector_store %arg18[%swap3A_1720, %swap3A_1721, %swap3A_1722], %mul3A_1718 {strides = array<i32>} : memref<6x80x64xf32, #tpu.memory_space<vmem>>, vector<16xf32>,
      %get3A_1724 = arith.constant 28 : i32
      %get3A_1725 = arith.index_cast %scan3A_139 : i32 to index
      %get3A_1726 = arith.index_cast %get3A_1724 : i32 to index
      %get3A_1727 = arith.constant 32 : index
      %get3A_1728 = tpu.vector_load %arg18[%get3A_1725, %get3A_1726, %get3A_1727] {strides = array<i32>} : memref<6x80x64xf32, #tpu.memory_space<vmem>>, vector<16xf32>,
      %mul3A_1729 = vector.broadcast %squeeze3A_1699 : f32 to vector<16xf32>
      %mul3A_1730 = arith.mulf %get3A_1728, %mul3A_1729 : vector<16xf32>
      %swap3A_1731 = arith.constant 28 : i32
      %swap3A_1732 = arith.index_cast %scan3A_139 : i32 to index
      %swap3A_1733 = arith.index_cast %swap3A_1731 : i32 to index
      %swap3A_1734 = arith.constant 32 : index
      %swap3A_1735 = tpu.vector_load %arg18[%swap3A_1732, %swap3A_1733, %swap3A_1734] {strides = array<i32>} : memref<6x80x64xf32, #tpu.memory_space<vmem>>, vector<16xf32>,
      tpu.vector_store %arg18[%swap3A_1732, %swap3A_1733, %swap3A_1734], %mul3A_1730 {strides = array<i32>} : memref<6x80x64xf32, #tpu.memory_space<vmem>>, vector<16xf32>,
      %get3A_1736 = arith.constant 28 : i32
      %get3A_1737 = arith.index_cast %scan3A_139 : i32 to index
      %get3A_1738 = arith.index_cast %get3A_1736 : i32 to index
      %get3A_1739 = arith.constant 48 : index
      %get3A_1740 = tpu.vector_load %arg18[%get3A_1737, %get3A_1738, %get3A_1739] {strides = array<i32>} : memref<6x80x64xf32, #tpu.memory_space<vmem>>, vector<16xf32>,
      %mul3A_1741 = vector.broadcast %squeeze3A_1699 : f32 to vector<16xf32>
      %mul3A_1742 = arith.mulf %get3A_1740, %mul3A_1741 : vector<16xf32>
      %swap3A_1743 = arith.constant 28 : i32
      %swap3A_1744 = arith.index_cast %scan3A_139 : i32 to index
      %swap3A_1745 = arith.index_cast %swap3A_1743 : i32 to index
      %swap3A_1746 = arith.constant 48 : index
      %swap3A_1747 = tpu.vector_load %arg18[%swap3A_1744, %swap3A_1745, %swap3A_1746] {strides = array<i32>} : memref<6x80x64xf32, #tpu.memory_space<vmem>>, vector<16xf32>,
      tpu.vector_store %arg18[%swap3A_1744, %swap3A_1745, %swap3A_1746], %mul3A_1742 {strides = array<i32>} : memref<6x80x64xf32, #tpu.memory_space<vmem>>, vector<16xf32>,
      %slice3A_1748 = vector.extract_strided_slice %get3A_1097 {offsets = [13], sizes = [1], strides = [1]} : vector<16xf32> to vector<1xf32>
      %squeeze3A_1749 = vector.extract %slice3A_1748[0] : f32 from vector<1xf32>
      %get3A_1750 = arith.constant 29 : i32
      %get3A_1751 = arith.index_cast %scan3A_139 : i32 to index
      %get3A_1752 = arith.index_cast %get3A_1750 : i32 to index
      %get3A_1753 = arith.constant 0 : index
      %get3A_1754 = tpu.vector_load %arg18[%get3A_1751, %get3A_1752, %get3A_1753] {strides = array<i32>} : memref<6x80x64xf32, #tpu.memory_space<vmem>>, vector<16xf32>,
      %mul3A_1755 = vector.broadcast %squeeze3A_1749 : f32 to vector<16xf32>
      %mul3A_1756 = arith.mulf %get3A_1754, %mul3A_1755 : vector<16xf32>
      %swap3A_1757 = arith.constant 29 : i32
      %swap3A_1758 = arith.index_cast %scan3A_139 : i32 to index
      %swap3A_1759 = arith.index_cast %swap3A_1757 : i32 to index
      %swap3A_1760 = arith.constant 0 : index
      %swap3A_1761 = tpu.vector_load %arg18[%swap3A_1758, %swap3A_1759, %swap3A_1760] {strides = array<i32>} : memref<6x80x64xf32, #tpu.memory_space<vmem>>, vector<16xf32>,
      tpu.vector_store %arg18[%swap3A_1758, %swap3A_1759, %swap3A_1760], %mul3A_1756 {strides = array<i32>} : memref<6x80x64xf32, #tpu.memory_space<vmem>>, vector<16xf32>,
      %get3A_1762 = arith.constant 29 : i32
      %get3A_1763 = arith.index_cast %scan3A_139 : i32 to index
      %get3A_1764 = arith.index_cast %get3A_1762 : i32 to index
      %get3A_1765 = arith.constant 16 : index
      %get3A_1766 = tpu.vector_load %arg18[%get3A_1763, %get3A_1764, %get3A_1765] {strides = array<i32>} : memref<6x80x64xf32, #tpu.memory_space<vmem>>, vector<16xf32>,
      %mul3A_1767 = vector.broadcast %squeeze3A_1749 : f32 to vector<16xf32>
      %mul3A_1768 = arith.mulf %get3A_1766, %mul3A_1767 : vector<16xf32>
      %swap3A_1769 = arith.constant 29 : i32
      %swap3A_1770 = arith.index_cast %scan3A_139 : i32 to index
      %swap3A_1771 = arith.index_cast %swap3A_1769 : i32 to index
      %swap3A_1772 = arith.constant 16 : index
      %swap3A_1773 = tpu.vector_load %arg18[%swap3A_1770, %swap3A_1771, %swap3A_1772] {strides = array<i32>} : memref<6x80x64xf32, #tpu.memory_space<vmem>>, vector<16xf32>,
      tpu.vector_store %arg18[%swap3A_1770, %swap3A_1771, %swap3A_1772], %mul3A_1768 {strides = array<i32>} : memref<6x80x64xf32, #tpu.memory_space<vmem>>, vector<16xf32>,
      %get3A_1774 = arith.constant 29 : i32
      %get3A_1775 = arith.index_cast %scan3A_139 : i32 to index
      %get3A_1776 = arith.index_cast %get3A_1774 : i32 to index
      %get3A_1777 = arith.constant 32 : index
      %get3A_1778 = tpu.vector_load %arg18[%get3A_1775, %get3A_1776, %get3A_1777] {strides = array<i32>} : memref<6x80x64xf32, #tpu.memory_space<vmem>>, vector<16xf32>,
      %mul3A_1779 = vector.broadcast %squeeze3A_1749 : f32 to vector<16xf32>
      %mul3A_1780 = arith.mulf %get3A_1778, %mul3A_1779 : vector<16xf32>
      %swap3A_1781 = arith.constant 29 : i32
      %swap3A_1782 = arith.index_cast %scan3A_139 : i32 to index
      %swap3A_1783 = arith.index_cast %swap3A_1781 : i32 to index
      %swap3A_1784 = arith.constant 32 : index
      %swap3A_1785 = tpu.vector_load %arg18[%swap3A_1782, %swap3A_1783, %swap3A_1784] {strides = array<i32>} : memref<6x80x64xf32, #tpu.memory_space<vmem>>, vector<16xf32>,
      tpu.vector_store %arg18[%swap3A_1782, %swap3A_1783, %swap3A_1784], %mul3A_1780 {strides = array<i32>} : memref<6x80x64xf32, #tpu.memory_space<vmem>>, vector<16xf32>,
      %get3A_1786 = arith.constant 29 : i32
      %get3A_1787 = arith.index_cast %scan3A_139 : i32 to index
      %get3A_1788 = arith.index_cast %get3A_1786 : i32 to index
      %get3A_1789 = arith.constant 48 : index
      %get3A_1790 = tpu.vector_load %arg18[%get3A_1787, %get3A_1788, %get3A_1789] {strides = array<i32>} : memref<6x80x64xf32, #tpu.memory_space<vmem>>, vector<16xf32>,
      %mul3A_1791 = vector.broadcast %squeeze3A_1749 : f32 to vector<16xf32>
      %mul3A_1792 = arith.mulf %get3A_1790, %mul3A_1791 : vector<16xf32>
      %swap3A_1793 = arith.constant 29 : i32
      %swap3A_1794 = arith.index_cast %scan3A_139 : i32 to index
      %swap3A_1795 = arith.index_cast %swap3A_1793 : i32 to index
      %swap3A_1796 = arith.constant 48 : index
      %swap3A_1797 = tpu.vector_load %arg18[%swap3A_1794, %swap3A_1795, %swap3A_1796] {strides = array<i32>} : memref<6x80x64xf32, #tpu.memory_space<vmem>>, vector<16xf32>,
      tpu.vector_store %arg18[%swap3A_1794, %swap3A_1795, %swap3A_1796], %mul3A_1792 {strides = array<i32>} : memref<6x80x64xf32, #tpu.memory_space<vmem>>, vector<16xf32>,
      %slice3A_1798 = vector.extract_strided_slice %get3A_1097 {offsets = [14], sizes = [1], strides = [1]} : vector<16xf32> to vector<1xf32>
      %squeeze3A_1799 = vector.extract %slice3A_1798[0] : f32 from vector<1xf32>
      %get3A_1800 = arith.constant 30 : i32
      %get3A_1801 = arith.index_cast %scan3A_139 : i32 to index
      %get3A_1802 = arith.index_cast %get3A_1800 : i32 to index
      %get3A_1803 = arith.constant 0 : index
      %get3A_1804 = tpu.vector_load %arg18[%get3A_1801, %get3A_1802, %get3A_1803] {strides = array<i32>} : memref<6x80x64xf32, #tpu.memory_space<vmem>>, vector<16xf32>,
      %mul3A_1805 = vector.broadcast %squeeze3A_1799 : f32 to vector<16xf32>
      %mul3A_1806 = arith.mulf %get3A_1804, %mul3A_1805 : vector<16xf32>
      %swap3A_1807 = arith.constant 30 : i32
      %swap3A_1808 = arith.index_cast %scan3A_139 : i32 to index
      %swap3A_1809 = arith.index_cast %swap3A_1807 : i32 to index
      %swap3A_1810 = arith.constant 0 : index
      %swap3A_1811 = tpu.vector_load %arg18[%swap3A_1808, %swap3A_1809, %swap3A_1810] {strides = array<i32>} : memref<6x80x64xf32, #tpu.memory_space<vmem>>, vector<16xf32>,
      tpu.vector_store %arg18[%swap3A_1808, %swap3A_1809, %swap3A_1810], %mul3A_1806 {strides = array<i32>} : memref<6x80x64xf32, #tpu.memory_space<vmem>>, vector<16xf32>,
      %get3A_1812 = arith.constant 30 : i32
      %get3A_1813 = arith.index_cast %scan3A_139 : i32 to index
      %get3A_1814 = arith.index_cast %get3A_1812 : i32 to index
      %get3A_1815 = arith.constant 16 : index
      %get3A_1816 = tpu.vector_load %arg18[%get3A_1813, %get3A_1814, %get3A_1815] {strides = array<i32>} : memref<6x80x64xf32, #tpu.memory_space<vmem>>, vector<16xf32>,
      %mul3A_1817 = vector.broadcast %squeeze3A_1799 : f32 to vector<16xf32>
      %mul3A_1818 = arith.mulf %get3A_1816, %mul3A_1817 : vector<16xf32>
      %swap3A_1819 = arith.constant 30 : i32
      %swap3A_1820 = arith.index_cast %scan3A_139 : i32 to index
      %swap3A_1821 = arith.index_cast %swap3A_1819 : i32 to index
      %swap3A_1822 = arith.constant 16 : index
      %swap3A_1823 = tpu.vector_load %arg18[%swap3A_1820, %swap3A_1821, %swap3A_1822] {strides = array<i32>} : memref<6x80x64xf32, #tpu.memory_space<vmem>>, vector<16xf32>,
      tpu.vector_store %arg18[%swap3A_1820, %swap3A_1821, %swap3A_1822], %mul3A_1818 {strides = array<i32>} : memref<6x80x64xf32, #tpu.memory_space<vmem>>, vector<16xf32>,
      %get3A_1824 = arith.constant 30 : i32
      %get3A_1825 = arith.index_cast %scan3A_139 : i32 to index
      %get3A_1826 = arith.index_cast %get3A_1824 : i32 to index
      %get3A_1827 = arith.constant 32 : index
      %get3A_1828 = tpu.vector_load %arg18[%get3A_1825, %get3A_1826, %get3A_1827] {strides = array<i32>} : memref<6x80x64xf32, #tpu.memory_space<vmem>>, vector<16xf32>,
      %mul3A_1829 = vector.broadcast %squeeze3A_1799 : f32 to vector<16xf32>
      %mul3A_1830 = arith.mulf %get3A_1828, %mul3A_1829 : vector<16xf32>
      %swap3A_1831 = arith.constant 30 : i32
      %swap3A_1832 = arith.index_cast %scan3A_139 : i32 to index
      %swap3A_1833 = arith.index_cast %swap3A_1831 : i32 to index
      %swap3A_1834 = arith.constant 32 : index
      %swap3A_1835 = tpu.vector_load %arg18[%swap3A_1832, %swap3A_1833, %swap3A_1834] {strides = array<i32>} : memref<6x80x64xf32, #tpu.memory_space<vmem>>, vector<16xf32>,
      tpu.vector_store %arg18[%swap3A_1832, %swap3A_1833, %swap3A_1834], %mul3A_1830 {strides = array<i32>} : memref<6x80x64xf32, #tpu.memory_space<vmem>>, vector<16xf32>,
      %get3A_1836 = arith.constant 30 : i32
      %get3A_1837 = arith.index_cast %scan3A_139 : i32 to index
      %get3A_1838 = arith.index_cast %get3A_1836 : i32 to index
      %get3A_1839 = arith.constant 48 : index
      %get3A_1840 = tpu.vector_load %arg18[%get3A_1837, %get3A_1838, %get3A_1839] {strides = array<i32>} : memref<6x80x64xf32, #tpu.memory_space<vmem>>, vector<16xf32>,
      %mul3A_1841 = vector.broadcast %squeeze3A_1799 : f32 to vector<16xf32>
      %mul3A_1842 = arith.mulf %get3A_1840, %mul3A_1841 : vector<16xf32>
      %swap3A_1843 = arith.constant 30 : i32
      %swap3A_1844 = arith.index_cast %scan3A_139 : i32 to index
      %swap3A_1845 = arith.index_cast %swap3A_1843 : i32 to index
      %swap3A_1846 = arith.constant 48 : index
      %swap3A_1847 = tpu.vector_load %arg18[%swap3A_1844, %swap3A_1845, %swap3A_1846] {strides = array<i32>} : memref<6x80x64xf32, #tpu.memory_space<vmem>>, vector<16xf32>,
      tpu.vector_store %arg18[%swap3A_1844, %swap3A_1845, %swap3A_1846], %mul3A_1842 {strides = array<i32>} : memref<6x80x64xf32, #tpu.memory_space<vmem>>, vector<16xf32>,
      %slice3A_1848 = vector.extract_strided_slice %get3A_1097 {offsets = [15], sizes = [1], strides = [1]} : vector<16xf32> to vector<1xf32>
      %squeeze3A_1849 = vector.extract %slice3A_1848[0] : f32 from vector<1xf32>
      %get3A_1850 = arith.constant 31 : i32
      %get3A_1851 = arith.index_cast %scan3A_139 : i32 to index
      %get3A_1852 = arith.index_cast %get3A_1850 : i32 to index
      %get3A_1853 = arith.constant 0 : index
      %get3A_1854 = tpu.vector_load %arg18[%get3A_1851, %get3A_1852, %get3A_1853] {strides = array<i32>} : memref<6x80x64xf32, #tpu.memory_space<vmem>>, vector<16xf32>,
      %mul3A_1855 = vector.broadcast %squeeze3A_1849 : f32 to vector<16xf32>
      %mul3A_1856 = arith.mulf %get3A_1854, %mul3A_1855 : vector<16xf32>
      %swap3A_1857 = arith.constant 31 : i32
      %swap3A_1858 = arith.index_cast %scan3A_139 : i32 to index
      %swap3A_1859 = arith.index_cast %swap3A_1857 : i32 to index
      %swap3A_1860 = arith.constant 0 : index
      %swap3A_1861 = tpu.vector_load %arg18[%swap3A_1858, %swap3A_1859, %swap3A_1860] {strides = array<i32>} : memref<6x80x64xf32, #tpu.memory_space<vmem>>, vector<16xf32>,
      tpu.vector_store %arg18[%swap3A_1858, %swap3A_1859, %swap3A_1860], %mul3A_1856 {strides = array<i32>} : memref<6x80x64xf32, #tpu.memory_space<vmem>>, vector<16xf32>,
      %get3A_1862 = arith.constant 31 : i32
      %get3A_1863 = arith.index_cast %scan3A_139 : i32 to index
      %get3A_1864 = arith.index_cast %get3A_1862 : i32 to index
      %get3A_1865 = arith.constant 16 : index
      %get3A_1866 = tpu.vector_load %arg18[%get3A_1863, %get3A_1864, %get3A_1865] {strides = array<i32>} : memref<6x80x64xf32, #tpu.memory_space<vmem>>, vector<16xf32>,
      %mul3A_1867 = vector.broadcast %squeeze3A_1849 : f32 to vector<16xf32>
      %mul3A_1868 = arith.mulf %get3A_1866, %mul3A_1867 : vector<16xf32>
      %swap3A_1869 = arith.constant 31 : i32
      %swap3A_1870 = arith.index_cast %scan3A_139 : i32 to index
      %swap3A_1871 = arith.index_cast %swap3A_1869 : i32 to index
      %swap3A_1872 = arith.constant 16 : index
      %swap3A_1873 = tpu.vector_load %arg18[%swap3A_1870, %swap3A_1871, %swap3A_1872] {strides = array<i32>} : memref<6x80x64xf32, #tpu.memory_space<vmem>>, vector<16xf32>,
      tpu.vector_store %arg18[%swap3A_1870, %swap3A_1871, %swap3A_1872], %mul3A_1868 {strides = array<i32>} : memref<6x80x64xf32, #tpu.memory_space<vmem>>, vector<16xf32>,
      %get3A_1874 = arith.constant 31 : i32
      %get3A_1875 = arith.index_cast %scan3A_139 : i32 to index
      %get3A_1876 = arith.index_cast %get3A_1874 : i32 to index
      %get3A_1877 = arith.constant 32 : index
      %get3A_1878 = tpu.vector_load %arg18[%get3A_1875, %get3A_1876, %get3A_1877] {strides = array<i32>} : memref<6x80x64xf32, #tpu.memory_space<vmem>>, vector<16xf32>,
      %mul3A_1879 = vector.broadcast %squeeze3A_1849 : f32 to vector<16xf32>
      %mul3A_1880 = arith.mulf %get3A_1878, %mul3A_1879 : vector<16xf32>
      %swap3A_1881 = arith.constant 31 : i32
      %swap3A_1882 = arith.index_cast %scan3A_139 : i32 to index
      %swap3A_1883 = arith.index_cast %swap3A_1881 : i32 to index
      %swap3A_1884 = arith.constant 32 : index
      %swap3A_1885 = tpu.vector_load %arg18[%swap3A_1882, %swap3A_1883, %swap3A_1884] {strides = array<i32>} : memref<6x80x64xf32, #tpu.memory_space<vmem>>, vector<16xf32>,
      tpu.vector_store %arg18[%swap3A_1882, %swap3A_1883, %swap3A_1884], %mul3A_1880 {strides = array<i32>} : memref<6x80x64xf32, #tpu.memory_space<vmem>>, vector<16xf32>,
      %get3A_1886 = arith.constant 31 : i32
      %get3A_1887 = arith.index_cast %scan3A_139 : i32 to index
      %get3A_1888 = arith.index_cast %get3A_1886 : i32 to index
      %get3A_1889 = arith.constant 48 : index
      %get3A_1890 = tpu.vector_load %arg18[%get3A_1887, %get3A_1888, %get3A_1889] {strides = array<i32>} : memref<6x80x64xf32, #tpu.memory_space<vmem>>, vector<16xf32>,
      %mul3A_1891 = vector.broadcast %squeeze3A_1849 : f32 to vector<16xf32>
      %mul3A_1892 = arith.mulf %get3A_1890, %mul3A_1891 : vector<16xf32>
      %swap3A_1893 = arith.constant 31 : i32
      %swap3A_1894 = arith.index_cast %scan3A_139 : i32 to index
      %swap3A_1895 = arith.index_cast %swap3A_1893 : i32 to index
      %swap3A_1896 = arith.constant 48 : index
      %swap3A_1897 = tpu.vector_load %arg18[%swap3A_1894, %swap3A_1895, %swap3A_1896] {strides = array<i32>} : memref<6x80x64xf32, #tpu.memory_space<vmem>>, vector<16xf32>,
      tpu.vector_store %arg18[%swap3A_1894, %swap3A_1895, %swap3A_1896], %mul3A_1892 {strides = array<i32>} : memref<6x80x64xf32, #tpu.memory_space<vmem>>, vector<16xf32>,
      %get3A_1898 = arith.constant 32 : index
      %get3A_1899 = tpu.vector_load %arg17[%get3A_1898] {strides = array<i32>} : memref<80xf32, #tpu.memory_space<vmem>>, vector<16xf32>,
      %slice3A_1900 = vector.extract_strided_slice %get3A_1899 {offsets = [0], sizes = [1], strides = [1]} : vector<16xf32> to vector<1xf32>
      %squeeze3A_1901 = vector.extract %slice3A_1900[0] : f32 from vector<1xf32>
      %get3A_1902 = arith.constant 32 : i32
      %get3A_1903 = arith.index_cast %scan3A_139 : i32 to index
      %get3A_1904 = arith.index_cast %get3A_1902 : i32 to index
      %get3A_1905 = arith.constant 0 : index
      %get3A_1906 = tpu.vector_load %arg18[%get3A_1903, %get3A_1904, %get3A_1905] {strides = array<i32>} : memref<6x80x64xf32, #tpu.memory_space<vmem>>, vector<16xf32>,
      %mul3A_1907 = vector.broadcast %squeeze3A_1901 : f32 to vector<16xf32>
      %mul3A_1908 = arith.mulf %get3A_1906, %mul3A_1907 : vector<16xf32>
      %swap3A_1909 = arith.constant 32 : i32
      %swap3A_1910 = arith.index_cast %scan3A_139 : i32 to index
      %swap3A_1911 = arith.index_cast %swap3A_1909 : i32 to index
      %swap3A_1912 = arith.constant 0 : index
      %swap3A_1913 = tpu.vector_load %arg18[%swap3A_1910, %swap3A_1911, %swap3A_1912] {strides = array<i32>} : memref<6x80x64xf32, #tpu.memory_space<vmem>>, vector<16xf32>,
      tpu.vector_store %arg18[%swap3A_1910, %swap3A_1911, %swap3A_1912], %mul3A_1908 {strides = array<i32>} : memref<6x80x64xf32, #tpu.memory_space<vmem>>, vector<16xf32>,
      %get3A_1914 = arith.constant 32 : i32
      %get3A_1915 = arith.index_cast %scan3A_139 : i32 to index
      %get3A_1916 = arith.index_cast %get3A_1914 : i32 to index
      %get3A_1917 = arith.constant 16 : index
      %get3A_1918 = tpu.vector_load %arg18[%get3A_1915, %get3A_1916, %get3A_1917] {strides = array<i32>} : memref<6x80x64xf32, #tpu.memory_space<vmem>>, vector<16xf32>,
      %mul3A_1919 = vector.broadcast %squeeze3A_1901 : f32 to vector<16xf32>
      %mul3A_1920 = arith.mulf %get3A_1918, %mul3A_1919 : vector<16xf32>
      %swap3A_1921 = arith.constant 32 : i32
      %swap3A_1922 = arith.index_cast %scan3A_139 : i32 to index
      %swap3A_1923 = arith.index_cast %swap3A_1921 : i32 to index
      %swap3A_1924 = arith.constant 16 : index
      %swap3A_1925 = tpu.vector_load %arg18[%swap3A_1922, %swap3A_1923, %swap3A_1924] {strides = array<i32>} : memref<6x80x64xf32, #tpu.memory_space<vmem>>, vector<16xf32>,
      tpu.vector_store %arg18[%swap3A_1922, %swap3A_1923, %swap3A_1924], %mul3A_1920 {strides = array<i32>} : memref<6x80x64xf32, #tpu.memory_space<vmem>>, vector<16xf32>,
      %get3A_1926 = arith.constant 32 : i32
      %get3A_1927 = arith.index_cast %scan3A_139 : i32 to index
      %get3A_1928 = arith.index_cast %get3A_1926 : i32 to index
      %get3A_1929 = arith.constant 32 : index
      %get3A_1930 = tpu.vector_load %arg18[%get3A_1927, %get3A_1928, %get3A_1929] {strides = array<i32>} : memref<6x80x64xf32, #tpu.memory_space<vmem>>, vector<16xf32>,
      %mul3A_1931 = vector.broadcast %squeeze3A_1901 : f32 to vector<16xf32>
      %mul3A_1932 = arith.mulf %get3A_1930, %mul3A_1931 : vector<16xf32>
      %swap3A_1933 = arith.constant 32 : i32
      %swap3A_1934 = arith.index_cast %scan3A_139 : i32 to index
      %swap3A_1935 = arith.index_cast %swap3A_1933 : i32 to index
      %swap3A_1936 = arith.constant 32 : index
      %swap3A_1937 = tpu.vector_load %arg18[%swap3A_1934, %swap3A_1935, %swap3A_1936] {strides = array<i32>} : memref<6x80x64xf32, #tpu.memory_space<vmem>>, vector<16xf32>,
      tpu.vector_store %arg18[%swap3A_1934, %swap3A_1935, %swap3A_1936], %mul3A_1932 {strides = array<i32>} : memref<6x80x64xf32, #tpu.memory_space<vmem>>, vector<16xf32>,
      %get3A_1938 = arith.constant 32 : i32
      %get3A_1939 = arith.index_cast %scan3A_139 : i32 to index
      %get3A_1940 = arith.index_cast %get3A_1938 : i32 to index
      %get3A_1941 = arith.constant 48 : index
      %get3A_1942 = tpu.vector_load %arg18[%get3A_1939, %get3A_1940, %get3A_1941] {strides = array<i32>} : memref<6x80x64xf32, #tpu.memory_space<vmem>>, vector<16xf32>,
      %mul3A_1943 = vector.broadcast %squeeze3A_1901 : f32 to vector<16xf32>
      %mul3A_1944 = arith.mulf %get3A_1942, %mul3A_1943 : vector<16xf32>
      %swap3A_1945 = arith.constant 32 : i32
      %swap3A_1946 = arith.index_cast %scan3A_139 : i32 to index
      %swap3A_1947 = arith.index_cast %swap3A_1945 : i32 to index
      %swap3A_1948 = arith.constant 48 : index
      %swap3A_1949 = tpu.vector_load %arg18[%swap3A_1946, %swap3A_1947, %swap3A_1948] {strides = array<i32>} : memref<6x80x64xf32, #tpu.memory_space<vmem>>, vector<16xf32>,
      tpu.vector_store %arg18[%swap3A_1946, %swap3A_1947, %swap3A_1948], %mul3A_1944 {strides = array<i32>} : memref<6x80x64xf32, #tpu.memory_space<vmem>>, vector<16xf32>,
      %slice3A_1950 = vector.extract_strided_slice %get3A_1899 {offsets = [1], sizes = [1], strides = [1]} : vector<16xf32> to vector<1xf32>
      %squeeze3A_1951 = vector.extract %slice3A_1950[0] : f32 from vector<1xf32>
      %get3A_1952 = arith.constant 33 : i32
      %get3A_1953 = arith.index_cast %scan3A_139 : i32 to index
      %get3A_1954 = arith.index_cast %get3A_1952 : i32 to index
      %get3A_1955 = arith.constant 0 : index
      %get3A_1956 = tpu.vector_load %arg18[%get3A_1953, %get3A_1954, %get3A_1955] {strides = array<i32>} : memref<6x80x64xf32, #tpu.memory_space<vmem>>, vector<16xf32>,
      %mul3A_1957 = vector.broadcast %squeeze3A_1951 : f32 to vector<16xf32>
      %mul3A_1958 = arith.mulf %get3A_1956, %mul3A_1957 : vector<16xf32>
      %swap3A_1959 = arith.constant 33 : i32
      %swap3A_1960 = arith.index_cast %scan3A_139 : i32 to index
      %swap3A_1961 = arith.index_cast %swap3A_1959 : i32 to index
      %swap3A_1962 = arith.constant 0 : index
      %swap3A_1963 = tpu.vector_load %arg18[%swap3A_1960, %swap3A_1961, %swap3A_1962] {strides = array<i32>} : memref<6x80x64xf32, #tpu.memory_space<vmem>>, vector<16xf32>,
      tpu.vector_store %arg18[%swap3A_1960, %swap3A_1961, %swap3A_1962], %mul3A_1958 {strides = array<i32>} : memref<6x80x64xf32, #tpu.memory_space<vmem>>, vector<16xf32>,
      %get3A_1964 = arith.constant 33 : i32
      %get3A_1965 = arith.index_cast %scan3A_139 : i32 to index
      %get3A_1966 = arith.index_cast %get3A_1964 : i32 to index
      %get3A_1967 = arith.constant 16 : index
      %get3A_1968 = tpu.vector_load %arg18[%get3A_1965, %get3A_1966, %get3A_1967] {strides = array<i32>} : memref<6x80x64xf32, #tpu.memory_space<vmem>>, vector<16xf32>,
      %mul3A_1969 = vector.broadcast %squeeze3A_1951 : f32 to vector<16xf32>
      %mul3A_1970 = arith.mulf %get3A_1968, %mul3A_1969 : vector<16xf32>
      %swap3A_1971 = arith.constant 33 : i32
      %swap3A_1972 = arith.index_cast %scan3A_139 : i32 to index
      %swap3A_1973 = arith.index_cast %swap3A_1971 : i32 to index
      %swap3A_1974 = arith.constant 16 : index
      %swap3A_1975 = tpu.vector_load %arg18[%swap3A_1972, %swap3A_1973, %swap3A_1974] {strides = array<i32>} : memref<6x80x64xf32, #tpu.memory_space<vmem>>, vector<16xf32>,
      tpu.vector_store %arg18[%swap3A_1972, %swap3A_1973, %swap3A_1974], %mul3A_1970 {strides = array<i32>} : memref<6x80x64xf32, #tpu.memory_space<vmem>>, vector<16xf32>,
      %get3A_1976 = arith.constant 33 : i32
      %get3A_1977 = arith.index_cast %scan3A_139 : i32 to index
      %get3A_1978 = arith.index_cast %get3A_1976 : i32 to index
      %get3A_1979 = arith.constant 32 : index
      %get3A_1980 = tpu.vector_load %arg18[%get3A_1977, %get3A_1978, %get3A_1979] {strides = array<i32>} : memref<6x80x64xf32, #tpu.memory_space<vmem>>, vector<16xf32>,
      %mul3A_1981 = vector.broadcast %squeeze3A_1951 : f32 to vector<16xf32>
      %mul3A_1982 = arith.mulf %get3A_1980, %mul3A_1981 : vector<16xf32>
      %swap3A_1983 = arith.constant 33 : i32
      %swap3A_1984 = arith.index_cast %scan3A_139 : i32 to index
      %swap3A_1985 = arith.index_cast %swap3A_1983 : i32 to index
      %swap3A_1986 = arith.constant 32 : index
      %swap3A_1987 = tpu.vector_load %arg18[%swap3A_1984, %swap3A_1985, %swap3A_1986] {strides = array<i32>} : memref<6x80x64xf32, #tpu.memory_space<vmem>>, vector<16xf32>,
      tpu.vector_store %arg18[%swap3A_1984, %swap3A_1985, %swap3A_1986], %mul3A_1982 {strides = array<i32>} : memref<6x80x64xf32, #tpu.memory_space<vmem>>, vector<16xf32>,
      %get3A_1988 = arith.constant 33 : i32
      %get3A_1989 = arith.index_cast %scan3A_139 : i32 to index
      %get3A_1990 = arith.index_cast %get3A_1988 : i32 to index
      %get3A_1991 = arith.constant 48 : index
      %get3A_1992 = tpu.vector_load %arg18[%get3A_1989, %get3A_1990, %get3A_1991] {strides = array<i32>} : memref<6x80x64xf32, #tpu.memory_space<vmem>>, vector<16xf32>,
      %mul3A_1993 = vector.broadcast %squeeze3A_1951 : f32 to vector<16xf32>
      %mul3A_1994 = arith.mulf %get3A_1992, %mul3A_1993 : vector<16xf32>
      %swap3A_1995 = arith.constant 33 : i32
      %swap3A_1996 = arith.index_cast %scan3A_139 : i32 to index
      %swap3A_1997 = arith.index_cast %swap3A_1995 : i32 to index
      %swap3A_1998 = arith.constant 48 : index
      %swap3A_1999 = tpu.vector_load %arg18[%swap3A_1996, %swap3A_1997, %swap3A_1998] {strides = array<i32>} : memref<6x80x64xf32, #tpu.memory_space<vmem>>, vector<16xf32>,
      tpu.vector_store %arg18[%swap3A_1996, %swap3A_1997, %swap3A_1998], %mul3A_1994 {strides = array<i32>} : memref<6x80x64xf32, #tpu.memory_space<vmem>>, vector<16xf32>,
      %slice3A_2000 = vector.extract_strided_slice %get3A_1899 {offsets = [2], sizes = [1], strides = [1]} : vector<16xf32> to vector<1xf32>
      %squeeze3A_2001 = vector.extract %slice3A_2000[0] : f32 from vector<1xf32>
      %get3A_2002 = arith.constant 34 : i32
      %get3A_2003 = arith.index_cast %scan3A_139 : i32 to index
      %get3A_2004 = arith.index_cast %get3A_2002 : i32 to index
      %get3A_2005 = arith.constant 0 : index
      %get3A_2006 = tpu.vector_load %arg18[%get3A_2003, %get3A_2004, %get3A_2005] {strides = array<i32>} : memref<6x80x64xf32, #tpu.memory_space<vmem>>, vector<16xf32>,
      %mul3A_2007 = vector.broadcast %squeeze3A_2001 : f32 to vector<16xf32>
      %mul3A_2008 = arith.mulf %get3A_2006, %mul3A_2007 : vector<16xf32>
      %swap3A_2009 = arith.constant 34 : i32
      %swap3A_2010 = arith.index_cast %scan3A_139 : i32 to index
      %swap3A_2011 = arith.index_cast %swap3A_2009 : i32 to index
      %swap3A_2012 = arith.constant 0 : index
      %swap3A_2013 = tpu.vector_load %arg18[%swap3A_2010, %swap3A_2011, %swap3A_2012] {strides = array<i32>} : memref<6x80x64xf32, #tpu.memory_space<vmem>>, vector<16xf32>,
      tpu.vector_store %arg18[%swap3A_2010, %swap3A_2011, %swap3A_2012], %mul3A_2008 {strides = array<i32>} : memref<6x80x64xf32, #tpu.memory_space<vmem>>, vector<16xf32>,
      %get3A_2014 = arith.constant 34 : i32
      %get3A_2015 = arith.index_cast %scan3A_139 : i32 to index
      %get3A_2016 = arith.index_cast %get3A_2014 : i32 to index
      %get3A_2017 = arith.constant 16 : index
      %get3A_2018 = tpu.vector_load %arg18[%get3A_2015, %get3A_2016, %get3A_2017] {strides = array<i32>} : memref<6x80x64xf32, #tpu.memory_space<vmem>>, vector<16xf32>,
      %mul3A_2019 = vector.broadcast %squeeze3A_2001 : f32 to vector<16xf32>
      %mul3A_2020 = arith.mulf %get3A_2018, %mul3A_2019 : vector<16xf32>
      %swap3A_2021 = arith.constant 34 : i32
      %swap3A_2022 = arith.index_cast %scan3A_139 : i32 to index
      %swap3A_2023 = arith.index_cast %swap3A_2021 : i32 to index
      %swap3A_2024 = arith.constant 16 : index
      %swap3A_2025 = tpu.vector_load %arg18[%swap3A_2022, %swap3A_2023, %swap3A_2024] {strides = array<i32>} : memref<6x80x64xf32, #tpu.memory_space<vmem>>, vector<16xf32>,
      tpu.vector_store %arg18[%swap3A_2022, %swap3A_2023, %swap3A_2024], %mul3A_2020 {strides = array<i32>} : memref<6x80x64xf32, #tpu.memory_space<vmem>>, vector<16xf32>,
      %get3A_2026 = arith.constant 34 : i32
      %get3A_2027 = arith.index_cast %scan3A_139 : i32 to index
      %get3A_2028 = arith.index_cast %get3A_2026 : i32 to index
      %get3A_2029 = arith.constant 32 : index
      %get3A_2030 = tpu.vector_load %arg18[%get3A_2027, %get3A_2028, %get3A_2029] {strides = array<i32>} : memref<6x80x64xf32, #tpu.memory_space<vmem>>, vector<16xf32>,
      %mul3A_2031 = vector.broadcast %squeeze3A_2001 : f32 to vector<16xf32>
      %mul3A_2032 = arith.mulf %get3A_2030, %mul3A_2031 : vector<16xf32>
      %swap3A_2033 = arith.constant 34 : i32
      %swap3A_2034 = arith.index_cast %scan3A_139 : i32 to index
      %swap3A_2035 = arith.index_cast %swap3A_2033 : i32 to index
      %swap3A_2036 = arith.constant 32 : index
      %swap3A_2037 = tpu.vector_load %arg18[%swap3A_2034, %swap3A_2035, %swap3A_2036] {strides = array<i32>} : memref<6x80x64xf32, #tpu.memory_space<vmem>>, vector<16xf32>,
      tpu.vector_store %arg18[%swap3A_2034, %swap3A_2035, %swap3A_2036], %mul3A_2032 {strides = array<i32>} : memref<6x80x64xf32, #tpu.memory_space<vmem>>, vector<16xf32>,
      %get3A_2038 = arith.constant 34 : i32
      %get3A_2039 = arith.index_cast %scan3A_139 : i32 to index
      %get3A_2040 = arith.index_cast %get3A_2038 : i32 to index
      %get3A_2041 = arith.constant 48 : index
      %get3A_2042 = tpu.vector_load %arg18[%get3A_2039, %get3A_2040, %get3A_2041] {strides = array<i32>} : memref<6x80x64xf32, #tpu.memory_space<vmem>>, vector<16xf32>,
      %mul3A_2043 = vector.broadcast %squeeze3A_2001 : f32 to vector<16xf32>
      %mul3A_2044 = arith.mulf %get3A_2042, %mul3A_2043 : vector<16xf32>
      %swap3A_2045 = arith.constant 34 : i32
      %swap3A_2046 = arith.index_cast %scan3A_139 : i32 to index
      %swap3A_2047 = arith.index_cast %swap3A_2045 : i32 to index
      %swap3A_2048 = arith.constant 48 : index
      %swap3A_2049 = tpu.vector_load %arg18[%swap3A_2046, %swap3A_2047, %swap3A_2048] {strides = array<i32>} : memref<6x80x64xf32, #tpu.memory_space<vmem>>, vector<16xf32>,
      tpu.vector_store %arg18[%swap3A_2046, %swap3A_2047, %swap3A_2048], %mul3A_2044 {strides = array<i32>} : memref<6x80x64xf32, #tpu.memory_space<vmem>>, vector<16xf32>,
      %slice3A_2050 = vector.extract_strided_slice %get3A_1899 {offsets = [3], sizes = [1], strides = [1]} : vector<16xf32> to vector<1xf32>
      %squeeze3A_2051 = vector.extract %slice3A_2050[0] : f32 from vector<1xf32>
      %get3A_2052 = arith.constant 35 : i32
      %get3A_2053 = arith.index_cast %scan3A_139 : i32 to index
      %get3A_2054 = arith.index_cast %get3A_2052 : i32 to index
      %get3A_2055 = arith.constant 0 : index
      %get3A_2056 = tpu.vector_load %arg18[%get3A_2053, %get3A_2054, %get3A_2055] {strides = array<i32>} : memref<6x80x64xf32, #tpu.memory_space<vmem>>, vector<16xf32>,
      %mul3A_2057 = vector.broadcast %squeeze3A_2051 : f32 to vector<16xf32>
      %mul3A_2058 = arith.mulf %get3A_2056, %mul3A_2057 : vector<16xf32>
      %swap3A_2059 = arith.constant 35 : i32
      %swap3A_2060 = arith.index_cast %scan3A_139 : i32 to index
      %swap3A_2061 = arith.index_cast %swap3A_2059 : i32 to index
      %swap3A_2062 = arith.constant 0 : index
      %swap3A_2063 = tpu.vector_load %arg18[%swap3A_2060, %swap3A_2061, %swap3A_2062] {strides = array<i32>} : memref<6x80x64xf32, #tpu.memory_space<vmem>>, vector<16xf32>,
      tpu.vector_store %arg18[%swap3A_2060, %swap3A_2061, %swap3A_2062], %mul3A_2058 {strides = array<i32>} : memref<6x80x64xf32, #tpu.memory_space<vmem>>, vector<16xf32>,
      %get3A_2064 = arith.constant 35 : i32
      %get3A_2065 = arith.index_cast %scan3A_139 : i32 to index
      %get3A_2066 = arith.index_cast %get3A_2064 : i32 to index
      %get3A_2067 = arith.constant 16 : index
      %get3A_2068 = tpu.vector_load %arg18[%get3A_2065, %get3A_2066, %get3A_2067] {strides = array<i32>} : memref<6x80x64xf32, #tpu.memory_space<vmem>>, vector<16xf32>,
      %mul3A_2069 = vector.broadcast %squeeze3A_2051 : f32 to vector<16xf32>
      %mul3A_2070 = arith.mulf %get3A_2068, %mul3A_2069 : vector<16xf32>
      %swap3A_2071 = arith.constant 35 : i32
      %swap3A_2072 = arith.index_cast %scan3A_139 : i32 to index
      %swap3A_2073 = arith.index_cast %swap3A_2071 : i32 to index
      %swap3A_2074 = arith.constant 16 : index
      %swap3A_2075 = tpu.vector_load %arg18[%swap3A_2072, %swap3A_2073, %swap3A_2074] {strides = array<i32>} : memref<6x80x64xf32, #tpu.memory_space<vmem>>, vector<16xf32>,
      tpu.vector_store %arg18[%swap3A_2072, %swap3A_2073, %swap3A_2074], %mul3A_2070 {strides = array<i32>} : memref<6x80x64xf32, #tpu.memory_space<vmem>>, vector<16xf32>,
      %get3A_2076 = arith.constant 35 : i32
      %get3A_2077 = arith.index_cast %scan3A_139 : i32 to index
      %get3A_2078 = arith.index_cast %get3A_2076 : i32 to index
      %get3A_2079 = arith.constant 32 : index
      %get3A_2080 = tpu.vector_load %arg18[%get3A_2077, %get3A_2078, %get3A_2079] {strides = array<i32>} : memref<6x80x64xf32, #tpu.memory_space<vmem>>, vector<16xf32>,
      %mul3A_2081 = vector.broadcast %squeeze3A_2051 : f32 to vector<16xf32>
      %mul3A_2082 = arith.mulf %get3A_2080, %mul3A_2081 : vector<16xf32>
      %swap3A_2083 = arith.constant 35 : i32
      %swap3A_2084 = arith.index_cast %scan3A_139 : i32 to index
      %swap3A_2085 = arith.index_cast %swap3A_2083 : i32 to index
      %swap3A_2086 = arith.constant 32 : index
      %swap3A_2087 = tpu.vector_load %arg18[%swap3A_2084, %swap3A_2085, %swap3A_2086] {strides = array<i32>} : memref<6x80x64xf32, #tpu.memory_space<vmem>>, vector<16xf32>,
      tpu.vector_store %arg18[%swap3A_2084, %swap3A_2085, %swap3A_2086], %mul3A_2082 {strides = array<i32>} : memref<6x80x64xf32, #tpu.memory_space<vmem>>, vector<16xf32>,
      %get3A_2088 = arith.constant 35 : i32
      %get3A_2089 = arith.index_cast %scan3A_139 : i32 to index
      %get3A_2090 = arith.index_cast %get3A_2088 : i32 to index
      %get3A_2091 = arith.constant 48 : index
      %get3A_2092 = tpu.vector_load %arg18[%get3A_2089, %get3A_2090, %get3A_2091] {strides = array<i32>} : memref<6x80x64xf32, #tpu.memory_space<vmem>>, vector<16xf32>,
      %mul3A_2093 = vector.broadcast %squeeze3A_2051 : f32 to vector<16xf32>
      %mul3A_2094 = arith.mulf %get3A_2092, %mul3A_2093 : vector<16xf32>
      %swap3A_2095 = arith.constant 35 : i32
      %swap3A_2096 = arith.index_cast %scan3A_139 : i32 to index
      %swap3A_2097 = arith.index_cast %swap3A_2095 : i32 to index
      %swap3A_2098 = arith.constant 48 : index
      %swap3A_2099 = tpu.vector_load %arg18[%swap3A_2096, %swap3A_2097, %swap3A_2098] {strides = array<i32>} : memref<6x80x64xf32, #tpu.memory_space<vmem>>, vector<16xf32>,
      tpu.vector_store %arg18[%swap3A_2096, %swap3A_2097, %swap3A_2098], %mul3A_2094 {strides = array<i32>} : memref<6x80x64xf32, #tpu.memory_space<vmem>>, vector<16xf32>,
      %slice3A_2100 = vector.extract_strided_slice %get3A_1899 {offsets = [4], sizes = [1], strides = [1]} : vector<16xf32> to vector<1xf32>
      %squeeze3A_2101 = vector.extract %slice3A_2100[0] : f32 from vector<1xf32>
      %get3A_2102 = arith.constant 36 : i32
      %get3A_2103 = arith.index_cast %scan3A_139 : i32 to index
      %get3A_2104 = arith.index_cast %get3A_2102 : i32 to index
      %get3A_2105 = arith.constant 0 : index
      %get3A_2106 = tpu.vector_load %arg18[%get3A_2103, %get3A_2104, %get3A_2105] {strides = array<i32>} : memref<6x80x64xf32, #tpu.memory_space<vmem>>, vector<16xf32>,
      %mul3A_2107 = vector.broadcast %squeeze3A_2101 : f32 to vector<16xf32>
      %mul3A_2108 = arith.mulf %get3A_2106, %mul3A_2107 : vector<16xf32>
      %swap3A_2109 = arith.constant 36 : i32
      %swap3A_2110 = arith.index_cast %scan3A_139 : i32 to index
      %swap3A_2111 = arith.index_cast %swap3A_2109 : i32 to index
      %swap3A_2112 = arith.constant 0 : index
      %swap3A_2113 = tpu.vector_load %arg18[%swap3A_2110, %swap3A_2111, %swap3A_2112] {strides = array<i32>} : memref<6x80x64xf32, #tpu.memory_space<vmem>>, vector<16xf32>,
      tpu.vector_store %arg18[%swap3A_2110, %swap3A_2111, %swap3A_2112], %mul3A_2108 {strides = array<i32>} : memref<6x80x64xf32, #tpu.memory_space<vmem>>, vector<16xf32>,
      %get3A_2114 = arith.constant 36 : i32
      %get3A_2115 = arith.index_cast %scan3A_139 : i32 to index
      %get3A_2116 = arith.index_cast %get3A_2114 : i32 to index
      %get3A_2117 = arith.constant 16 : index
      %get3A_2118 = tpu.vector_load %arg18[%get3A_2115, %get3A_2116, %get3A_2117] {strides = array<i32>} : memref<6x80x64xf32, #tpu.memory_space<vmem>>, vector<16xf32>,
      %mul3A_2119 = vector.broadcast %squeeze3A_2101 : f32 to vector<16xf32>
      %mul3A_2120 = arith.mulf %get3A_2118, %mul3A_2119 : vector<16xf32>
      %swap3A_2121 = arith.constant 36 : i32
      %swap3A_2122 = arith.index_cast %scan3A_139 : i32 to index
      %swap3A_2123 = arith.index_cast %swap3A_2121 : i32 to index
      %swap3A_2124 = arith.constant 16 : index
      %swap3A_2125 = tpu.vector_load %arg18[%swap3A_2122, %swap3A_2123, %swap3A_2124] {strides = array<i32>} : memref<6x80x64xf32, #tpu.memory_space<vmem>>, vector<16xf32>,
      tpu.vector_store %arg18[%swap3A_2122, %swap3A_2123, %swap3A_2124], %mul3A_2120 {strides = array<i32>} : memref<6x80x64xf32, #tpu.memory_space<vmem>>, vector<16xf32>,
      %get3A_2126 = arith.constant 36 : i32
      %get3A_2127 = arith.index_cast %scan3A_139 : i32 to index
      %get3A_2128 = arith.index_cast %get3A_2126 : i32 to index
      %get3A_2129 = arith.constant 32 : index
      %get3A_2130 = tpu.vector_load %arg18[%get3A_2127, %get3A_2128, %get3A_2129] {strides = array<i32>} : memref<6x80x64xf32, #tpu.memory_space<vmem>>, vector<16xf32>,
      %mul3A_2131 = vector.broadcast %squeeze3A_2101 : f32 to vector<16xf32>
      %mul3A_2132 = arith.mulf %get3A_2130, %mul3A_2131 : vector<16xf32>
      %swap3A_2133 = arith.constant 36 : i32
      %swap3A_2134 = arith.index_cast %scan3A_139 : i32 to index
      %swap3A_2135 = arith.index_cast %swap3A_2133 : i32 to index
      %swap3A_2136 = arith.constant 32 : index
      %swap3A_2137 = tpu.vector_load %arg18[%swap3A_2134, %swap3A_2135, %swap3A_2136] {strides = array<i32>} : memref<6x80x64xf32, #tpu.memory_space<vmem>>, vector<16xf32>,
      tpu.vector_store %arg18[%swap3A_2134, %swap3A_2135, %swap3A_2136], %mul3A_2132 {strides = array<i32>} : memref<6x80x64xf32, #tpu.memory_space<vmem>>, vector<16xf32>,
      %get3A_2138 = arith.constant 36 : i32
      %get3A_2139 = arith.index_cast %scan3A_139 : i32 to index
      %get3A_2140 = arith.index_cast %get3A_2138 : i32 to index
      %get3A_2141 = arith.constant 48 : index
      %get3A_2142 = tpu.vector_load %arg18[%get3A_2139, %get3A_2140, %get3A_2141] {strides = array<i32>} : memref<6x80x64xf32, #tpu.memory_space<vmem>>, vector<16xf32>,
      %mul3A_2143 = vector.broadcast %squeeze3A_2101 : f32 to vector<16xf32>
      %mul3A_2144 = arith.mulf %get3A_2142, %mul3A_2143 : vector<16xf32>
      %swap3A_2145 = arith.constant 36 : i32
      %swap3A_2146 = arith.index_cast %scan3A_139 : i32 to index
      %swap3A_2147 = arith.index_cast %swap3A_2145 : i32 to index
      %swap3A_2148 = arith.constant 48 : index
      %swap3A_2149 = tpu.vector_load %arg18[%swap3A_2146, %swap3A_2147, %swap3A_2148] {strides = array<i32>} : memref<6x80x64xf32, #tpu.memory_space<vmem>>, vector<16xf32>,
      tpu.vector_store %arg18[%swap3A_2146, %swap3A_2147, %swap3A_2148], %mul3A_2144 {strides = array<i32>} : memref<6x80x64xf32, #tpu.memory_space<vmem>>, vector<16xf32>,
      %slice3A_2150 = vector.extract_strided_slice %get3A_1899 {offsets = [5], sizes = [1], strides = [1]} : vector<16xf32> to vector<1xf32>
      %squeeze3A_2151 = vector.extract %slice3A_2150[0] : f32 from vector<1xf32>
      %get3A_2152 = arith.constant 37 : i32
      %get3A_2153 = arith.index_cast %scan3A_139 : i32 to index
      %get3A_2154 = arith.index_cast %get3A_2152 : i32 to index
      %get3A_2155 = arith.constant 0 : index
      %get3A_2156 = tpu.vector_load %arg18[%get3A_2153, %get3A_2154, %get3A_2155] {strides = array<i32>} : memref<6x80x64xf32, #tpu.memory_space<vmem>>, vector<16xf32>,
      %mul3A_2157 = vector.broadcast %squeeze3A_2151 : f32 to vector<16xf32>
      %mul3A_2158 = arith.mulf %get3A_2156, %mul3A_2157 : vector<16xf32>
      %swap3A_2159 = arith.constant 37 : i32
      %swap3A_2160 = arith.index_cast %scan3A_139 : i32 to index
      %swap3A_2161 = arith.index_cast %swap3A_2159 : i32 to index
      %swap3A_2162 = arith.constant 0 : index
      %swap3A_2163 = tpu.vector_load %arg18[%swap3A_2160, %swap3A_2161, %swap3A_2162] {strides = array<i32>} : memref<6x80x64xf32, #tpu.memory_space<vmem>>, vector<16xf32>,
      tpu.vector_store %arg18[%swap3A_2160, %swap3A_2161, %swap3A_2162], %mul3A_2158 {strides = array<i32>} : memref<6x80x64xf32, #tpu.memory_space<vmem>>, vector<16xf32>,
      %get3A_2164 = arith.constant 37 : i32
      %get3A_2165 = arith.index_cast %scan3A_139 : i32 to index
      %get3A_2166 = arith.index_cast %get3A_2164 : i32 to index
      %get3A_2167 = arith.constant 16 : index
      %get3A_2168 = tpu.vector_load %arg18[%get3A_2165, %get3A_2166, %get3A_2167] {strides = array<i32>} : memref<6x80x64xf32, #tpu.memory_space<vmem>>, vector<16xf32>,
      %mul3A_2169 = vector.broadcast %squeeze3A_2151 : f32 to vector<16xf32>
      %mul3A_2170 = arith.mulf %get3A_2168, %mul3A_2169 : vector<16xf32>
      %swap3A_2171 = arith.constant 37 : i32
      %swap3A_2172 = arith.index_cast %scan3A_139 : i32 to index
      %swap3A_2173 = arith.index_cast %swap3A_2171 : i32 to index
      %swap3A_2174 = arith.constant 16 : index
      %swap3A_2175 = tpu.vector_load %arg18[%swap3A_2172, %swap3A_2173, %swap3A_2174] {strides = array<i32>} : memref<6x80x64xf32, #tpu.memory_space<vmem>>, vector<16xf32>,
      tpu.vector_store %arg18[%swap3A_2172, %swap3A_2173, %swap3A_2174], %mul3A_2170 {strides = array<i32>} : memref<6x80x64xf32, #tpu.memory_space<vmem>>, vector<16xf32>,
      %get3A_2176 = arith.constant 37 : i32
      %get3A_2177 = arith.index_cast %scan3A_139 : i32 to index
      %get3A_2178 = arith.index_cast %get3A_2176 : i32 to index
      %get3A_2179 = arith.constant 32 : index
      %get3A_2180 = tpu.vector_load %arg18[%get3A_2177, %get3A_2178, %get3A_2179] {strides = array<i32>} : memref<6x80x64xf32, #tpu.memory_space<vmem>>, vector<16xf32>,
      %mul3A_2181 = vector.broadcast %squeeze3A_2151 : f32 to vector<16xf32>
      %mul3A_2182 = arith.mulf %get3A_2180, %mul3A_2181 : vector<16xf32>
      %swap3A_2183 = arith.constant 37 : i32
      %swap3A_2184 = arith.index_cast %scan3A_139 : i32 to index
      %swap3A_2185 = arith.index_cast %swap3A_2183 : i32 to index
      %swap3A_2186 = arith.constant 32 : index
      %swap3A_2187 = tpu.vector_load %arg18[%swap3A_2184, %swap3A_2185, %swap3A_2186] {strides = array<i32>} : memref<6x80x64xf32, #tpu.memory_space<vmem>>, vector<16xf32>,
      tpu.vector_store %arg18[%swap3A_2184, %swap3A_2185, %swap3A_2186], %mul3A_2182 {strides = array<i32>} : memref<6x80x64xf32, #tpu.memory_space<vmem>>, vector<16xf32>,
      %get3A_2188 = arith.constant 37 : i32
      %get3A_2189 = arith.index_cast %scan3A_139 : i32 to index
      %get3A_2190 = arith.index_cast %get3A_2188 : i32 to index
      %get3A_2191 = arith.constant 48 : index
      %get3A_2192 = tpu.vector_load %arg18[%get3A_2189, %get3A_2190, %get3A_2191] {strides = array<i32>} : memref<6x80x64xf32, #tpu.memory_space<vmem>>, vector<16xf32>,
      %mul3A_2193 = vector.broadcast %squeeze3A_2151 : f32 to vector<16xf32>
      %mul3A_2194 = arith.mulf %get3A_2192, %mul3A_2193 : vector<16xf32>
      %swap3A_2195 = arith.constant 37 : i32
      %swap3A_2196 = arith.index_cast %scan3A_139 : i32 to index
      %swap3A_2197 = arith.index_cast %swap3A_2195 : i32 to index
      %swap3A_2198 = arith.constant 48 : index
      %swap3A_2199 = tpu.vector_load %arg18[%swap3A_2196, %swap3A_2197, %swap3A_2198] {strides = array<i32>} : memref<6x80x64xf32, #tpu.memory_space<vmem>>, vector<16xf32>,
      tpu.vector_store %arg18[%swap3A_2196, %swap3A_2197, %swap3A_2198], %mul3A_2194 {strides = array<i32>} : memref<6x80x64xf32, #tpu.memory_space<vmem>>, vector<16xf32>,
      %slice3A_2200 = vector.extract_strided_slice %get3A_1899 {offsets = [6], sizes = [1], strides = [1]} : vector<16xf32> to vector<1xf32>
      %squeeze3A_2201 = vector.extract %slice3A_2200[0] : f32 from vector<1xf32>
      %get3A_2202 = arith.constant 38 : i32
      %get3A_2203 = arith.index_cast %scan3A_139 : i32 to index
      %get3A_2204 = arith.index_cast %get3A_2202 : i32 to index
      %get3A_2205 = arith.constant 0 : index
      %get3A_2206 = tpu.vector_load %arg18[%get3A_2203, %get3A_2204, %get3A_2205] {strides = array<i32>} : memref<6x80x64xf32, #tpu.memory_space<vmem>>, vector<16xf32>,
      %mul3A_2207 = vector.broadcast %squeeze3A_2201 : f32 to vector<16xf32>
      %mul3A_2208 = arith.mulf %get3A_2206, %mul3A_2207 : vector<16xf32>
      %swap3A_2209 = arith.constant 38 : i32
      %swap3A_2210 = arith.index_cast %scan3A_139 : i32 to index
      %swap3A_2211 = arith.index_cast %swap3A_2209 : i32 to index
      %swap3A_2212 = arith.constant 0 : index
      %swap3A_2213 = tpu.vector_load %arg18[%swap3A_2210, %swap3A_2211, %swap3A_2212] {strides = array<i32>} : memref<6x80x64xf32, #tpu.memory_space<vmem>>, vector<16xf32>,
      tpu.vector_store %arg18[%swap3A_2210, %swap3A_2211, %swap3A_2212], %mul3A_2208 {strides = array<i32>} : memref<6x80x64xf32, #tpu.memory_space<vmem>>, vector<16xf32>,
      %get3A_2214 = arith.constant 38 : i32
      %get3A_2215 = arith.index_cast %scan3A_139 : i32 to index
      %get3A_2216 = arith.index_cast %get3A_2214 : i32 to index
      %get3A_2217 = arith.constant 16 : index
      %get3A_2218 = tpu.vector_load %arg18[%get3A_2215, %get3A_2216, %get3A_2217] {strides = array<i32>} : memref<6x80x64xf32, #tpu.memory_space<vmem>>, vector<16xf32>,
      %mul3A_2219 = vector.broadcast %squeeze3A_2201 : f32 to vector<16xf32>
      %mul3A_2220 = arith.mulf %get3A_2218, %mul3A_2219 : vector<16xf32>
      %swap3A_2221 = arith.constant 38 : i32
      %swap3A_2222 = arith.index_cast %scan3A_139 : i32 to index
      %swap3A_2223 = arith.index_cast %swap3A_2221 : i32 to index
      %swap3A_2224 = arith.constant 16 : index
      %swap3A_2225 = tpu.vector_load %arg18[%swap3A_2222, %swap3A_2223, %swap3A_2224] {strides = array<i32>} : memref<6x80x64xf32, #tpu.memory_space<vmem>>, vector<16xf32>,
      tpu.vector_store %arg18[%swap3A_2222, %swap3A_2223, %swap3A_2224], %mul3A_2220 {strides = array<i32>} : memref<6x80x64xf32, #tpu.memory_space<vmem>>, vector<16xf32>,
      %get3A_2226 = arith.constant 38 : i32
      %get3A_2227 = arith.index_cast %scan3A_139 : i32 to index
      %get3A_2228 = arith.index_cast %get3A_2226 : i32 to index
      %get3A_2229 = arith.constant 32 : index
      %get3A_2230 = tpu.vector_load %arg18[%get3A_2227, %get3A_2228, %get3A_2229] {strides = array<i32>} : memref<6x80x64xf32, #tpu.memory_space<vmem>>, vector<16xf32>,
      %mul3A_2231 = vector.broadcast %squeeze3A_2201 : f32 to vector<16xf32>
      %mul3A_2232 = arith.mulf %get3A_2230, %mul3A_2231 : vector<16xf32>
      %swap3A_2233 = arith.constant 38 : i32
      %swap3A_2234 = arith.index_cast %scan3A_139 : i32 to index
      %swap3A_2235 = arith.index_cast %swap3A_2233 : i32 to index
      %swap3A_2236 = arith.constant 32 : index
      %swap3A_2237 = tpu.vector_load %arg18[%swap3A_2234, %swap3A_2235, %swap3A_2236] {strides = array<i32>} : memref<6x80x64xf32, #tpu.memory_space<vmem>>, vector<16xf32>,
      tpu.vector_store %arg18[%swap3A_2234, %swap3A_2235, %swap3A_2236], %mul3A_2232 {strides = array<i32>} : memref<6x80x64xf32, #tpu.memory_space<vmem>>, vector<16xf32>,
      %get3A_2238 = arith.constant 38 : i32
      %get3A_2239 = arith.index_cast %scan3A_139 : i32 to index
      %get3A_2240 = arith.index_cast %get3A_2238 : i32 to index
      %get3A_2241 = arith.constant 48 : index
      %get3A_2242 = tpu.vector_load %arg18[%get3A_2239, %get3A_2240, %get3A_2241] {strides = array<i32>} : memref<6x80x64xf32, #tpu.memory_space<vmem>>, vector<16xf32>,
      %mul3A_2243 = vector.broadcast %squeeze3A_2201 : f32 to vector<16xf32>
      %mul3A_2244 = arith.mulf %get3A_2242, %mul3A_2243 : vector<16xf32>
      %swap3A_2245 = arith.constant 38 : i32
      %swap3A_2246 = arith.index_cast %scan3A_139 : i32 to index
      %swap3A_2247 = arith.index_cast %swap3A_2245 : i32 to index
      %swap3A_2248 = arith.constant 48 : index
      %swap3A_2249 = tpu.vector_load %arg18[%swap3A_2246, %swap3A_2247, %swap3A_2248] {strides = array<i32>} : memref<6x80x64xf32, #tpu.memory_space<vmem>>, vector<16xf32>,
      tpu.vector_store %arg18[%swap3A_2246, %swap3A_2247, %swap3A_2248], %mul3A_2244 {strides = array<i32>} : memref<6x80x64xf32, #tpu.memory_space<vmem>>, vector<16xf32>,
      %slice3A_2250 = vector.extract_strided_slice %get3A_1899 {offsets = [7], sizes = [1], strides = [1]} : vector<16xf32> to vector<1xf32>
      %squeeze3A_2251 = vector.extract %slice3A_2250[0] : f32 from vector<1xf32>
      %get3A_2252 = arith.constant 39 : i32
      %get3A_2253 = arith.index_cast %scan3A_139 : i32 to index
      %get3A_2254 = arith.index_cast %get3A_2252 : i32 to index
      %get3A_2255 = arith.constant 0 : index
      %get3A_2256 = tpu.vector_load %arg18[%get3A_2253, %get3A_2254, %get3A_2255] {strides = array<i32>} : memref<6x80x64xf32, #tpu.memory_space<vmem>>, vector<16xf32>,
      %mul3A_2257 = vector.broadcast %squeeze3A_2251 : f32 to vector<16xf32>
      %mul3A_2258 = arith.mulf %get3A_2256, %mul3A_2257 : vector<16xf32>
      %swap3A_2259 = arith.constant 39 : i32
      %swap3A_2260 = arith.index_cast %scan3A_139 : i32 to index
      %swap3A_2261 = arith.index_cast %swap3A_2259 : i32 to index
      %swap3A_2262 = arith.constant 0 : index
      %swap3A_2263 = tpu.vector_load %arg18[%swap3A_2260, %swap3A_2261, %swap3A_2262] {strides = array<i32>} : memref<6x80x64xf32, #tpu.memory_space<vmem>>, vector<16xf32>,
      tpu.vector_store %arg18[%swap3A_2260, %swap3A_2261, %swap3A_2262], %mul3A_2258 {strides = array<i32>} : memref<6x80x64xf32, #tpu.memory_space<vmem>>, vector<16xf32>,
      %get3A_2264 = arith.constant 39 : i32
      %get3A_2265 = arith.index_cast %scan3A_139 : i32 to index
      %get3A_2266 = arith.index_cast %get3A_2264 : i32 to index
      %get3A_2267 = arith.constant 16 : index
      %get3A_2268 = tpu.vector_load %arg18[%get3A_2265, %get3A_2266, %get3A_2267] {strides = array<i32>} : memref<6x80x64xf32, #tpu.memory_space<vmem>>, vector<16xf32>,
      %mul3A_2269 = vector.broadcast %squeeze3A_2251 : f32 to vector<16xf32>
      %mul3A_2270 = arith.mulf %get3A_2268, %mul3A_2269 : vector<16xf32>
      %swap3A_2271 = arith.constant 39 : i32
      %swap3A_2272 = arith.index_cast %scan3A_139 : i32 to index
      %swap3A_2273 = arith.index_cast %swap3A_2271 : i32 to index
      %swap3A_2274 = arith.constant 16 : index
      %swap3A_2275 = tpu.vector_load %arg18[%swap3A_2272, %swap3A_2273, %swap3A_2274] {strides = array<i32>} : memref<6x80x64xf32, #tpu.memory_space<vmem>>, vector<16xf32>,
      tpu.vector_store %arg18[%swap3A_2272, %swap3A_2273, %swap3A_2274], %mul3A_2270 {strides = array<i32>} : memref<6x80x64xf32, #tpu.memory_space<vmem>>, vector<16xf32>,
      %get3A_2276 = arith.constant 39 : i32
      %get3A_2277 = arith.index_cast %scan3A_139 : i32 to index
      %get3A_2278 = arith.index_cast %get3A_2276 : i32 to index
      %get3A_2279 = arith.constant 32 : index
      %get3A_2280 = tpu.vector_load %arg18[%get3A_2277, %get3A_2278, %get3A_2279] {strides = array<i32>} : memref<6x80x64xf32, #tpu.memory_space<vmem>>, vector<16xf32>,
      %mul3A_2281 = vector.broadcast %squeeze3A_2251 : f32 to vector<16xf32>
      %mul3A_2282 = arith.mulf %get3A_2280, %mul3A_2281 : vector<16xf32>
      %swap3A_2283 = arith.constant 39 : i32
      %swap3A_2284 = arith.index_cast %scan3A_139 : i32 to index
      %swap3A_2285 = arith.index_cast %swap3A_2283 : i32 to index
      %swap3A_2286 = arith.constant 32 : index
      %swap3A_2287 = tpu.vector_load %arg18[%swap3A_2284, %swap3A_2285, %swap3A_2286] {strides = array<i32>} : memref<6x80x64xf32, #tpu.memory_space<vmem>>, vector<16xf32>,
      tpu.vector_store %arg18[%swap3A_2284, %swap3A_2285, %swap3A_2286], %mul3A_2282 {strides = array<i32>} : memref<6x80x64xf32, #tpu.memory_space<vmem>>, vector<16xf32>,
      %get3A_2288 = arith.constant 39 : i32
      %get3A_2289 = arith.index_cast %scan3A_139 : i32 to index
      %get3A_2290 = arith.index_cast %get3A_2288 : i32 to index
      %get3A_2291 = arith.constant 48 : index
      %get3A_2292 = tpu.vector_load %arg18[%get3A_2289, %get3A_2290, %get3A_2291] {strides = array<i32>} : memref<6x80x64xf32, #tpu.memory_space<vmem>>, vector<16xf32>,
      %mul3A_2293 = vector.broadcast %squeeze3A_2251 : f32 to vector<16xf32>
      %mul3A_2294 = arith.mulf %get3A_2292, %mul3A_2293 : vector<16xf32>
      %swap3A_2295 = arith.constant 39 : i32
      %swap3A_2296 = arith.index_cast %scan3A_139 : i32 to index
      %swap3A_2297 = arith.index_cast %swap3A_2295 : i32 to index
      %swap3A_2298 = arith.constant 48 : index
      %swap3A_2299 = tpu.vector_load %arg18[%swap3A_2296, %swap3A_2297, %swap3A_2298] {strides = array<i32>} : memref<6x80x64xf32, #tpu.memory_space<vmem>>, vector<16xf32>,
      tpu.vector_store %arg18[%swap3A_2296, %swap3A_2297, %swap3A_2298], %mul3A_2294 {strides = array<i32>} : memref<6x80x64xf32, #tpu.memory_space<vmem>>, vector<16xf32>,
      %slice3A_2300 = vector.extract_strided_slice %get3A_1899 {offsets = [8], sizes = [1], strides = [1]} : vector<16xf32> to vector<1xf32>
      %squeeze3A_2301 = vector.extract %slice3A_2300[0] : f32 from vector<1xf32>
      %get3A_2302 = arith.constant 40 : i32
      %get3A_2303 = arith.index_cast %scan3A_139 : i32 to index
      %get3A_2304 = arith.index_cast %get3A_2302 : i32 to index
      %get3A_2305 = arith.constant 0 : index
      %get3A_2306 = tpu.vector_load %arg18[%get3A_2303, %get3A_2304, %get3A_2305] {strides = array<i32>} : memref<6x80x64xf32, #tpu.memory_space<vmem>>, vector<16xf32>,
      %mul3A_2307 = vector.broadcast %squeeze3A_2301 : f32 to vector<16xf32>
      %mul3A_2308 = arith.mulf %get3A_2306, %mul3A_2307 : vector<16xf32>
      %swap3A_2309 = arith.constant 40 : i32
      %swap3A_2310 = arith.index_cast %scan3A_139 : i32 to index
      %swap3A_2311 = arith.index_cast %swap3A_2309 : i32 to index
      %swap3A_2312 = arith.constant 0 : index
      %swap3A_2313 = tpu.vector_load %arg18[%swap3A_2310, %swap3A_2311, %swap3A_2312] {strides = array<i32>} : memref<6x80x64xf32, #tpu.memory_space<vmem>>, vector<16xf32>,
      tpu.vector_store %arg18[%swap3A_2310, %swap3A_2311, %swap3A_2312], %mul3A_2308 {strides = array<i32>} : memref<6x80x64xf32, #tpu.memory_space<vmem>>, vector<16xf32>,
      %get3A_2314 = arith.constant 40 : i32
      %get3A_2315 = arith.index_cast %scan3A_139 : i32 to index
      %get3A_2316 = arith.index_cast %get3A_2314 : i32 to index
      %get3A_2317 = arith.constant 16 : index
      %get3A_2318 = tpu.vector_load %arg18[%get3A_2315, %get3A_2316, %get3A_2317] {strides = array<i32>} : memref<6x80x64xf32, #tpu.memory_space<vmem>>, vector<16xf32>,
      %mul3A_2319 = vector.broadcast %squeeze3A_2301 : f32 to vector<16xf32>
      %mul3A_2320 = arith.mulf %get3A_2318, %mul3A_2319 : vector<16xf32>
      %swap3A_2321 = arith.constant 40 : i32
      %swap3A_2322 = arith.index_cast %scan3A_139 : i32 to index
      %swap3A_2323 = arith.index_cast %swap3A_2321 : i32 to index
      %swap3A_2324 = arith.constant 16 : index
      %swap3A_2325 = tpu.vector_load %arg18[%swap3A_2322, %swap3A_2323, %swap3A_2324] {strides = array<i32>} : memref<6x80x64xf32, #tpu.memory_space<vmem>>, vector<16xf32>,
      tpu.vector_store %arg18[%swap3A_2322, %swap3A_2323, %swap3A_2324], %mul3A_2320 {strides = array<i32>} : memref<6x80x64xf32, #tpu.memory_space<vmem>>, vector<16xf32>,
      %get3A_2326 = arith.constant 40 : i32
      %get3A_2327 = arith.index_cast %scan3A_139 : i32 to index
      %get3A_2328 = arith.index_cast %get3A_2326 : i32 to index
      %get3A_2329 = arith.constant 32 : index
      %get3A_2330 = tpu.vector_load %arg18[%get3A_2327, %get3A_2328, %get3A_2329] {strides = array<i32>} : memref<6x80x64xf32, #tpu.memory_space<vmem>>, vector<16xf32>,
      %mul3A_2331 = vector.broadcast %squeeze3A_2301 : f32 to vector<16xf32>
      %mul3A_2332 = arith.mulf %get3A_2330, %mul3A_2331 : vector<16xf32>
      %swap3A_2333 = arith.constant 40 : i32
      %swap3A_2334 = arith.index_cast %scan3A_139 : i32 to index
      %swap3A_2335 = arith.index_cast %swap3A_2333 : i32 to index
      %swap3A_2336 = arith.constant 32 : index
      %swap3A_2337 = tpu.vector_load %arg18[%swap3A_2334, %swap3A_2335, %swap3A_2336] {strides = array<i32>} : memref<6x80x64xf32, #tpu.memory_space<vmem>>, vector<16xf32>,
      tpu.vector_store %arg18[%swap3A_2334, %swap3A_2335, %swap3A_2336], %mul3A_2332 {strides = array<i32>} : memref<6x80x64xf32, #tpu.memory_space<vmem>>, vector<16xf32>,
      %get3A_2338 = arith.constant 40 : i32
      %get3A_2339 = arith.index_cast %scan3A_139 : i32 to index
      %get3A_2340 = arith.index_cast %get3A_2338 : i32 to index
      %get3A_2341 = arith.constant 48 : index
      %get3A_2342 = tpu.vector_load %arg18[%get3A_2339, %get3A_2340, %get3A_2341] {strides = array<i32>} : memref<6x80x64xf32, #tpu.memory_space<vmem>>, vector<16xf32>,
      %mul3A_2343 = vector.broadcast %squeeze3A_2301 : f32 to vector<16xf32>
      %mul3A_2344 = arith.mulf %get3A_2342, %mul3A_2343 : vector<16xf32>
      %swap3A_2345 = arith.constant 40 : i32
      %swap3A_2346 = arith.index_cast %scan3A_139 : i32 to index
      %swap3A_2347 = arith.index_cast %swap3A_2345 : i32 to index
      %swap3A_2348 = arith.constant 48 : index
      %swap3A_2349 = tpu.vector_load %arg18[%swap3A_2346, %swap3A_2347, %swap3A_2348] {strides = array<i32>} : memref<6x80x64xf32, #tpu.memory_space<vmem>>, vector<16xf32>,
      tpu.vector_store %arg18[%swap3A_2346, %swap3A_2347, %swap3A_2348], %mul3A_2344 {strides = array<i32>} : memref<6x80x64xf32, #tpu.memory_space<vmem>>, vector<16xf32>,
      %slice3A_2350 = vector.extract_strided_slice %get3A_1899 {offsets = [9], sizes = [1], strides = [1]} : vector<16xf32> to vector<1xf32>
      %squeeze3A_2351 = vector.extract %slice3A_2350[0] : f32 from vector<1xf32>
      %get3A_2352 = arith.constant 41 : i32
      %get3A_2353 = arith.index_cast %scan3A_139 : i32 to index
      %get3A_2354 = arith.index_cast %get3A_2352 : i32 to index
      %get3A_2355 = arith.constant 0 : index
      %get3A_2356 = tpu.vector_load %arg18[%get3A_2353, %get3A_2354, %get3A_2355] {strides = array<i32>} : memref<6x80x64xf32, #tpu.memory_space<vmem>>, vector<16xf32>,
      %mul3A_2357 = vector.broadcast %squeeze3A_2351 : f32 to vector<16xf32>
      %mul3A_2358 = arith.mulf %get3A_2356, %mul3A_2357 : vector<16xf32>
      %swap3A_2359 = arith.constant 41 : i32
      %swap3A_2360 = arith.index_cast %scan3A_139 : i32 to index
      %swap3A_2361 = arith.index_cast %swap3A_2359 : i32 to index
      %swap3A_2362 = arith.constant 0 : index
      %swap3A_2363 = tpu.vector_load %arg18[%swap3A_2360, %swap3A_2361, %swap3A_2362] {strides = array<i32>} : memref<6x80x64xf32, #tpu.memory_space<vmem>>, vector<16xf32>,
      tpu.vector_store %arg18[%swap3A_2360, %swap3A_2361, %swap3A_2362], %mul3A_2358 {strides = array<i32>} : memref<6x80x64xf32, #tpu.memory_space<vmem>>, vector<16xf32>,
      %get3A_2364 = arith.constant 41 : i32
      %get3A_2365 = arith.index_cast %scan3A_139 : i32 to index
      %get3A_2366 = arith.index_cast %get3A_2364 : i32 to index
      %get3A_2367 = arith.constant 16 : index
      %get3A_2368 = tpu.vector_load %arg18[%get3A_2365, %get3A_2366, %get3A_2367] {strides = array<i32>} : memref<6x80x64xf32, #tpu.memory_space<vmem>>, vector<16xf32>,
      %mul3A_2369 = vector.broadcast %squeeze3A_2351 : f32 to vector<16xf32>
      %mul3A_2370 = arith.mulf %get3A_2368, %mul3A_2369 : vector<16xf32>
      %swap3A_2371 = arith.constant 41 : i32
      %swap3A_2372 = arith.index_cast %scan3A_139 : i32 to index
      %swap3A_2373 = arith.index_cast %swap3A_2371 : i32 to index
      %swap3A_2374 = arith.constant 16 : index
      %swap3A_2375 = tpu.vector_load %arg18[%swap3A_2372, %swap3A_2373, %swap3A_2374] {strides = array<i32>} : memref<6x80x64xf32, #tpu.memory_space<vmem>>, vector<16xf32>,
      tpu.vector_store %arg18[%swap3A_2372, %swap3A_2373, %swap3A_2374], %mul3A_2370 {strides = array<i32>} : memref<6x80x64xf32, #tpu.memory_space<vmem>>, vector<16xf32>,
      %get3A_2376 = arith.constant 41 : i32
      %get3A_2377 = arith.index_cast %scan3A_139 : i32 to index
      %get3A_2378 = arith.index_cast %get3A_2376 : i32 to index
      %get3A_2379 = arith.constant 32 : index
      %get3A_2380 = tpu.vector_load %arg18[%get3A_2377, %get3A_2378, %get3A_2379] {strides = array<i32>} : memref<6x80x64xf32, #tpu.memory_space<vmem>>, vector<16xf32>,
      %mul3A_2381 = vector.broadcast %squeeze3A_2351 : f32 to vector<16xf32>
      %mul3A_2382 = arith.mulf %get3A_2380, %mul3A_2381 : vector<16xf32>
      %swap3A_2383 = arith.constant 41 : i32
      %swap3A_2384 = arith.index_cast %scan3A_139 : i32 to index
      %swap3A_2385 = arith.index_cast %swap3A_2383 : i32 to index
      %swap3A_2386 = arith.constant 32 : index
      %swap3A_2387 = tpu.vector_load %arg18[%swap3A_2384, %swap3A_2385, %swap3A_2386] {strides = array<i32>} : memref<6x80x64xf32, #tpu.memory_space<vmem>>, vector<16xf32>,
      tpu.vector_store %arg18[%swap3A_2384, %swap3A_2385, %swap3A_2386], %mul3A_2382 {strides = array<i32>} : memref<6x80x64xf32, #tpu.memory_space<vmem>>, vector<16xf32>,
      %get3A_2388 = arith.constant 41 : i32
      %get3A_2389 = arith.index_cast %scan3A_139 : i32 to index
      %get3A_2390 = arith.index_cast %get3A_2388 : i32 to index
      %get3A_2391 = arith.constant 48 : index
      %get3A_2392 = tpu.vector_load %arg18[%get3A_2389, %get3A_2390, %get3A_2391] {strides = array<i32>} : memref<6x80x64xf32, #tpu.memory_space<vmem>>, vector<16xf32>,
      %mul3A_2393 = vector.broadcast %squeeze3A_2351 : f32 to vector<16xf32>
      %mul3A_2394 = arith.mulf %get3A_2392, %mul3A_2393 : vector<16xf32>
      %swap3A_2395 = arith.constant 41 : i32
      %swap3A_2396 = arith.index_cast %scan3A_139 : i32 to index
      %swap3A_2397 = arith.index_cast %swap3A_2395 : i32 to index
      %swap3A_2398 = arith.constant 48 : index
      %swap3A_2399 = tpu.vector_load %arg18[%swap3A_2396, %swap3A_2397, %swap3A_2398] {strides = array<i32>} : memref<6x80x64xf32, #tpu.memory_space<vmem>>, vector<16xf32>,
      tpu.vector_store %arg18[%swap3A_2396, %swap3A_2397, %swap3A_2398], %mul3A_2394 {strides = array<i32>} : memref<6x80x64xf32, #tpu.memory_space<vmem>>, vector<16xf32>,
      %slice3A_2400 = vector.extract_strided_slice %get3A_1899 {offsets = [10], sizes = [1], strides = [1]} : vector<16xf32> to vector<1xf32>
      %squeeze3A_2401 = vector.extract %slice3A_2400[0] : f32 from vector<1xf32>
      %get3A_2402 = arith.constant 42 : i32
      %get3A_2403 = arith.index_cast %scan3A_139 : i32 to index
      %get3A_2404 = arith.index_cast %get3A_2402 : i32 to index
      %get3A_2405 = arith.constant 0 : index
      %get3A_2406 = tpu.vector_load %arg18[%get3A_2403, %get3A_2404, %get3A_2405] {strides = array<i32>} : memref<6x80x64xf32, #tpu.memory_space<vmem>>, vector<16xf32>,
      %mul3A_2407 = vector.broadcast %squeeze3A_2401 : f32 to vector<16xf32>
      %mul3A_2408 = arith.mulf %get3A_2406, %mul3A_2407 : vector<16xf32>
      %swap3A_2409 = arith.constant 42 : i32
      %swap3A_2410 = arith.index_cast %scan3A_139 : i32 to index
      %swap3A_2411 = arith.index_cast %swap3A_2409 : i32 to index
      %swap3A_2412 = arith.constant 0 : index
      %swap3A_2413 = tpu.vector_load %arg18[%swap3A_2410, %swap3A_2411, %swap3A_2412] {strides = array<i32>} : memref<6x80x64xf32, #tpu.memory_space<vmem>>, vector<16xf32>,
      tpu.vector_store %arg18[%swap3A_2410, %swap3A_2411, %swap3A_2412], %mul3A_2408 {strides = array<i32>} : memref<6x80x64xf32, #tpu.memory_space<vmem>>, vector<16xf32>,
      %get3A_2414 = arith.constant 42 : i32
      %get3A_2415 = arith.index_cast %scan3A_139 : i32 to index
      %get3A_2416 = arith.index_cast %get3A_2414 : i32 to index
      %get3A_2417 = arith.constant 16 : index
      %get3A_2418 = tpu.vector_load %arg18[%get3A_2415, %get3A_2416, %get3A_2417] {strides = array<i32>} : memref<6x80x64xf32, #tpu.memory_space<vmem>>, vector<16xf32>,
      %mul3A_2419 = vector.broadcast %squeeze3A_2401 : f32 to vector<16xf32>
      %mul3A_2420 = arith.mulf %get3A_2418, %mul3A_2419 : vector<16xf32>
      %swap3A_2421 = arith.constant 42 : i32
      %swap3A_2422 = arith.index_cast %scan3A_139 : i32 to index
      %swap3A_2423 = arith.index_cast %swap3A_2421 : i32 to index
      %swap3A_2424 = arith.constant 16 : index
      %swap3A_2425 = tpu.vector_load %arg18[%swap3A_2422, %swap3A_2423, %swap3A_2424] {strides = array<i32>} : memref<6x80x64xf32, #tpu.memory_space<vmem>>, vector<16xf32>,
      tpu.vector_store %arg18[%swap3A_2422, %swap3A_2423, %swap3A_2424], %mul3A_2420 {strides = array<i32>} : memref<6x80x64xf32, #tpu.memory_space<vmem>>, vector<16xf32>,
      %get3A_2426 = arith.constant 42 : i32
      %get3A_2427 = arith.index_cast %scan3A_139 : i32 to index
      %get3A_2428 = arith.index_cast %get3A_2426 : i32 to index
      %get3A_2429 = arith.constant 32 : index
      %get3A_2430 = tpu.vector_load %arg18[%get3A_2427, %get3A_2428, %get3A_2429] {strides = array<i32>} : memref<6x80x64xf32, #tpu.memory_space<vmem>>, vector<16xf32>,
      %mul3A_2431 = vector.broadcast %squeeze3A_2401 : f32 to vector<16xf32>
      %mul3A_2432 = arith.mulf %get3A_2430, %mul3A_2431 : vector<16xf32>
      %swap3A_2433 = arith.constant 42 : i32
      %swap3A_2434 = arith.index_cast %scan3A_139 : i32 to index
      %swap3A_2435 = arith.index_cast %swap3A_2433 : i32 to index
      %swap3A_2436 = arith.constant 32 : index
      %swap3A_2437 = tpu.vector_load %arg18[%swap3A_2434, %swap3A_2435, %swap3A_2436] {strides = array<i32>} : memref<6x80x64xf32, #tpu.memory_space<vmem>>, vector<16xf32>,
      tpu.vector_store %arg18[%swap3A_2434, %swap3A_2435, %swap3A_2436], %mul3A_2432 {strides = array<i32>} : memref<6x80x64xf32, #tpu.memory_space<vmem>>, vector<16xf32>,
      %get3A_2438 = arith.constant 42 : i32
      %get3A_2439 = arith.index_cast %scan3A_139 : i32 to index
      %get3A_2440 = arith.index_cast %get3A_2438 : i32 to index
      %get3A_2441 = arith.constant 48 : index
      %get3A_2442 = tpu.vector_load %arg18[%get3A_2439, %get3A_2440, %get3A_2441] {strides = array<i32>} : memref<6x80x64xf32, #tpu.memory_space<vmem>>, vector<16xf32>,
      %mul3A_2443 = vector.broadcast %squeeze3A_2401 : f32 to vector<16xf32>
      %mul3A_2444 = arith.mulf %get3A_2442, %mul3A_2443 : vector<16xf32>
      %swap3A_2445 = arith.constant 42 : i32
      %swap3A_2446 = arith.index_cast %scan3A_139 : i32 to index
      %swap3A_2447 = arith.index_cast %swap3A_2445 : i32 to index
      %swap3A_2448 = arith.constant 48 : index
      %swap3A_2449 = tpu.vector_load %arg18[%swap3A_2446, %swap3A_2447, %swap3A_2448] {strides = array<i32>} : memref<6x80x64xf32, #tpu.memory_space<vmem>>, vector<16xf32>,
      tpu.vector_store %arg18[%swap3A_2446, %swap3A_2447, %swap3A_2448], %mul3A_2444 {strides = array<i32>} : memref<6x80x64xf32, #tpu.memory_space<vmem>>, vector<16xf32>,
      %slice3A_2450 = vector.extract_strided_slice %get3A_1899 {offsets = [11], sizes = [1], strides = [1]} : vector<16xf32> to vector<1xf32>
      %squeeze3A_2451 = vector.extract %slice3A_2450[0] : f32 from vector<1xf32>
      %get3A_2452 = arith.constant 43 : i32
      %get3A_2453 = arith.index_cast %scan3A_139 : i32 to index
      %get3A_2454 = arith.index_cast %get3A_2452 : i32 to index
      %get3A_2455 = arith.constant 0 : index
      %get3A_2456 = tpu.vector_load %arg18[%get3A_2453, %get3A_2454, %get3A_2455] {strides = array<i32>} : memref<6x80x64xf32, #tpu.memory_space<vmem>>, vector<16xf32>,
      %mul3A_2457 = vector.broadcast %squeeze3A_2451 : f32 to vector<16xf32>
      %mul3A_2458 = arith.mulf %get3A_2456, %mul3A_2457 : vector<16xf32>
      %swap3A_2459 = arith.constant 43 : i32
      %swap3A_2460 = arith.index_cast %scan3A_139 : i32 to index
      %swap3A_2461 = arith.index_cast %swap3A_2459 : i32 to index
      %swap3A_2462 = arith.constant 0 : index
      %swap3A_2463 = tpu.vector_load %arg18[%swap3A_2460, %swap3A_2461, %swap3A_2462] {strides = array<i32>} : memref<6x80x64xf32, #tpu.memory_space<vmem>>, vector<16xf32>,
      tpu.vector_store %arg18[%swap3A_2460, %swap3A_2461, %swap3A_2462], %mul3A_2458 {strides = array<i32>} : memref<6x80x64xf32, #tpu.memory_space<vmem>>, vector<16xf32>,
      %get3A_2464 = arith.constant 43 : i32
      %get3A_2465 = arith.index_cast %scan3A_139 : i32 to index
      %get3A_2466 = arith.index_cast %get3A_2464 : i32 to index
      %get3A_2467 = arith.constant 16 : index
      %get3A_2468 = tpu.vector_load %arg18[%get3A_2465, %get3A_2466, %get3A_2467] {strides = array<i32>} : memref<6x80x64xf32, #tpu.memory_space<vmem>>, vector<16xf32>,
      %mul3A_2469 = vector.broadcast %squeeze3A_2451 : f32 to vector<16xf32>
      %mul3A_2470 = arith.mulf %get3A_2468, %mul3A_2469 : vector<16xf32>
      %swap3A_2471 = arith.constant 43 : i32
      %swap3A_2472 = arith.index_cast %scan3A_139 : i32 to index
      %swap3A_2473 = arith.index_cast %swap3A_2471 : i32 to index
      %swap3A_2474 = arith.constant 16 : index
      %swap3A_2475 = tpu.vector_load %arg18[%swap3A_2472, %swap3A_2473, %swap3A_2474] {strides = array<i32>} : memref<6x80x64xf32, #tpu.memory_space<vmem>>, vector<16xf32>,
      tpu.vector_store %arg18[%swap3A_2472, %swap3A_2473, %swap3A_2474], %mul3A_2470 {strides = array<i32>} : memref<6x80x64xf32, #tpu.memory_space<vmem>>, vector<16xf32>,
      %get3A_2476 = arith.constant 43 : i32
      %get3A_2477 = arith.index_cast %scan3A_139 : i32 to index
      %get3A_2478 = arith.index_cast %get3A_2476 : i32 to index
      %get3A_2479 = arith.constant 32 : index
      %get3A_2480 = tpu.vector_load %arg18[%get3A_2477, %get3A_2478, %get3A_2479] {strides = array<i32>} : memref<6x80x64xf32, #tpu.memory_space<vmem>>, vector<16xf32>,
      %mul3A_2481 = vector.broadcast %squeeze3A_2451 : f32 to vector<16xf32>
      %mul3A_2482 = arith.mulf %get3A_2480, %mul3A_2481 : vector<16xf32>
      %swap3A_2483 = arith.constant 43 : i32
      %swap3A_2484 = arith.index_cast %scan3A_139 : i32 to index
      %swap3A_2485 = arith.index_cast %swap3A_2483 : i32 to index
      %swap3A_2486 = arith.constant 32 : index
      %swap3A_2487 = tpu.vector_load %arg18[%swap3A_2484, %swap3A_2485, %swap3A_2486] {strides = array<i32>} : memref<6x80x64xf32, #tpu.memory_space<vmem>>, vector<16xf32>,
      tpu.vector_store %arg18[%swap3A_2484, %swap3A_2485, %swap3A_2486], %mul3A_2482 {strides = array<i32>} : memref<6x80x64xf32, #tpu.memory_space<vmem>>, vector<16xf32>,
      %get3A_2488 = arith.constant 43 : i32
      %get3A_2489 = arith.index_cast %scan3A_139 : i32 to index
      %get3A_2490 = arith.index_cast %get3A_2488 : i32 to index
      %get3A_2491 = arith.constant 48 : index
      %get3A_2492 = tpu.vector_load %arg18[%get3A_2489, %get3A_2490, %get3A_2491] {strides = array<i32>} : memref<6x80x64xf32, #tpu.memory_space<vmem>>, vector<16xf32>,
      %mul3A_2493 = vector.broadcast %squeeze3A_2451 : f32 to vector<16xf32>
      %mul3A_2494 = arith.mulf %get3A_2492, %mul3A_2493 : vector<16xf32>
      %swap3A_2495 = arith.constant 43 : i32
      %swap3A_2496 = arith.index_cast %scan3A_139 : i32 to index
      %swap3A_2497 = arith.index_cast %swap3A_2495 : i32 to index
      %swap3A_2498 = arith.constant 48 : index
      %swap3A_2499 = tpu.vector_load %arg18[%swap3A_2496, %swap3A_2497, %swap3A_2498] {strides = array<i32>} : memref<6x80x64xf32, #tpu.memory_space<vmem>>, vector<16xf32>,
      tpu.vector_store %arg18[%swap3A_2496, %swap3A_2497, %swap3A_2498], %mul3A_2494 {strides = array<i32>} : memref<6x80x64xf32, #tpu.memory_space<vmem>>, vector<16xf32>,
      %slice3A_2500 = vector.extract_strided_slice %get3A_1899 {offsets = [12], sizes = [1], strides = [1]} : vector<16xf32> to vector<1xf32>
      %squeeze3A_2501 = vector.extract %slice3A_2500[0] : f32 from vector<1xf32>
      %get3A_2502 = arith.constant 44 : i32
      %get3A_2503 = arith.index_cast %scan3A_139 : i32 to index
      %get3A_2504 = arith.index_cast %get3A_2502 : i32 to index
      %get3A_2505 = arith.constant 0 : index
      %get3A_2506 = tpu.vector_load %arg18[%get3A_2503, %get3A_2504, %get3A_2505] {strides = array<i32>} : memref<6x80x64xf32, #tpu.memory_space<vmem>>, vector<16xf32>,
      %mul3A_2507 = vector.broadcast %squeeze3A_2501 : f32 to vector<16xf32>
      %mul3A_2508 = arith.mulf %get3A_2506, %mul3A_2507 : vector<16xf32>
      %swap3A_2509 = arith.constant 44 : i32
      %swap3A_2510 = arith.index_cast %scan3A_139 : i32 to index
      %swap3A_2511 = arith.index_cast %swap3A_2509 : i32 to index
      %swap3A_2512 = arith.constant 0 : index
      %swap3A_2513 = tpu.vector_load %arg18[%swap3A_2510, %swap3A_2511, %swap3A_2512] {strides = array<i32>} : memref<6x80x64xf32, #tpu.memory_space<vmem>>, vector<16xf32>,
      tpu.vector_store %arg18[%swap3A_2510, %swap3A_2511, %swap3A_2512], %mul3A_2508 {strides = array<i32>} : memref<6x80x64xf32, #tpu.memory_space<vmem>>, vector<16xf32>,
      %get3A_2514 = arith.constant 44 : i32
      %get3A_2515 = arith.index_cast %scan3A_139 : i32 to index
      %get3A_2516 = arith.index_cast %get3A_2514 : i32 to index
      %get3A_2517 = arith.constant 16 : index
      %get3A_2518 = tpu.vector_load %arg18[%get3A_2515, %get3A_2516, %get3A_2517] {strides = array<i32>} : memref<6x80x64xf32, #tpu.memory_space<vmem>>, vector<16xf32>,
      %mul3A_2519 = vector.broadcast %squeeze3A_2501 : f32 to vector<16xf32>
      %mul3A_2520 = arith.mulf %get3A_2518, %mul3A_2519 : vector<16xf32>
      %swap3A_2521 = arith.constant 44 : i32
      %swap3A_2522 = arith.index_cast %scan3A_139 : i32 to index
      %swap3A_2523 = arith.index_cast %swap3A_2521 : i32 to index
      %swap3A_2524 = arith.constant 16 : index
      %swap3A_2525 = tpu.vector_load %arg18[%swap3A_2522, %swap3A_2523, %swap3A_2524] {strides = array<i32>} : memref<6x80x64xf32, #tpu.memory_space<vmem>>, vector<16xf32>,
      tpu.vector_store %arg18[%swap3A_2522, %swap3A_2523, %swap3A_2524], %mul3A_2520 {strides = array<i32>} : memref<6x80x64xf32, #tpu.memory_space<vmem>>, vector<16xf32>,
      %get3A_2526 = arith.constant 44 : i32
      %get3A_2527 = arith.index_cast %scan3A_139 : i32 to index
      %get3A_2528 = arith.index_cast %get3A_2526 : i32 to index
      %get3A_2529 = arith.constant 32 : index
      %get3A_2530 = tpu.vector_load %arg18[%get3A_2527, %get3A_2528, %get3A_2529] {strides = array<i32>} : memref<6x80x64xf32, #tpu.memory_space<vmem>>, vector<16xf32>,
      %mul3A_2531 = vector.broadcast %squeeze3A_2501 : f32 to vector<16xf32>
      %mul3A_2532 = arith.mulf %get3A_2530, %mul3A_2531 : vector<16xf32>
      %swap3A_2533 = arith.constant 44 : i32
      %swap3A_2534 = arith.index_cast %scan3A_139 : i32 to index
      %swap3A_2535 = arith.index_cast %swap3A_2533 : i32 to index
      %swap3A_2536 = arith.constant 32 : index
      %swap3A_2537 = tpu.vector_load %arg18[%swap3A_2534, %swap3A_2535, %swap3A_2536] {strides = array<i32>} : memref<6x80x64xf32, #tpu.memory_space<vmem>>, vector<16xf32>,
      tpu.vector_store %arg18[%swap3A_2534, %swap3A_2535, %swap3A_2536], %mul3A_2532 {strides = array<i32>} : memref<6x80x64xf32, #tpu.memory_space<vmem>>, vector<16xf32>,
      %get3A_2538 = arith.constant 44 : i32
      %get3A_2539 = arith.index_cast %scan3A_139 : i32 to index
      %get3A_2540 = arith.index_cast %get3A_2538 : i32 to index
      %get3A_2541 = arith.constant 48 : index
      %get3A_2542 = tpu.vector_load %arg18[%get3A_2539, %get3A_2540, %get3A_2541] {strides = array<i32>} : memref<6x80x64xf32, #tpu.memory_space<vmem>>, vector<16xf32>,
      %mul3A_2543 = vector.broadcast %squeeze3A_2501 : f32 to vector<16xf32>
      %mul3A_2544 = arith.mulf %get3A_2542, %mul3A_2543 : vector<16xf32>
      %swap3A_2545 = arith.constant 44 : i32
      %swap3A_2546 = arith.index_cast %scan3A_139 : i32 to index
      %swap3A_2547 = arith.index_cast %swap3A_2545 : i32 to index
      %swap3A_2548 = arith.constant 48 : index
      %swap3A_2549 = tpu.vector_load %arg18[%swap3A_2546, %swap3A_2547, %swap3A_2548] {strides = array<i32>} : memref<6x80x64xf32, #tpu.memory_space<vmem>>, vector<16xf32>,
      tpu.vector_store %arg18[%swap3A_2546, %swap3A_2547, %swap3A_2548], %mul3A_2544 {strides = array<i32>} : memref<6x80x64xf32, #tpu.memory_space<vmem>>, vector<16xf32>,
      %slice3A_2550 = vector.extract_strided_slice %get3A_1899 {offsets = [13], sizes = [1], strides = [1]} : vector<16xf32> to vector<1xf32>
      %squeeze3A_2551 = vector.extract %slice3A_2550[0] : f32 from vector<1xf32>
      %get3A_2552 = arith.constant 45 : i32
      %get3A_2553 = arith.index_cast %scan3A_139 : i32 to index
      %get3A_2554 = arith.index_cast %get3A_2552 : i32 to index
      %get3A_2555 = arith.constant 0 : index
      %get3A_2556 = tpu.vector_load %arg18[%get3A_2553, %get3A_2554, %get3A_2555] {strides = array<i32>} : memref<6x80x64xf32, #tpu.memory_space<vmem>>, vector<16xf32>,
      %mul3A_2557 = vector.broadcast %squeeze3A_2551 : f32 to vector<16xf32>
      %mul3A_2558 = arith.mulf %get3A_2556, %mul3A_2557 : vector<16xf32>
      %swap3A_2559 = arith.constant 45 : i32
      %swap3A_2560 = arith.index_cast %scan3A_139 : i32 to index
      %swap3A_2561 = arith.index_cast %swap3A_2559 : i32 to index
      %swap3A_2562 = arith.constant 0 : index
      %swap3A_2563 = tpu.vector_load %arg18[%swap3A_2560, %swap3A_2561, %swap3A_2562] {strides = array<i32>} : memref<6x80x64xf32, #tpu.memory_space<vmem>>, vector<16xf32>,
      tpu.vector_store %arg18[%swap3A_2560, %swap3A_2561, %swap3A_2562], %mul3A_2558 {strides = array<i32>} : memref<6x80x64xf32, #tpu.memory_space<vmem>>, vector<16xf32>,
      %get3A_2564 = arith.constant 45 : i32
      %get3A_2565 = arith.index_cast %scan3A_139 : i32 to index
      %get3A_2566 = arith.index_cast %get3A_2564 : i32 to index
      %get3A_2567 = arith.constant 16 : index
      %get3A_2568 = tpu.vector_load %arg18[%get3A_2565, %get3A_2566, %get3A_2567] {strides = array<i32>} : memref<6x80x64xf32, #tpu.memory_space<vmem>>, vector<16xf32>,
      %mul3A_2569 = vector.broadcast %squeeze3A_2551 : f32 to vector<16xf32>
      %mul3A_2570 = arith.mulf %get3A_2568, %mul3A_2569 : vector<16xf32>
      %swap3A_2571 = arith.constant 45 : i32
      %swap3A_2572 = arith.index_cast %scan3A_139 : i32 to index
      %swap3A_2573 = arith.index_cast %swap3A_2571 : i32 to index
      %swap3A_2574 = arith.constant 16 : index
      %swap3A_2575 = tpu.vector_load %arg18[%swap3A_2572, %swap3A_2573, %swap3A_2574] {strides = array<i32>} : memref<6x80x64xf32, #tpu.memory_space<vmem>>, vector<16xf32>,
      tpu.vector_store %arg18[%swap3A_2572, %swap3A_2573, %swap3A_2574], %mul3A_2570 {strides = array<i32>} : memref<6x80x64xf32, #tpu.memory_space<vmem>>, vector<16xf32>,
      %get3A_2576 = arith.constant 45 : i32
      %get3A_2577 = arith.index_cast %scan3A_139 : i32 to index
      %get3A_2578 = arith.index_cast %get3A_2576 : i32 to index
      %get3A_2579 = arith.constant 32 : index
      %get3A_2580 = tpu.vector_load %arg18[%get3A_2577, %get3A_2578, %get3A_2579] {strides = array<i32>} : memref<6x80x64xf32, #tpu.memory_space<vmem>>, vector<16xf32>,
      %mul3A_2581 = vector.broadcast %squeeze3A_2551 : f32 to vector<16xf32>
      %mul3A_2582 = arith.mulf %get3A_2580, %mul3A_2581 : vector<16xf32>
      %swap3A_2583 = arith.constant 45 : i32
      %swap3A_2584 = arith.index_cast %scan3A_139 : i32 to index
      %swap3A_2585 = arith.index_cast %swap3A_2583 : i32 to index
      %swap3A_2586 = arith.constant 32 : index
      %swap3A_2587 = tpu.vector_load %arg18[%swap3A_2584, %swap3A_2585, %swap3A_2586] {strides = array<i32>} : memref<6x80x64xf32, #tpu.memory_space<vmem>>, vector<16xf32>,
      tpu.vector_store %arg18[%swap3A_2584, %swap3A_2585, %swap3A_2586], %mul3A_2582 {strides = array<i32>} : memref<6x80x64xf32, #tpu.memory_space<vmem>>, vector<16xf32>,
      %get3A_2588 = arith.constant 45 : i32
      %get3A_2589 = arith.index_cast %scan3A_139 : i32 to index
      %get3A_2590 = arith.index_cast %get3A_2588 : i32 to index
      %get3A_2591 = arith.constant 48 : index
      %get3A_2592 = tpu.vector_load %arg18[%get3A_2589, %get3A_2590, %get3A_2591] {strides = array<i32>} : memref<6x80x64xf32, #tpu.memory_space<vmem>>, vector<16xf32>,
      %mul3A_2593 = vector.broadcast %squeeze3A_2551 : f32 to vector<16xf32>
      %mul3A_2594 = arith.mulf %get3A_2592, %mul3A_2593 : vector<16xf32>
      %swap3A_2595 = arith.constant 45 : i32
      %swap3A_2596 = arith.index_cast %scan3A_139 : i32 to index
      %swap3A_2597 = arith.index_cast %swap3A_2595 : i32 to index
      %swap3A_2598 = arith.constant 48 : index
      %swap3A_2599 = tpu.vector_load %arg18[%swap3A_2596, %swap3A_2597, %swap3A_2598] {strides = array<i32>} : memref<6x80x64xf32, #tpu.memory_space<vmem>>, vector<16xf32>,
      tpu.vector_store %arg18[%swap3A_2596, %swap3A_2597, %swap3A_2598], %mul3A_2594 {strides = array<i32>} : memref<6x80x64xf32, #tpu.memory_space<vmem>>, vector<16xf32>,
      %slice3A_2600 = vector.extract_strided_slice %get3A_1899 {offsets = [14], sizes = [1], strides = [1]} : vector<16xf32> to vector<1xf32>
      %squeeze3A_2601 = vector.extract %slice3A_2600[0] : f32 from vector<1xf32>
      %get3A_2602 = arith.constant 46 : i32
      %get3A_2603 = arith.index_cast %scan3A_139 : i32 to index
      %get3A_2604 = arith.index_cast %get3A_2602 : i32 to index
      %get3A_2605 = arith.constant 0 : index
      %get3A_2606 = tpu.vector_load %arg18[%get3A_2603, %get3A_2604, %get3A_2605] {strides = array<i32>} : memref<6x80x64xf32, #tpu.memory_space<vmem>>, vector<16xf32>,
      %mul3A_2607 = vector.broadcast %squeeze3A_2601 : f32 to vector<16xf32>
      %mul3A_2608 = arith.mulf %get3A_2606, %mul3A_2607 : vector<16xf32>
      %swap3A_2609 = arith.constant 46 : i32
      %swap3A_2610 = arith.index_cast %scan3A_139 : i32 to index
      %swap3A_2611 = arith.index_cast %swap3A_2609 : i32 to index
      %swap3A_2612 = arith.constant 0 : index
      %swap3A_2613 = tpu.vector_load %arg18[%swap3A_2610, %swap3A_2611, %swap3A_2612] {strides = array<i32>} : memref<6x80x64xf32, #tpu.memory_space<vmem>>, vector<16xf32>,
      tpu.vector_store %arg18[%swap3A_2610, %swap3A_2611, %swap3A_2612], %mul3A_2608 {strides = array<i32>} : memref<6x80x64xf32, #tpu.memory_space<vmem>>, vector<16xf32>,
      %get3A_2614 = arith.constant 46 : i32
      %get3A_2615 = arith.index_cast %scan3A_139 : i32 to index
      %get3A_2616 = arith.index_cast %get3A_2614 : i32 to index
      %get3A_2617 = arith.constant 16 : index
      %get3A_2618 = tpu.vector_load %arg18[%get3A_2615, %get3A_2616, %get3A_2617] {strides = array<i32>} : memref<6x80x64xf32, #tpu.memory_space<vmem>>, vector<16xf32>,
      %mul3A_2619 = vector.broadcast %squeeze3A_2601 : f32 to vector<16xf32>
      %mul3A_2620 = arith.mulf %get3A_2618, %mul3A_2619 : vector<16xf32>
      %swap3A_2621 = arith.constant 46 : i32
      %swap3A_2622 = arith.index_cast %scan3A_139 : i32 to index
      %swap3A_2623 = arith.index_cast %swap3A_2621 : i32 to index
      %swap3A_2624 = arith.constant 16 : index
      %swap3A_2625 = tpu.vector_load %arg18[%swap3A_2622, %swap3A_2623, %swap3A_2624] {strides = array<i32>} : memref<6x80x64xf32, #tpu.memory_space<vmem>>, vector<16xf32>,
      tpu.vector_store %arg18[%swap3A_2622, %swap3A_2623, %swap3A_2624], %mul3A_2620 {strides = array<i32>} : memref<6x80x64xf32, #tpu.memory_space<vmem>>, vector<16xf32>,
      %get3A_2626 = arith.constant 46 : i32
      %get3A_2627 = arith.index_cast %scan3A_139 : i32 to index
      %get3A_2628 = arith.index_cast %get3A_2626 : i32 to index
      %get3A_2629 = arith.constant 32 : index
      %get3A_2630 = tpu.vector_load %arg18[%get3A_2627, %get3A_2628, %get3A_2629] {strides = array<i32>} : memref<6x80x64xf32, #tpu.memory_space<vmem>>, vector<16xf32>,
      %mul3A_2631 = vector.broadcast %squeeze3A_2601 : f32 to vector<16xf32>
      %mul3A_2632 = arith.mulf %get3A_2630, %mul3A_2631 : vector<16xf32>
      %swap3A_2633 = arith.constant 46 : i32
      %swap3A_2634 = arith.index_cast %scan3A_139 : i32 to index
      %swap3A_2635 = arith.index_cast %swap3A_2633 : i32 to index
      %swap3A_2636 = arith.constant 32 : index
      %swap3A_2637 = tpu.vector_load %arg18[%swap3A_2634, %swap3A_2635, %swap3A_2636] {strides = array<i32>} : memref<6x80x64xf32, #tpu.memory_space<vmem>>, vector<16xf32>,
      tpu.vector_store %arg18[%swap3A_2634, %swap3A_2635, %swap3A_2636], %mul3A_2632 {strides = array<i32>} : memref<6x80x64xf32, #tpu.memory_space<vmem>>, vector<16xf32>,
      %get3A_2638 = arith.constant 46 : i32
      %get3A_2639 = arith.index_cast %scan3A_139 : i32 to index
      %get3A_2640 = arith.index_cast %get3A_2638 : i32 to index
      %get3A_2641 = arith.constant 48 : index
      %get3A_2642 = tpu.vector_load %arg18[%get3A_2639, %get3A_2640, %get3A_2641] {strides = array<i32>} : memref<6x80x64xf32, #tpu.memory_space<vmem>>, vector<16xf32>,
      %mul3A_2643 = vector.broadcast %squeeze3A_2601 : f32 to vector<16xf32>
      %mul3A_2644 = arith.mulf %get3A_2642, %mul3A_2643 : vector<16xf32>
      %swap3A_2645 = arith.constant 46 : i32
      %swap3A_2646 = arith.index_cast %scan3A_139 : i32 to index
      %swap3A_2647 = arith.index_cast %swap3A_2645 : i32 to index
      %swap3A_2648 = arith.constant 48 : index
      %swap3A_2649 = tpu.vector_load %arg18[%swap3A_2646, %swap3A_2647, %swap3A_2648] {strides = array<i32>} : memref<6x80x64xf32, #tpu.memory_space<vmem>>, vector<16xf32>,
      tpu.vector_store %arg18[%swap3A_2646, %swap3A_2647, %swap3A_2648], %mul3A_2644 {strides = array<i32>} : memref<6x80x64xf32, #tpu.memory_space<vmem>>, vector<16xf32>,
      %slice3A_2650 = vector.extract_strided_slice %get3A_1899 {offsets = [15], sizes = [1], strides = [1]} : vector<16xf32> to vector<1xf32>
      %squeeze3A_2651 = vector.extract %slice3A_2650[0] : f32 from vector<1xf32>
      %get3A_2652 = arith.constant 47 : i32
      %get3A_2653 = arith.index_cast %scan3A_139 : i32 to index
      %get3A_2654 = arith.index_cast %get3A_2652 : i32 to index
      %get3A_2655 = arith.constant 0 : index
      %get3A_2656 = tpu.vector_load %arg18[%get3A_2653, %get3A_2654, %get3A_2655] {strides = array<i32>} : memref<6x80x64xf32, #tpu.memory_space<vmem>>, vector<16xf32>,
      %mul3A_2657 = vector.broadcast %squeeze3A_2651 : f32 to vector<16xf32>
      %mul3A_2658 = arith.mulf %get3A_2656, %mul3A_2657 : vector<16xf32>
      %swap3A_2659 = arith.constant 47 : i32
      %swap3A_2660 = arith.index_cast %scan3A_139 : i32 to index
      %swap3A_2661 = arith.index_cast %swap3A_2659 : i32 to index
      %swap3A_2662 = arith.constant 0 : index
      %swap3A_2663 = tpu.vector_load %arg18[%swap3A_2660, %swap3A_2661, %swap3A_2662] {strides = array<i32>} : memref<6x80x64xf32, #tpu.memory_space<vmem>>, vector<16xf32>,
      tpu.vector_store %arg18[%swap3A_2660, %swap3A_2661, %swap3A_2662], %mul3A_2658 {strides = array<i32>} : memref<6x80x64xf32, #tpu.memory_space<vmem>>, vector<16xf32>,
      %get3A_2664 = arith.constant 47 : i32
      %get3A_2665 = arith.index_cast %scan3A_139 : i32 to index
      %get3A_2666 = arith.index_cast %get3A_2664 : i32 to index
      %get3A_2667 = arith.constant 16 : index
      %get3A_2668 = tpu.vector_load %arg18[%get3A_2665, %get3A_2666, %get3A_2667] {strides = array<i32>} : memref<6x80x64xf32, #tpu.memory_space<vmem>>, vector<16xf32>,
      %mul3A_2669 = vector.broadcast %squeeze3A_2651 : f32 to vector<16xf32>
      %mul3A_2670 = arith.mulf %get3A_2668, %mul3A_2669 : vector<16xf32>
      %swap3A_2671 = arith.constant 47 : i32
      %swap3A_2672 = arith.index_cast %scan3A_139 : i32 to index
      %swap3A_2673 = arith.index_cast %swap3A_2671 : i32 to index
      %swap3A_2674 = arith.constant 16 : index
      %swap3A_2675 = tpu.vector_load %arg18[%swap3A_2672, %swap3A_2673, %swap3A_2674] {strides = array<i32>} : memref<6x80x64xf32, #tpu.memory_space<vmem>>, vector<16xf32>,
      tpu.vector_store %arg18[%swap3A_2672, %swap3A_2673, %swap3A_2674], %mul3A_2670 {strides = array<i32>} : memref<6x80x64xf32, #tpu.memory_space<vmem>>, vector<16xf32>,
      %get3A_2676 = arith.constant 47 : i32
      %get3A_2677 = arith.index_cast %scan3A_139 : i32 to index
      %get3A_2678 = arith.index_cast %get3A_2676 : i32 to index
      %get3A_2679 = arith.constant 32 : index
      %get3A_2680 = tpu.vector_load %arg18[%get3A_2677, %get3A_2678, %get3A_2679] {strides = array<i32>} : memref<6x80x64xf32, #tpu.memory_space<vmem>>, vector<16xf32>,
      %mul3A_2681 = vector.broadcast %squeeze3A_2651 : f32 to vector<16xf32>
      %mul3A_2682 = arith.mulf %get3A_2680, %mul3A_2681 : vector<16xf32>
      %swap3A_2683 = arith.constant 47 : i32
      %swap3A_2684 = arith.index_cast %scan3A_139 : i32 to index
      %swap3A_2685 = arith.index_cast %swap3A_2683 : i32 to index
      %swap3A_2686 = arith.constant 32 : index
      %swap3A_2687 = tpu.vector_load %arg18[%swap3A_2684, %swap3A_2685, %swap3A_2686] {strides = array<i32>} : memref<6x80x64xf32, #tpu.memory_space<vmem>>, vector<16xf32>,
      tpu.vector_store %arg18[%swap3A_2684, %swap3A_2685, %swap3A_2686], %mul3A_2682 {strides = array<i32>} : memref<6x80x64xf32, #tpu.memory_space<vmem>>, vector<16xf32>,
      %get3A_2688 = arith.constant 47 : i32
      %get3A_2689 = arith.index_cast %scan3A_139 : i32 to index
      %get3A_2690 = arith.index_cast %get3A_2688 : i32 to index
      %get3A_2691 = arith.constant 48 : index
      %get3A_2692 = tpu.vector_load %arg18[%get3A_2689, %get3A_2690, %get3A_2691] {strides = array<i32>} : memref<6x80x64xf32, #tpu.memory_space<vmem>>, vector<16xf32>,
      %mul3A_2693 = vector.broadcast %squeeze3A_2651 : f32 to vector<16xf32>
      %mul3A_2694 = arith.mulf %get3A_2692, %mul3A_2693 : vector<16xf32>
      %swap3A_2695 = arith.constant 47 : i32
      %swap3A_2696 = arith.index_cast %scan3A_139 : i32 to index
      %swap3A_2697 = arith.index_cast %swap3A_2695 : i32 to index
      %swap3A_2698 = arith.constant 48 : index
      %swap3A_2699 = tpu.vector_load %arg18[%swap3A_2696, %swap3A_2697, %swap3A_2698] {strides = array<i32>} : memref<6x80x64xf32, #tpu.memory_space<vmem>>, vector<16xf32>,
      tpu.vector_store %arg18[%swap3A_2696, %swap3A_2697, %swap3A_2698], %mul3A_2694 {strides = array<i32>} : memref<6x80x64xf32, #tpu.memory_space<vmem>>, vector<16xf32>,
      %get3A_2700 = arith.constant 48 : index
      %get3A_2701 = tpu.vector_load %arg17[%get3A_2700] {strides = array<i32>} : memref<80xf32, #tpu.memory_space<vmem>>, vector<16xf32>,
      %slice3A_2702 = vector.extract_strided_slice %get3A_2701 {offsets = [0], sizes = [1], strides = [1]} : vector<16xf32> to vector<1xf32>
      %squeeze3A_2703 = vector.extract %slice3A_2702[0] : f32 from vector<1xf32>
      %get3A_2704 = arith.constant 48 : i32
      %get3A_2705 = arith.index_cast %scan3A_139 : i32 to index
      %get3A_2706 = arith.index_cast %get3A_2704 : i32 to index
      %get3A_2707 = arith.constant 0 : index
      %get3A_2708 = tpu.vector_load %arg18[%get3A_2705, %get3A_2706, %get3A_2707] {strides = array<i32>} : memref<6x80x64xf32, #tpu.memory_space<vmem>>, vector<16xf32>,
      %mul3A_2709 = vector.broadcast %squeeze3A_2703 : f32 to vector<16xf32>
      %mul3A_2710 = arith.mulf %get3A_2708, %mul3A_2709 : vector<16xf32>
      %swap3A_2711 = arith.constant 48 : i32
      %swap3A_2712 = arith.index_cast %scan3A_139 : i32 to index
      %swap3A_2713 = arith.index_cast %swap3A_2711 : i32 to index
      %swap3A_2714 = arith.constant 0 : index
      %swap3A_2715 = tpu.vector_load %arg18[%swap3A_2712, %swap3A_2713, %swap3A_2714] {strides = array<i32>} : memref<6x80x64xf32, #tpu.memory_space<vmem>>, vector<16xf32>,
      tpu.vector_store %arg18[%swap3A_2712, %swap3A_2713, %swap3A_2714], %mul3A_2710 {strides = array<i32>} : memref<6x80x64xf32, #tpu.memory_space<vmem>>, vector<16xf32>,
      %get3A_2716 = arith.constant 48 : i32
      %get3A_2717 = arith.index_cast %scan3A_139 : i32 to index
      %get3A_2718 = arith.index_cast %get3A_2716 : i32 to index
      %get3A_2719 = arith.constant 16 : index
      %get3A_2720 = tpu.vector_load %arg18[%get3A_2717, %get3A_2718, %get3A_2719] {strides = array<i32>} : memref<6x80x64xf32, #tpu.memory_space<vmem>>, vector<16xf32>,
      %mul3A_2721 = vector.broadcast %squeeze3A_2703 : f32 to vector<16xf32>
      %mul3A_2722 = arith.mulf %get3A_2720, %mul3A_2721 : vector<16xf32>
      %swap3A_2723 = arith.constant 48 : i32
      %swap3A_2724 = arith.index_cast %scan3A_139 : i32 to index
      %swap3A_2725 = arith.index_cast %swap3A_2723 : i32 to index
      %swap3A_2726 = arith.constant 16 : index
      %swap3A_2727 = tpu.vector_load %arg18[%swap3A_2724, %swap3A_2725, %swap3A_2726] {strides = array<i32>} : memref<6x80x64xf32, #tpu.memory_space<vmem>>, vector<16xf32>,
      tpu.vector_store %arg18[%swap3A_2724, %swap3A_2725, %swap3A_2726], %mul3A_2722 {strides = array<i32>} : memref<6x80x64xf32, #tpu.memory_space<vmem>>, vector<16xf32>,
      %get3A_2728 = arith.constant 48 : i32
      %get3A_2729 = arith.index_cast %scan3A_139 : i32 to index
      %get3A_2730 = arith.index_cast %get3A_2728 : i32 to index
      %get3A_2731 = arith.constant 32 : index
      %get3A_2732 = tpu.vector_load %arg18[%get3A_2729, %get3A_2730, %get3A_2731] {strides = array<i32>} : memref<6x80x64xf32, #tpu.memory_space<vmem>>, vector<16xf32>,
      %mul3A_2733 = vector.broadcast %squeeze3A_2703 : f32 to vector<16xf32>
      %mul3A_2734 = arith.mulf %get3A_2732, %mul3A_2733 : vector<16xf32>
      %swap3A_2735 = arith.constant 48 : i32
      %swap3A_2736 = arith.index_cast %scan3A_139 : i32 to index
      %swap3A_2737 = arith.index_cast %swap3A_2735 : i32 to index
      %swap3A_2738 = arith.constant 32 : index
      %swap3A_2739 = tpu.vector_load %arg18[%swap3A_2736, %swap3A_2737, %swap3A_2738] {strides = array<i32>} : memref<6x80x64xf32, #tpu.memory_space<vmem>>, vector<16xf32>,
      tpu.vector_store %arg18[%swap3A_2736, %swap3A_2737, %swap3A_2738], %mul3A_2734 {strides = array<i32>} : memref<6x80x64xf32, #tpu.memory_space<vmem>>, vector<16xf32>,
      %get3A_2740 = arith.constant 48 : i32
      %get3A_2741 = arith.index_cast %scan3A_139 : i32 to index
      %get3A_2742 = arith.index_cast %get3A_2740 : i32 to index
      %get3A_2743 = arith.constant 48 : index
      %get3A_2744 = tpu.vector_load %arg18[%get3A_2741, %get3A_2742, %get3A_2743] {strides = array<i32>} : memref<6x80x64xf32, #tpu.memory_space<vmem>>, vector<16xf32>,
      %mul3A_2745 = vector.broadcast %squeeze3A_2703 : f32 to vector<16xf32>
      %mul3A_2746 = arith.mulf %get3A_2744, %mul3A_2745 : vector<16xf32>
      %swap3A_2747 = arith.constant 48 : i32
      %swap3A_2748 = arith.index_cast %scan3A_139 : i32 to index
      %swap3A_2749 = arith.index_cast %swap3A_2747 : i32 to index
      %swap3A_2750 = arith.constant 48 : index
      %swap3A_2751 = tpu.vector_load %arg18[%swap3A_2748, %swap3A_2749, %swap3A_2750] {strides = array<i32>} : memref<6x80x64xf32, #tpu.memory_space<vmem>>, vector<16xf32>,
      tpu.vector_store %arg18[%swap3A_2748, %swap3A_2749, %swap3A_2750], %mul3A_2746 {strides = array<i32>} : memref<6x80x64xf32, #tpu.memory_space<vmem>>, vector<16xf32>,
      %slice3A_2752 = vector.extract_strided_slice %get3A_2701 {offsets = [1], sizes = [1], strides = [1]} : vector<16xf32> to vector<1xf32>
      %squeeze3A_2753 = vector.extract %slice3A_2752[0] : f32 from vector<1xf32>
      %get3A_2754 = arith.constant 49 : i32
      %get3A_2755 = arith.index_cast %scan3A_139 : i32 to index
      %get3A_2756 = arith.index_cast %get3A_2754 : i32 to index
      %get3A_2757 = arith.constant 0 : index
      %get3A_2758 = tpu.vector_load %arg18[%get3A_2755, %get3A_2756, %get3A_2757] {strides = array<i32>} : memref<6x80x64xf32, #tpu.memory_space<vmem>>, vector<16xf32>,
      %mul3A_2759 = vector.broadcast %squeeze3A_2753 : f32 to vector<16xf32>
      %mul3A_2760 = arith.mulf %get3A_2758, %mul3A_2759 : vector<16xf32>
      %swap3A_2761 = arith.constant 49 : i32
      %swap3A_2762 = arith.index_cast %scan3A_139 : i32 to index
      %swap3A_2763 = arith.index_cast %swap3A_2761 : i32 to index
      %swap3A_2764 = arith.constant 0 : index
      %swap3A_2765 = tpu.vector_load %arg18[%swap3A_2762, %swap3A_2763, %swap3A_2764] {strides = array<i32>} : memref<6x80x64xf32, #tpu.memory_space<vmem>>, vector<16xf32>,
      tpu.vector_store %arg18[%swap3A_2762, %swap3A_2763, %swap3A_2764], %mul3A_2760 {strides = array<i32>} : memref<6x80x64xf32, #tpu.memory_space<vmem>>, vector<16xf32>,
      %get3A_2766 = arith.constant 49 : i32
      %get3A_2767 = arith.index_cast %scan3A_139 : i32 to index
      %get3A_2768 = arith.index_cast %get3A_2766 : i32 to index
      %get3A_2769 = arith.constant 16 : index
      %get3A_2770 = tpu.vector_load %arg18[%get3A_2767, %get3A_2768, %get3A_2769] {strides = array<i32>} : memref<6x80x64xf32, #tpu.memory_space<vmem>>, vector<16xf32>,
      %mul3A_2771 = vector.broadcast %squeeze3A_2753 : f32 to vector<16xf32>
      %mul3A_2772 = arith.mulf %get3A_2770, %mul3A_2771 : vector<16xf32>
      %swap3A_2773 = arith.constant 49 : i32
      %swap3A_2774 = arith.index_cast %scan3A_139 : i32 to index
      %swap3A_2775 = arith.index_cast %swap3A_2773 : i32 to index
      %swap3A_2776 = arith.constant 16 : index
      %swap3A_2777 = tpu.vector_load %arg18[%swap3A_2774, %swap3A_2775, %swap3A_2776] {strides = array<i32>} : memref<6x80x64xf32, #tpu.memory_space<vmem>>, vector<16xf32>,
      tpu.vector_store %arg18[%swap3A_2774, %swap3A_2775, %swap3A_2776], %mul3A_2772 {strides = array<i32>} : memref<6x80x64xf32, #tpu.memory_space<vmem>>, vector<16xf32>,
      %get3A_2778 = arith.constant 49 : i32
      %get3A_2779 = arith.index_cast %scan3A_139 : i32 to index
      %get3A_2780 = arith.index_cast %get3A_2778 : i32 to index
      %get3A_2781 = arith.constant 32 : index
      %get3A_2782 = tpu.vector_load %arg18[%get3A_2779, %get3A_2780, %get3A_2781] {strides = array<i32>} : memref<6x80x64xf32, #tpu.memory_space<vmem>>, vector<16xf32>,
      %mul3A_2783 = vector.broadcast %squeeze3A_2753 : f32 to vector<16xf32>
      %mul3A_2784 = arith.mulf %get3A_2782, %mul3A_2783 : vector<16xf32>
      %swap3A_2785 = arith.constant 49 : i32
      %swap3A_2786 = arith.index_cast %scan3A_139 : i32 to index
      %swap3A_2787 = arith.index_cast %swap3A_2785 : i32 to index
      %swap3A_2788 = arith.constant 32 : index
      %swap3A_2789 = tpu.vector_load %arg18[%swap3A_2786, %swap3A_2787, %swap3A_2788] {strides = array<i32>} : memref<6x80x64xf32, #tpu.memory_space<vmem>>, vector<16xf32>,
      tpu.vector_store %arg18[%swap3A_2786, %swap3A_2787, %swap3A_2788], %mul3A_2784 {strides = array<i32>} : memref<6x80x64xf32, #tpu.memory_space<vmem>>, vector<16xf32>,
      %get3A_2790 = arith.constant 49 : i32
      %get3A_2791 = arith.index_cast %scan3A_139 : i32 to index
      %get3A_2792 = arith.index_cast %get3A_2790 : i32 to index
      %get3A_2793 = arith.constant 48 : index
      %get3A_2794 = tpu.vector_load %arg18[%get3A_2791, %get3A_2792, %get3A_2793] {strides = array<i32>} : memref<6x80x64xf32, #tpu.memory_space<vmem>>, vector<16xf32>,
      %mul3A_2795 = vector.broadcast %squeeze3A_2753 : f32 to vector<16xf32>
      %mul3A_2796 = arith.mulf %get3A_2794, %mul3A_2795 : vector<16xf32>
      %swap3A_2797 = arith.constant 49 : i32
      %swap3A_2798 = arith.index_cast %scan3A_139 : i32 to index
      %swap3A_2799 = arith.index_cast %swap3A_2797 : i32 to index
      %swap3A_2800 = arith.constant 48 : index
      %swap3A_2801 = tpu.vector_load %arg18[%swap3A_2798, %swap3A_2799, %swap3A_2800] {strides = array<i32>} : memref<6x80x64xf32, #tpu.memory_space<vmem>>, vector<16xf32>,
      tpu.vector_store %arg18[%swap3A_2798, %swap3A_2799, %swap3A_2800], %mul3A_2796 {strides = array<i32>} : memref<6x80x64xf32, #tpu.memory_space<vmem>>, vector<16xf32>,
      %slice3A_2802 = vector.extract_strided_slice %get3A_2701 {offsets = [2], sizes = [1], strides = [1]} : vector<16xf32> to vector<1xf32>
      %squeeze3A_2803 = vector.extract %slice3A_2802[0] : f32 from vector<1xf32>
      %get3A_2804 = arith.constant 50 : i32
      %get3A_2805 = arith.index_cast %scan3A_139 : i32 to index
      %get3A_2806 = arith.index_cast %get3A_2804 : i32 to index
      %get3A_2807 = arith.constant 0 : index
      %get3A_2808 = tpu.vector_load %arg18[%get3A_2805, %get3A_2806, %get3A_2807] {strides = array<i32>} : memref<6x80x64xf32, #tpu.memory_space<vmem>>, vector<16xf32>,
      %mul3A_2809 = vector.broadcast %squeeze3A_2803 : f32 to vector<16xf32>
      %mul3A_2810 = arith.mulf %get3A_2808, %mul3A_2809 : vector<16xf32>
      %swap3A_2811 = arith.constant 50 : i32
      %swap3A_2812 = arith.index_cast %scan3A_139 : i32 to index
      %swap3A_2813 = arith.index_cast %swap3A_2811 : i32 to index
      %swap3A_2814 = arith.constant 0 : index
      %swap3A_2815 = tpu.vector_load %arg18[%swap3A_2812, %swap3A_2813, %swap3A_2814] {strides = array<i32>} : memref<6x80x64xf32, #tpu.memory_space<vmem>>, vector<16xf32>,
      tpu.vector_store %arg18[%swap3A_2812, %swap3A_2813, %swap3A_2814], %mul3A_2810 {strides = array<i32>} : memref<6x80x64xf32, #tpu.memory_space<vmem>>, vector<16xf32>,
      %get3A_2816 = arith.constant 50 : i32
      %get3A_2817 = arith.index_cast %scan3A_139 : i32 to index
      %get3A_2818 = arith.index_cast %get3A_2816 : i32 to index
      %get3A_2819 = arith.constant 16 : index
      %get3A_2820 = tpu.vector_load %arg18[%get3A_2817, %get3A_2818, %get3A_2819] {strides = array<i32>} : memref<6x80x64xf32, #tpu.memory_space<vmem>>, vector<16xf32>,
      %mul3A_2821 = vector.broadcast %squeeze3A_2803 : f32 to vector<16xf32>
      %mul3A_2822 = arith.mulf %get3A_2820, %mul3A_2821 : vector<16xf32>
      %swap3A_2823 = arith.constant 50 : i32
      %swap3A_2824 = arith.index_cast %scan3A_139 : i32 to index
      %swap3A_2825 = arith.index_cast %swap3A_2823 : i32 to index
      %swap3A_2826 = arith.constant 16 : index
      %swap3A_2827 = tpu.vector_load %arg18[%swap3A_2824, %swap3A_2825, %swap3A_2826] {strides = array<i32>} : memref<6x80x64xf32, #tpu.memory_space<vmem>>, vector<16xf32>,
      tpu.vector_store %arg18[%swap3A_2824, %swap3A_2825, %swap3A_2826], %mul3A_2822 {strides = array<i32>} : memref<6x80x64xf32, #tpu.memory_space<vmem>>, vector<16xf32>,
      %get3A_2828 = arith.constant 50 : i32
      %get3A_2829 = arith.index_cast %scan3A_139 : i32 to index
      %get3A_2830 = arith.index_cast %get3A_2828 : i32 to index
      %get3A_2831 = arith.constant 32 : index
      %get3A_2832 = tpu.vector_load %arg18[%get3A_2829, %get3A_2830, %get3A_2831] {strides = array<i32>} : memref<6x80x64xf32, #tpu.memory_space<vmem>>, vector<16xf32>,
      %mul3A_2833 = vector.broadcast %squeeze3A_2803 : f32 to vector<16xf32>
      %mul3A_2834 = arith.mulf %get3A_2832, %mul3A_2833 : vector<16xf32>
      %swap3A_2835 = arith.constant 50 : i32
      %swap3A_2836 = arith.index_cast %scan3A_139 : i32 to index
      %swap3A_2837 = arith.index_cast %swap3A_2835 : i32 to index
      %swap3A_2838 = arith.constant 32 : index
      %swap3A_2839 = tpu.vector_load %arg18[%swap3A_2836, %swap3A_2837, %swap3A_2838] {strides = array<i32>} : memref<6x80x64xf32, #tpu.memory_space<vmem>>, vector<16xf32>,
      tpu.vector_store %arg18[%swap3A_2836, %swap3A_2837, %swap3A_2838], %mul3A_2834 {strides = array<i32>} : memref<6x80x64xf32, #tpu.memory_space<vmem>>, vector<16xf32>,
      %get3A_2840 = arith.constant 50 : i32
      %get3A_2841 = arith.index_cast %scan3A_139 : i32 to index
      %get3A_2842 = arith.index_cast %get3A_2840 : i32 to index
      %get3A_2843 = arith.constant 48 : index
      %get3A_2844 = tpu.vector_load %arg18[%get3A_2841, %get3A_2842, %get3A_2843] {strides = array<i32>} : memref<6x80x64xf32, #tpu.memory_space<vmem>>, vector<16xf32>,
      %mul3A_2845 = vector.broadcast %squeeze3A_2803 : f32 to vector<16xf32>
      %mul3A_2846 = arith.mulf %get3A_2844, %mul3A_2845 : vector<16xf32>
      %swap3A_2847 = arith.constant 50 : i32
      %swap3A_2848 = arith.index_cast %scan3A_139 : i32 to index
      %swap3A_2849 = arith.index_cast %swap3A_2847 : i32 to index
      %swap3A_2850 = arith.constant 48 : index
      %swap3A_2851 = tpu.vector_load %arg18[%swap3A_2848, %swap3A_2849, %swap3A_2850] {strides = array<i32>} : memref<6x80x64xf32, #tpu.memory_space<vmem>>, vector<16xf32>,
      tpu.vector_store %arg18[%swap3A_2848, %swap3A_2849, %swap3A_2850], %mul3A_2846 {strides = array<i32>} : memref<6x80x64xf32, #tpu.memory_space<vmem>>, vector<16xf32>,
      %slice3A_2852 = vector.extract_strided_slice %get3A_2701 {offsets = [3], sizes = [1], strides = [1]} : vector<16xf32> to vector<1xf32>
      %squeeze3A_2853 = vector.extract %slice3A_2852[0] : f32 from vector<1xf32>
      %get3A_2854 = arith.constant 51 : i32
      %get3A_2855 = arith.index_cast %scan3A_139 : i32 to index
      %get3A_2856 = arith.index_cast %get3A_2854 : i32 to index
      %get3A_2857 = arith.constant 0 : index
      %get3A_2858 = tpu.vector_load %arg18[%get3A_2855, %get3A_2856, %get3A_2857] {strides = array<i32>} : memref<6x80x64xf32, #tpu.memory_space<vmem>>, vector<16xf32>,
      %mul3A_2859 = vector.broadcast %squeeze3A_2853 : f32 to vector<16xf32>
      %mul3A_2860 = arith.mulf %get3A_2858, %mul3A_2859 : vector<16xf32>
      %swap3A_2861 = arith.constant 51 : i32
      %swap3A_2862 = arith.index_cast %scan3A_139 : i32 to index
      %swap3A_2863 = arith.index_cast %swap3A_2861 : i32 to index
      %swap3A_2864 = arith.constant 0 : index
      %swap3A_2865 = tpu.vector_load %arg18[%swap3A_2862, %swap3A_2863, %swap3A_2864] {strides = array<i32>} : memref<6x80x64xf32, #tpu.memory_space<vmem>>, vector<16xf32>,
      tpu.vector_store %arg18[%swap3A_2862, %swap3A_2863, %swap3A_2864], %mul3A_2860 {strides = array<i32>} : memref<6x80x64xf32, #tpu.memory_space<vmem>>, vector<16xf32>,
      %get3A_2866 = arith.constant 51 : i32
      %get3A_2867 = arith.index_cast %scan3A_139 : i32 to index
      %get3A_2868 = arith.index_cast %get3A_2866 : i32 to index
      %get3A_2869 = arith.constant 16 : index
      %get3A_2870 = tpu.vector_load %arg18[%get3A_2867, %get3A_2868, %get3A_2869] {strides = array<i32>} : memref<6x80x64xf32, #tpu.memory_space<vmem>>, vector<16xf32>,
      %mul3A_2871 = vector.broadcast %squeeze3A_2853 : f32 to vector<16xf32>
      %mul3A_2872 = arith.mulf %get3A_2870, %mul3A_2871 : vector<16xf32>
      %swap3A_2873 = arith.constant 51 : i32
      %swap3A_2874 = arith.index_cast %scan3A_139 : i32 to index
      %swap3A_2875 = arith.index_cast %swap3A_2873 : i32 to index
      %swap3A_2876 = arith.constant 16 : index
      %swap3A_2877 = tpu.vector_load %arg18[%swap3A_2874, %swap3A_2875, %swap3A_2876] {strides = array<i32>} : memref<6x80x64xf32, #tpu.memory_space<vmem>>, vector<16xf32>,
      tpu.vector_store %arg18[%swap3A_2874, %swap3A_2875, %swap3A_2876], %mul3A_2872 {strides = array<i32>} : memref<6x80x64xf32, #tpu.memory_space<vmem>>, vector<16xf32>,
      %get3A_2878 = arith.constant 51 : i32
      %get3A_2879 = arith.index_cast %scan3A_139 : i32 to index
      %get3A_2880 = arith.index_cast %get3A_2878 : i32 to index
      %get3A_2881 = arith.constant 32 : index
      %get3A_2882 = tpu.vector_load %arg18[%get3A_2879, %get3A_2880, %get3A_2881] {strides = array<i32>} : memref<6x80x64xf32, #tpu.memory_space<vmem>>, vector<16xf32>,
      %mul3A_2883 = vector.broadcast %squeeze3A_2853 : f32 to vector<16xf32>
      %mul3A_2884 = arith.mulf %get3A_2882, %mul3A_2883 : vector<16xf32>
      %swap3A_2885 = arith.constant 51 : i32
      %swap3A_2886 = arith.index_cast %scan3A_139 : i32 to index
      %swap3A_2887 = arith.index_cast %swap3A_2885 : i32 to index
      %swap3A_2888 = arith.constant 32 : index
      %swap3A_2889 = tpu.vector_load %arg18[%swap3A_2886, %swap3A_2887, %swap3A_2888] {strides = array<i32>} : memref<6x80x64xf32, #tpu.memory_space<vmem>>, vector<16xf32>,
      tpu.vector_store %arg18[%swap3A_2886, %swap3A_2887, %swap3A_2888], %mul3A_2884 {strides = array<i32>} : memref<6x80x64xf32, #tpu.memory_space<vmem>>, vector<16xf32>,
      %get3A_2890 = arith.constant 51 : i32
      %get3A_2891 = arith.index_cast %scan3A_139 : i32 to index
      %get3A_2892 = arith.index_cast %get3A_2890 : i32 to index
      %get3A_2893 = arith.constant 48 : index
      %get3A_2894 = tpu.vector_load %arg18[%get3A_2891, %get3A_2892, %get3A_2893] {strides = array<i32>} : memref<6x80x64xf32, #tpu.memory_space<vmem>>, vector<16xf32>,
      %mul3A_2895 = vector.broadcast %squeeze3A_2853 : f32 to vector<16xf32>
      %mul3A_2896 = arith.mulf %get3A_2894, %mul3A_2895 : vector<16xf32>
      %swap3A_2897 = arith.constant 51 : i32
      %swap3A_2898 = arith.index_cast %scan3A_139 : i32 to index
      %swap3A_2899 = arith.index_cast %swap3A_2897 : i32 to index
      %swap3A_2900 = arith.constant 48 : index
      %swap3A_2901 = tpu.vector_load %arg18[%swap3A_2898, %swap3A_2899, %swap3A_2900] {strides = array<i32>} : memref<6x80x64xf32, #tpu.memory_space<vmem>>, vector<16xf32>,
      tpu.vector_store %arg18[%swap3A_2898, %swap3A_2899, %swap3A_2900], %mul3A_2896 {strides = array<i32>} : memref<6x80x64xf32, #tpu.memory_space<vmem>>, vector<16xf32>,
      %slice3A_2902 = vector.extract_strided_slice %get3A_2701 {offsets = [4], sizes = [1], strides = [1]} : vector<16xf32> to vector<1xf32>
      %squeeze3A_2903 = vector.extract %slice3A_2902[0] : f32 from vector<1xf32>
      %get3A_2904 = arith.constant 52 : i32
      %get3A_2905 = arith.index_cast %scan3A_139 : i32 to index
      %get3A_2906 = arith.index_cast %get3A_2904 : i32 to index
      %get3A_2907 = arith.constant 0 : index
      %get3A_2908 = tpu.vector_load %arg18[%get3A_2905, %get3A_2906, %get3A_2907] {strides = array<i32>} : memref<6x80x64xf32, #tpu.memory_space<vmem>>, vector<16xf32>,
      %mul3A_2909 = vector.broadcast %squeeze3A_2903 : f32 to vector<16xf32>
      %mul3A_2910 = arith.mulf %get3A_2908, %mul3A_2909 : vector<16xf32>
      %swap3A_2911 = arith.constant 52 : i32
      %swap3A_2912 = arith.index_cast %scan3A_139 : i32 to index
      %swap3A_2913 = arith.index_cast %swap3A_2911 : i32 to index
      %swap3A_2914 = arith.constant 0 : index
      %swap3A_2915 = tpu.vector_load %arg18[%swap3A_2912, %swap3A_2913, %swap3A_2914] {strides = array<i32>} : memref<6x80x64xf32, #tpu.memory_space<vmem>>, vector<16xf32>,
      tpu.vector_store %arg18[%swap3A_2912, %swap3A_2913, %swap3A_2914], %mul3A_2910 {strides = array<i32>} : memref<6x80x64xf32, #tpu.memory_space<vmem>>, vector<16xf32>,
      %get3A_2916 = arith.constant 52 : i32
      %get3A_2917 = arith.index_cast %scan3A_139 : i32 to index
      %get3A_2918 = arith.index_cast %get3A_2916 : i32 to index
      %get3A_2919 = arith.constant 16 : index
      %get3A_2920 = tpu.vector_load %arg18[%get3A_2917, %get3A_2918, %get3A_2919] {strides = array<i32>} : memref<6x80x64xf32, #tpu.memory_space<vmem>>, vector<16xf32>,
      %mul3A_2921 = vector.broadcast %squeeze3A_2903 : f32 to vector<16xf32>
      %mul3A_2922 = arith.mulf %get3A_2920, %mul3A_2921 : vector<16xf32>
      %swap3A_2923 = arith.constant 52 : i32
      %swap3A_2924 = arith.index_cast %scan3A_139 : i32 to index
      %swap3A_2925 = arith.index_cast %swap3A_2923 : i32 to index
      %swap3A_2926 = arith.constant 16 : index
      %swap3A_2927 = tpu.vector_load %arg18[%swap3A_2924, %swap3A_2925, %swap3A_2926] {strides = array<i32>} : memref<6x80x64xf32, #tpu.memory_space<vmem>>, vector<16xf32>,
      tpu.vector_store %arg18[%swap3A_2924, %swap3A_2925, %swap3A_2926], %mul3A_2922 {strides = array<i32>} : memref<6x80x64xf32, #tpu.memory_space<vmem>>, vector<16xf32>,
      %get3A_2928 = arith.constant 52 : i32
      %get3A_2929 = arith.index_cast %scan3A_139 : i32 to index
      %get3A_2930 = arith.index_cast %get3A_2928 : i32 to index
      %get3A_2931 = arith.constant 32 : index
      %get3A_2932 = tpu.vector_load %arg18[%get3A_2929, %get3A_2930, %get3A_2931] {strides = array<i32>} : memref<6x80x64xf32, #tpu.memory_space<vmem>>, vector<16xf32>,
      %mul3A_2933 = vector.broadcast %squeeze3A_2903 : f32 to vector<16xf32>
      %mul3A_2934 = arith.mulf %get3A_2932, %mul3A_2933 : vector<16xf32>
      %swap3A_2935 = arith.constant 52 : i32
      %swap3A_2936 = arith.index_cast %scan3A_139 : i32 to index
      %swap3A_2937 = arith.index_cast %swap3A_2935 : i32 to index
      %swap3A_2938 = arith.constant 32 : index
      %swap3A_2939 = tpu.vector_load %arg18[%swap3A_2936, %swap3A_2937, %swap3A_2938] {strides = array<i32>} : memref<6x80x64xf32, #tpu.memory_space<vmem>>, vector<16xf32>,
      tpu.vector_store %arg18[%swap3A_2936, %swap3A_2937, %swap3A_2938], %mul3A_2934 {strides = array<i32>} : memref<6x80x64xf32, #tpu.memory_space<vmem>>, vector<16xf32>,
      %get3A_2940 = arith.constant 52 : i32
      %get3A_2941 = arith.index_cast %scan3A_139 : i32 to index
      %get3A_2942 = arith.index_cast %get3A_2940 : i32 to index
      %get3A_2943 = arith.constant 48 : index
      %get3A_2944 = tpu.vector_load %arg18[%get3A_2941, %get3A_2942, %get3A_2943] {strides = array<i32>} : memref<6x80x64xf32, #tpu.memory_space<vmem>>, vector<16xf32>,
      %mul3A_2945 = vector.broadcast %squeeze3A_2903 : f32 to vector<16xf32>
      %mul3A_2946 = arith.mulf %get3A_2944, %mul3A_2945 : vector<16xf32>
      %swap3A_2947 = arith.constant 52 : i32
      %swap3A_2948 = arith.index_cast %scan3A_139 : i32 to index
      %swap3A_2949 = arith.index_cast %swap3A_2947 : i32 to index
      %swap3A_2950 = arith.constant 48 : index
      %swap3A_2951 = tpu.vector_load %arg18[%swap3A_2948, %swap3A_2949, %swap3A_2950] {strides = array<i32>} : memref<6x80x64xf32, #tpu.memory_space<vmem>>, vector<16xf32>,
      tpu.vector_store %arg18[%swap3A_2948, %swap3A_2949, %swap3A_2950], %mul3A_2946 {strides = array<i32>} : memref<6x80x64xf32, #tpu.memory_space<vmem>>, vector<16xf32>,
      %slice3A_2952 = vector.extract_strided_slice %get3A_2701 {offsets = [5], sizes = [1], strides = [1]} : vector<16xf32> to vector<1xf32>
      %squeeze3A_2953 = vector.extract %slice3A_2952[0] : f32 from vector<1xf32>
      %get3A_2954 = arith.constant 53 : i32
      %get3A_2955 = arith.index_cast %scan3A_139 : i32 to index
      %get3A_2956 = arith.index_cast %get3A_2954 : i32 to index
      %get3A_2957 = arith.constant 0 : index
      %get3A_2958 = tpu.vector_load %arg18[%get3A_2955, %get3A_2956, %get3A_2957] {strides = array<i32>} : memref<6x80x64xf32, #tpu.memory_space<vmem>>, vector<16xf32>,
      %mul3A_2959 = vector.broadcast %squeeze3A_2953 : f32 to vector<16xf32>
      %mul3A_2960 = arith.mulf %get3A_2958, %mul3A_2959 : vector<16xf32>
      %swap3A_2961 = arith.constant 53 : i32
      %swap3A_2962 = arith.index_cast %scan3A_139 : i32 to index
      %swap3A_2963 = arith.index_cast %swap3A_2961 : i32 to index
      %swap3A_2964 = arith.constant 0 : index
      %swap3A_2965 = tpu.vector_load %arg18[%swap3A_2962, %swap3A_2963, %swap3A_2964] {strides = array<i32>} : memref<6x80x64xf32, #tpu.memory_space<vmem>>, vector<16xf32>,
      tpu.vector_store %arg18[%swap3A_2962, %swap3A_2963, %swap3A_2964], %mul3A_2960 {strides = array<i32>} : memref<6x80x64xf32, #tpu.memory_space<vmem>>, vector<16xf32>,
      %get3A_2966 = arith.constant 53 : i32
      %get3A_2967 = arith.index_cast %scan3A_139 : i32 to index
      %get3A_2968 = arith.index_cast %get3A_2966 : i32 to index
      %get3A_2969 = arith.constant 16 : index
      %get3A_2970 = tpu.vector_load %arg18[%get3A_2967, %get3A_2968, %get3A_2969] {strides = array<i32>} : memref<6x80x64xf32, #tpu.memory_space<vmem>>, vector<16xf32>,
      %mul3A_2971 = vector.broadcast %squeeze3A_2953 : f32 to vector<16xf32>
      %mul3A_2972 = arith.mulf %get3A_2970, %mul3A_2971 : vector<16xf32>
      %swap3A_2973 = arith.constant 53 : i32
      %swap3A_2974 = arith.index_cast %scan3A_139 : i32 to index
      %swap3A_2975 = arith.index_cast %swap3A_2973 : i32 to index
      %swap3A_2976 = arith.constant 16 : index
      %swap3A_2977 = tpu.vector_load %arg18[%swap3A_2974, %swap3A_2975, %swap3A_2976] {strides = array<i32>} : memref<6x80x64xf32, #tpu.memory_space<vmem>>, vector<16xf32>,
      tpu.vector_store %arg18[%swap3A_2974, %swap3A_2975, %swap3A_2976], %mul3A_2972 {strides = array<i32>} : memref<6x80x64xf32, #tpu.memory_space<vmem>>, vector<16xf32>,
      %get3A_2978 = arith.constant 53 : i32
      %get3A_2979 = arith.index_cast %scan3A_139 : i32 to index
      %get3A_2980 = arith.index_cast %get3A_2978 : i32 to index
      %get3A_2981 = arith.constant 32 : index
      %get3A_2982 = tpu.vector_load %arg18[%get3A_2979, %get3A_2980, %get3A_2981] {strides = array<i32>} : memref<6x80x64xf32, #tpu.memory_space<vmem>>, vector<16xf32>,
      %mul3A_2983 = vector.broadcast %squeeze3A_2953 : f32 to vector<16xf32>
      %mul3A_2984 = arith.mulf %get3A_2982, %mul3A_2983 : vector<16xf32>
      %swap3A_2985 = arith.constant 53 : i32
      %swap3A_2986 = arith.index_cast %scan3A_139 : i32 to index
      %swap3A_2987 = arith.index_cast %swap3A_2985 : i32 to index
      %swap3A_2988 = arith.constant 32 : index
      %swap3A_2989 = tpu.vector_load %arg18[%swap3A_2986, %swap3A_2987, %swap3A_2988] {strides = array<i32>} : memref<6x80x64xf32, #tpu.memory_space<vmem>>, vector<16xf32>,
      tpu.vector_store %arg18[%swap3A_2986, %swap3A_2987, %swap3A_2988], %mul3A_2984 {strides = array<i32>} : memref<6x80x64xf32, #tpu.memory_space<vmem>>, vector<16xf32>,
      %get3A_2990 = arith.constant 53 : i32
      %get3A_2991 = arith.index_cast %scan3A_139 : i32 to index
      %get3A_2992 = arith.index_cast %get3A_2990 : i32 to index
      %get3A_2993 = arith.constant 48 : index
      %get3A_2994 = tpu.vector_load %arg18[%get3A_2991, %get3A_2992, %get3A_2993] {strides = array<i32>} : memref<6x80x64xf32, #tpu.memory_space<vmem>>, vector<16xf32>,
      %mul3A_2995 = vector.broadcast %squeeze3A_2953 : f32 to vector<16xf32>
      %mul3A_2996 = arith.mulf %get3A_2994, %mul3A_2995 : vector<16xf32>
      %swap3A_2997 = arith.constant 53 : i32
      %swap3A_2998 = arith.index_cast %scan3A_139 : i32 to index
      %swap3A_2999 = arith.index_cast %swap3A_2997 : i32 to index
      %swap3A_3000 = arith.constant 48 : index
      %swap3A_3001 = tpu.vector_load %arg18[%swap3A_2998, %swap3A_2999, %swap3A_3000] {strides = array<i32>} : memref<6x80x64xf32, #tpu.memory_space<vmem>>, vector<16xf32>,
      tpu.vector_store %arg18[%swap3A_2998, %swap3A_2999, %swap3A_3000], %mul3A_2996 {strides = array<i32>} : memref<6x80x64xf32, #tpu.memory_space<vmem>>, vector<16xf32>,
      %slice3A_3002 = vector.extract_strided_slice %get3A_2701 {offsets = [6], sizes = [1], strides = [1]} : vector<16xf32> to vector<1xf32>
      %squeeze3A_3003 = vector.extract %slice3A_3002[0] : f32 from vector<1xf32>
      %get3A_3004 = arith.constant 54 : i32
      %get3A_3005 = arith.index_cast %scan3A_139 : i32 to index
      %get3A_3006 = arith.index_cast %get3A_3004 : i32 to index
      %get3A_3007 = arith.constant 0 : index
      %get3A_3008 = tpu.vector_load %arg18[%get3A_3005, %get3A_3006, %get3A_3007] {strides = array<i32>} : memref<6x80x64xf32, #tpu.memory_space<vmem>>, vector<16xf32>,
      %mul3A_3009 = vector.broadcast %squeeze3A_3003 : f32 to vector<16xf32>
      %mul3A_3010 = arith.mulf %get3A_3008, %mul3A_3009 : vector<16xf32>
      %swap3A_3011 = arith.constant 54 : i32
      %swap3A_3012 = arith.index_cast %scan3A_139 : i32 to index
      %swap3A_3013 = arith.index_cast %swap3A_3011 : i32 to index
      %swap3A_3014 = arith.constant 0 : index
      %swap3A_3015 = tpu.vector_load %arg18[%swap3A_3012, %swap3A_3013, %swap3A_3014] {strides = array<i32>} : memref<6x80x64xf32, #tpu.memory_space<vmem>>, vector<16xf32>,
      tpu.vector_store %arg18[%swap3A_3012, %swap3A_3013, %swap3A_3014], %mul3A_3010 {strides = array<i32>} : memref<6x80x64xf32, #tpu.memory_space<vmem>>, vector<16xf32>,
      %get3A_3016 = arith.constant 54 : i32
      %get3A_3017 = arith.index_cast %scan3A_139 : i32 to index
      %get3A_3018 = arith.index_cast %get3A_3016 : i32 to index
      %get3A_3019 = arith.constant 16 : index
      %get3A_3020 = tpu.vector_load %arg18[%get3A_3017, %get3A_3018, %get3A_3019] {strides = array<i32>} : memref<6x80x64xf32, #tpu.memory_space<vmem>>, vector<16xf32>,
      %mul3A_3021 = vector.broadcast %squeeze3A_3003 : f32 to vector<16xf32>
      %mul3A_3022 = arith.mulf %get3A_3020, %mul3A_3021 : vector<16xf32>
      %swap3A_3023 = arith.constant 54 : i32
      %swap3A_3024 = arith.index_cast %scan3A_139 : i32 to index
      %swap3A_3025 = arith.index_cast %swap3A_3023 : i32 to index
      %swap3A_3026 = arith.constant 16 : index
      %swap3A_3027 = tpu.vector_load %arg18[%swap3A_3024, %swap3A_3025, %swap3A_3026] {strides = array<i32>} : memref<6x80x64xf32, #tpu.memory_space<vmem>>, vector<16xf32>,
      tpu.vector_store %arg18[%swap3A_3024, %swap3A_3025, %swap3A_3026], %mul3A_3022 {strides = array<i32>} : memref<6x80x64xf32, #tpu.memory_space<vmem>>, vector<16xf32>,
      %get3A_3028 = arith.constant 54 : i32
      %get3A_3029 = arith.index_cast %scan3A_139 : i32 to index
      %get3A_3030 = arith.index_cast %get3A_3028 : i32 to index
      %get3A_3031 = arith.constant 32 : index
      %get3A_3032 = tpu.vector_load %arg18[%get3A_3029, %get3A_3030, %get3A_3031] {strides = array<i32>} : memref<6x80x64xf32, #tpu.memory_space<vmem>>, vector<16xf32>,
      %mul3A_3033 = vector.broadcast %squeeze3A_3003 : f32 to vector<16xf32>
      %mul3A_3034 = arith.mulf %get3A_3032, %mul3A_3033 : vector<16xf32>
      %swap3A_3035 = arith.constant 54 : i32
      %swap3A_3036 = arith.index_cast %scan3A_139 : i32 to index
      %swap3A_3037 = arith.index_cast %swap3A_3035 : i32 to index
      %swap3A_3038 = arith.constant 32 : index
      %swap3A_3039 = tpu.vector_load %arg18[%swap3A_3036, %swap3A_3037, %swap3A_3038] {strides = array<i32>} : memref<6x80x64xf32, #tpu.memory_space<vmem>>, vector<16xf32>,
      tpu.vector_store %arg18[%swap3A_3036, %swap3A_3037, %swap3A_3038], %mul3A_3034 {strides = array<i32>} : memref<6x80x64xf32, #tpu.memory_space<vmem>>, vector<16xf32>,
      %get3A_3040 = arith.constant 54 : i32
      %get3A_3041 = arith.index_cast %scan3A_139 : i32 to index
      %get3A_3042 = arith.index_cast %get3A_3040 : i32 to index
      %get3A_3043 = arith.constant 48 : index
      %get3A_3044 = tpu.vector_load %arg18[%get3A_3041, %get3A_3042, %get3A_3043] {strides = array<i32>} : memref<6x80x64xf32, #tpu.memory_space<vmem>>, vector<16xf32>,
      %mul3A_3045 = vector.broadcast %squeeze3A_3003 : f32 to vector<16xf32>
      %mul3A_3046 = arith.mulf %get3A_3044, %mul3A_3045 : vector<16xf32>
      %swap3A_3047 = arith.constant 54 : i32
      %swap3A_3048 = arith.index_cast %scan3A_139 : i32 to index
      %swap3A_3049 = arith.index_cast %swap3A_3047 : i32 to index
      %swap3A_3050 = arith.constant 48 : index
      %swap3A_3051 = tpu.vector_load %arg18[%swap3A_3048, %swap3A_3049, %swap3A_3050] {strides = array<i32>} : memref<6x80x64xf32, #tpu.memory_space<vmem>>, vector<16xf32>,
      tpu.vector_store %arg18[%swap3A_3048, %swap3A_3049, %swap3A_3050], %mul3A_3046 {strides = array<i32>} : memref<6x80x64xf32, #tpu.memory_space<vmem>>, vector<16xf32>,
      %slice3A_3052 = vector.extract_strided_slice %get3A_2701 {offsets = [7], sizes = [1], strides = [1]} : vector<16xf32> to vector<1xf32>
      %squeeze3A_3053 = vector.extract %slice3A_3052[0] : f32 from vector<1xf32>
      %get3A_3054 = arith.constant 55 : i32
      %get3A_3055 = arith.index_cast %scan3A_139 : i32 to index
      %get3A_3056 = arith.index_cast %get3A_3054 : i32 to index
      %get3A_3057 = arith.constant 0 : index
      %get3A_3058 = tpu.vector_load %arg18[%get3A_3055, %get3A_3056, %get3A_3057] {strides = array<i32>} : memref<6x80x64xf32, #tpu.memory_space<vmem>>, vector<16xf32>,
      %mul3A_3059 = vector.broadcast %squeeze3A_3053 : f32 to vector<16xf32>
      %mul3A_3060 = arith.mulf %get3A_3058, %mul3A_3059 : vector<16xf32>
      %swap3A_3061 = arith.constant 55 : i32
      %swap3A_3062 = arith.index_cast %scan3A_139 : i32 to index
      %swap3A_3063 = arith.index_cast %swap3A_3061 : i32 to index
      %swap3A_3064 = arith.constant 0 : index
      %swap3A_3065 = tpu.vector_load %arg18[%swap3A_3062, %swap3A_3063, %swap3A_3064] {strides = array<i32>} : memref<6x80x64xf32, #tpu.memory_space<vmem>>, vector<16xf32>,
      tpu.vector_store %arg18[%swap3A_3062, %swap3A_3063, %swap3A_3064], %mul3A_3060 {strides = array<i32>} : memref<6x80x64xf32, #tpu.memory_space<vmem>>, vector<16xf32>,
      %get3A_3066 = arith.constant 55 : i32
      %get3A_3067 = arith.index_cast %scan3A_139 : i32 to index
      %get3A_3068 = arith.index_cast %get3A_3066 : i32 to index
      %get3A_3069 = arith.constant 16 : index
      %get3A_3070 = tpu.vector_load %arg18[%get3A_3067, %get3A_3068, %get3A_3069] {strides = array<i32>} : memref<6x80x64xf32, #tpu.memory_space<vmem>>, vector<16xf32>,
      %mul3A_3071 = vector.broadcast %squeeze3A_3053 : f32 to vector<16xf32>
      %mul3A_3072 = arith.mulf %get3A_3070, %mul3A_3071 : vector<16xf32>
      %swap3A_3073 = arith.constant 55 : i32
      %swap3A_3074 = arith.index_cast %scan3A_139 : i32 to index
      %swap3A_3075 = arith.index_cast %swap3A_3073 : i32 to index
      %swap3A_3076 = arith.constant 16 : index
      %swap3A_3077 = tpu.vector_load %arg18[%swap3A_3074, %swap3A_3075, %swap3A_3076] {strides = array<i32>} : memref<6x80x64xf32, #tpu.memory_space<vmem>>, vector<16xf32>,
      tpu.vector_store %arg18[%swap3A_3074, %swap3A_3075, %swap3A_3076], %mul3A_3072 {strides = array<i32>} : memref<6x80x64xf32, #tpu.memory_space<vmem>>, vector<16xf32>,
      %get3A_3078 = arith.constant 55 : i32
      %get3A_3079 = arith.index_cast %scan3A_139 : i32 to index
      %get3A_3080 = arith.index_cast %get3A_3078 : i32 to index
      %get3A_3081 = arith.constant 32 : index
      %get3A_3082 = tpu.vector_load %arg18[%get3A_3079, %get3A_3080, %get3A_3081] {strides = array<i32>} : memref<6x80x64xf32, #tpu.memory_space<vmem>>, vector<16xf32>,
      %mul3A_3083 = vector.broadcast %squeeze3A_3053 : f32 to vector<16xf32>
      %mul3A_3084 = arith.mulf %get3A_3082, %mul3A_3083 : vector<16xf32>
      %swap3A_3085 = arith.constant 55 : i32
      %swap3A_3086 = arith.index_cast %scan3A_139 : i32 to index
      %swap3A_3087 = arith.index_cast %swap3A_3085 : i32 to index
      %swap3A_3088 = arith.constant 32 : index
      %swap3A_3089 = tpu.vector_load %arg18[%swap3A_3086, %swap3A_3087, %swap3A_3088] {strides = array<i32>} : memref<6x80x64xf32, #tpu.memory_space<vmem>>, vector<16xf32>,
      tpu.vector_store %arg18[%swap3A_3086, %swap3A_3087, %swap3A_3088], %mul3A_3084 {strides = array<i32>} : memref<6x80x64xf32, #tpu.memory_space<vmem>>, vector<16xf32>,
      %get3A_3090 = arith.constant 55 : i32
      %get3A_3091 = arith.index_cast %scan3A_139 : i32 to index
      %get3A_3092 = arith.index_cast %get3A_3090 : i32 to index
      %get3A_3093 = arith.constant 48 : index
      %get3A_3094 = tpu.vector_load %arg18[%get3A_3091, %get3A_3092, %get3A_3093] {strides = array<i32>} : memref<6x80x64xf32, #tpu.memory_space<vmem>>, vector<16xf32>,
      %mul3A_3095 = vector.broadcast %squeeze3A_3053 : f32 to vector<16xf32>
      %mul3A_3096 = arith.mulf %get3A_3094, %mul3A_3095 : vector<16xf32>
      %swap3A_3097 = arith.constant 55 : i32
      %swap3A_3098 = arith.index_cast %scan3A_139 : i32 to index
      %swap3A_3099 = arith.index_cast %swap3A_3097 : i32 to index
      %swap3A_3100 = arith.constant 48 : index
      %swap3A_3101 = tpu.vector_load %arg18[%swap3A_3098, %swap3A_3099, %swap3A_3100] {strides = array<i32>} : memref<6x80x64xf32, #tpu.memory_space<vmem>>, vector<16xf32>,
      tpu.vector_store %arg18[%swap3A_3098, %swap3A_3099, %swap3A_3100], %mul3A_3096 {strides = array<i32>} : memref<6x80x64xf32, #tpu.memory_space<vmem>>, vector<16xf32>,
      %slice3A_3102 = vector.extract_strided_slice %get3A_2701 {offsets = [8], sizes = [1], strides = [1]} : vector<16xf32> to vector<1xf32>
      %squeeze3A_3103 = vector.extract %slice3A_3102[0] : f32 from vector<1xf32>
      %get3A_3104 = arith.constant 56 : i32
      %get3A_3105 = arith.index_cast %scan3A_139 : i32 to index
      %get3A_3106 = arith.index_cast %get3A_3104 : i32 to index
      %get3A_3107 = arith.constant 0 : index
      %get3A_3108 = tpu.vector_load %arg18[%get3A_3105, %get3A_3106, %get3A_3107] {strides = array<i32>} : memref<6x80x64xf32, #tpu.memory_space<vmem>>, vector<16xf32>,
      %mul3A_3109 = vector.broadcast %squeeze3A_3103 : f32 to vector<16xf32>
      %mul3A_3110 = arith.mulf %get3A_3108, %mul3A_3109 : vector<16xf32>
      %swap3A_3111 = arith.constant 56 : i32
      %swap3A_3112 = arith.index_cast %scan3A_139 : i32 to index
      %swap3A_3113 = arith.index_cast %swap3A_3111 : i32 to index
      %swap3A_3114 = arith.constant 0 : index
      %swap3A_3115 = tpu.vector_load %arg18[%swap3A_3112, %swap3A_3113, %swap3A_3114] {strides = array<i32>} : memref<6x80x64xf32, #tpu.memory_space<vmem>>, vector<16xf32>,
      tpu.vector_store %arg18[%swap3A_3112, %swap3A_3113, %swap3A_3114], %mul3A_3110 {strides = array<i32>} : memref<6x80x64xf32, #tpu.memory_space<vmem>>, vector<16xf32>,
      %get3A_3116 = arith.constant 56 : i32
      %get3A_3117 = arith.index_cast %scan3A_139 : i32 to index
      %get3A_3118 = arith.index_cast %get3A_3116 : i32 to index
      %get3A_3119 = arith.constant 16 : index
      %get3A_3120 = tpu.vector_load %arg18[%get3A_3117, %get3A_3118, %get3A_3119] {strides = array<i32>} : memref<6x80x64xf32, #tpu.memory_space<vmem>>, vector<16xf32>,
      %mul3A_3121 = vector.broadcast %squeeze3A_3103 : f32 to vector<16xf32>
      %mul3A_3122 = arith.mulf %get3A_3120, %mul3A_3121 : vector<16xf32>
      %swap3A_3123 = arith.constant 56 : i32
      %swap3A_3124 = arith.index_cast %scan3A_139 : i32 to index
      %swap3A_3125 = arith.index_cast %swap3A_3123 : i32 to index
      %swap3A_3126 = arith.constant 16 : index
      %swap3A_3127 = tpu.vector_load %arg18[%swap3A_3124, %swap3A_3125, %swap3A_3126] {strides = array<i32>} : memref<6x80x64xf32, #tpu.memory_space<vmem>>, vector<16xf32>,
      tpu.vector_store %arg18[%swap3A_3124, %swap3A_3125, %swap3A_3126], %mul3A_3122 {strides = array<i32>} : memref<6x80x64xf32, #tpu.memory_space<vmem>>, vector<16xf32>,
      %get3A_3128 = arith.constant 56 : i32
      %get3A_3129 = arith.index_cast %scan3A_139 : i32 to index
      %get3A_3130 = arith.index_cast %get3A_3128 : i32 to index
      %get3A_3131 = arith.constant 32 : index
      %get3A_3132 = tpu.vector_load %arg18[%get3A_3129, %get3A_3130, %get3A_3131] {strides = array<i32>} : memref<6x80x64xf32, #tpu.memory_space<vmem>>, vector<16xf32>,
      %mul3A_3133 = vector.broadcast %squeeze3A_3103 : f32 to vector<16xf32>
      %mul3A_3134 = arith.mulf %get3A_3132, %mul3A_3133 : vector<16xf32>
      %swap3A_3135 = arith.constant 56 : i32
      %swap3A_3136 = arith.index_cast %scan3A_139 : i32 to index
      %swap3A_3137 = arith.index_cast %swap3A_3135 : i32 to index
      %swap3A_3138 = arith.constant 32 : index
      %swap3A_3139 = tpu.vector_load %arg18[%swap3A_3136, %swap3A_3137, %swap3A_3138] {strides = array<i32>} : memref<6x80x64xf32, #tpu.memory_space<vmem>>, vector<16xf32>,
      tpu.vector_store %arg18[%swap3A_3136, %swap3A_3137, %swap3A_3138], %mul3A_3134 {strides = array<i32>} : memref<6x80x64xf32, #tpu.memory_space<vmem>>, vector<16xf32>,
      %get3A_3140 = arith.constant 56 : i32
      %get3A_3141 = arith.index_cast %scan3A_139 : i32 to index
      %get3A_3142 = arith.index_cast %get3A_3140 : i32 to index
      %get3A_3143 = arith.constant 48 : index
      %get3A_3144 = tpu.vector_load %arg18[%get3A_3141, %get3A_3142, %get3A_3143] {strides = array<i32>} : memref<6x80x64xf32, #tpu.memory_space<vmem>>, vector<16xf32>,
      %mul3A_3145 = vector.broadcast %squeeze3A_3103 : f32 to vector<16xf32>
      %mul3A_3146 = arith.mulf %get3A_3144, %mul3A_3145 : vector<16xf32>
      %swap3A_3147 = arith.constant 56 : i32
      %swap3A_3148 = arith.index_cast %scan3A_139 : i32 to index
      %swap3A_3149 = arith.index_cast %swap3A_3147 : i32 to index
      %swap3A_3150 = arith.constant 48 : index
      %swap3A_3151 = tpu.vector_load %arg18[%swap3A_3148, %swap3A_3149, %swap3A_3150] {strides = array<i32>} : memref<6x80x64xf32, #tpu.memory_space<vmem>>, vector<16xf32>,
      tpu.vector_store %arg18[%swap3A_3148, %swap3A_3149, %swap3A_3150], %mul3A_3146 {strides = array<i32>} : memref<6x80x64xf32, #tpu.memory_space<vmem>>, vector<16xf32>,
      %slice3A_3152 = vector.extract_strided_slice %get3A_2701 {offsets = [9], sizes = [1], strides = [1]} : vector<16xf32> to vector<1xf32>
      %squeeze3A_3153 = vector.extract %slice3A_3152[0] : f32 from vector<1xf32>
      %get3A_3154 = arith.constant 57 : i32
      %get3A_3155 = arith.index_cast %scan3A_139 : i32 to index
      %get3A_3156 = arith.index_cast %get3A_3154 : i32 to index
      %get3A_3157 = arith.constant 0 : index
      %get3A_3158 = tpu.vector_load %arg18[%get3A_3155, %get3A_3156, %get3A_3157] {strides = array<i32>} : memref<6x80x64xf32, #tpu.memory_space<vmem>>, vector<16xf32>,
      %mul3A_3159 = vector.broadcast %squeeze3A_3153 : f32 to vector<16xf32>
      %mul3A_3160 = arith.mulf %get3A_3158, %mul3A_3159 : vector<16xf32>
      %swap3A_3161 = arith.constant 57 : i32
      %swap3A_3162 = arith.index_cast %scan3A_139 : i32 to index
      %swap3A_3163 = arith.index_cast %swap3A_3161 : i32 to index
      %swap3A_3164 = arith.constant 0 : index
      %swap3A_3165 = tpu.vector_load %arg18[%swap3A_3162, %swap3A_3163, %swap3A_3164] {strides = array<i32>} : memref<6x80x64xf32, #tpu.memory_space<vmem>>, vector<16xf32>,
      tpu.vector_store %arg18[%swap3A_3162, %swap3A_3163, %swap3A_3164], %mul3A_3160 {strides = array<i32>} : memref<6x80x64xf32, #tpu.memory_space<vmem>>, vector<16xf32>,
      %get3A_3166 = arith.constant 57 : i32
      %get3A_3167 = arith.index_cast %scan3A_139 : i32 to index
      %get3A_3168 = arith.index_cast %get3A_3166 : i32 to index
      %get3A_3169 = arith.constant 16 : index
      %get3A_3170 = tpu.vector_load %arg18[%get3A_3167, %get3A_3168, %get3A_3169] {strides = array<i32>} : memref<6x80x64xf32, #tpu.memory_space<vmem>>, vector<16xf32>,
      %mul3A_3171 = vector.broadcast %squeeze3A_3153 : f32 to vector<16xf32>
      %mul3A_3172 = arith.mulf %get3A_3170, %mul3A_3171 : vector<16xf32>
      %swap3A_3173 = arith.constant 57 : i32
      %swap3A_3174 = arith.index_cast %scan3A_139 : i32 to index
      %swap3A_3175 = arith.index_cast %swap3A_3173 : i32 to index
      %swap3A_3176 = arith.constant 16 : index
      %swap3A_3177 = tpu.vector_load %arg18[%swap3A_3174, %swap3A_3175, %swap3A_3176] {strides = array<i32>} : memref<6x80x64xf32, #tpu.memory_space<vmem>>, vector<16xf32>,
      tpu.vector_store %arg18[%swap3A_3174, %swap3A_3175, %swap3A_3176], %mul3A_3172 {strides = array<i32>} : memref<6x80x64xf32, #tpu.memory_space<vmem>>, vector<16xf32>,
      %get3A_3178 = arith.constant 57 : i32
      %get3A_3179 = arith.index_cast %scan3A_139 : i32 to index
      %get3A_3180 = arith.index_cast %get3A_3178 : i32 to index
      %get3A_3181 = arith.constant 32 : index
      %get3A_3182 = tpu.vector_load %arg18[%get3A_3179, %get3A_3180, %get3A_3181] {strides = array<i32>} : memref<6x80x64xf32, #tpu.memory_space<vmem>>, vector<16xf32>,
      %mul3A_3183 = vector.broadcast %squeeze3A_3153 : f32 to vector<16xf32>
      %mul3A_3184 = arith.mulf %get3A_3182, %mul3A_3183 : vector<16xf32>
      %swap3A_3185 = arith.constant 57 : i32
      %swap3A_3186 = arith.index_cast %scan3A_139 : i32 to index
      %swap3A_3187 = arith.index_cast %swap3A_3185 : i32 to index
      %swap3A_3188 = arith.constant 32 : index
      %swap3A_3189 = tpu.vector_load %arg18[%swap3A_3186, %swap3A_3187, %swap3A_3188] {strides = array<i32>} : memref<6x80x64xf32, #tpu.memory_space<vmem>>, vector<16xf32>,
      tpu.vector_store %arg18[%swap3A_3186, %swap3A_3187, %swap3A_3188], %mul3A_3184 {strides = array<i32>} : memref<6x80x64xf32, #tpu.memory_space<vmem>>, vector<16xf32>,
      %get3A_3190 = arith.constant 57 : i32
      %get3A_3191 = arith.index_cast %scan3A_139 : i32 to index
      %get3A_3192 = arith.index_cast %get3A_3190 : i32 to index
      %get3A_3193 = arith.constant 48 : index
      %get3A_3194 = tpu.vector_load %arg18[%get3A_3191, %get3A_3192, %get3A_3193] {strides = array<i32>} : memref<6x80x64xf32, #tpu.memory_space<vmem>>, vector<16xf32>,
      %mul3A_3195 = vector.broadcast %squeeze3A_3153 : f32 to vector<16xf32>
      %mul3A_3196 = arith.mulf %get3A_3194, %mul3A_3195 : vector<16xf32>
      %swap3A_3197 = arith.constant 57 : i32
      %swap3A_3198 = arith.index_cast %scan3A_139 : i32 to index
      %swap3A_3199 = arith.index_cast %swap3A_3197 : i32 to index
      %swap3A_3200 = arith.constant 48 : index
      %swap3A_3201 = tpu.vector_load %arg18[%swap3A_3198, %swap3A_3199, %swap3A_3200] {strides = array<i32>} : memref<6x80x64xf32, #tpu.memory_space<vmem>>, vector<16xf32>,
      tpu.vector_store %arg18[%swap3A_3198, %swap3A_3199, %swap3A_3200], %mul3A_3196 {strides = array<i32>} : memref<6x80x64xf32, #tpu.memory_space<vmem>>, vector<16xf32>,
      %slice3A_3202 = vector.extract_strided_slice %get3A_2701 {offsets = [10], sizes = [1], strides = [1]} : vector<16xf32> to vector<1xf32>
      %squeeze3A_3203 = vector.extract %slice3A_3202[0] : f32 from vector<1xf32>
      %get3A_3204 = arith.constant 58 : i32
      %get3A_3205 = arith.index_cast %scan3A_139 : i32 to index
      %get3A_3206 = arith.index_cast %get3A_3204 : i32 to index
      %get3A_3207 = arith.constant 0 : index
      %get3A_3208 = tpu.vector_load %arg18[%get3A_3205, %get3A_3206, %get3A_3207] {strides = array<i32>} : memref<6x80x64xf32, #tpu.memory_space<vmem>>, vector<16xf32>,
      %mul3A_3209 = vector.broadcast %squeeze3A_3203 : f32 to vector<16xf32>
      %mul3A_3210 = arith.mulf %get3A_3208, %mul3A_3209 : vector<16xf32>
      %swap3A_3211 = arith.constant 58 : i32
      %swap3A_3212 = arith.index_cast %scan3A_139 : i32 to index
      %swap3A_3213 = arith.index_cast %swap3A_3211 : i32 to index
      %swap3A_3214 = arith.constant 0 : index
      %swap3A_3215 = tpu.vector_load %arg18[%swap3A_3212, %swap3A_3213, %swap3A_3214] {strides = array<i32>} : memref<6x80x64xf32, #tpu.memory_space<vmem>>, vector<16xf32>,
      tpu.vector_store %arg18[%swap3A_3212, %swap3A_3213, %swap3A_3214], %mul3A_3210 {strides = array<i32>} : memref<6x80x64xf32, #tpu.memory_space<vmem>>, vector<16xf32>,
      %get3A_3216 = arith.constant 58 : i32
      %get3A_3217 = arith.index_cast %scan3A_139 : i32 to index
      %get3A_3218 = arith.index_cast %get3A_3216 : i32 to index
      %get3A_3219 = arith.constant 16 : index
      %get3A_3220 = tpu.vector_load %arg18[%get3A_3217, %get3A_3218, %get3A_3219] {strides = array<i32>} : memref<6x80x64xf32, #tpu.memory_space<vmem>>, vector<16xf32>,
      %mul3A_3221 = vector.broadcast %squeeze3A_3203 : f32 to vector<16xf32>
      %mul3A_3222 = arith.mulf %get3A_3220, %mul3A_3221 : vector<16xf32>
      %swap3A_3223 = arith.constant 58 : i32
      %swap3A_3224 = arith.index_cast %scan3A_139 : i32 to index
      %swap3A_3225 = arith.index_cast %swap3A_3223 : i32 to index
      %swap3A_3226 = arith.constant 16 : index
      %swap3A_3227 = tpu.vector_load %arg18[%swap3A_3224, %swap3A_3225, %swap3A_3226] {strides = array<i32>} : memref<6x80x64xf32, #tpu.memory_space<vmem>>, vector<16xf32>,
      tpu.vector_store %arg18[%swap3A_3224, %swap3A_3225, %swap3A_3226], %mul3A_3222 {strides = array<i32>} : memref<6x80x64xf32, #tpu.memory_space<vmem>>, vector<16xf32>,
      %get3A_3228 = arith.constant 58 : i32
      %get3A_3229 = arith.index_cast %scan3A_139 : i32 to index
      %get3A_3230 = arith.index_cast %get3A_3228 : i32 to index
      %get3A_3231 = arith.constant 32 : index
      %get3A_3232 = tpu.vector_load %arg18[%get3A_3229, %get3A_3230, %get3A_3231] {strides = array<i32>} : memref<6x80x64xf32, #tpu.memory_space<vmem>>, vector<16xf32>,
      %mul3A_3233 = vector.broadcast %squeeze3A_3203 : f32 to vector<16xf32>
      %mul3A_3234 = arith.mulf %get3A_3232, %mul3A_3233 : vector<16xf32>
      %swap3A_3235 = arith.constant 58 : i32
      %swap3A_3236 = arith.index_cast %scan3A_139 : i32 to index
      %swap3A_3237 = arith.index_cast %swap3A_3235 : i32 to index
      %swap3A_3238 = arith.constant 32 : index
      %swap3A_3239 = tpu.vector_load %arg18[%swap3A_3236, %swap3A_3237, %swap3A_3238] {strides = array<i32>} : memref<6x80x64xf32, #tpu.memory_space<vmem>>, vector<16xf32>,
      tpu.vector_store %arg18[%swap3A_3236, %swap3A_3237, %swap3A_3238], %mul3A_3234 {strides = array<i32>} : memref<6x80x64xf32, #tpu.memory_space<vmem>>, vector<16xf32>,
      %get3A_3240 = arith.constant 58 : i32
      %get3A_3241 = arith.index_cast %scan3A_139 : i32 to index
      %get3A_3242 = arith.index_cast %get3A_3240 : i32 to index
      %get3A_3243 = arith.constant 48 : index
      %get3A_3244 = tpu.vector_load %arg18[%get3A_3241, %get3A_3242, %get3A_3243] {strides = array<i32>} : memref<6x80x64xf32, #tpu.memory_space<vmem>>, vector<16xf32>,
      %mul3A_3245 = vector.broadcast %squeeze3A_3203 : f32 to vector<16xf32>
      %mul3A_3246 = arith.mulf %get3A_3244, %mul3A_3245 : vector<16xf32>
      %swap3A_3247 = arith.constant 58 : i32
      %swap3A_3248 = arith.index_cast %scan3A_139 : i32 to index
      %swap3A_3249 = arith.index_cast %swap3A_3247 : i32 to index
      %swap3A_3250 = arith.constant 48 : index
      %swap3A_3251 = tpu.vector_load %arg18[%swap3A_3248, %swap3A_3249, %swap3A_3250] {strides = array<i32>} : memref<6x80x64xf32, #tpu.memory_space<vmem>>, vector<16xf32>,
      tpu.vector_store %arg18[%swap3A_3248, %swap3A_3249, %swap3A_3250], %mul3A_3246 {strides = array<i32>} : memref<6x80x64xf32, #tpu.memory_space<vmem>>, vector<16xf32>,
      %slice3A_3252 = vector.extract_strided_slice %get3A_2701 {offsets = [11], sizes = [1], strides = [1]} : vector<16xf32> to vector<1xf32>
      %squeeze3A_3253 = vector.extract %slice3A_3252[0] : f32 from vector<1xf32>
      %get3A_3254 = arith.constant 59 : i32
      %get3A_3255 = arith.index_cast %scan3A_139 : i32 to index
      %get3A_3256 = arith.index_cast %get3A_3254 : i32 to index
      %get3A_3257 = arith.constant 0 : index
      %get3A_3258 = tpu.vector_load %arg18[%get3A_3255, %get3A_3256, %get3A_3257] {strides = array<i32>} : memref<6x80x64xf32, #tpu.memory_space<vmem>>, vector<16xf32>,
      %mul3A_3259 = vector.broadcast %squeeze3A_3253 : f32 to vector<16xf32>
      %mul3A_3260 = arith.mulf %get3A_3258, %mul3A_3259 : vector<16xf32>
      %swap3A_3261 = arith.constant 59 : i32
      %swap3A_3262 = arith.index_cast %scan3A_139 : i32 to index
      %swap3A_3263 = arith.index_cast %swap3A_3261 : i32 to index
      %swap3A_3264 = arith.constant 0 : index
      %swap3A_3265 = tpu.vector_load %arg18[%swap3A_3262, %swap3A_3263, %swap3A_3264] {strides = array<i32>} : memref<6x80x64xf32, #tpu.memory_space<vmem>>, vector<16xf32>,
      tpu.vector_store %arg18[%swap3A_3262, %swap3A_3263, %swap3A_3264], %mul3A_3260 {strides = array<i32>} : memref<6x80x64xf32, #tpu.memory_space<vmem>>, vector<16xf32>,
      %get3A_3266 = arith.constant 59 : i32
      %get3A_3267 = arith.index_cast %scan3A_139 : i32 to index
      %get3A_3268 = arith.index_cast %get3A_3266 : i32 to index
      %get3A_3269 = arith.constant 16 : index
      %get3A_3270 = tpu.vector_load %arg18[%get3A_3267, %get3A_3268, %get3A_3269] {strides = array<i32>} : memref<6x80x64xf32, #tpu.memory_space<vmem>>, vector<16xf32>,
      %mul3A_3271 = vector.broadcast %squeeze3A_3253 : f32 to vector<16xf32>
      %mul3A_3272 = arith.mulf %get3A_3270, %mul3A_3271 : vector<16xf32>
      %swap3A_3273 = arith.constant 59 : i32
      %swap3A_3274 = arith.index_cast %scan3A_139 : i32 to index
      %swap3A_3275 = arith.index_cast %swap3A_3273 : i32 to index
      %swap3A_3276 = arith.constant 16 : index
      %swap3A_3277 = tpu.vector_load %arg18[%swap3A_3274, %swap3A_3275, %swap3A_3276] {strides = array<i32>} : memref<6x80x64xf32, #tpu.memory_space<vmem>>, vector<16xf32>,
      tpu.vector_store %arg18[%swap3A_3274, %swap3A_3275, %swap3A_3276], %mul3A_3272 {strides = array<i32>} : memref<6x80x64xf32, #tpu.memory_space<vmem>>, vector<16xf32>,
      %get3A_3278 = arith.constant 59 : i32
      %get3A_3279 = arith.index_cast %scan3A_139 : i32 to index
      %get3A_3280 = arith.index_cast %get3A_3278 : i32 to index
      %get3A_3281 = arith.constant 32 : index
      %get3A_3282 = tpu.vector_load %arg18[%get3A_3279, %get3A_3280, %get3A_3281] {strides = array<i32>} : memref<6x80x64xf32, #tpu.memory_space<vmem>>, vector<16xf32>,
      %mul3A_3283 = vector.broadcast %squeeze3A_3253 : f32 to vector<16xf32>
      %mul3A_3284 = arith.mulf %get3A_3282, %mul3A_3283 : vector<16xf32>
      %swap3A_3285 = arith.constant 59 : i32
      %swap3A_3286 = arith.index_cast %scan3A_139 : i32 to index
      %swap3A_3287 = arith.index_cast %swap3A_3285 : i32 to index
      %swap3A_3288 = arith.constant 32 : index
      %swap3A_3289 = tpu.vector_load %arg18[%swap3A_3286, %swap3A_3287, %swap3A_3288] {strides = array<i32>} : memref<6x80x64xf32, #tpu.memory_space<vmem>>, vector<16xf32>,
      tpu.vector_store %arg18[%swap3A_3286, %swap3A_3287, %swap3A_3288], %mul3A_3284 {strides = array<i32>} : memref<6x80x64xf32, #tpu.memory_space<vmem>>, vector<16xf32>,
      %get3A_3290 = arith.constant 59 : i32
      %get3A_3291 = arith.index_cast %scan3A_139 : i32 to index
      %get3A_3292 = arith.index_cast %get3A_3290 : i32 to index
      %get3A_3293 = arith.constant 48 : index
      %get3A_3294 = tpu.vector_load %arg18[%get3A_3291, %get3A_3292, %get3A_3293] {strides = array<i32>} : memref<6x80x64xf32, #tpu.memory_space<vmem>>, vector<16xf32>,
      %mul3A_3295 = vector.broadcast %squeeze3A_3253 : f32 to vector<16xf32>
      %mul3A_3296 = arith.mulf %get3A_3294, %mul3A_3295 : vector<16xf32>
      %swap3A_3297 = arith.constant 59 : i32
      %swap3A_3298 = arith.index_cast %scan3A_139 : i32 to index
      %swap3A_3299 = arith.index_cast %swap3A_3297 : i32 to index
      %swap3A_3300 = arith.constant 48 : index
      %swap3A_3301 = tpu.vector_load %arg18[%swap3A_3298, %swap3A_3299, %swap3A_3300] {strides = array<i32>} : memref<6x80x64xf32, #tpu.memory_space<vmem>>, vector<16xf32>,
      tpu.vector_store %arg18[%swap3A_3298, %swap3A_3299, %swap3A_3300], %mul3A_3296 {strides = array<i32>} : memref<6x80x64xf32, #tpu.memory_space<vmem>>, vector<16xf32>,
      %slice3A_3302 = vector.extract_strided_slice %get3A_2701 {offsets = [12], sizes = [1], strides = [1]} : vector<16xf32> to vector<1xf32>
      %squeeze3A_3303 = vector.extract %slice3A_3302[0] : f32 from vector<1xf32>
      %get3A_3304 = arith.constant 60 : i32
      %get3A_3305 = arith.index_cast %scan3A_139 : i32 to index
      %get3A_3306 = arith.index_cast %get3A_3304 : i32 to index
      %get3A_3307 = arith.constant 0 : index
      %get3A_3308 = tpu.vector_load %arg18[%get3A_3305, %get3A_3306, %get3A_3307] {strides = array<i32>} : memref<6x80x64xf32, #tpu.memory_space<vmem>>, vector<16xf32>,
      %mul3A_3309 = vector.broadcast %squeeze3A_3303 : f32 to vector<16xf32>
      %mul3A_3310 = arith.mulf %get3A_3308, %mul3A_3309 : vector<16xf32>
      %swap3A_3311 = arith.constant 60 : i32
      %swap3A_3312 = arith.index_cast %scan3A_139 : i32 to index
      %swap3A_3313 = arith.index_cast %swap3A_3311 : i32 to index
      %swap3A_3314 = arith.constant 0 : index
      %swap3A_3315 = tpu.vector_load %arg18[%swap3A_3312, %swap3A_3313, %swap3A_3314] {strides = array<i32>} : memref<6x80x64xf32, #tpu.memory_space<vmem>>, vector<16xf32>,
      tpu.vector_store %arg18[%swap3A_3312, %swap3A_3313, %swap3A_3314], %mul3A_3310 {strides = array<i32>} : memref<6x80x64xf32, #tpu.memory_space<vmem>>, vector<16xf32>,
      %get3A_3316 = arith.constant 60 : i32
      %get3A_3317 = arith.index_cast %scan3A_139 : i32 to index
      %get3A_3318 = arith.index_cast %get3A_3316 : i32 to index
      %get3A_3319 = arith.constant 16 : index
      %get3A_3320 = tpu.vector_load %arg18[%get3A_3317, %get3A_3318, %get3A_3319] {strides = array<i32>} : memref<6x80x64xf32, #tpu.memory_space<vmem>>, vector<16xf32>,
      %mul3A_3321 = vector.broadcast %squeeze3A_3303 : f32 to vector<16xf32>
      %mul3A_3322 = arith.mulf %get3A_3320, %mul3A_3321 : vector<16xf32>
      %swap3A_3323 = arith.constant 60 : i32
      %swap3A_3324 = arith.index_cast %scan3A_139 : i32 to index
      %swap3A_3325 = arith.index_cast %swap3A_3323 : i32 to index
      %swap3A_3326 = arith.constant 16 : index
      %swap3A_3327 = tpu.vector_load %arg18[%swap3A_3324, %swap3A_3325, %swap3A_3326] {strides = array<i32>} : memref<6x80x64xf32, #tpu.memory_space<vmem>>, vector<16xf32>,
      tpu.vector_store %arg18[%swap3A_3324, %swap3A_3325, %swap3A_3326], %mul3A_3322 {strides = array<i32>} : memref<6x80x64xf32, #tpu.memory_space<vmem>>, vector<16xf32>,
      %get3A_3328 = arith.constant 60 : i32
      %get3A_3329 = arith.index_cast %scan3A_139 : i32 to index
      %get3A_3330 = arith.index_cast %get3A_3328 : i32 to index
      %get3A_3331 = arith.constant 32 : index
      %get3A_3332 = tpu.vector_load %arg18[%get3A_3329, %get3A_3330, %get3A_3331] {strides = array<i32>} : memref<6x80x64xf32, #tpu.memory_space<vmem>>, vector<16xf32>,
      %mul3A_3333 = vector.broadcast %squeeze3A_3303 : f32 to vector<16xf32>
      %mul3A_3334 = arith.mulf %get3A_3332, %mul3A_3333 : vector<16xf32>
      %swap3A_3335 = arith.constant 60 : i32
      %swap3A_3336 = arith.index_cast %scan3A_139 : i32 to index
      %swap3A_3337 = arith.index_cast %swap3A_3335 : i32 to index
      %swap3A_3338 = arith.constant 32 : index
      %swap3A_3339 = tpu.vector_load %arg18[%swap3A_3336, %swap3A_3337, %swap3A_3338] {strides = array<i32>} : memref<6x80x64xf32, #tpu.memory_space<vmem>>, vector<16xf32>,
      tpu.vector_store %arg18[%swap3A_3336, %swap3A_3337, %swap3A_3338], %mul3A_3334 {strides = array<i32>} : memref<6x80x64xf32, #tpu.memory_space<vmem>>, vector<16xf32>,
      %get3A_3340 = arith.constant 60 : i32
      %get3A_3341 = arith.index_cast %scan3A_139 : i32 to index
      %get3A_3342 = arith.index_cast %get3A_3340 : i32 to index
      %get3A_3343 = arith.constant 48 : index
      %get3A_3344 = tpu.vector_load %arg18[%get3A_3341, %get3A_3342, %get3A_3343] {strides = array<i32>} : memref<6x80x64xf32, #tpu.memory_space<vmem>>, vector<16xf32>,
      %mul3A_3345 = vector.broadcast %squeeze3A_3303 : f32 to vector<16xf32>
      %mul3A_3346 = arith.mulf %get3A_3344, %mul3A_3345 : vector<16xf32>
      %swap3A_3347 = arith.constant 60 : i32
      %swap3A_3348 = arith.index_cast %scan3A_139 : i32 to index
      %swap3A_3349 = arith.index_cast %swap3A_3347 : i32 to index
      %swap3A_3350 = arith.constant 48 : index
      %swap3A_3351 = tpu.vector_load %arg18[%swap3A_3348, %swap3A_3349, %swap3A_3350] {strides = array<i32>} : memref<6x80x64xf32, #tpu.memory_space<vmem>>, vector<16xf32>,
      tpu.vector_store %arg18[%swap3A_3348, %swap3A_3349, %swap3A_3350], %mul3A_3346 {strides = array<i32>} : memref<6x80x64xf32, #tpu.memory_space<vmem>>, vector<16xf32>,
      %slice3A_3352 = vector.extract_strided_slice %get3A_2701 {offsets = [13], sizes = [1], strides = [1]} : vector<16xf32> to vector<1xf32>
      %squeeze3A_3353 = vector.extract %slice3A_3352[0] : f32 from vector<1xf32>
      %get3A_3354 = arith.constant 61 : i32
      %get3A_3355 = arith.index_cast %scan3A_139 : i32 to index
      %get3A_3356 = arith.index_cast %get3A_3354 : i32 to index
      %get3A_3357 = arith.constant 0 : index
      %get3A_3358 = tpu.vector_load %arg18[%get3A_3355, %get3A_3356, %get3A_3357] {strides = array<i32>} : memref<6x80x64xf32, #tpu.memory_space<vmem>>, vector<16xf32>,
      %mul3A_3359 = vector.broadcast %squeeze3A_3353 : f32 to vector<16xf32>
      %mul3A_3360 = arith.mulf %get3A_3358, %mul3A_3359 : vector<16xf32>
      %swap3A_3361 = arith.constant 61 : i32
      %swap3A_3362 = arith.index_cast %scan3A_139 : i32 to index
      %swap3A_3363 = arith.index_cast %swap3A_3361 : i32 to index
      %swap3A_3364 = arith.constant 0 : index
      %swap3A_3365 = tpu.vector_load %arg18[%swap3A_3362, %swap3A_3363, %swap3A_3364] {strides = array<i32>} : memref<6x80x64xf32, #tpu.memory_space<vmem>>, vector<16xf32>,
      tpu.vector_store %arg18[%swap3A_3362, %swap3A_3363, %swap3A_3364], %mul3A_3360 {strides = array<i32>} : memref<6x80x64xf32, #tpu.memory_space<vmem>>, vector<16xf32>,
      %get3A_3366 = arith.constant 61 : i32
      %get3A_3367 = arith.index_cast %scan3A_139 : i32 to index
      %get3A_3368 = arith.index_cast %get3A_3366 : i32 to index
      %get3A_3369 = arith.constant 16 : index
      %get3A_3370 = tpu.vector_load %arg18[%get3A_3367, %get3A_3368, %get3A_3369] {strides = array<i32>} : memref<6x80x64xf32, #tpu.memory_space<vmem>>, vector<16xf32>,
      %mul3A_3371 = vector.broadcast %squeeze3A_3353 : f32 to vector<16xf32>
      %mul3A_3372 = arith.mulf %get3A_3370, %mul3A_3371 : vector<16xf32>
      %swap3A_3373 = arith.constant 61 : i32
      %swap3A_3374 = arith.index_cast %scan3A_139 : i32 to index
      %swap3A_3375 = arith.index_cast %swap3A_3373 : i32 to index
      %swap3A_3376 = arith.constant 16 : index
      %swap3A_3377 = tpu.vector_load %arg18[%swap3A_3374, %swap3A_3375, %swap3A_3376] {strides = array<i32>} : memref<6x80x64xf32, #tpu.memory_space<vmem>>, vector<16xf32>,
      tpu.vector_store %arg18[%swap3A_3374, %swap3A_3375, %swap3A_3376], %mul3A_3372 {strides = array<i32>} : memref<6x80x64xf32, #tpu.memory_space<vmem>>, vector<16xf32>,
      %get3A_3378 = arith.constant 61 : i32
      %get3A_3379 = arith.index_cast %scan3A_139 : i32 to index
      %get3A_3380 = arith.index_cast %get3A_3378 : i32 to index
      %get3A_3381 = arith.constant 32 : index
      %get3A_3382 = tpu.vector_load %arg18[%get3A_3379, %get3A_3380, %get3A_3381] {strides = array<i32>} : memref<6x80x64xf32, #tpu.memory_space<vmem>>, vector<16xf32>,
      %mul3A_3383 = vector.broadcast %squeeze3A_3353 : f32 to vector<16xf32>
      %mul3A_3384 = arith.mulf %get3A_3382, %mul3A_3383 : vector<16xf32>
      %swap3A_3385 = arith.constant 61 : i32
      %swap3A_3386 = arith.index_cast %scan3A_139 : i32 to index
      %swap3A_3387 = arith.index_cast %swap3A_3385 : i32 to index
      %swap3A_3388 = arith.constant 32 : index
      %swap3A_3389 = tpu.vector_load %arg18[%swap3A_3386, %swap3A_3387, %swap3A_3388] {strides = array<i32>} : memref<6x80x64xf32, #tpu.memory_space<vmem>>, vector<16xf32>,
      tpu.vector_store %arg18[%swap3A_3386, %swap3A_3387, %swap3A_3388], %mul3A_3384 {strides = array<i32>} : memref<6x80x64xf32, #tpu.memory_space<vmem>>, vector<16xf32>,
      %get3A_3390 = arith.constant 61 : i32
      %get3A_3391 = arith.index_cast %scan3A_139 : i32 to index
      %get3A_3392 = arith.index_cast %get3A_3390 : i32 to index
      %get3A_3393 = arith.constant 48 : index
      %get3A_3394 = tpu.vector_load %arg18[%get3A_3391, %get3A_3392, %get3A_3393] {strides = array<i32>} : memref<6x80x64xf32, #tpu.memory_space<vmem>>, vector<16xf32>,
      %mul3A_3395 = vector.broadcast %squeeze3A_3353 : f32 to vector<16xf32>
      %mul3A_3396 = arith.mulf %get3A_3394, %mul3A_3395 : vector<16xf32>
      %swap3A_3397 = arith.constant 61 : i32
      %swap3A_3398 = arith.index_cast %scan3A_139 : i32 to index
      %swap3A_3399 = arith.index_cast %swap3A_3397 : i32 to index
      %swap3A_3400 = arith.constant 48 : index
      %swap3A_3401 = tpu.vector_load %arg18[%swap3A_3398, %swap3A_3399, %swap3A_3400] {strides = array<i32>} : memref<6x80x64xf32, #tpu.memory_space<vmem>>, vector<16xf32>,
      tpu.vector_store %arg18[%swap3A_3398, %swap3A_3399, %swap3A_3400], %mul3A_3396 {strides = array<i32>} : memref<6x80x64xf32, #tpu.memory_space<vmem>>, vector<16xf32>,
      %slice3A_3402 = vector.extract_strided_slice %get3A_2701 {offsets = [14], sizes = [1], strides = [1]} : vector<16xf32> to vector<1xf32>
      %squeeze3A_3403 = vector.extract %slice3A_3402[0] : f32 from vector<1xf32>
      %get3A_3404 = arith.constant 62 : i32
      %get3A_3405 = arith.index_cast %scan3A_139 : i32 to index
      %get3A_3406 = arith.index_cast %get3A_3404 : i32 to index
      %get3A_3407 = arith.constant 0 : index
      %get3A_3408 = tpu.vector_load %arg18[%get3A_3405, %get3A_3406, %get3A_3407] {strides = array<i32>} : memref<6x80x64xf32, #tpu.memory_space<vmem>>, vector<16xf32>,
      %mul3A_3409 = vector.broadcast %squeeze3A_3403 : f32 to vector<16xf32>
      %mul3A_3410 = arith.mulf %get3A_3408, %mul3A_3409 : vector<16xf32>
      %swap3A_3411 = arith.constant 62 : i32
      %swap3A_3412 = arith.index_cast %scan3A_139 : i32 to index
      %swap3A_3413 = arith.index_cast %swap3A_3411 : i32 to index
      %swap3A_3414 = arith.constant 0 : index
      %swap3A_3415 = tpu.vector_load %arg18[%swap3A_3412, %swap3A_3413, %swap3A_3414] {strides = array<i32>} : memref<6x80x64xf32, #tpu.memory_space<vmem>>, vector<16xf32>,
      tpu.vector_store %arg18[%swap3A_3412, %swap3A_3413, %swap3A_3414], %mul3A_3410 {strides = array<i32>} : memref<6x80x64xf32, #tpu.memory_space<vmem>>, vector<16xf32>,
      %get3A_3416 = arith.constant 62 : i32
      %get3A_3417 = arith.index_cast %scan3A_139 : i32 to index
      %get3A_3418 = arith.index_cast %get3A_3416 : i32 to index
      %get3A_3419 = arith.constant 16 : index
      %get3A_3420 = tpu.vector_load %arg18[%get3A_3417, %get3A_3418, %get3A_3419] {strides = array<i32>} : memref<6x80x64xf32, #tpu.memory_space<vmem>>, vector<16xf32>,
      %mul3A_3421 = vector.broadcast %squeeze3A_3403 : f32 to vector<16xf32>
      %mul3A_3422 = arith.mulf %get3A_3420, %mul3A_3421 : vector<16xf32>
      %swap3A_3423 = arith.constant 62 : i32
      %swap3A_3424 = arith.index_cast %scan3A_139 : i32 to index
      %swap3A_3425 = arith.index_cast %swap3A_3423 : i32 to index
      %swap3A_3426 = arith.constant 16 : index
      %swap3A_3427 = tpu.vector_load %arg18[%swap3A_3424, %swap3A_3425, %swap3A_3426] {strides = array<i32>} : memref<6x80x64xf32, #tpu.memory_space<vmem>>, vector<16xf32>,
      tpu.vector_store %arg18[%swap3A_3424, %swap3A_3425, %swap3A_3426], %mul3A_3422 {strides = array<i32>} : memref<6x80x64xf32, #tpu.memory_space<vmem>>, vector<16xf32>,
      %get3A_3428 = arith.constant 62 : i32
      %get3A_3429 = arith.index_cast %scan3A_139 : i32 to index
      %get3A_3430 = arith.index_cast %get3A_3428 : i32 to index
      %get3A_3431 = arith.constant 32 : index
      %get3A_3432 = tpu.vector_load %arg18[%get3A_3429, %get3A_3430, %get3A_3431] {strides = array<i32>} : memref<6x80x64xf32, #tpu.memory_space<vmem>>, vector<16xf32>,
      %mul3A_3433 = vector.broadcast %squeeze3A_3403 : f32 to vector<16xf32>
      %mul3A_3434 = arith.mulf %get3A_3432, %mul3A_3433 : vector<16xf32>
      %swap3A_3435 = arith.constant 62 : i32
      %swap3A_3436 = arith.index_cast %scan3A_139 : i32 to index
      %swap3A_3437 = arith.index_cast %swap3A_3435 : i32 to index
      %swap3A_3438 = arith.constant 32 : index
      %swap3A_3439 = tpu.vector_load %arg18[%swap3A_3436, %swap3A_3437, %swap3A_3438] {strides = array<i32>} : memref<6x80x64xf32, #tpu.memory_space<vmem>>, vector<16xf32>,
      tpu.vector_store %arg18[%swap3A_3436, %swap3A_3437, %swap3A_3438], %mul3A_3434 {strides = array<i32>} : memref<6x80x64xf32, #tpu.memory_space<vmem>>, vector<16xf32>,
      %get3A_3440 = arith.constant 62 : i32
      %get3A_3441 = arith.index_cast %scan3A_139 : i32 to index
      %get3A_3442 = arith.index_cast %get3A_3440 : i32 to index
      %get3A_3443 = arith.constant 48 : index
      %get3A_3444 = tpu.vector_load %arg18[%get3A_3441, %get3A_3442, %get3A_3443] {strides = array<i32>} : memref<6x80x64xf32, #tpu.memory_space<vmem>>, vector<16xf32>,
      %mul3A_3445 = vector.broadcast %squeeze3A_3403 : f32 to vector<16xf32>
      %mul3A_3446 = arith.mulf %get3A_3444, %mul3A_3445 : vector<16xf32>
      %swap3A_3447 = arith.constant 62 : i32
      %swap3A_3448 = arith.index_cast %scan3A_139 : i32 to index
      %swap3A_3449 = arith.index_cast %swap3A_3447 : i32 to index
      %swap3A_3450 = arith.constant 48 : index
      %swap3A_3451 = tpu.vector_load %arg18[%swap3A_3448, %swap3A_3449, %swap3A_3450] {strides = array<i32>} : memref<6x80x64xf32, #tpu.memory_space<vmem>>, vector<16xf32>,
      tpu.vector_store %arg18[%swap3A_3448, %swap3A_3449, %swap3A_3450], %mul3A_3446 {strides = array<i32>} : memref<6x80x64xf32, #tpu.memory_space<vmem>>, vector<16xf32>,
      %slice3A_3452 = vector.extract_strided_slice %get3A_2701 {offsets = [15], sizes = [1], strides = [1]} : vector<16xf32> to vector<1xf32>
      %squeeze3A_3453 = vector.extract %slice3A_3452[0] : f32 from vector<1xf32>
      %get3A_3454 = arith.constant 63 : i32
      %get3A_3455 = arith.index_cast %scan3A_139 : i32 to index
      %get3A_3456 = arith.index_cast %get3A_3454 : i32 to index
      %get3A_3457 = arith.constant 0 : index
      %get3A_3458 = tpu.vector_load %arg18[%get3A_3455, %get3A_3456, %get3A_3457] {strides = array<i32>} : memref<6x80x64xf32, #tpu.memory_space<vmem>>, vector<16xf32>,
      %mul3A_3459 = vector.broadcast %squeeze3A_3453 : f32 to vector<16xf32>
      %mul3A_3460 = arith.mulf %get3A_3458, %mul3A_3459 : vector<16xf32>
      %swap3A_3461 = arith.constant 63 : i32
      %swap3A_3462 = arith.index_cast %scan3A_139 : i32 to index
      %swap3A_3463 = arith.index_cast %swap3A_3461 : i32 to index
      %swap3A_3464 = arith.constant 0 : index
      %swap3A_3465 = tpu.vector_load %arg18[%swap3A_3462, %swap3A_3463, %swap3A_3464] {strides = array<i32>} : memref<6x80x64xf32, #tpu.memory_space<vmem>>, vector<16xf32>,
      tpu.vector_store %arg18[%swap3A_3462, %swap3A_3463, %swap3A_3464], %mul3A_3460 {strides = array<i32>} : memref<6x80x64xf32, #tpu.memory_space<vmem>>, vector<16xf32>,
      %get3A_3466 = arith.constant 63 : i32
      %get3A_3467 = arith.index_cast %scan3A_139 : i32 to index
      %get3A_3468 = arith.index_cast %get3A_3466 : i32 to index
      %get3A_3469 = arith.constant 16 : index
      %get3A_3470 = tpu.vector_load %arg18[%get3A_3467, %get3A_3468, %get3A_3469] {strides = array<i32>} : memref<6x80x64xf32, #tpu.memory_space<vmem>>, vector<16xf32>,
      %mul3A_3471 = vector.broadcast %squeeze3A_3453 : f32 to vector<16xf32>
      %mul3A_3472 = arith.mulf %get3A_3470, %mul3A_3471 : vector<16xf32>
      %swap3A_3473 = arith.constant 63 : i32
      %swap3A_3474 = arith.index_cast %scan3A_139 : i32 to index
      %swap3A_3475 = arith.index_cast %swap3A_3473 : i32 to index
      %swap3A_3476 = arith.constant 16 : index
      %swap3A_3477 = tpu.vector_load %arg18[%swap3A_3474, %swap3A_3475, %swap3A_3476] {strides = array<i32>} : memref<6x80x64xf32, #tpu.memory_space<vmem>>, vector<16xf32>,
      tpu.vector_store %arg18[%swap3A_3474, %swap3A_3475, %swap3A_3476], %mul3A_3472 {strides = array<i32>} : memref<6x80x64xf32, #tpu.memory_space<vmem>>, vector<16xf32>,
      %get3A_3478 = arith.constant 63 : i32
      %get3A_3479 = arith.index_cast %scan3A_139 : i32 to index
      %get3A_3480 = arith.index_cast %get3A_3478 : i32 to index
      %get3A_3481 = arith.constant 32 : index
      %get3A_3482 = tpu.vector_load %arg18[%get3A_3479, %get3A_3480, %get3A_3481] {strides = array<i32>} : memref<6x80x64xf32, #tpu.memory_space<vmem>>, vector<16xf32>,
      %mul3A_3483 = vector.broadcast %squeeze3A_3453 : f32 to vector<16xf32>
      %mul3A_3484 = arith.mulf %get3A_3482, %mul3A_3483 : vector<16xf32>
      %swap3A_3485 = arith.constant 63 : i32
      %swap3A_3486 = arith.index_cast %scan3A_139 : i32 to index
      %swap3A_3487 = arith.index_cast %swap3A_3485 : i32 to index
      %swap3A_3488 = arith.constant 32 : index
      %swap3A_3489 = tpu.vector_load %arg18[%swap3A_3486, %swap3A_3487, %swap3A_3488] {strides = array<i32>} : memref<6x80x64xf32, #tpu.memory_space<vmem>>, vector<16xf32>,
      tpu.vector_store %arg18[%swap3A_3486, %swap3A_3487, %swap3A_3488], %mul3A_3484 {strides = array<i32>} : memref<6x80x64xf32, #tpu.memory_space<vmem>>, vector<16xf32>,
      %get3A_3490 = arith.constant 63 : i32
      %get3A_3491 = arith.index_cast %scan3A_139 : i32 to index
      %get3A_3492 = arith.index_cast %get3A_3490 : i32 to index
      %get3A_3493 = arith.constant 48 : index
      %get3A_3494 = tpu.vector_load %arg18[%get3A_3491, %get3A_3492, %get3A_3493] {strides = array<i32>} : memref<6x80x64xf32, #tpu.memory_space<vmem>>, vector<16xf32>,
      %mul3A_3495 = vector.broadcast %squeeze3A_3453 : f32 to vector<16xf32>
      %mul3A_3496 = arith.mulf %get3A_3494, %mul3A_3495 : vector<16xf32>
      %swap3A_3497 = arith.constant 63 : i32
      %swap3A_3498 = arith.index_cast %scan3A_139 : i32 to index
      %swap3A_3499 = arith.index_cast %swap3A_3497 : i32 to index
      %swap3A_3500 = arith.constant 48 : index
      %swap3A_3501 = tpu.vector_load %arg18[%swap3A_3498, %swap3A_3499, %swap3A_3500] {strides = array<i32>} : memref<6x80x64xf32, #tpu.memory_space<vmem>>, vector<16xf32>,
      tpu.vector_store %arg18[%swap3A_3498, %swap3A_3499, %swap3A_3500], %mul3A_3496 {strides = array<i32>} : memref<6x80x64xf32, #tpu.memory_space<vmem>>, vector<16xf32>,
      %get3A_3502 = arith.constant 64 : index
      %get3A_3503 = tpu.vector_load %arg17[%get3A_3502] {strides = array<i32>} : memref<80xf32, #tpu.memory_space<vmem>>, vector<16xf32>,
      %slice3A_3504 = vector.extract_strided_slice %get3A_3503 {offsets = [0], sizes = [1], strides = [1]} : vector<16xf32> to vector<1xf32>
      %squeeze3A_3505 = vector.extract %slice3A_3504[0] : f32 from vector<1xf32>
      %get3A_3506 = arith.constant 64 : i32
      %get3A_3507 = arith.index_cast %scan3A_139 : i32 to index
      %get3A_3508 = arith.index_cast %get3A_3506 : i32 to index
      %get3A_3509 = arith.constant 0 : index
      %get3A_3510 = tpu.vector_load %arg18[%get3A_3507, %get3A_3508, %get3A_3509] {strides = array<i32>} : memref<6x80x64xf32, #tpu.memory_space<vmem>>, vector<16xf32>,
      %mul3A_3511 = vector.broadcast %squeeze3A_3505 : f32 to vector<16xf32>
      %mul3A_3512 = arith.mulf %get3A_3510, %mul3A_3511 : vector<16xf32>
      %swap3A_3513 = arith.constant 64 : i32
      %swap3A_3514 = arith.index_cast %scan3A_139 : i32 to index
      %swap3A_3515 = arith.index_cast %swap3A_3513 : i32 to index
      %swap3A_3516 = arith.constant 0 : index
      %swap3A_3517 = tpu.vector_load %arg18[%swap3A_3514, %swap3A_3515, %swap3A_3516] {strides = array<i32>} : memref<6x80x64xf32, #tpu.memory_space<vmem>>, vector<16xf32>,
      tpu.vector_store %arg18[%swap3A_3514, %swap3A_3515, %swap3A_3516], %mul3A_3512 {strides = array<i32>} : memref<6x80x64xf32, #tpu.memory_space<vmem>>, vector<16xf32>,
      %get3A_3518 = arith.constant 64 : i32
      %get3A_3519 = arith.index_cast %scan3A_139 : i32 to index
      %get3A_3520 = arith.index_cast %get3A_3518 : i32 to index
      %get3A_3521 = arith.constant 16 : index
      %get3A_3522 = tpu.vector_load %arg18[%get3A_3519, %get3A_3520, %get3A_3521] {strides = array<i32>} : memref<6x80x64xf32, #tpu.memory_space<vmem>>, vector<16xf32>,
      %mul3A_3523 = vector.broadcast %squeeze3A_3505 : f32 to vector<16xf32>
      %mul3A_3524 = arith.mulf %get3A_3522, %mul3A_3523 : vector<16xf32>
      %swap3A_3525 = arith.constant 64 : i32
      %swap3A_3526 = arith.index_cast %scan3A_139 : i32 to index
      %swap3A_3527 = arith.index_cast %swap3A_3525 : i32 to index
      %swap3A_3528 = arith.constant 16 : index
      %swap3A_3529 = tpu.vector_load %arg18[%swap3A_3526, %swap3A_3527, %swap3A_3528] {strides = array<i32>} : memref<6x80x64xf32, #tpu.memory_space<vmem>>, vector<16xf32>,
      tpu.vector_store %arg18[%swap3A_3526, %swap3A_3527, %swap3A_3528], %mul3A_3524 {strides = array<i32>} : memref<6x80x64xf32, #tpu.memory_space<vmem>>, vector<16xf32>,
      %get3A_3530 = arith.constant 64 : i32
      %get3A_3531 = arith.index_cast %scan3A_139 : i32 to index
      %get3A_3532 = arith.index_cast %get3A_3530 : i32 to index
      %get3A_3533 = arith.constant 32 : index
      %get3A_3534 = tpu.vector_load %arg18[%get3A_3531, %get3A_3532, %get3A_3533] {strides = array<i32>} : memref<6x80x64xf32, #tpu.memory_space<vmem>>, vector<16xf32>,
      %mul3A_3535 = vector.broadcast %squeeze3A_3505 : f32 to vector<16xf32>
      %mul3A_3536 = arith.mulf %get3A_3534, %mul3A_3535 : vector<16xf32>
      %swap3A_3537 = arith.constant 64 : i32
      %swap3A_3538 = arith.index_cast %scan3A_139 : i32 to index
      %swap3A_3539 = arith.index_cast %swap3A_3537 : i32 to index
      %swap3A_3540 = arith.constant 32 : index
      %swap3A_3541 = tpu.vector_load %arg18[%swap3A_3538, %swap3A_3539, %swap3A_3540] {strides = array<i32>} : memref<6x80x64xf32, #tpu.memory_space<vmem>>, vector<16xf32>,
      tpu.vector_store %arg18[%swap3A_3538, %swap3A_3539, %swap3A_3540], %mul3A_3536 {strides = array<i32>} : memref<6x80x64xf32, #tpu.memory_space<vmem>>, vector<16xf32>,
      %get3A_3542 = arith.constant 64 : i32
      %get3A_3543 = arith.index_cast %scan3A_139 : i32 to index
      %get3A_3544 = arith.index_cast %get3A_3542 : i32 to index
      %get3A_3545 = arith.constant 48 : index
      %get3A_3546 = tpu.vector_load %arg18[%get3A_3543, %get3A_3544, %get3A_3545] {strides = array<i32>} : memref<6x80x64xf32, #tpu.memory_space<vmem>>, vector<16xf32>,
      %mul3A_3547 = vector.broadcast %squeeze3A_3505 : f32 to vector<16xf32>
      %mul3A_3548 = arith.mulf %get3A_3546, %mul3A_3547 : vector<16xf32>
      %swap3A_3549 = arith.constant 64 : i32
      %swap3A_3550 = arith.index_cast %scan3A_139 : i32 to index
      %swap3A_3551 = arith.index_cast %swap3A_3549 : i32 to index
      %swap3A_3552 = arith.constant 48 : index
      %swap3A_3553 = tpu.vector_load %arg18[%swap3A_3550, %swap3A_3551, %swap3A_3552] {strides = array<i32>} : memref<6x80x64xf32, #tpu.memory_space<vmem>>, vector<16xf32>,
      tpu.vector_store %arg18[%swap3A_3550, %swap3A_3551, %swap3A_3552], %mul3A_3548 {strides = array<i32>} : memref<6x80x64xf32, #tpu.memory_space<vmem>>, vector<16xf32>,
      %slice3A_3554 = vector.extract_strided_slice %get3A_3503 {offsets = [1], sizes = [1], strides = [1]} : vector<16xf32> to vector<1xf32>
      %squeeze3A_3555 = vector.extract %slice3A_3554[0] : f32 from vector<1xf32>
      %get3A_3556 = arith.constant 65 : i32
      %get3A_3557 = arith.index_cast %scan3A_139 : i32 to index
      %get3A_3558 = arith.index_cast %get3A_3556 : i32 to index
      %get3A_3559 = arith.constant 0 : index
      %get3A_3560 = tpu.vector_load %arg18[%get3A_3557, %get3A_3558, %get3A_3559] {strides = array<i32>} : memref<6x80x64xf32, #tpu.memory_space<vmem>>, vector<16xf32>,
      %mul3A_3561 = vector.broadcast %squeeze3A_3555 : f32 to vector<16xf32>
      %mul3A_3562 = arith.mulf %get3A_3560, %mul3A_3561 : vector<16xf32>
      %swap3A_3563 = arith.constant 65 : i32
      %swap3A_3564 = arith.index_cast %scan3A_139 : i32 to index
      %swap3A_3565 = arith.index_cast %swap3A_3563 : i32 to index
      %swap3A_3566 = arith.constant 0 : index
      %swap3A_3567 = tpu.vector_load %arg18[%swap3A_3564, %swap3A_3565, %swap3A_3566] {strides = array<i32>} : memref<6x80x64xf32, #tpu.memory_space<vmem>>, vector<16xf32>,
      tpu.vector_store %arg18[%swap3A_3564, %swap3A_3565, %swap3A_3566], %mul3A_3562 {strides = array<i32>} : memref<6x80x64xf32, #tpu.memory_space<vmem>>, vector<16xf32>,
      %get3A_3568 = arith.constant 65 : i32
      %get3A_3569 = arith.index_cast %scan3A_139 : i32 to index
      %get3A_3570 = arith.index_cast %get3A_3568 : i32 to index
      %get3A_3571 = arith.constant 16 : index
      %get3A_3572 = tpu.vector_load %arg18[%get3A_3569, %get3A_3570, %get3A_3571] {strides = array<i32>} : memref<6x80x64xf32, #tpu.memory_space<vmem>>, vector<16xf32>,
      %mul3A_3573 = vector.broadcast %squeeze3A_3555 : f32 to vector<16xf32>
      %mul3A_3574 = arith.mulf %get3A_3572, %mul3A_3573 : vector<16xf32>
      %swap3A_3575 = arith.constant 65 : i32
      %swap3A_3576 = arith.index_cast %scan3A_139 : i32 to index
      %swap3A_3577 = arith.index_cast %swap3A_3575 : i32 to index
      %swap3A_3578 = arith.constant 16 : index
      %swap3A_3579 = tpu.vector_load %arg18[%swap3A_3576, %swap3A_3577, %swap3A_3578] {strides = array<i32>} : memref<6x80x64xf32, #tpu.memory_space<vmem>>, vector<16xf32>,
      tpu.vector_store %arg18[%swap3A_3576, %swap3A_3577, %swap3A_3578], %mul3A_3574 {strides = array<i32>} : memref<6x80x64xf32, #tpu.memory_space<vmem>>, vector<16xf32>,
      %get3A_3580 = arith.constant 65 : i32
      %get3A_3581 = arith.index_cast %scan3A_139 : i32 to index
      %get3A_3582 = arith.index_cast %get3A_3580 : i32 to index
      %get3A_3583 = arith.constant 32 : index
      %get3A_3584 = tpu.vector_load %arg18[%get3A_3581, %get3A_3582, %get3A_3583] {strides = array<i32>} : memref<6x80x64xf32, #tpu.memory_space<vmem>>, vector<16xf32>,
      %mul3A_3585 = vector.broadcast %squeeze3A_3555 : f32 to vector<16xf32>
      %mul3A_3586 = arith.mulf %get3A_3584, %mul3A_3585 : vector<16xf32>
      %swap3A_3587 = arith.constant 65 : i32
      %swap3A_3588 = arith.index_cast %scan3A_139 : i32 to index
      %swap3A_3589 = arith.index_cast %swap3A_3587 : i32 to index
      %swap3A_3590 = arith.constant 32 : index
      %swap3A_3591 = tpu.vector_load %arg18[%swap3A_3588, %swap3A_3589, %swap3A_3590] {strides = array<i32>} : memref<6x80x64xf32, #tpu.memory_space<vmem>>, vector<16xf32>,
      tpu.vector_store %arg18[%swap3A_3588, %swap3A_3589, %swap3A_3590], %mul3A_3586 {strides = array<i32>} : memref<6x80x64xf32, #tpu.memory_space<vmem>>, vector<16xf32>,
      %get3A_3592 = arith.constant 65 : i32
      %get3A_3593 = arith.index_cast %scan3A_139 : i32 to index
      %get3A_3594 = arith.index_cast %get3A_3592 : i32 to index
      %get3A_3595 = arith.constant 48 : index
      %get3A_3596 = tpu.vector_load %arg18[%get3A_3593, %get3A_3594, %get3A_3595] {strides = array<i32>} : memref<6x80x64xf32, #tpu.memory_space<vmem>>, vector<16xf32>,
      %mul3A_3597 = vector.broadcast %squeeze3A_3555 : f32 to vector<16xf32>
      %mul3A_3598 = arith.mulf %get3A_3596, %mul3A_3597 : vector<16xf32>
      %swap3A_3599 = arith.constant 65 : i32
      %swap3A_3600 = arith.index_cast %scan3A_139 : i32 to index
      %swap3A_3601 = arith.index_cast %swap3A_3599 : i32 to index
      %swap3A_3602 = arith.constant 48 : index
      %swap3A_3603 = tpu.vector_load %arg18[%swap3A_3600, %swap3A_3601, %swap3A_3602] {strides = array<i32>} : memref<6x80x64xf32, #tpu.memory_space<vmem>>, vector<16xf32>,
      tpu.vector_store %arg18[%swap3A_3600, %swap3A_3601, %swap3A_3602], %mul3A_3598 {strides = array<i32>} : memref<6x80x64xf32, #tpu.memory_space<vmem>>, vector<16xf32>,
      %slice3A_3604 = vector.extract_strided_slice %get3A_3503 {offsets = [2], sizes = [1], strides = [1]} : vector<16xf32> to vector<1xf32>
      %squeeze3A_3605 = vector.extract %slice3A_3604[0] : f32 from vector<1xf32>
      %get3A_3606 = arith.constant 66 : i32
      %get3A_3607 = arith.index_cast %scan3A_139 : i32 to index
      %get3A_3608 = arith.index_cast %get3A_3606 : i32 to index
      %get3A_3609 = arith.constant 0 : index
      %get3A_3610 = tpu.vector_load %arg18[%get3A_3607, %get3A_3608, %get3A_3609] {strides = array<i32>} : memref<6x80x64xf32, #tpu.memory_space<vmem>>, vector<16xf32>,
      %mul3A_3611 = vector.broadcast %squeeze3A_3605 : f32 to vector<16xf32>
      %mul3A_3612 = arith.mulf %get3A_3610, %mul3A_3611 : vector<16xf32>
      %swap3A_3613 = arith.constant 66 : i32
      %swap3A_3614 = arith.index_cast %scan3A_139 : i32 to index
      %swap3A_3615 = arith.index_cast %swap3A_3613 : i32 to index
      %swap3A_3616 = arith.constant 0 : index
      %swap3A_3617 = tpu.vector_load %arg18[%swap3A_3614, %swap3A_3615, %swap3A_3616] {strides = array<i32>} : memref<6x80x64xf32, #tpu.memory_space<vmem>>, vector<16xf32>,
      tpu.vector_store %arg18[%swap3A_3614, %swap3A_3615, %swap3A_3616], %mul3A_3612 {strides = array<i32>} : memref<6x80x64xf32, #tpu.memory_space<vmem>>, vector<16xf32>,
      %get3A_3618 = arith.constant 66 : i32
      %get3A_3619 = arith.index_cast %scan3A_139 : i32 to index
      %get3A_3620 = arith.index_cast %get3A_3618 : i32 to index
      %get3A_3621 = arith.constant 16 : index
      %get3A_3622 = tpu.vector_load %arg18[%get3A_3619, %get3A_3620, %get3A_3621] {strides = array<i32>} : memref<6x80x64xf32, #tpu.memory_space<vmem>>, vector<16xf32>,
      %mul3A_3623 = vector.broadcast %squeeze3A_3605 : f32 to vector<16xf32>
      %mul3A_3624 = arith.mulf %get3A_3622, %mul3A_3623 : vector<16xf32>
      %swap3A_3625 = arith.constant 66 : i32
      %swap3A_3626 = arith.index_cast %scan3A_139 : i32 to index
      %swap3A_3627 = arith.index_cast %swap3A_3625 : i32 to index
      %swap3A_3628 = arith.constant 16 : index
      %swap3A_3629 = tpu.vector_load %arg18[%swap3A_3626, %swap3A_3627, %swap3A_3628] {strides = array<i32>} : memref<6x80x64xf32, #tpu.memory_space<vmem>>, vector<16xf32>,
      tpu.vector_store %arg18[%swap3A_3626, %swap3A_3627, %swap3A_3628], %mul3A_3624 {strides = array<i32>} : memref<6x80x64xf32, #tpu.memory_space<vmem>>, vector<16xf32>,
      %get3A_3630 = arith.constant 66 : i32
      %get3A_3631 = arith.index_cast %scan3A_139 : i32 to index
      %get3A_3632 = arith.index_cast %get3A_3630 : i32 to index
      %get3A_3633 = arith.constant 32 : index
      %get3A_3634 = tpu.vector_load %arg18[%get3A_3631, %get3A_3632, %get3A_3633] {strides = array<i32>} : memref<6x80x64xf32, #tpu.memory_space<vmem>>, vector<16xf32>,
      %mul3A_3635 = vector.broadcast %squeeze3A_3605 : f32 to vector<16xf32>
      %mul3A_3636 = arith.mulf %get3A_3634, %mul3A_3635 : vector<16xf32>
      %swap3A_3637 = arith.constant 66 : i32
      %swap3A_3638 = arith.index_cast %scan3A_139 : i32 to index
      %swap3A_3639 = arith.index_cast %swap3A_3637 : i32 to index
      %swap3A_3640 = arith.constant 32 : index
      %swap3A_3641 = tpu.vector_load %arg18[%swap3A_3638, %swap3A_3639, %swap3A_3640] {strides = array<i32>} : memref<6x80x64xf32, #tpu.memory_space<vmem>>, vector<16xf32>,
      tpu.vector_store %arg18[%swap3A_3638, %swap3A_3639, %swap3A_3640], %mul3A_3636 {strides = array<i32>} : memref<6x80x64xf32, #tpu.memory_space<vmem>>, vector<16xf32>,
      %get3A_3642 = arith.constant 66 : i32
      %get3A_3643 = arith.index_cast %scan3A_139 : i32 to index
      %get3A_3644 = arith.index_cast %get3A_3642 : i32 to index
      %get3A_3645 = arith.constant 48 : index
      %get3A_3646 = tpu.vector_load %arg18[%get3A_3643, %get3A_3644, %get3A_3645] {strides = array<i32>} : memref<6x80x64xf32, #tpu.memory_space<vmem>>, vector<16xf32>,
      %mul3A_3647 = vector.broadcast %squeeze3A_3605 : f32 to vector<16xf32>
      %mul3A_3648 = arith.mulf %get3A_3646, %mul3A_3647 : vector<16xf32>
      %swap3A_3649 = arith.constant 66 : i32
      %swap3A_3650 = arith.index_cast %scan3A_139 : i32 to index
      %swap3A_3651 = arith.index_cast %swap3A_3649 : i32 to index
      %swap3A_3652 = arith.constant 48 : index
      %swap3A_3653 = tpu.vector_load %arg18[%swap3A_3650, %swap3A_3651, %swap3A_3652] {strides = array<i32>} : memref<6x80x64xf32, #tpu.memory_space<vmem>>, vector<16xf32>,
      tpu.vector_store %arg18[%swap3A_3650, %swap3A_3651, %swap3A_3652], %mul3A_3648 {strides = array<i32>} : memref<6x80x64xf32, #tpu.memory_space<vmem>>, vector<16xf32>,
      %slice3A_3654 = vector.extract_strided_slice %get3A_3503 {offsets = [3], sizes = [1], strides = [1]} : vector<16xf32> to vector<1xf32>
      %squeeze3A_3655 = vector.extract %slice3A_3654[0] : f32 from vector<1xf32>
      %get3A_3656 = arith.constant 67 : i32
      %get3A_3657 = arith.index_cast %scan3A_139 : i32 to index
      %get3A_3658 = arith.index_cast %get3A_3656 : i32 to index
      %get3A_3659 = arith.constant 0 : index
      %get3A_3660 = tpu.vector_load %arg18[%get3A_3657, %get3A_3658, %get3A_3659] {strides = array<i32>} : memref<6x80x64xf32, #tpu.memory_space<vmem>>, vector<16xf32>,
      %mul3A_3661 = vector.broadcast %squeeze3A_3655 : f32 to vector<16xf32>
      %mul3A_3662 = arith.mulf %get3A_3660, %mul3A_3661 : vector<16xf32>
      %swap3A_3663 = arith.constant 67 : i32
      %swap3A_3664 = arith.index_cast %scan3A_139 : i32 to index
      %swap3A_3665 = arith.index_cast %swap3A_3663 : i32 to index
      %swap3A_3666 = arith.constant 0 : index
      %swap3A_3667 = tpu.vector_load %arg18[%swap3A_3664, %swap3A_3665, %swap3A_3666] {strides = array<i32>} : memref<6x80x64xf32, #tpu.memory_space<vmem>>, vector<16xf32>,
      tpu.vector_store %arg18[%swap3A_3664, %swap3A_3665, %swap3A_3666], %mul3A_3662 {strides = array<i32>} : memref<6x80x64xf32, #tpu.memory_space<vmem>>, vector<16xf32>,
      %get3A_3668 = arith.constant 67 : i32
      %get3A_3669 = arith.index_cast %scan3A_139 : i32 to index
      %get3A_3670 = arith.index_cast %get3A_3668 : i32 to index
      %get3A_3671 = arith.constant 16 : index
      %get3A_3672 = tpu.vector_load %arg18[%get3A_3669, %get3A_3670, %get3A_3671] {strides = array<i32>} : memref<6x80x64xf32, #tpu.memory_space<vmem>>, vector<16xf32>,
      %mul3A_3673 = vector.broadcast %squeeze3A_3655 : f32 to vector<16xf32>
      %mul3A_3674 = arith.mulf %get3A_3672, %mul3A_3673 : vector<16xf32>
      %swap3A_3675 = arith.constant 67 : i32
      %swap3A_3676 = arith.index_cast %scan3A_139 : i32 to index
      %swap3A_3677 = arith.index_cast %swap3A_3675 : i32 to index
      %swap3A_3678 = arith.constant 16 : index
      %swap3A_3679 = tpu.vector_load %arg18[%swap3A_3676, %swap3A_3677, %swap3A_3678] {strides = array<i32>} : memref<6x80x64xf32, #tpu.memory_space<vmem>>, vector<16xf32>,
      tpu.vector_store %arg18[%swap3A_3676, %swap3A_3677, %swap3A_3678], %mul3A_3674 {strides = array<i32>} : memref<6x80x64xf32, #tpu.memory_space<vmem>>, vector<16xf32>,
      %get3A_3680 = arith.constant 67 : i32
      %get3A_3681 = arith.index_cast %scan3A_139 : i32 to index
      %get3A_3682 = arith.index_cast %get3A_3680 : i32 to index
      %get3A_3683 = arith.constant 32 : index
      %get3A_3684 = tpu.vector_load %arg18[%get3A_3681, %get3A_3682, %get3A_3683] {strides = array<i32>} : memref<6x80x64xf32, #tpu.memory_space<vmem>>, vector<16xf32>,
      %mul3A_3685 = vector.broadcast %squeeze3A_3655 : f32 to vector<16xf32>
      %mul3A_3686 = arith.mulf %get3A_3684, %mul3A_3685 : vector<16xf32>
      %swap3A_3687 = arith.constant 67 : i32
      %swap3A_3688 = arith.index_cast %scan3A_139 : i32 to index
      %swap3A_3689 = arith.index_cast %swap3A_3687 : i32 to index
      %swap3A_3690 = arith.constant 32 : index
      %swap3A_3691 = tpu.vector_load %arg18[%swap3A_3688, %swap3A_3689, %swap3A_3690] {strides = array<i32>} : memref<6x80x64xf32, #tpu.memory_space<vmem>>, vector<16xf32>,
      tpu.vector_store %arg18[%swap3A_3688, %swap3A_3689, %swap3A_3690], %mul3A_3686 {strides = array<i32>} : memref<6x80x64xf32, #tpu.memory_space<vmem>>, vector<16xf32>,
      %get3A_3692 = arith.constant 67 : i32
      %get3A_3693 = arith.index_cast %scan3A_139 : i32 to index
      %get3A_3694 = arith.index_cast %get3A_3692 : i32 to index
      %get3A_3695 = arith.constant 48 : index
      %get3A_3696 = tpu.vector_load %arg18[%get3A_3693, %get3A_3694, %get3A_3695] {strides = array<i32>} : memref<6x80x64xf32, #tpu.memory_space<vmem>>, vector<16xf32>,
      %mul3A_3697 = vector.broadcast %squeeze3A_3655 : f32 to vector<16xf32>
      %mul3A_3698 = arith.mulf %get3A_3696, %mul3A_3697 : vector<16xf32>
      %swap3A_3699 = arith.constant 67 : i32
      %swap3A_3700 = arith.index_cast %scan3A_139 : i32 to index
      %swap3A_3701 = arith.index_cast %swap3A_3699 : i32 to index
      %swap3A_3702 = arith.constant 48 : index
      %swap3A_3703 = tpu.vector_load %arg18[%swap3A_3700, %swap3A_3701, %swap3A_3702] {strides = array<i32>} : memref<6x80x64xf32, #tpu.memory_space<vmem>>, vector<16xf32>,
      tpu.vector_store %arg18[%swap3A_3700, %swap3A_3701, %swap3A_3702], %mul3A_3698 {strides = array<i32>} : memref<6x80x64xf32, #tpu.memory_space<vmem>>, vector<16xf32>,
      %slice3A_3704 = vector.extract_strided_slice %get3A_3503 {offsets = [4], sizes = [1], strides = [1]} : vector<16xf32> to vector<1xf32>
      %squeeze3A_3705 = vector.extract %slice3A_3704[0] : f32 from vector<1xf32>
      %get3A_3706 = arith.constant 68 : i32
      %get3A_3707 = arith.index_cast %scan3A_139 : i32 to index
      %get3A_3708 = arith.index_cast %get3A_3706 : i32 to index
      %get3A_3709 = arith.constant 0 : index
      %get3A_3710 = tpu.vector_load %arg18[%get3A_3707, %get3A_3708, %get3A_3709] {strides = array<i32>} : memref<6x80x64xf32, #tpu.memory_space<vmem>>, vector<16xf32>,
      %mul3A_3711 = vector.broadcast %squeeze3A_3705 : f32 to vector<16xf32>
      %mul3A_3712 = arith.mulf %get3A_3710, %mul3A_3711 : vector<16xf32>
      %swap3A_3713 = arith.constant 68 : i32
      %swap3A_3714 = arith.index_cast %scan3A_139 : i32 to index
      %swap3A_3715 = arith.index_cast %swap3A_3713 : i32 to index
      %swap3A_3716 = arith.constant 0 : index
      %swap3A_3717 = tpu.vector_load %arg18[%swap3A_3714, %swap3A_3715, %swap3A_3716] {strides = array<i32>} : memref<6x80x64xf32, #tpu.memory_space<vmem>>, vector<16xf32>,
      tpu.vector_store %arg18[%swap3A_3714, %swap3A_3715, %swap3A_3716], %mul3A_3712 {strides = array<i32>} : memref<6x80x64xf32, #tpu.memory_space<vmem>>, vector<16xf32>,
      %get3A_3718 = arith.constant 68 : i32
      %get3A_3719 = arith.index_cast %scan3A_139 : i32 to index
      %get3A_3720 = arith.index_cast %get3A_3718 : i32 to index
      %get3A_3721 = arith.constant 16 : index
      %get3A_3722 = tpu.vector_load %arg18[%get3A_3719, %get3A_3720, %get3A_3721] {strides = array<i32>} : memref<6x80x64xf32, #tpu.memory_space<vmem>>, vector<16xf32>,
      %mul3A_3723 = vector.broadcast %squeeze3A_3705 : f32 to vector<16xf32>
      %mul3A_3724 = arith.mulf %get3A_3722, %mul3A_3723 : vector<16xf32>
      %swap3A_3725 = arith.constant 68 : i32
      %swap3A_3726 = arith.index_cast %scan3A_139 : i32 to index
      %swap3A_3727 = arith.index_cast %swap3A_3725 : i32 to index
      %swap3A_3728 = arith.constant 16 : index
      %swap3A_3729 = tpu.vector_load %arg18[%swap3A_3726, %swap3A_3727, %swap3A_3728] {strides = array<i32>} : memref<6x80x64xf32, #tpu.memory_space<vmem>>, vector<16xf32>,
      tpu.vector_store %arg18[%swap3A_3726, %swap3A_3727, %swap3A_3728], %mul3A_3724 {strides = array<i32>} : memref<6x80x64xf32, #tpu.memory_space<vmem>>, vector<16xf32>,
      %get3A_3730 = arith.constant 68 : i32
      %get3A_3731 = arith.index_cast %scan3A_139 : i32 to index
      %get3A_3732 = arith.index_cast %get3A_3730 : i32 to index
      %get3A_3733 = arith.constant 32 : index
      %get3A_3734 = tpu.vector_load %arg18[%get3A_3731, %get3A_3732, %get3A_3733] {strides = array<i32>} : memref<6x80x64xf32, #tpu.memory_space<vmem>>, vector<16xf32>,
      %mul3A_3735 = vector.broadcast %squeeze3A_3705 : f32 to vector<16xf32>
      %mul3A_3736 = arith.mulf %get3A_3734, %mul3A_3735 : vector<16xf32>
      %swap3A_3737 = arith.constant 68 : i32
      %swap3A_3738 = arith.index_cast %scan3A_139 : i32 to index
      %swap3A_3739 = arith.index_cast %swap3A_3737 : i32 to index
      %swap3A_3740 = arith.constant 32 : index
      %swap3A_3741 = tpu.vector_load %arg18[%swap3A_3738, %swap3A_3739, %swap3A_3740] {strides = array<i32>} : memref<6x80x64xf32, #tpu.memory_space<vmem>>, vector<16xf32>,
      tpu.vector_store %arg18[%swap3A_3738, %swap3A_3739, %swap3A_3740], %mul3A_3736 {strides = array<i32>} : memref<6x80x64xf32, #tpu.memory_space<vmem>>, vector<16xf32>,
      %get3A_3742 = arith.constant 68 : i32
      %get3A_3743 = arith.index_cast %scan3A_139 : i32 to index
      %get3A_3744 = arith.index_cast %get3A_3742 : i32 to index
      %get3A_3745 = arith.constant 48 : index
      %get3A_3746 = tpu.vector_load %arg18[%get3A_3743, %get3A_3744, %get3A_3745] {strides = array<i32>} : memref<6x80x64xf32, #tpu.memory_space<vmem>>, vector<16xf32>,
      %mul3A_3747 = vector.broadcast %squeeze3A_3705 : f32 to vector<16xf32>
      %mul3A_3748 = arith.mulf %get3A_3746, %mul3A_3747 : vector<16xf32>
      %swap3A_3749 = arith.constant 68 : i32
      %swap3A_3750 = arith.index_cast %scan3A_139 : i32 to index
      %swap3A_3751 = arith.index_cast %swap3A_3749 : i32 to index
      %swap3A_3752 = arith.constant 48 : index
      %swap3A_3753 = tpu.vector_load %arg18[%swap3A_3750, %swap3A_3751, %swap3A_3752] {strides = array<i32>} : memref<6x80x64xf32, #tpu.memory_space<vmem>>, vector<16xf32>,
      tpu.vector_store %arg18[%swap3A_3750, %swap3A_3751, %swap3A_3752], %mul3A_3748 {strides = array<i32>} : memref<6x80x64xf32, #tpu.memory_space<vmem>>, vector<16xf32>,
      %slice3A_3754 = vector.extract_strided_slice %get3A_3503 {offsets = [5], sizes = [1], strides = [1]} : vector<16xf32> to vector<1xf32>
      %squeeze3A_3755 = vector.extract %slice3A_3754[0] : f32 from vector<1xf32>
      %get3A_3756 = arith.constant 69 : i32
      %get3A_3757 = arith.index_cast %scan3A_139 : i32 to index
      %get3A_3758 = arith.index_cast %get3A_3756 : i32 to index
      %get3A_3759 = arith.constant 0 : index
      %get3A_3760 = tpu.vector_load %arg18[%get3A_3757, %get3A_3758, %get3A_3759] {strides = array<i32>} : memref<6x80x64xf32, #tpu.memory_space<vmem>>, vector<16xf32>,
      %mul3A_3761 = vector.broadcast %squeeze3A_3755 : f32 to vector<16xf32>
      %mul3A_3762 = arith.mulf %get3A_3760, %mul3A_3761 : vector<16xf32>
      %swap3A_3763 = arith.constant 69 : i32
      %swap3A_3764 = arith.index_cast %scan3A_139 : i32 to index
      %swap3A_3765 = arith.index_cast %swap3A_3763 : i32 to index
      %swap3A_3766 = arith.constant 0 : index
      %swap3A_3767 = tpu.vector_load %arg18[%swap3A_3764, %swap3A_3765, %swap3A_3766] {strides = array<i32>} : memref<6x80x64xf32, #tpu.memory_space<vmem>>, vector<16xf32>,
      tpu.vector_store %arg18[%swap3A_3764, %swap3A_3765, %swap3A_3766], %mul3A_3762 {strides = array<i32>} : memref<6x80x64xf32, #tpu.memory_space<vmem>>, vector<16xf32>,
      %get3A_3768 = arith.constant 69 : i32
      %get3A_3769 = arith.index_cast %scan3A_139 : i32 to index
      %get3A_3770 = arith.index_cast %get3A_3768 : i32 to index
      %get3A_3771 = arith.constant 16 : index
      %get3A_3772 = tpu.vector_load %arg18[%get3A_3769, %get3A_3770, %get3A_3771] {strides = array<i32>} : memref<6x80x64xf32, #tpu.memory_space<vmem>>, vector<16xf32>,
      %mul3A_3773 = vector.broadcast %squeeze3A_3755 : f32 to vector<16xf32>
      %mul3A_3774 = arith.mulf %get3A_3772, %mul3A_3773 : vector<16xf32>
      %swap3A_3775 = arith.constant 69 : i32
      %swap3A_3776 = arith.index_cast %scan3A_139 : i32 to index
      %swap3A_3777 = arith.index_cast %swap3A_3775 : i32 to index
      %swap3A_3778 = arith.constant 16 : index
      %swap3A_3779 = tpu.vector_load %arg18[%swap3A_3776, %swap3A_3777, %swap3A_3778] {strides = array<i32>} : memref<6x80x64xf32, #tpu.memory_space<vmem>>, vector<16xf32>,
      tpu.vector_store %arg18[%swap3A_3776, %swap3A_3777, %swap3A_3778], %mul3A_3774 {strides = array<i32>} : memref<6x80x64xf32, #tpu.memory_space<vmem>>, vector<16xf32>,
      %get3A_3780 = arith.constant 69 : i32
      %get3A_3781 = arith.index_cast %scan3A_139 : i32 to index
      %get3A_3782 = arith.index_cast %get3A_3780 : i32 to index
      %get3A_3783 = arith.constant 32 : index
      %get3A_3784 = tpu.vector_load %arg18[%get3A_3781, %get3A_3782, %get3A_3783] {strides = array<i32>} : memref<6x80x64xf32, #tpu.memory_space<vmem>>, vector<16xf32>,
      %mul3A_3785 = vector.broadcast %squeeze3A_3755 : f32 to vector<16xf32>
      %mul3A_3786 = arith.mulf %get3A_3784, %mul3A_3785 : vector<16xf32>
      %swap3A_3787 = arith.constant 69 : i32
      %swap3A_3788 = arith.index_cast %scan3A_139 : i32 to index
      %swap3A_3789 = arith.index_cast %swap3A_3787 : i32 to index
      %swap3A_3790 = arith.constant 32 : index
      %swap3A_3791 = tpu.vector_load %arg18[%swap3A_3788, %swap3A_3789, %swap3A_3790] {strides = array<i32>} : memref<6x80x64xf32, #tpu.memory_space<vmem>>, vector<16xf32>,
      tpu.vector_store %arg18[%swap3A_3788, %swap3A_3789, %swap3A_3790], %mul3A_3786 {strides = array<i32>} : memref<6x80x64xf32, #tpu.memory_space<vmem>>, vector<16xf32>,
      %get3A_3792 = arith.constant 69 : i32
      %get3A_3793 = arith.index_cast %scan3A_139 : i32 to index
      %get3A_3794 = arith.index_cast %get3A_3792 : i32 to index
      %get3A_3795 = arith.constant 48 : index
      %get3A_3796 = tpu.vector_load %arg18[%get3A_3793, %get3A_3794, %get3A_3795] {strides = array<i32>} : memref<6x80x64xf32, #tpu.memory_space<vmem>>, vector<16xf32>,
      %mul3A_3797 = vector.broadcast %squeeze3A_3755 : f32 to vector<16xf32>
      %mul3A_3798 = arith.mulf %get3A_3796, %mul3A_3797 : vector<16xf32>
      %swap3A_3799 = arith.constant 69 : i32
      %swap3A_3800 = arith.index_cast %scan3A_139 : i32 to index
      %swap3A_3801 = arith.index_cast %swap3A_3799 : i32 to index
      %swap3A_3802 = arith.constant 48 : index
      %swap3A_3803 = tpu.vector_load %arg18[%swap3A_3800, %swap3A_3801, %swap3A_3802] {strides = array<i32>} : memref<6x80x64xf32, #tpu.memory_space<vmem>>, vector<16xf32>,
      tpu.vector_store %arg18[%swap3A_3800, %swap3A_3801, %swap3A_3802], %mul3A_3798 {strides = array<i32>} : memref<6x80x64xf32, #tpu.memory_space<vmem>>, vector<16xf32>,
      %slice3A_3804 = vector.extract_strided_slice %get3A_3503 {offsets = [6], sizes = [1], strides = [1]} : vector<16xf32> to vector<1xf32>
      %squeeze3A_3805 = vector.extract %slice3A_3804[0] : f32 from vector<1xf32>
      %get3A_3806 = arith.constant 70 : i32
      %get3A_3807 = arith.index_cast %scan3A_139 : i32 to index
      %get3A_3808 = arith.index_cast %get3A_3806 : i32 to index
      %get3A_3809 = arith.constant 0 : index
      %get3A_3810 = tpu.vector_load %arg18[%get3A_3807, %get3A_3808, %get3A_3809] {strides = array<i32>} : memref<6x80x64xf32, #tpu.memory_space<vmem>>, vector<16xf32>,
      %mul3A_3811 = vector.broadcast %squeeze3A_3805 : f32 to vector<16xf32>
      %mul3A_3812 = arith.mulf %get3A_3810, %mul3A_3811 : vector<16xf32>
      %swap3A_3813 = arith.constant 70 : i32
      %swap3A_3814 = arith.index_cast %scan3A_139 : i32 to index
      %swap3A_3815 = arith.index_cast %swap3A_3813 : i32 to index
      %swap3A_3816 = arith.constant 0 : index
      %swap3A_3817 = tpu.vector_load %arg18[%swap3A_3814, %swap3A_3815, %swap3A_3816] {strides = array<i32>} : memref<6x80x64xf32, #tpu.memory_space<vmem>>, vector<16xf32>,
      tpu.vector_store %arg18[%swap3A_3814, %swap3A_3815, %swap3A_3816], %mul3A_3812 {strides = array<i32>} : memref<6x80x64xf32, #tpu.memory_space<vmem>>, vector<16xf32>,
      %get3A_3818 = arith.constant 70 : i32
      %get3A_3819 = arith.index_cast %scan3A_139 : i32 to index
      %get3A_3820 = arith.index_cast %get3A_3818 : i32 to index
      %get3A_3821 = arith.constant 16 : index
      %get3A_3822 = tpu.vector_load %arg18[%get3A_3819, %get3A_3820, %get3A_3821] {strides = array<i32>} : memref<6x80x64xf32, #tpu.memory_space<vmem>>, vector<16xf32>,
      %mul3A_3823 = vector.broadcast %squeeze3A_3805 : f32 to vector<16xf32>
      %mul3A_3824 = arith.mulf %get3A_3822, %mul3A_3823 : vector<16xf32>
      %swap3A_3825 = arith.constant 70 : i32
      %swap3A_3826 = arith.index_cast %scan3A_139 : i32 to index
      %swap3A_3827 = arith.index_cast %swap3A_3825 : i32 to index
      %swap3A_3828 = arith.constant 16 : index
      %swap3A_3829 = tpu.vector_load %arg18[%swap3A_3826, %swap3A_3827, %swap3A_3828] {strides = array<i32>} : memref<6x80x64xf32, #tpu.memory_space<vmem>>, vector<16xf32>,
      tpu.vector_store %arg18[%swap3A_3826, %swap3A_3827, %swap3A_3828], %mul3A_3824 {strides = array<i32>} : memref<6x80x64xf32, #tpu.memory_space<vmem>>, vector<16xf32>,
      %get3A_3830 = arith.constant 70 : i32
      %get3A_3831 = arith.index_cast %scan3A_139 : i32 to index
      %get3A_3832 = arith.index_cast %get3A_3830 : i32 to index
      %get3A_3833 = arith.constant 32 : index
      %get3A_3834 = tpu.vector_load %arg18[%get3A_3831, %get3A_3832, %get3A_3833] {strides = array<i32>} : memref<6x80x64xf32, #tpu.memory_space<vmem>>, vector<16xf32>,
      %mul3A_3835 = vector.broadcast %squeeze3A_3805 : f32 to vector<16xf32>
      %mul3A_3836 = arith.mulf %get3A_3834, %mul3A_3835 : vector<16xf32>
      %swap3A_3837 = arith.constant 70 : i32
      %swap3A_3838 = arith.index_cast %scan3A_139 : i32 to index
      %swap3A_3839 = arith.index_cast %swap3A_3837 : i32 to index
      %swap3A_3840 = arith.constant 32 : index
      %swap3A_3841 = tpu.vector_load %arg18[%swap3A_3838, %swap3A_3839, %swap3A_3840] {strides = array<i32>} : memref<6x80x64xf32, #tpu.memory_space<vmem>>, vector<16xf32>,
      tpu.vector_store %arg18[%swap3A_3838, %swap3A_3839, %swap3A_3840], %mul3A_3836 {strides = array<i32>} : memref<6x80x64xf32, #tpu.memory_space<vmem>>, vector<16xf32>,
      %get3A_3842 = arith.constant 70 : i32
      %get3A_3843 = arith.index_cast %scan3A_139 : i32 to index
      %get3A_3844 = arith.index_cast %get3A_3842 : i32 to index
      %get3A_3845 = arith.constant 48 : index
      %get3A_3846 = tpu.vector_load %arg18[%get3A_3843, %get3A_3844, %get3A_3845] {strides = array<i32>} : memref<6x80x64xf32, #tpu.memory_space<vmem>>, vector<16xf32>,
      %mul3A_3847 = vector.broadcast %squeeze3A_3805 : f32 to vector<16xf32>
      %mul3A_3848 = arith.mulf %get3A_3846, %mul3A_3847 : vector<16xf32>
      %swap3A_3849 = arith.constant 70 : i32
      %swap3A_3850 = arith.index_cast %scan3A_139 : i32 to index
      %swap3A_3851 = arith.index_cast %swap3A_3849 : i32 to index
      %swap3A_3852 = arith.constant 48 : index
      %swap3A_3853 = tpu.vector_load %arg18[%swap3A_3850, %swap3A_3851, %swap3A_3852] {strides = array<i32>} : memref<6x80x64xf32, #tpu.memory_space<vmem>>, vector<16xf32>,
      tpu.vector_store %arg18[%swap3A_3850, %swap3A_3851, %swap3A_3852], %mul3A_3848 {strides = array<i32>} : memref<6x80x64xf32, #tpu.memory_space<vmem>>, vector<16xf32>,
      %slice3A_3854 = vector.extract_strided_slice %get3A_3503 {offsets = [7], sizes = [1], strides = [1]} : vector<16xf32> to vector<1xf32>
      %squeeze3A_3855 = vector.extract %slice3A_3854[0] : f32 from vector<1xf32>
      %get3A_3856 = arith.constant 71 : i32
      %get3A_3857 = arith.index_cast %scan3A_139 : i32 to index
      %get3A_3858 = arith.index_cast %get3A_3856 : i32 to index
      %get3A_3859 = arith.constant 0 : index
      %get3A_3860 = tpu.vector_load %arg18[%get3A_3857, %get3A_3858, %get3A_3859] {strides = array<i32>} : memref<6x80x64xf32, #tpu.memory_space<vmem>>, vector<16xf32>,
      %mul3A_3861 = vector.broadcast %squeeze3A_3855 : f32 to vector<16xf32>
      %mul3A_3862 = arith.mulf %get3A_3860, %mul3A_3861 : vector<16xf32>
      %swap3A_3863 = arith.constant 71 : i32
      %swap3A_3864 = arith.index_cast %scan3A_139 : i32 to index
      %swap3A_3865 = arith.index_cast %swap3A_3863 : i32 to index
      %swap3A_3866 = arith.constant 0 : index
      %swap3A_3867 = tpu.vector_load %arg18[%swap3A_3864, %swap3A_3865, %swap3A_3866] {strides = array<i32>} : memref<6x80x64xf32, #tpu.memory_space<vmem>>, vector<16xf32>,
      tpu.vector_store %arg18[%swap3A_3864, %swap3A_3865, %swap3A_3866], %mul3A_3862 {strides = array<i32>} : memref<6x80x64xf32, #tpu.memory_space<vmem>>, vector<16xf32>,
      %get3A_3868 = arith.constant 71 : i32
      %get3A_3869 = arith.index_cast %scan3A_139 : i32 to index
      %get3A_3870 = arith.index_cast %get3A_3868 : i32 to index
      %get3A_3871 = arith.constant 16 : index
      %get3A_3872 = tpu.vector_load %arg18[%get3A_3869, %get3A_3870, %get3A_3871] {strides = array<i32>} : memref<6x80x64xf32, #tpu.memory_space<vmem>>, vector<16xf32>,
      %mul3A_3873 = vector.broadcast %squeeze3A_3855 : f32 to vector<16xf32>
      %mul3A_3874 = arith.mulf %get3A_3872, %mul3A_3873 : vector<16xf32>
      %swap3A_3875 = arith.constant 71 : i32
      %swap3A_3876 = arith.index_cast %scan3A_139 : i32 to index
      %swap3A_3877 = arith.index_cast %swap3A_3875 : i32 to index
      %swap3A_3878 = arith.constant 16 : index
      %swap3A_3879 = tpu.vector_load %arg18[%swap3A_3876, %swap3A_3877, %swap3A_3878] {strides = array<i32>} : memref<6x80x64xf32, #tpu.memory_space<vmem>>, vector<16xf32>,
      tpu.vector_store %arg18[%swap3A_3876, %swap3A_3877, %swap3A_3878], %mul3A_3874 {strides = array<i32>} : memref<6x80x64xf32, #tpu.memory_space<vmem>>, vector<16xf32>,
      %get3A_3880 = arith.constant 71 : i32
      %get3A_3881 = arith.index_cast %scan3A_139 : i32 to index
      %get3A_3882 = arith.index_cast %get3A_3880 : i32 to index
      %get3A_3883 = arith.constant 32 : index
      %get3A_3884 = tpu.vector_load %arg18[%get3A_3881, %get3A_3882, %get3A_3883] {strides = array<i32>} : memref<6x80x64xf32, #tpu.memory_space<vmem>>, vector<16xf32>,
      %mul3A_3885 = vector.broadcast %squeeze3A_3855 : f32 to vector<16xf32>
      %mul3A_3886 = arith.mulf %get3A_3884, %mul3A_3885 : vector<16xf32>
      %swap3A_3887 = arith.constant 71 : i32
      %swap3A_3888 = arith.index_cast %scan3A_139 : i32 to index
      %swap3A_3889 = arith.index_cast %swap3A_3887 : i32 to index
      %swap3A_3890 = arith.constant 32 : index
      %swap3A_3891 = tpu.vector_load %arg18[%swap3A_3888, %swap3A_3889, %swap3A_3890] {strides = array<i32>} : memref<6x80x64xf32, #tpu.memory_space<vmem>>, vector<16xf32>,
      tpu.vector_store %arg18[%swap3A_3888, %swap3A_3889, %swap3A_3890], %mul3A_3886 {strides = array<i32>} : memref<6x80x64xf32, #tpu.memory_space<vmem>>, vector<16xf32>,
      %get3A_3892 = arith.constant 71 : i32
      %get3A_3893 = arith.index_cast %scan3A_139 : i32 to index
      %get3A_3894 = arith.index_cast %get3A_3892 : i32 to index
      %get3A_3895 = arith.constant 48 : index
      %get3A_3896 = tpu.vector_load %arg18[%get3A_3893, %get3A_3894, %get3A_3895] {strides = array<i32>} : memref<6x80x64xf32, #tpu.memory_space<vmem>>, vector<16xf32>,
      %mul3A_3897 = vector.broadcast %squeeze3A_3855 : f32 to vector<16xf32>
      %mul3A_3898 = arith.mulf %get3A_3896, %mul3A_3897 : vector<16xf32>
      %swap3A_3899 = arith.constant 71 : i32
      %swap3A_3900 = arith.index_cast %scan3A_139 : i32 to index
      %swap3A_3901 = arith.index_cast %swap3A_3899 : i32 to index
      %swap3A_3902 = arith.constant 48 : index
      %swap3A_3903 = tpu.vector_load %arg18[%swap3A_3900, %swap3A_3901, %swap3A_3902] {strides = array<i32>} : memref<6x80x64xf32, #tpu.memory_space<vmem>>, vector<16xf32>,
      tpu.vector_store %arg18[%swap3A_3900, %swap3A_3901, %swap3A_3902], %mul3A_3898 {strides = array<i32>} : memref<6x80x64xf32, #tpu.memory_space<vmem>>, vector<16xf32>,
      %slice3A_3904 = vector.extract_strided_slice %get3A_3503 {offsets = [8], sizes = [1], strides = [1]} : vector<16xf32> to vector<1xf32>
      %squeeze3A_3905 = vector.extract %slice3A_3904[0] : f32 from vector<1xf32>
      %get3A_3906 = arith.constant 72 : i32
      %get3A_3907 = arith.index_cast %scan3A_139 : i32 to index
      %get3A_3908 = arith.index_cast %get3A_3906 : i32 to index
      %get3A_3909 = arith.constant 0 : index
      %get3A_3910 = tpu.vector_load %arg18[%get3A_3907, %get3A_3908, %get3A_3909] {strides = array<i32>} : memref<6x80x64xf32, #tpu.memory_space<vmem>>, vector<16xf32>,
      %mul3A_3911 = vector.broadcast %squeeze3A_3905 : f32 to vector<16xf32>
      %mul3A_3912 = arith.mulf %get3A_3910, %mul3A_3911 : vector<16xf32>
      %swap3A_3913 = arith.constant 72 : i32
      %swap3A_3914 = arith.index_cast %scan3A_139 : i32 to index
      %swap3A_3915 = arith.index_cast %swap3A_3913 : i32 to index
      %swap3A_3916 = arith.constant 0 : index
      %swap3A_3917 = tpu.vector_load %arg18[%swap3A_3914, %swap3A_3915, %swap3A_3916] {strides = array<i32>} : memref<6x80x64xf32, #tpu.memory_space<vmem>>, vector<16xf32>,
      tpu.vector_store %arg18[%swap3A_3914, %swap3A_3915, %swap3A_3916], %mul3A_3912 {strides = array<i32>} : memref<6x80x64xf32, #tpu.memory_space<vmem>>, vector<16xf32>,
      %get3A_3918 = arith.constant 72 : i32
      %get3A_3919 = arith.index_cast %scan3A_139 : i32 to index
      %get3A_3920 = arith.index_cast %get3A_3918 : i32 to index
      %get3A_3921 = arith.constant 16 : index
      %get3A_3922 = tpu.vector_load %arg18[%get3A_3919, %get3A_3920, %get3A_3921] {strides = array<i32>} : memref<6x80x64xf32, #tpu.memory_space<vmem>>, vector<16xf32>,
      %mul3A_3923 = vector.broadcast %squeeze3A_3905 : f32 to vector<16xf32>
      %mul3A_3924 = arith.mulf %get3A_3922, %mul3A_3923 : vector<16xf32>
      %swap3A_3925 = arith.constant 72 : i32
      %swap3A_3926 = arith.index_cast %scan3A_139 : i32 to index
      %swap3A_3927 = arith.index_cast %swap3A_3925 : i32 to index
      %swap3A_3928 = arith.constant 16 : index
      %swap3A_3929 = tpu.vector_load %arg18[%swap3A_3926, %swap3A_3927, %swap3A_3928] {strides = array<i32>} : memref<6x80x64xf32, #tpu.memory_space<vmem>>, vector<16xf32>,
      tpu.vector_store %arg18[%swap3A_3926, %swap3A_3927, %swap3A_3928], %mul3A_3924 {strides = array<i32>} : memref<6x80x64xf32, #tpu.memory_space<vmem>>, vector<16xf32>,
      %get3A_3930 = arith.constant 72 : i32
      %get3A_3931 = arith.index_cast %scan3A_139 : i32 to index
      %get3A_3932 = arith.index_cast %get3A_3930 : i32 to index
      %get3A_3933 = arith.constant 32 : index
      %get3A_3934 = tpu.vector_load %arg18[%get3A_3931, %get3A_3932, %get3A_3933] {strides = array<i32>} : memref<6x80x64xf32, #tpu.memory_space<vmem>>, vector<16xf32>,
      %mul3A_3935 = vector.broadcast %squeeze3A_3905 : f32 to vector<16xf32>
      %mul3A_3936 = arith.mulf %get3A_3934, %mul3A_3935 : vector<16xf32>
      %swap3A_3937 = arith.constant 72 : i32
      %swap3A_3938 = arith.index_cast %scan3A_139 : i32 to index
      %swap3A_3939 = arith.index_cast %swap3A_3937 : i32 to index
      %swap3A_3940 = arith.constant 32 : index
      %swap3A_3941 = tpu.vector_load %arg18[%swap3A_3938, %swap3A_3939, %swap3A_3940] {strides = array<i32>} : memref<6x80x64xf32, #tpu.memory_space<vmem>>, vector<16xf32>,
      tpu.vector_store %arg18[%swap3A_3938, %swap3A_3939, %swap3A_3940], %mul3A_3936 {strides = array<i32>} : memref<6x80x64xf32, #tpu.memory_space<vmem>>, vector<16xf32>,
      %get3A_3942 = arith.constant 72 : i32
      %get3A_3943 = arith.index_cast %scan3A_139 : i32 to index
      %get3A_3944 = arith.index_cast %get3A_3942 : i32 to index
      %get3A_3945 = arith.constant 48 : index
      %get3A_3946 = tpu.vector_load %arg18[%get3A_3943, %get3A_3944, %get3A_3945] {strides = array<i32>} : memref<6x80x64xf32, #tpu.memory_space<vmem>>, vector<16xf32>,
      %mul3A_3947 = vector.broadcast %squeeze3A_3905 : f32 to vector<16xf32>
      %mul3A_3948 = arith.mulf %get3A_3946, %mul3A_3947 : vector<16xf32>
      %swap3A_3949 = arith.constant 72 : i32
      %swap3A_3950 = arith.index_cast %scan3A_139 : i32 to index
      %swap3A_3951 = arith.index_cast %swap3A_3949 : i32 to index
      %swap3A_3952 = arith.constant 48 : index
      %swap3A_3953 = tpu.vector_load %arg18[%swap3A_3950, %swap3A_3951, %swap3A_3952] {strides = array<i32>} : memref<6x80x64xf32, #tpu.memory_space<vmem>>, vector<16xf32>,
      tpu.vector_store %arg18[%swap3A_3950, %swap3A_3951, %swap3A_3952], %mul3A_3948 {strides = array<i32>} : memref<6x80x64xf32, #tpu.memory_space<vmem>>, vector<16xf32>,
      %slice3A_3954 = vector.extract_strided_slice %get3A_3503 {offsets = [9], sizes = [1], strides = [1]} : vector<16xf32> to vector<1xf32>
      %squeeze3A_3955 = vector.extract %slice3A_3954[0] : f32 from vector<1xf32>
      %get3A_3956 = arith.constant 73 : i32
      %get3A_3957 = arith.index_cast %scan3A_139 : i32 to index
      %get3A_3958 = arith.index_cast %get3A_3956 : i32 to index
      %get3A_3959 = arith.constant 0 : index
      %get3A_3960 = tpu.vector_load %arg18[%get3A_3957, %get3A_3958, %get3A_3959] {strides = array<i32>} : memref<6x80x64xf32, #tpu.memory_space<vmem>>, vector<16xf32>,
      %mul3A_3961 = vector.broadcast %squeeze3A_3955 : f32 to vector<16xf32>
      %mul3A_3962 = arith.mulf %get3A_3960, %mul3A_3961 : vector<16xf32>
      %swap3A_3963 = arith.constant 73 : i32
      %swap3A_3964 = arith.index_cast %scan3A_139 : i32 to index
      %swap3A_3965 = arith.index_cast %swap3A_3963 : i32 to index
      %swap3A_3966 = arith.constant 0 : index
      %swap3A_3967 = tpu.vector_load %arg18[%swap3A_3964, %swap3A_3965, %swap3A_3966] {strides = array<i32>} : memref<6x80x64xf32, #tpu.memory_space<vmem>>, vector<16xf32>,
      tpu.vector_store %arg18[%swap3A_3964, %swap3A_3965, %swap3A_3966], %mul3A_3962 {strides = array<i32>} : memref<6x80x64xf32, #tpu.memory_space<vmem>>, vector<16xf32>,
      %get3A_3968 = arith.constant 73 : i32
      %get3A_3969 = arith.index_cast %scan3A_139 : i32 to index
      %get3A_3970 = arith.index_cast %get3A_3968 : i32 to index
      %get3A_3971 = arith.constant 16 : index
      %get3A_3972 = tpu.vector_load %arg18[%get3A_3969, %get3A_3970, %get3A_3971] {strides = array<i32>} : memref<6x80x64xf32, #tpu.memory_space<vmem>>, vector<16xf32>,
      %mul3A_3973 = vector.broadcast %squeeze3A_3955 : f32 to vector<16xf32>
      %mul3A_3974 = arith.mulf %get3A_3972, %mul3A_3973 : vector<16xf32>
      %swap3A_3975 = arith.constant 73 : i32
      %swap3A_3976 = arith.index_cast %scan3A_139 : i32 to index
      %swap3A_3977 = arith.index_cast %swap3A_3975 : i32 to index
      %swap3A_3978 = arith.constant 16 : index
      %swap3A_3979 = tpu.vector_load %arg18[%swap3A_3976, %swap3A_3977, %swap3A_3978] {strides = array<i32>} : memref<6x80x64xf32, #tpu.memory_space<vmem>>, vector<16xf32>,
      tpu.vector_store %arg18[%swap3A_3976, %swap3A_3977, %swap3A_3978], %mul3A_3974 {strides = array<i32>} : memref<6x80x64xf32, #tpu.memory_space<vmem>>, vector<16xf32>,
      %get3A_3980 = arith.constant 73 : i32
      %get3A_3981 = arith.index_cast %scan3A_139 : i32 to index
      %get3A_3982 = arith.index_cast %get3A_3980 : i32 to index
      %get3A_3983 = arith.constant 32 : index
      %get3A_3984 = tpu.vector_load %arg18[%get3A_3981, %get3A_3982, %get3A_3983] {strides = array<i32>} : memref<6x80x64xf32, #tpu.memory_space<vmem>>, vector<16xf32>,
      %mul3A_3985 = vector.broadcast %squeeze3A_3955 : f32 to vector<16xf32>
      %mul3A_3986 = arith.mulf %get3A_3984, %mul3A_3985 : vector<16xf32>
      %swap3A_3987 = arith.constant 73 : i32
      %swap3A_3988 = arith.index_cast %scan3A_139 : i32 to index
      %swap3A_3989 = arith.index_cast %swap3A_3987 : i32 to index
      %swap3A_3990 = arith.constant 32 : index
      %swap3A_3991 = tpu.vector_load %arg18[%swap3A_3988, %swap3A_3989, %swap3A_3990] {strides = array<i32>} : memref<6x80x64xf32, #tpu.memory_space<vmem>>, vector<16xf32>,
      tpu.vector_store %arg18[%swap3A_3988, %swap3A_3989, %swap3A_3990], %mul3A_3986 {strides = array<i32>} : memref<6x80x64xf32, #tpu.memory_space<vmem>>, vector<16xf32>,
      %get3A_3992 = arith.constant 73 : i32
      %get3A_3993 = arith.index_cast %scan3A_139 : i32 to index
      %get3A_3994 = arith.index_cast %get3A_3992 : i32 to index
      %get3A_3995 = arith.constant 48 : index
      %get3A_3996 = tpu.vector_load %arg18[%get3A_3993, %get3A_3994, %get3A_3995] {strides = array<i32>} : memref<6x80x64xf32, #tpu.memory_space<vmem>>, vector<16xf32>,
      %mul3A_3997 = vector.broadcast %squeeze3A_3955 : f32 to vector<16xf32>
      %mul3A_3998 = arith.mulf %get3A_3996, %mul3A_3997 : vector<16xf32>
      %swap3A_3999 = arith.constant 73 : i32
      %swap3A_4000 = arith.index_cast %scan3A_139 : i32 to index
      %swap3A_4001 = arith.index_cast %swap3A_3999 : i32 to index
      %swap3A_4002 = arith.constant 48 : index
      %swap3A_4003 = tpu.vector_load %arg18[%swap3A_4000, %swap3A_4001, %swap3A_4002] {strides = array<i32>} : memref<6x80x64xf32, #tpu.memory_space<vmem>>, vector<16xf32>,
      tpu.vector_store %arg18[%swap3A_4000, %swap3A_4001, %swap3A_4002], %mul3A_3998 {strides = array<i32>} : memref<6x80x64xf32, #tpu.memory_space<vmem>>, vector<16xf32>,
      %slice3A_4004 = vector.extract_strided_slice %get3A_3503 {offsets = [10], sizes = [1], strides = [1]} : vector<16xf32> to vector<1xf32>
      %squeeze3A_4005 = vector.extract %slice3A_4004[0] : f32 from vector<1xf32>
      %get3A_4006 = arith.constant 74 : i32
      %get3A_4007 = arith.index_cast %scan3A_139 : i32 to index
      %get3A_4008 = arith.index_cast %get3A_4006 : i32 to index
      %get3A_4009 = arith.constant 0 : index
      %get3A_4010 = tpu.vector_load %arg18[%get3A_4007, %get3A_4008, %get3A_4009] {strides = array<i32>} : memref<6x80x64xf32, #tpu.memory_space<vmem>>, vector<16xf32>,
      %mul3A_4011 = vector.broadcast %squeeze3A_4005 : f32 to vector<16xf32>
      %mul3A_4012 = arith.mulf %get3A_4010, %mul3A_4011 : vector<16xf32>
      %swap3A_4013 = arith.constant 74 : i32
      %swap3A_4014 = arith.index_cast %scan3A_139 : i32 to index
      %swap3A_4015 = arith.index_cast %swap3A_4013 : i32 to index
      %swap3A_4016 = arith.constant 0 : index
      %swap3A_4017 = tpu.vector_load %arg18[%swap3A_4014, %swap3A_4015, %swap3A_4016] {strides = array<i32>} : memref<6x80x64xf32, #tpu.memory_space<vmem>>, vector<16xf32>,
      tpu.vector_store %arg18[%swap3A_4014, %swap3A_4015, %swap3A_4016], %mul3A_4012 {strides = array<i32>} : memref<6x80x64xf32, #tpu.memory_space<vmem>>, vector<16xf32>,
      %get3A_4018 = arith.constant 74 : i32
      %get3A_4019 = arith.index_cast %scan3A_139 : i32 to index
      %get3A_4020 = arith.index_cast %get3A_4018 : i32 to index
      %get3A_4021 = arith.constant 16 : index
      %get3A_4022 = tpu.vector_load %arg18[%get3A_4019, %get3A_4020, %get3A_4021] {strides = array<i32>} : memref<6x80x64xf32, #tpu.memory_space<vmem>>, vector<16xf32>,
      %mul3A_4023 = vector.broadcast %squeeze3A_4005 : f32 to vector<16xf32>
      %mul3A_4024 = arith.mulf %get3A_4022, %mul3A_4023 : vector<16xf32>
      %swap3A_4025 = arith.constant 74 : i32
      %swap3A_4026 = arith.index_cast %scan3A_139 : i32 to index
      %swap3A_4027 = arith.index_cast %swap3A_4025 : i32 to index
      %swap3A_4028 = arith.constant 16 : index
      %swap3A_4029 = tpu.vector_load %arg18[%swap3A_4026, %swap3A_4027, %swap3A_4028] {strides = array<i32>} : memref<6x80x64xf32, #tpu.memory_space<vmem>>, vector<16xf32>,
      tpu.vector_store %arg18[%swap3A_4026, %swap3A_4027, %swap3A_4028], %mul3A_4024 {strides = array<i32>} : memref<6x80x64xf32, #tpu.memory_space<vmem>>, vector<16xf32>,
      %get3A_4030 = arith.constant 74 : i32
      %get3A_4031 = arith.index_cast %scan3A_139 : i32 to index
      %get3A_4032 = arith.index_cast %get3A_4030 : i32 to index
      %get3A_4033 = arith.constant 32 : index
      %get3A_4034 = tpu.vector_load %arg18[%get3A_4031, %get3A_4032, %get3A_4033] {strides = array<i32>} : memref<6x80x64xf32, #tpu.memory_space<vmem>>, vector<16xf32>,
      %mul3A_4035 = vector.broadcast %squeeze3A_4005 : f32 to vector<16xf32>
      %mul3A_4036 = arith.mulf %get3A_4034, %mul3A_4035 : vector<16xf32>
      %swap3A_4037 = arith.constant 74 : i32
      %swap3A_4038 = arith.index_cast %scan3A_139 : i32 to index
      %swap3A_4039 = arith.index_cast %swap3A_4037 : i32 to index
      %swap3A_4040 = arith.constant 32 : index
      %swap3A_4041 = tpu.vector_load %arg18[%swap3A_4038, %swap3A_4039, %swap3A_4040] {strides = array<i32>} : memref<6x80x64xf32, #tpu.memory_space<vmem>>, vector<16xf32>,
      tpu.vector_store %arg18[%swap3A_4038, %swap3A_4039, %swap3A_4040], %mul3A_4036 {strides = array<i32>} : memref<6x80x64xf32, #tpu.memory_space<vmem>>, vector<16xf32>,
      %get3A_4042 = arith.constant 74 : i32
      %get3A_4043 = arith.index_cast %scan3A_139 : i32 to index
      %get3A_4044 = arith.index_cast %get3A_4042 : i32 to index
      %get3A_4045 = arith.constant 48 : index
      %get3A_4046 = tpu.vector_load %arg18[%get3A_4043, %get3A_4044, %get3A_4045] {strides = array<i32>} : memref<6x80x64xf32, #tpu.memory_space<vmem>>, vector<16xf32>,
      %mul3A_4047 = vector.broadcast %squeeze3A_4005 : f32 to vector<16xf32>
      %mul3A_4048 = arith.mulf %get3A_4046, %mul3A_4047 : vector<16xf32>
      %swap3A_4049 = arith.constant 74 : i32
      %swap3A_4050 = arith.index_cast %scan3A_139 : i32 to index
      %swap3A_4051 = arith.index_cast %swap3A_4049 : i32 to index
      %swap3A_4052 = arith.constant 48 : index
      %swap3A_4053 = tpu.vector_load %arg18[%swap3A_4050, %swap3A_4051, %swap3A_4052] {strides = array<i32>} : memref<6x80x64xf32, #tpu.memory_space<vmem>>, vector<16xf32>,
      tpu.vector_store %arg18[%swap3A_4050, %swap3A_4051, %swap3A_4052], %mul3A_4048 {strides = array<i32>} : memref<6x80x64xf32, #tpu.memory_space<vmem>>, vector<16xf32>,
      %slice3A_4054 = vector.extract_strided_slice %get3A_3503 {offsets = [11], sizes = [1], strides = [1]} : vector<16xf32> to vector<1xf32>
      %squeeze3A_4055 = vector.extract %slice3A_4054[0] : f32 from vector<1xf32>
      %get3A_4056 = arith.constant 75 : i32
      %get3A_4057 = arith.index_cast %scan3A_139 : i32 to index
      %get3A_4058 = arith.index_cast %get3A_4056 : i32 to index
      %get3A_4059 = arith.constant 0 : index
      %get3A_4060 = tpu.vector_load %arg18[%get3A_4057, %get3A_4058, %get3A_4059] {strides = array<i32>} : memref<6x80x64xf32, #tpu.memory_space<vmem>>, vector<16xf32>,
      %mul3A_4061 = vector.broadcast %squeeze3A_4055 : f32 to vector<16xf32>
      %mul3A_4062 = arith.mulf %get3A_4060, %mul3A_4061 : vector<16xf32>
      %swap3A_4063 = arith.constant 75 : i32
      %swap3A_4064 = arith.index_cast %scan3A_139 : i32 to index
      %swap3A_4065 = arith.index_cast %swap3A_4063 : i32 to index
      %swap3A_4066 = arith.constant 0 : index
      %swap3A_4067 = tpu.vector_load %arg18[%swap3A_4064, %swap3A_4065, %swap3A_4066] {strides = array<i32>} : memref<6x80x64xf32, #tpu.memory_space<vmem>>, vector<16xf32>,
      tpu.vector_store %arg18[%swap3A_4064, %swap3A_4065, %swap3A_4066], %mul3A_4062 {strides = array<i32>} : memref<6x80x64xf32, #tpu.memory_space<vmem>>, vector<16xf32>,
      %get3A_4068 = arith.constant 75 : i32
      %get3A_4069 = arith.index_cast %scan3A_139 : i32 to index
      %get3A_4070 = arith.index_cast %get3A_4068 : i32 to index
      %get3A_4071 = arith.constant 16 : index
      %get3A_4072 = tpu.vector_load %arg18[%get3A_4069, %get3A_4070, %get3A_4071] {strides = array<i32>} : memref<6x80x64xf32, #tpu.memory_space<vmem>>, vector<16xf32>,
      %mul3A_4073 = vector.broadcast %squeeze3A_4055 : f32 to vector<16xf32>
      %mul3A_4074 = arith.mulf %get3A_4072, %mul3A_4073 : vector<16xf32>
      %swap3A_4075 = arith.constant 75 : i32
      %swap3A_4076 = arith.index_cast %scan3A_139 : i32 to index
      %swap3A_4077 = arith.index_cast %swap3A_4075 : i32 to index
      %swap3A_4078 = arith.constant 16 : index
      %swap3A_4079 = tpu.vector_load %arg18[%swap3A_4076, %swap3A_4077, %swap3A_4078] {strides = array<i32>} : memref<6x80x64xf32, #tpu.memory_space<vmem>>, vector<16xf32>,
      tpu.vector_store %arg18[%swap3A_4076, %swap3A_4077, %swap3A_4078], %mul3A_4074 {strides = array<i32>} : memref<6x80x64xf32, #tpu.memory_space<vmem>>, vector<16xf32>,
      %get3A_4080 = arith.constant 75 : i32
      %get3A_4081 = arith.index_cast %scan3A_139 : i32 to index
      %get3A_4082 = arith.index_cast %get3A_4080 : i32 to index
      %get3A_4083 = arith.constant 32 : index
      %get3A_4084 = tpu.vector_load %arg18[%get3A_4081, %get3A_4082, %get3A_4083] {strides = array<i32>} : memref<6x80x64xf32, #tpu.memory_space<vmem>>, vector<16xf32>,
      %mul3A_4085 = vector.broadcast %squeeze3A_4055 : f32 to vector<16xf32>
      %mul3A_4086 = arith.mulf %get3A_4084, %mul3A_4085 : vector<16xf32>
      %swap3A_4087 = arith.constant 75 : i32
      %swap3A_4088 = arith.index_cast %scan3A_139 : i32 to index
      %swap3A_4089 = arith.index_cast %swap3A_4087 : i32 to index
      %swap3A_4090 = arith.constant 32 : index
      %swap3A_4091 = tpu.vector_load %arg18[%swap3A_4088, %swap3A_4089, %swap3A_4090] {strides = array<i32>} : memref<6x80x64xf32, #tpu.memory_space<vmem>>, vector<16xf32>,
      tpu.vector_store %arg18[%swap3A_4088, %swap3A_4089, %swap3A_4090], %mul3A_4086 {strides = array<i32>} : memref<6x80x64xf32, #tpu.memory_space<vmem>>, vector<16xf32>,
      %get3A_4092 = arith.constant 75 : i32
      %get3A_4093 = arith.index_cast %scan3A_139 : i32 to index
      %get3A_4094 = arith.index_cast %get3A_4092 : i32 to index
      %get3A_4095 = arith.constant 48 : index
      %get3A_4096 = tpu.vector_load %arg18[%get3A_4093, %get3A_4094, %get3A_4095] {strides = array<i32>} : memref<6x80x64xf32, #tpu.memory_space<vmem>>, vector<16xf32>,
      %mul3A_4097 = vector.broadcast %squeeze3A_4055 : f32 to vector<16xf32>
      %mul3A_4098 = arith.mulf %get3A_4096, %mul3A_4097 : vector<16xf32>
      %swap3A_4099 = arith.constant 75 : i32
      %swap3A_4100 = arith.index_cast %scan3A_139 : i32 to index
      %swap3A_4101 = arith.index_cast %swap3A_4099 : i32 to index
      %swap3A_4102 = arith.constant 48 : index
      %swap3A_4103 = tpu.vector_load %arg18[%swap3A_4100, %swap3A_4101, %swap3A_4102] {strides = array<i32>} : memref<6x80x64xf32, #tpu.memory_space<vmem>>, vector<16xf32>,
      tpu.vector_store %arg18[%swap3A_4100, %swap3A_4101, %swap3A_4102], %mul3A_4098 {strides = array<i32>} : memref<6x80x64xf32, #tpu.memory_space<vmem>>, vector<16xf32>,
      %slice3A_4104 = vector.extract_strided_slice %get3A_3503 {offsets = [12], sizes = [1], strides = [1]} : vector<16xf32> to vector<1xf32>
      %squeeze3A_4105 = vector.extract %slice3A_4104[0] : f32 from vector<1xf32>
      %get3A_4106 = arith.constant 76 : i32
      %get3A_4107 = arith.index_cast %scan3A_139 : i32 to index
      %get3A_4108 = arith.index_cast %get3A_4106 : i32 to index
      %get3A_4109 = arith.constant 0 : index
      %get3A_4110 = tpu.vector_load %arg18[%get3A_4107, %get3A_4108, %get3A_4109] {strides = array<i32>} : memref<6x80x64xf32, #tpu.memory_space<vmem>>, vector<16xf32>,
      %mul3A_4111 = vector.broadcast %squeeze3A_4105 : f32 to vector<16xf32>
      %mul3A_4112 = arith.mulf %get3A_4110, %mul3A_4111 : vector<16xf32>
      %swap3A_4113 = arith.constant 76 : i32
      %swap3A_4114 = arith.index_cast %scan3A_139 : i32 to index
      %swap3A_4115 = arith.index_cast %swap3A_4113 : i32 to index
      %swap3A_4116 = arith.constant 0 : index
      %swap3A_4117 = tpu.vector_load %arg18[%swap3A_4114, %swap3A_4115, %swap3A_4116] {strides = array<i32>} : memref<6x80x64xf32, #tpu.memory_space<vmem>>, vector<16xf32>,
      tpu.vector_store %arg18[%swap3A_4114, %swap3A_4115, %swap3A_4116], %mul3A_4112 {strides = array<i32>} : memref<6x80x64xf32, #tpu.memory_space<vmem>>, vector<16xf32>,
      %get3A_4118 = arith.constant 76 : i32
      %get3A_4119 = arith.index_cast %scan3A_139 : i32 to index
      %get3A_4120 = arith.index_cast %get3A_4118 : i32 to index
      %get3A_4121 = arith.constant 16 : index
      %get3A_4122 = tpu.vector_load %arg18[%get3A_4119, %get3A_4120, %get3A_4121] {strides = array<i32>} : memref<6x80x64xf32, #tpu.memory_space<vmem>>, vector<16xf32>,
      %mul3A_4123 = vector.broadcast %squeeze3A_4105 : f32 to vector<16xf32>
      %mul3A_4124 = arith.mulf %get3A_4122, %mul3A_4123 : vector<16xf32>
      %swap3A_4125 = arith.constant 76 : i32
      %swap3A_4126 = arith.index_cast %scan3A_139 : i32 to index
      %swap3A_4127 = arith.index_cast %swap3A_4125 : i32 to index
      %swap3A_4128 = arith.constant 16 : index
      %swap3A_4129 = tpu.vector_load %arg18[%swap3A_4126, %swap3A_4127, %swap3A_4128] {strides = array<i32>} : memref<6x80x64xf32, #tpu.memory_space<vmem>>, vector<16xf32>,
      tpu.vector_store %arg18[%swap3A_4126, %swap3A_4127, %swap3A_4128], %mul3A_4124 {strides = array<i32>} : memref<6x80x64xf32, #tpu.memory_space<vmem>>, vector<16xf32>,
      %get3A_4130 = arith.constant 76 : i32
      %get3A_4131 = arith.index_cast %scan3A_139 : i32 to index
      %get3A_4132 = arith.index_cast %get3A_4130 : i32 to index
      %get3A_4133 = arith.constant 32 : index
      %get3A_4134 = tpu.vector_load %arg18[%get3A_4131, %get3A_4132, %get3A_4133] {strides = array<i32>} : memref<6x80x64xf32, #tpu.memory_space<vmem>>, vector<16xf32>,
      %mul3A_4135 = vector.broadcast %squeeze3A_4105 : f32 to vector<16xf32>
      %mul3A_4136 = arith.mulf %get3A_4134, %mul3A_4135 : vector<16xf32>
      %swap3A_4137 = arith.constant 76 : i32
      %swap3A_4138 = arith.index_cast %scan3A_139 : i32 to index
      %swap3A_4139 = arith.index_cast %swap3A_4137 : i32 to index
      %swap3A_4140 = arith.constant 32 : index
      %swap3A_4141 = tpu.vector_load %arg18[%swap3A_4138, %swap3A_4139, %swap3A_4140] {strides = array<i32>} : memref<6x80x64xf32, #tpu.memory_space<vmem>>, vector<16xf32>,
      tpu.vector_store %arg18[%swap3A_4138, %swap3A_4139, %swap3A_4140], %mul3A_4136 {strides = array<i32>} : memref<6x80x64xf32, #tpu.memory_space<vmem>>, vector<16xf32>,
      %get3A_4142 = arith.constant 76 : i32
      %get3A_4143 = arith.index_cast %scan3A_139 : i32 to index
      %get3A_4144 = arith.index_cast %get3A_4142 : i32 to index
      %get3A_4145 = arith.constant 48 : index
      %get3A_4146 = tpu.vector_load %arg18[%get3A_4143, %get3A_4144, %get3A_4145] {strides = array<i32>} : memref<6x80x64xf32, #tpu.memory_space<vmem>>, vector<16xf32>,
      %mul3A_4147 = vector.broadcast %squeeze3A_4105 : f32 to vector<16xf32>
      %mul3A_4148 = arith.mulf %get3A_4146, %mul3A_4147 : vector<16xf32>
      %swap3A_4149 = arith.constant 76 : i32
      %swap3A_4150 = arith.index_cast %scan3A_139 : i32 to index
      %swap3A_4151 = arith.index_cast %swap3A_4149 : i32 to index
      %swap3A_4152 = arith.constant 48 : index
      %swap3A_4153 = tpu.vector_load %arg18[%swap3A_4150, %swap3A_4151, %swap3A_4152] {strides = array<i32>} : memref<6x80x64xf32, #tpu.memory_space<vmem>>, vector<16xf32>,
      tpu.vector_store %arg18[%swap3A_4150, %swap3A_4151, %swap3A_4152], %mul3A_4148 {strides = array<i32>} : memref<6x80x64xf32, #tpu.memory_space<vmem>>, vector<16xf32>,
      %slice3A_4154 = vector.extract_strided_slice %get3A_3503 {offsets = [13], sizes = [1], strides = [1]} : vector<16xf32> to vector<1xf32>
      %squeeze3A_4155 = vector.extract %slice3A_4154[0] : f32 from vector<1xf32>
      %get3A_4156 = arith.constant 77 : i32
      %get3A_4157 = arith.index_cast %scan3A_139 : i32 to index
      %get3A_4158 = arith.index_cast %get3A_4156 : i32 to index
      %get3A_4159 = arith.constant 0 : index
      %get3A_4160 = tpu.vector_load %arg18[%get3A_4157, %get3A_4158, %get3A_4159] {strides = array<i32>} : memref<6x80x64xf32, #tpu.memory_space<vmem>>, vector<16xf32>,
      %mul3A_4161 = vector.broadcast %squeeze3A_4155 : f32 to vector<16xf32>
      %mul3A_4162 = arith.mulf %get3A_4160, %mul3A_4161 : vector<16xf32>
      %swap3A_4163 = arith.constant 77 : i32
      %swap3A_4164 = arith.index_cast %scan3A_139 : i32 to index
      %swap3A_4165 = arith.index_cast %swap3A_4163 : i32 to index
      %swap3A_4166 = arith.constant 0 : index
      %swap3A_4167 = tpu.vector_load %arg18[%swap3A_4164, %swap3A_4165, %swap3A_4166] {strides = array<i32>} : memref<6x80x64xf32, #tpu.memory_space<vmem>>, vector<16xf32>,
      tpu.vector_store %arg18[%swap3A_4164, %swap3A_4165, %swap3A_4166], %mul3A_4162 {strides = array<i32>} : memref<6x80x64xf32, #tpu.memory_space<vmem>>, vector<16xf32>,
      %get3A_4168 = arith.constant 77 : i32
      %get3A_4169 = arith.index_cast %scan3A_139 : i32 to index
      %get3A_4170 = arith.index_cast %get3A_4168 : i32 to index
      %get3A_4171 = arith.constant 16 : index
      %get3A_4172 = tpu.vector_load %arg18[%get3A_4169, %get3A_4170, %get3A_4171] {strides = array<i32>} : memref<6x80x64xf32, #tpu.memory_space<vmem>>, vector<16xf32>,
      %mul3A_4173 = vector.broadcast %squeeze3A_4155 : f32 to vector<16xf32>
      %mul3A_4174 = arith.mulf %get3A_4172, %mul3A_4173 : vector<16xf32>
      %swap3A_4175 = arith.constant 77 : i32
      %swap3A_4176 = arith.index_cast %scan3A_139 : i32 to index
      %swap3A_4177 = arith.index_cast %swap3A_4175 : i32 to index
      %swap3A_4178 = arith.constant 16 : index
      %swap3A_4179 = tpu.vector_load %arg18[%swap3A_4176, %swap3A_4177, %swap3A_4178] {strides = array<i32>} : memref<6x80x64xf32, #tpu.memory_space<vmem>>, vector<16xf32>,
      tpu.vector_store %arg18[%swap3A_4176, %swap3A_4177, %swap3A_4178], %mul3A_4174 {strides = array<i32>} : memref<6x80x64xf32, #tpu.memory_space<vmem>>, vector<16xf32>,
      %get3A_4180 = arith.constant 77 : i32
      %get3A_4181 = arith.index_cast %scan3A_139 : i32 to index
      %get3A_4182 = arith.index_cast %get3A_4180 : i32 to index
      %get3A_4183 = arith.constant 32 : index
      %get3A_4184 = tpu.vector_load %arg18[%get3A_4181, %get3A_4182, %get3A_4183] {strides = array<i32>} : memref<6x80x64xf32, #tpu.memory_space<vmem>>, vector<16xf32>,
      %mul3A_4185 = vector.broadcast %squeeze3A_4155 : f32 to vector<16xf32>
      %mul3A_4186 = arith.mulf %get3A_4184, %mul3A_4185 : vector<16xf32>
      %swap3A_4187 = arith.constant 77 : i32
      %swap3A_4188 = arith.index_cast %scan3A_139 : i32 to index
      %swap3A_4189 = arith.index_cast %swap3A_4187 : i32 to index
      %swap3A_4190 = arith.constant 32 : index
      %swap3A_4191 = tpu.vector_load %arg18[%swap3A_4188, %swap3A_4189, %swap3A_4190] {strides = array<i32>} : memref<6x80x64xf32, #tpu.memory_space<vmem>>, vector<16xf32>,
      tpu.vector_store %arg18[%swap3A_4188, %swap3A_4189, %swap3A_4190], %mul3A_4186 {strides = array<i32>} : memref<6x80x64xf32, #tpu.memory_space<vmem>>, vector<16xf32>,
      %get3A_4192 = arith.constant 77 : i32
      %get3A_4193 = arith.index_cast %scan3A_139 : i32 to index
      %get3A_4194 = arith.index_cast %get3A_4192 : i32 to index
      %get3A_4195 = arith.constant 48 : index
      %get3A_4196 = tpu.vector_load %arg18[%get3A_4193, %get3A_4194, %get3A_4195] {strides = array<i32>} : memref<6x80x64xf32, #tpu.memory_space<vmem>>, vector<16xf32>,
      %mul3A_4197 = vector.broadcast %squeeze3A_4155 : f32 to vector<16xf32>
      %mul3A_4198 = arith.mulf %get3A_4196, %mul3A_4197 : vector<16xf32>
      %swap3A_4199 = arith.constant 77 : i32
      %swap3A_4200 = arith.index_cast %scan3A_139 : i32 to index
      %swap3A_4201 = arith.index_cast %swap3A_4199 : i32 to index
      %swap3A_4202 = arith.constant 48 : index
      %swap3A_4203 = tpu.vector_load %arg18[%swap3A_4200, %swap3A_4201, %swap3A_4202] {strides = array<i32>} : memref<6x80x64xf32, #tpu.memory_space<vmem>>, vector<16xf32>,
      tpu.vector_store %arg18[%swap3A_4200, %swap3A_4201, %swap3A_4202], %mul3A_4198 {strides = array<i32>} : memref<6x80x64xf32, #tpu.memory_space<vmem>>, vector<16xf32>,
      %slice3A_4204 = vector.extract_strided_slice %get3A_3503 {offsets = [14], sizes = [1], strides = [1]} : vector<16xf32> to vector<1xf32>
      %squeeze3A_4205 = vector.extract %slice3A_4204[0] : f32 from vector<1xf32>
      %get3A_4206 = arith.constant 78 : i32
      %get3A_4207 = arith.index_cast %scan3A_139 : i32 to index
      %get3A_4208 = arith.index_cast %get3A_4206 : i32 to index
      %get3A_4209 = arith.constant 0 : index
      %get3A_4210 = tpu.vector_load %arg18[%get3A_4207, %get3A_4208, %get3A_4209] {strides = array<i32>} : memref<6x80x64xf32, #tpu.memory_space<vmem>>, vector<16xf32>,
      %mul3A_4211 = vector.broadcast %squeeze3A_4205 : f32 to vector<16xf32>
      %mul3A_4212 = arith.mulf %get3A_4210, %mul3A_4211 : vector<16xf32>
      %swap3A_4213 = arith.constant 78 : i32
      %swap3A_4214 = arith.index_cast %scan3A_139 : i32 to index
      %swap3A_4215 = arith.index_cast %swap3A_4213 : i32 to index
      %swap3A_4216 = arith.constant 0 : index
      %swap3A_4217 = tpu.vector_load %arg18[%swap3A_4214, %swap3A_4215, %swap3A_4216] {strides = array<i32>} : memref<6x80x64xf32, #tpu.memory_space<vmem>>, vector<16xf32>,
      tpu.vector_store %arg18[%swap3A_4214, %swap3A_4215, %swap3A_4216], %mul3A_4212 {strides = array<i32>} : memref<6x80x64xf32, #tpu.memory_space<vmem>>, vector<16xf32>,
      %get3A_4218 = arith.constant 78 : i32
      %get3A_4219 = arith.index_cast %scan3A_139 : i32 to index
      %get3A_4220 = arith.index_cast %get3A_4218 : i32 to index
      %get3A_4221 = arith.constant 16 : index
      %get3A_4222 = tpu.vector_load %arg18[%get3A_4219, %get3A_4220, %get3A_4221] {strides = array<i32>} : memref<6x80x64xf32, #tpu.memory_space<vmem>>, vector<16xf32>,
      %mul3A_4223 = vector.broadcast %squeeze3A_4205 : f32 to vector<16xf32>
      %mul3A_4224 = arith.mulf %get3A_4222, %mul3A_4223 : vector<16xf32>
      %swap3A_4225 = arith.constant 78 : i32
      %swap3A_4226 = arith.index_cast %scan3A_139 : i32 to index
      %swap3A_4227 = arith.index_cast %swap3A_4225 : i32 to index
      %swap3A_4228 = arith.constant 16 : index
      %swap3A_4229 = tpu.vector_load %arg18[%swap3A_4226, %swap3A_4227, %swap3A_4228] {strides = array<i32>} : memref<6x80x64xf32, #tpu.memory_space<vmem>>, vector<16xf32>,
      tpu.vector_store %arg18[%swap3A_4226, %swap3A_4227, %swap3A_4228], %mul3A_4224 {strides = array<i32>} : memref<6x80x64xf32, #tpu.memory_space<vmem>>, vector<16xf32>,
      %get3A_4230 = arith.constant 78 : i32
      %get3A_4231 = arith.index_cast %scan3A_139 : i32 to index
      %get3A_4232 = arith.index_cast %get3A_4230 : i32 to index
      %get3A_4233 = arith.constant 32 : index
      %get3A_4234 = tpu.vector_load %arg18[%get3A_4231, %get3A_4232, %get3A_4233] {strides = array<i32>} : memref<6x80x64xf32, #tpu.memory_space<vmem>>, vector<16xf32>,
      %mul3A_4235 = vector.broadcast %squeeze3A_4205 : f32 to vector<16xf32>
      %mul3A_4236 = arith.mulf %get3A_4234, %mul3A_4235 : vector<16xf32>
      %swap3A_4237 = arith.constant 78 : i32
      %swap3A_4238 = arith.index_cast %scan3A_139 : i32 to index
      %swap3A_4239 = arith.index_cast %swap3A_4237 : i32 to index
      %swap3A_4240 = arith.constant 32 : index
      %swap3A_4241 = tpu.vector_load %arg18[%swap3A_4238, %swap3A_4239, %swap3A_4240] {strides = array<i32>} : memref<6x80x64xf32, #tpu.memory_space<vmem>>, vector<16xf32>,
      tpu.vector_store %arg18[%swap3A_4238, %swap3A_4239, %swap3A_4240], %mul3A_4236 {strides = array<i32>} : memref<6x80x64xf32, #tpu.memory_space<vmem>>, vector<16xf32>,
      %get3A_4242 = arith.constant 78 : i32
      %get3A_4243 = arith.index_cast %scan3A_139 : i32 to index
      %get3A_4244 = arith.index_cast %get3A_4242 : i32 to index
      %get3A_4245 = arith.constant 48 : index
      %get3A_4246 = tpu.vector_load %arg18[%get3A_4243, %get3A_4244, %get3A_4245] {strides = array<i32>} : memref<6x80x64xf32, #tpu.memory_space<vmem>>, vector<16xf32>,
      %mul3A_4247 = vector.broadcast %squeeze3A_4205 : f32 to vector<16xf32>
      %mul3A_4248 = arith.mulf %get3A_4246, %mul3A_4247 : vector<16xf32>
      %swap3A_4249 = arith.constant 78 : i32
      %swap3A_4250 = arith.index_cast %scan3A_139 : i32 to index
      %swap3A_4251 = arith.index_cast %swap3A_4249 : i32 to index
      %swap3A_4252 = arith.constant 48 : index
      %swap3A_4253 = tpu.vector_load %arg18[%swap3A_4250, %swap3A_4251, %swap3A_4252] {strides = array<i32>} : memref<6x80x64xf32, #tpu.memory_space<vmem>>, vector<16xf32>,
      tpu.vector_store %arg18[%swap3A_4250, %swap3A_4251, %swap3A_4252], %mul3A_4248 {strides = array<i32>} : memref<6x80x64xf32, #tpu.memory_space<vmem>>, vector<16xf32>,
      %slice3A_4254 = vector.extract_strided_slice %get3A_3503 {offsets = [15], sizes = [1], strides = [1]} : vector<16xf32> to vector<1xf32>
      %squeeze3A_4255 = vector.extract %slice3A_4254[0] : f32 from vector<1xf32>
      %get3A_4256 = arith.constant 79 : i32
      %get3A_4257 = arith.index_cast %scan3A_139 : i32 to index
      %get3A_4258 = arith.index_cast %get3A_4256 : i32 to index
      %get3A_4259 = arith.constant 0 : index
      %get3A_4260 = tpu.vector_load %arg18[%get3A_4257, %get3A_4258, %get3A_4259] {strides = array<i32>} : memref<6x80x64xf32, #tpu.memory_space<vmem>>, vector<16xf32>,
      %mul3A_4261 = vector.broadcast %squeeze3A_4255 : f32 to vector<16xf32>
      %mul3A_4262 = arith.mulf %get3A_4260, %mul3A_4261 : vector<16xf32>
      %swap3A_4263 = arith.constant 79 : i32
      %swap3A_4264 = arith.index_cast %scan3A_139 : i32 to index
      %swap3A_4265 = arith.index_cast %swap3A_4263 : i32 to index
      %swap3A_4266 = arith.constant 0 : index
      %swap3A_4267 = tpu.vector_load %arg18[%swap3A_4264, %swap3A_4265, %swap3A_4266] {strides = array<i32>} : memref<6x80x64xf32, #tpu.memory_space<vmem>>, vector<16xf32>,
      tpu.vector_store %arg18[%swap3A_4264, %swap3A_4265, %swap3A_4266], %mul3A_4262 {strides = array<i32>} : memref<6x80x64xf32, #tpu.memory_space<vmem>>, vector<16xf32>,
      %get3A_4268 = arith.constant 79 : i32
      %get3A_4269 = arith.index_cast %scan3A_139 : i32 to index
      %get3A_4270 = arith.index_cast %get3A_4268 : i32 to index
      %get3A_4271 = arith.constant 16 : index
      %get3A_4272 = tpu.vector_load %arg18[%get3A_4269, %get3A_4270, %get3A_4271] {strides = array<i32>} : memref<6x80x64xf32, #tpu.memory_space<vmem>>, vector<16xf32>,
      %mul3A_4273 = vector.broadcast %squeeze3A_4255 : f32 to vector<16xf32>
      %mul3A_4274 = arith.mulf %get3A_4272, %mul3A_4273 : vector<16xf32>
      %swap3A_4275 = arith.constant 79 : i32
      %swap3A_4276 = arith.index_cast %scan3A_139 : i32 to index
      %swap3A_4277 = arith.index_cast %swap3A_4275 : i32 to index
      %swap3A_4278 = arith.constant 16 : index
      %swap3A_4279 = tpu.vector_load %arg18[%swap3A_4276, %swap3A_4277, %swap3A_4278] {strides = array<i32>} : memref<6x80x64xf32, #tpu.memory_space<vmem>>, vector<16xf32>,
      tpu.vector_store %arg18[%swap3A_4276, %swap3A_4277, %swap3A_4278], %mul3A_4274 {strides = array<i32>} : memref<6x80x64xf32, #tpu.memory_space<vmem>>, vector<16xf32>,
      %get3A_4280 = arith.constant 79 : i32
      %get3A_4281 = arith.index_cast %scan3A_139 : i32 to index
      %get3A_4282 = arith.index_cast %get3A_4280 : i32 to index
      %get3A_4283 = arith.constant 32 : index
      %get3A_4284 = tpu.vector_load %arg18[%get3A_4281, %get3A_4282, %get3A_4283] {strides = array<i32>} : memref<6x80x64xf32, #tpu.memory_space<vmem>>, vector<16xf32>,
      %mul3A_4285 = vector.broadcast %squeeze3A_4255 : f32 to vector<16xf32>
      %mul3A_4286 = arith.mulf %get3A_4284, %mul3A_4285 : vector<16xf32>
      %swap3A_4287 = arith.constant 79 : i32
      %swap3A_4288 = arith.index_cast %scan3A_139 : i32 to index
      %swap3A_4289 = arith.index_cast %swap3A_4287 : i32 to index
      %swap3A_4290 = arith.constant 32 : index
      %swap3A_4291 = tpu.vector_load %arg18[%swap3A_4288, %swap3A_4289, %swap3A_4290] {strides = array<i32>} : memref<6x80x64xf32, #tpu.memory_space<vmem>>, vector<16xf32>,
      tpu.vector_store %arg18[%swap3A_4288, %swap3A_4289, %swap3A_4290], %mul3A_4286 {strides = array<i32>} : memref<6x80x64xf32, #tpu.memory_space<vmem>>, vector<16xf32>,
      %get3A_4292 = arith.constant 79 : i32
      %get3A_4293 = arith.index_cast %scan3A_139 : i32 to index
      %get3A_4294 = arith.index_cast %get3A_4292 : i32 to index
      %get3A_4295 = arith.constant 48 : index
      %get3A_4296 = tpu.vector_load %arg18[%get3A_4293, %get3A_4294, %get3A_4295] {strides = array<i32>} : memref<6x80x64xf32, #tpu.memory_space<vmem>>, vector<16xf32>,
      %mul3A_4297 = vector.broadcast %squeeze3A_4255 : f32 to vector<16xf32>
      %mul3A_4298 = arith.mulf %get3A_4296, %mul3A_4297 : vector<16xf32>
      %swap3A_4299 = arith.constant 79 : i32
      %swap3A_4300 = arith.index_cast %scan3A_139 : i32 to index
      %swap3A_4301 = arith.index_cast %swap3A_4299 : i32 to index
      %swap3A_4302 = arith.constant 48 : index
      %swap3A_4303 = tpu.vector_load %arg18[%swap3A_4300, %swap3A_4301, %swap3A_4302] {strides = array<i32>} : memref<6x80x64xf32, #tpu.memory_space<vmem>>, vector<16xf32>,
      tpu.vector_store %arg18[%swap3A_4300, %swap3A_4301, %swap3A_4302], %mul3A_4298 {strides = array<i32>} : memref<6x80x64xf32, #tpu.memory_space<vmem>>, vector<16xf32>,
      %dma_start3A_4304 = arith.constant 0 : i32
      %dma_start3A_4305 = arith.constant 0 : i32
      %dma_start3A_4306 = tpu.memref_slice %arg18[%scan3A_139, %dma_start3A_4304, %dma_start3A_4305] : memref<6x80x64xf32, #tpu.memory_space<vmem>> -> memref<1x80x64xf32, #tpu.memory_space<vmem>>
      %dma_start3A_4307 = tpu.memref_squeeze %dma_start3A_4306 : memref<1x80x64xf32, #tpu.memory_space<vmem>> -> memref<80x64xf32, #tpu.memory_space<vmem>>
      %dma_start3A_4308 = arith.constant 0 : i32
      %dma_start3A_4309 = tpu.memref_slice %arg12[%scan3A_143, %scan3A_141, %dma_start3A_4308] : memref<2x25x80xi32, #tpu.memory_space<vmem>> -> memref<1x1x80xi32, #tpu.memory_space<vmem>>
      %dma_start3A_4310 = tpu.memref_squeeze %dma_start3A_4309 : memref<1x1x80xi32, #tpu.memory_space<vmem>> -> memref<80xi32, #tpu.memory_space<vmem>>
      %dma_start3A_4311 = arith.constant 0 : i32
      %dma_start3A_4312 = arith.constant 0 : i32
      %dma_start3A_4313 = tpu.memref_slice %arg19[%dma_start3A_4311, %dma_start3A_4312] : memref<10000x64xf32, #tpu.memory_space<vmem_shared>> -> memref<10000x64xf32, #tpu.memory_space<vmem_shared>>
      tpu.enqueue_indirect_dma source(%dma_start3A_4307 : memref<80x64xf32, #tpu.memory_space<vmem>>) target(%dma_start3A_4313 : memref<10000x64xf32, #tpu.memory_space<vmem_shared>>) offsets(%dma_start3A_4310 : memref<80xi32, #tpu.memory_space<vmem>>) semaphore(%arg21 : memref<!tpu.dma_semaphore, #tpu.memory_space<semaphore_mem>>) {add = true}
      %eq3A_4314 = arith.constant 4 : i32
      %eq3A_4315 = arith.cmpi eq, %scan3A_141, %eq3A_4314 : i32
      %ge3A_4316 = arith.constant 1 : i32
      %ge3A_4317 = arith.cmpi sge, %scan3A_145, %ge3A_4316 : i32
      %le3A = arith.constant 8 : i32
      %le3A_4318 = arith.cmpi sle, %scan3A_145, %le3A : i32
      %and3A_4319 = arith.andi %ge3A_4317, %le3A_4318 : i1
      %and3A_4320 = arith.andi %eq3A_4315, %and3A_4319 : i1
      %convert_element_type3A_4321 = arith.extui %and3A_4320 : i1 to i32
      %cond3A_4322 = arith.constant 0 : i32
      %cond3A_4323 = arith.cmpi ne, %convert_element_type3A_4321, %cond3A_4322 : i32
      scf.if %cond3A_4323 {
        %add3A_4355 = arith.addi %mul3A_0, %scan3A_145 : i32
        %add3A_4356 = arith.constant 1 : i32
        %add3A_4357 = arith.addi %add3A_4355, %add3A_4356 : i32
        %sub3A_4358 = arith.constant 1 : i32
        %sub3A_4359 = arith.subi %sub3A_4358, %scan3A_143 : i32
        %dma_start3A_4360 = arith.constant 0 : i32
        %dma_start3A_4361 = arith.constant 0 : i32
        %dma_start3A_4362 = tpu.memref_slice %arg11[%sub3A_4359, %dma_start3A_4360, %dma_start3A_4361] : memref<2x25x80xi32, #tpu.memory_space<vmem>> -> memref<1x25x80xi32, #tpu.memory_space<vmem>>
        %dma_start3A_4363 = tpu.memref_squeeze %dma_start3A_4362 : memref<1x25x80xi32, #tpu.memory_space<vmem>> -> memref<25x80xi32, #tpu.memory_space<vmem>>
        %dma_start3A_4364 = arith.constant 0 : i32
        %dma_start3A_4365 = arith.constant 0 : i32
        %dma_start3A_4366 = tpu.memref_slice %arg6[%add3A_4357, %dma_start3A_4364, %dma_start3A_4365] : memref<160x25x80xi32, #tpu.memory_space<hbm>> -> memref<1x25x80xi32, #tpu.memory_space<hbm>>
        %dma_start3A_4367 = tpu.memref_squeeze %dma_start3A_4366 : memref<1x25x80xi32, #tpu.memory_space<hbm>> -> memref<25x80xi32, #tpu.memory_space<hbm>>
        %dma_start3A_4368 = arith.constant 0 : i32
        %dma_start3A_4369 = arith.constant 0 : i32
        %dma_start3A_4370 = tpu.memref_slice %arg11[%sub3A_4359, %dma_start3A_4368, %dma_start3A_4369] : memref<2x25x80xi32, #tpu.memory_space<vmem>> -> memref<1x25x80xi32, #tpu.memory_space<vmem>>
        %dma_start3A_4371 = tpu.memref_squeeze %dma_start3A_4370 : memref<1x25x80xi32, #tpu.memory_space<vmem>> -> memref<25x80xi32, #tpu.memory_space<vmem>>
        %dma_start3A_4372 = arith.constant 0 : i32
        %dma_start3A_4373 = arith.constant 0 : i32
        %dma_start3A_4374 = tpu.memref_slice %arg6[%add3A_4357, %dma_start3A_4372, %dma_start3A_4373] : memref<160x25x80xi32, #tpu.memory_space<hbm>> -> memref<1x25x80xi32, #tpu.memory_space<hbm>>
        %dma_start3A_4375 = tpu.memref_squeeze %dma_start3A_4374 : memref<1x25x80xi32, #tpu.memory_space<hbm>> -> memref<25x80xi32, #tpu.memory_space<hbm>>
        tpu.enqueue_dma source(%dma_start3A_4375 : memref<25x80xi32, #tpu.memory_space<hbm>>) target(%dma_start3A_4371 : memref<25x80xi32, #tpu.memory_space<vmem>>) target_semaphore(%arg22 : memref<!tpu.dma_semaphore, #tpu.memory_space<semaphore_mem>>)
        %add3A_4376 = arith.addi %mul3A_0, %scan3A_145 : i32
        %add3A_4377 = arith.constant 1 : i32
        %add3A_4378 = arith.addi %add3A_4376, %add3A_4377 : i32
        %sub3A_4379 = arith.constant 1 : i32
        %sub3A_4380 = arith.subi %sub3A_4379, %scan3A_143 : i32
        %dma_start3A_4381 = arith.constant 0 : i32
        %dma_start3A_4382 = arith.constant 0 : i32
        %dma_start3A_4383 = tpu.memref_slice %arg12[%sub3A_4380, %dma_start3A_4381, %dma_start3A_4382] : memref<2x25x80xi32, #tpu.memory_space<vmem>> -> memref<1x25x80xi32, #tpu.memory_space<vmem>>
        %dma_start3A_4384 = tpu.memref_squeeze %dma_start3A_4383 : memref<1x25x80xi32, #tpu.memory_space<vmem>> -> memref<25x80xi32, #tpu.memory_space<vmem>>
        %dma_start3A_4385 = arith.constant 0 : i32
        %dma_start3A_4386 = arith.constant 0 : i32
        %dma_start3A_4387 = tpu.memref_slice %arg7[%add3A_4378, %dma_start3A_4385, %dma_start3A_4386] : memref<160x25x80xi32, #tpu.memory_space<hbm>> -> memref<1x25x80xi32, #tpu.memory_space<hbm>>
        %dma_start3A_4388 = tpu.memref_squeeze %dma_start3A_4387 : memref<1x25x80xi32, #tpu.memory_space<hbm>> -> memref<25x80xi32, #tpu.memory_space<hbm>>
        %dma_start3A_4389 = arith.constant 0 : i32
        %dma_start3A_4390 = arith.constant 0 : i32
        %dma_start3A_4391 = tpu.memref_slice %arg12[%sub3A_4380, %dma_start3A_4389, %dma_start3A_4390] : memref<2x25x80xi32, #tpu.memory_space<vmem>> -> memref<1x25x80xi32, #tpu.memory_space<vmem>>
        %dma_start3A_4392 = tpu.memref_squeeze %dma_start3A_4391 : memref<1x25x80xi32, #tpu.memory_space<vmem>> -> memref<25x80xi32, #tpu.memory_space<vmem>>
        %dma_start3A_4393 = arith.constant 0 : i32
        %dma_start3A_4394 = arith.constant 0 : i32
        %dma_start3A_4395 = tpu.memref_slice %arg7[%add3A_4378, %dma_start3A_4393, %dma_start3A_4394] : memref<160x25x80xi32, #tpu.memory_space<hbm>> -> memref<1x25x80xi32, #tpu.memory_space<hbm>>
        %dma_start3A_4396 = tpu.memref_squeeze %dma_start3A_4395 : memref<1x25x80xi32, #tpu.memory_space<hbm>> -> memref<25x80xi32, #tpu.memory_space<hbm>>
        tpu.enqueue_dma source(%dma_start3A_4396 : memref<25x80xi32, #tpu.memory_space<hbm>>) target(%dma_start3A_4392 : memref<25x80xi32, #tpu.memory_space<vmem>>) target_semaphore(%arg22 : memref<!tpu.dma_semaphore, #tpu.memory_space<semaphore_mem>>)
      } else {
      }
      %eq3A_4324 = arith.constant 24 : i32
      %eq3A_4325 = arith.cmpi eq, %scan3A_141, %eq3A_4324 : i32
      %eq3A_4326 = arith.constant 24 : i32
      %eq3A_4327 = arith.cmpi eq, %scan3A_142, %eq3A_4326 : i32
      %eq3A_4328 = arith.constant 5 : i32
      %eq3A_4329 = arith.cmpi eq, %scan3A_139, %eq3A_4328 : i32
      %add3A_4330 = arith.constant 1 : i32
      %add3A_4331 = arith.addi %scan3A_139, %add3A_4330 : i32
      %jit3A = arith.constant 0 : i32
      %select_n3A = arith.select %eq3A_4329, %jit3A, %add3A_4331 : i32
      %eq3A_4332 = arith.constant 5 : i32
      %eq3A_4333 = arith.cmpi eq, %scan3A_140, %eq3A_4332 : i32
      %add3A_4334 = arith.constant 1 : i32
      %add3A_4335 = arith.addi %scan3A_140, %add3A_4334 : i32
      %jit3A_4336 = arith.constant 0 : i32
      %select_n3A_4337 = arith.select %eq3A_4333, %jit3A_4336, %add3A_4335 : i32
      %add3A_4338 = arith.constant 1 : i32
      %add3A_4339 = arith.addi %scan3A_141, %add3A_4338 : i32
      %jit3A_4340 = arith.constant 0 : i32
      %select_n3A_4341 = arith.select %eq3A_4325, %jit3A_4340, %add3A_4339 : i32
      %add3A_4342 = arith.constant 1 : i32
      %add3A_4343 = arith.addi %scan3A_142, %add3A_4342 : i32
      %jit3A_4344 = arith.constant 0 : i32
      %select_n3A_4345 = arith.select %eq3A_4327, %jit3A_4344, %add3A_4343 : i32
      %sub3A_4346 = arith.constant 1 : i32
      %sub3A_4347 = arith.subi %sub3A_4346, %scan3A_143 : i32
      %select_n3A_4348 = arith.select %eq3A_4325, %sub3A_4347, %scan3A_143 : i32
      %sub3A_4349 = arith.constant 1 : i32
      %sub3A_4350 = arith.subi %sub3A_4349, %scan3A_144 : i32
      %select_n3A_4351 = arith.select %eq3A_4327, %sub3A_4350, %scan3A_144 : i32
      %add3A_4352 = arith.constant 1 : i32
      %add3A_4353 = arith.addi %scan3A_145, %add3A_4352 : i32
      %select_n3A_4354 = arith.select %eq3A_4325, %add3A_4353, %scan3A_145 : i32
      scf.yield %select_n3A, %select_n3A_4337, %select_n3A_4341, %select_n3A_4345, %select_n3A_4348, %select_n3A_4351, %select_n3A_4354 : i32, i32, i32, i32, i32, i32, i32
    }
    %scan3A_85 = arith.constant 250 : i32
    %dma_wait3A = arith.constant 0 : i32
    %dma_wait3A_86 = arith.constant 0 : i32
    %dma_wait3A_87 = arith.constant 0 : i32
    %dma_wait3A_88 = arith.constant 0 : i32
    %dma_wait3A_89 = arith.constant 0 : i32
    %dma_wait3A_90 = tpu.memref_slice %arg18[%dma_wait3A, %dma_wait3A_88, %dma_wait3A_89] : memref<6x80x64xf32, #tpu.memory_space<vmem>> -> memref<1x80x64xf32, #tpu.memory_space<vmem>>
    %dma_wait3A_91 = tpu.memref_squeeze %dma_wait3A_90 : memref<1x80x64xf32, #tpu.memory_space<vmem>> -> memref<80x64xf32, #tpu.memory_space<vmem>>
    %dma_wait3A_92 = arith.constant 0 : i32
    %dma_wait3A_93 = tpu.memref_slice %arg12[%dma_wait3A_86, %dma_wait3A_87, %dma_wait3A_92] : memref<2x25x80xi32, #tpu.memory_space<vmem>> -> memref<1x1x80xi32, #tpu.memory_space<vmem>>
    %dma_wait3A_94 = tpu.memref_squeeze %dma_wait3A_93 : memref<1x1x80xi32, #tpu.memory_space<vmem>> -> memref<80xi32, #tpu.memory_space<vmem>>
    %dma_wait3A_95 = arith.constant 0 : i32
    %dma_wait3A_96 = arith.constant 0 : i32
    %dma_wait3A_97 = tpu.memref_slice %arg19[%dma_wait3A_95, %dma_wait3A_96] : memref<10000x64xf32, #tpu.memory_space<vmem_shared>> -> memref<10000x64xf32, #tpu.memory_space<vmem_shared>>
    tpu.wait_indirect_dma semaphore(%arg21 : memref<!tpu.dma_semaphore, #tpu.memory_space<semaphore_mem>>) src(%dma_wait3A_91 : memref<80x64xf32, #tpu.memory_space<vmem>>) dst(%dma_wait3A_97 : memref<10000x64xf32, #tpu.memory_space<vmem_shared>>)
    %dma_wait3A_98 = arith.constant 0 : i32
    %dma_wait3A_99 = arith.constant 0 : i32
    %dma_wait3A_100 = arith.constant 0 : i32
    %dma_wait3A_101 = arith.constant 0 : i32
    %dma_wait3A_102 = arith.constant 0 : i32
    %dma_wait3A_103 = tpu.memref_slice %arg18[%dma_wait3A_98, %dma_wait3A_101, %dma_wait3A_102] : memref<6x80x64xf32, #tpu.memory_space<vmem>> -> memref<1x80x64xf32, #tpu.memory_space<vmem>>
    %dma_wait3A_104 = tpu.memref_squeeze %dma_wait3A_103 : memref<1x80x64xf32, #tpu.memory_space<vmem>> -> memref<80x64xf32, #tpu.memory_space<vmem>>
    %dma_wait3A_105 = arith.constant 0 : i32
    %dma_wait3A_106 = tpu.memref_slice %arg12[%dma_wait3A_99, %dma_wait3A_100, %dma_wait3A_105] : memref<2x25x80xi32, #tpu.memory_space<vmem>> -> memref<1x1x80xi32, #tpu.memory_space<vmem>>
    %dma_wait3A_107 = tpu.memref_squeeze %dma_wait3A_106 : memref<1x1x80xi32, #tpu.memory_space<vmem>> -> memref<80xi32, #tpu.memory_space<vmem>>
    %dma_wait3A_108 = arith.constant 0 : i32
    %dma_wait3A_109 = arith.constant 0 : i32
    %dma_wait3A_110 = tpu.memref_slice %arg19[%dma_wait3A_108, %dma_wait3A_109] : memref<10000x64xf32, #tpu.memory_space<vmem_shared>> -> memref<10000x64xf32, #tpu.memory_space<vmem_shared>>
    tpu.wait_indirect_dma semaphore(%arg21 : memref<!tpu.dma_semaphore, #tpu.memory_space<semaphore_mem>>) src(%dma_wait3A_104 : memref<80x64xf32, #tpu.memory_space<vmem>>) dst(%dma_wait3A_110 : memref<10000x64xf32, #tpu.memory_space<vmem_shared>>)
    %dma_wait3A_111 = arith.constant 0 : i32
    %dma_wait3A_112 = arith.constant 0 : i32
    %dma_wait3A_113 = arith.constant 0 : i32
    %dma_wait3A_114 = arith.constant 0 : i32
    %dma_wait3A_115 = arith.constant 0 : i32
    %dma_wait3A_116 = tpu.memref_slice %arg18[%dma_wait3A_111, %dma_wait3A_114, %dma_wait3A_115] : memref<6x80x64xf32, #tpu.memory_space<vmem>> -> memref<1x80x64xf32, #tpu.memory_space<vmem>>
    %dma_wait3A_117 = tpu.memref_squeeze %dma_wait3A_116 : memref<1x80x64xf32, #tpu.memory_space<vmem>> -> memref<80x64xf32, #tpu.memory_space<vmem>>
    %dma_wait3A_118 = arith.constant 0 : i32
    %dma_wait3A_119 = tpu.memref_slice %arg12[%dma_wait3A_112, %dma_wait3A_113, %dma_wait3A_118] : memref<2x25x80xi32, #tpu.memory_space<vmem>> -> memref<1x1x80xi32, #tpu.memory_space<vmem>>
    %dma_wait3A_120 = tpu.memref_squeeze %dma_wait3A_119 : memref<1x1x80xi32, #tpu.memory_space<vmem>> -> memref<80xi32, #tpu.memory_space<vmem>>
    %dma_wait3A_121 = arith.constant 0 : i32
    %dma_wait3A_122 = arith.constant 0 : i32
    %dma_wait3A_123 = tpu.memref_slice %arg19[%dma_wait3A_121, %dma_wait3A_122] : memref<10000x64xf32, #tpu.memory_space<vmem_shared>> -> memref<10000x64xf32, #tpu.memory_space<vmem_shared>>
    tpu.wait_indirect_dma semaphore(%arg21 : memref<!tpu.dma_semaphore, #tpu.memory_space<semaphore_mem>>) src(%dma_wait3A_117 : memref<80x64xf32, #tpu.memory_space<vmem>>) dst(%dma_wait3A_123 : memref<10000x64xf32, #tpu.memory_space<vmem_shared>>)
    %dma_wait3A_124 = arith.constant 0 : i32
    %dma_wait3A_125 = arith.constant 0 : i32
    %dma_wait3A_126 = arith.constant 0 : i32
    %dma_wait3A_127 = arith.constant 0 : i32
    %dma_wait3A_128 = arith.constant 0 : i32
    %dma_wait3A_129 = tpu.memref_slice %arg18[%dma_wait3A_124, %dma_wait3A_127, %dma_wait3A_128] : memref<6x80x64xf32, #tpu.memory_space<vmem>> -> memref<1x80x64xf32, #tpu.memory_space<vmem>>
    %dma_wait3A_130 = tpu.memref_squeeze %dma_wait3A_129 : memref<1x80x64xf32, #tpu.memory_space<vmem>> -> memref<80x64xf32, #tpu.memory_space<vmem>>
    %dma_wait3A_131 = arith.constant 0 : i32
    %dma_wait3A_132 = tpu.memref_slice %arg12[%dma_wait3A_125, %dma_wait3A_126, %dma_wait3A_131] : memref<2x25x80xi32, #tpu.memory_space<vmem>> -> memref<1x1x80xi32, #tpu.memory_space<vmem>>
    %dma_wait3A_133 = tpu.memref_squeeze %dma_wait3A_132 : memref<1x1x80xi32, #tpu.memory_space<vmem>> -> memref<80xi32, #tpu.memory_space<vmem>>
    %dma_wait3A_134 = arith.constant 0 : i32
    %dma_wait3A_135 = arith.constant 0 : i32
    %dma_wait3A_136 = tpu.memref_slice %arg19[%dma_wait3A_134, %dma_wait3A_135] : memref<10000x64xf32, #tpu.memory_space<vmem_shared>> -> memref<10000x64xf32, #tpu.memory_space<vmem_shared>>
    tpu.wait_indirect_dma semaphore(%arg21 : memref<!tpu.dma_semaphore, #tpu.memory_space<semaphore_mem>>) src(%dma_wait3A_130 : memref<80x64xf32, #tpu.memory_space<vmem>>) dst(%dma_wait3A_136 : memref<10000x64xf32, #tpu.memory_space<vmem_shared>>)
    %barrier3A_137 = arith.constant 0 : index
    tpu.barrier barrier_id(%barrier3A_137)
    "tpu.region"() ({
      %run_scoped3A_138 = tpu.sem_alloc : memref<!tpu.dma_semaphore, #tpu.memory_space<semaphore_mem>>
      %dma_start3A_139 = arith.constant 0 : i32
      %dma_start3A_140 = arith.constant 0 : i32
      %dma_start3A_141 = tpu.memref_slice %arg10[%arg0, %dma_start3A_139, %dma_start3A_140] : memref<2x10000x64xf32, #tpu.memory_space<hbm>> -> memref<1x10000x64xf32, #tpu.memory_space<hbm>>
      %dma_start3A_142 = tpu.memref_squeeze %dma_start3A_141 : memref<1x10000x64xf32, #tpu.memory_space<hbm>> -> memref<10000x64xf32, #tpu.memory_space<hbm>>
      %dma_start3A_143 = arith.constant 0 : i32
      %dma_start3A_144 = tpu.memref_slice %dma_start3A_142[%mul3A_39, %dma_start3A_143] : memref<10000x64xf32, #tpu.memory_space<hbm>> -> memref<625x64xf32, #tpu.memory_space<hbm>>
      %dma_start3A_145 = arith.constant 0 : i32
      %dma_start3A_146 = tpu.memref_slice %arg19[%mul3A_39, %dma_start3A_145] : memref<10000x64xf32, #tpu.memory_space<vmem_shared>> -> memref<625x64xf32, #tpu.memory_space<vmem_shared>>
      tpu.enqueue_dma source(%dma_start3A_146 : memref<625x64xf32, #tpu.memory_space<vmem_shared>>) target(%dma_start3A_144 : memref<625x64xf32, #tpu.memory_space<hbm>>) target_semaphore(%run_scoped3A_138 : memref<!tpu.dma_semaphore, #tpu.memory_space<semaphore_mem>>)
      %dma_wait3A_147 = arith.constant 0 : i32
      %dma_wait3A_148 = arith.constant 0 : i32
      %dma_wait3A_149 = tpu.memref_slice %arg10[%arg0, %dma_wait3A_147, %dma_wait3A_148] : memref<2x10000x64xf32, #tpu.memory_space<hbm>> -> memref<1x10000x64xf32, #tpu.memory_space<hbm>>
      %dma_wait3A_150 = tpu.memref_squeeze %dma_wait3A_149 : memref<1x10000x64xf32, #tpu.memory_space<hbm>> -> memref<10000x64xf32, #tpu.memory_space<hbm>>
      %dma_wait3A_151 = arith.constant 0 : i32
      %dma_wait3A_152 = tpu.memref_slice %dma_wait3A_150[%mul3A_39, %dma_wait3A_151] : memref<10000x64xf32, #tpu.memory_space<hbm>> -> memref<625x64xf32, #tpu.memory_space<hbm>>
      %dma_wait3A_153 = arith.constant 0 : i32
      %dma_wait3A_154 = tpu.memref_slice %arg19[%mul3A_39, %dma_wait3A_153] : memref<10000x64xf32, #tpu.memory_space<vmem_shared>> -> memref<625x64xf32, #tpu.memory_space<vmem_shared>>
      tpu.wait_dma2 semaphore(%run_scoped3A_138 : memref<!tpu.dma_semaphore, #tpu.memory_space<semaphore_mem>>) src(%dma_wait3A_154 : memref<625x64xf32, #tpu.memory_space<vmem_shared>>) dst(%dma_wait3A_152 : memref<625x64xf32, #tpu.memory_space<hbm>>)
      tpu.yield
    }) : () -> ()
    return
  }
}

module attributes {stable_mosaic.version = 14 : i64} {
  func.func @_prep_body(%arg0: memref<10000x128xf32, #tpu.memory_space<vmem>>, %arg1: memref<10000x1xf32, #tpu.memory_space<vmem>>, %arg2: memref<1x128xf32, #tpu.memory_space<vmem>>, %arg3: memref<1x128xf32, #tpu.memory_space<vmem>>, %arg4: memref<1x1xf32, #tpu.memory_space<vmem>>, %arg5: memref<2500x128xf32, #tpu.memory_space<vmem>>, %arg6: memref<1x1xf32, #tpu.memory_space<vmem>>, %arg7: memref<1x1xf32, #tpu.memory_space<vmem>>, %arg8: memref<2x10000x64xf32, #tpu.memory_space<vmem>>, %arg9: memref<10000xf32, #tpu.memory_space<vmem>>, %arg10: memref<10000xf32, #tpu.memory_space<vmem>>, %arg11: memref<2500x128xf32, #tpu.memory_space<vmem>>) attributes {dimension_semantics = [], scalar_prefetch = 0 : i64, scratch_operands = 0 : i64, tpu.core_type = #tpu.core_type<tc>} {
    %get3A = arith.constant 0 : index
    %get3A_0 = arith.constant 0 : index
    %get3A_1 = vector.load %arg0[%get3A, %get3A_0] : memref<10000x128xf32, #tpu.memory_space<vmem>>, vector<10000x128xf32>
    %get3A_2 = arith.constant 0 : index
    %get3A_3 = arith.constant 0 : index
    %get3A_4 = vector.load %arg1[%get3A_2, %get3A_3] : memref<10000x1xf32, #tpu.memory_space<vmem>>, vector<10000x1xf32>
    %mul3A = vector.broadcast %get3A_4 : vector<10000x1xf32> to vector<10000x128xf32>
    %mul3A_5 = arith.mulf %get3A_1, %mul3A : vector<10000x128xf32>
    %slice3A = vector.extract_strided_slice %mul3A_5 {offsets = [0, 0], sizes = [10000, 64], strides = [1, 1]} : vector<10000x128xf32> to vector<10000x64xf32>
    %swap3A = arith.constant 0 : index
    %swap3A_6 = arith.constant 0 : index
    %swap3A_7 = arith.constant 0 : index
    %swap3A_8 = vector.load %arg8[%swap3A, %swap3A_6, %swap3A_7] : memref<2x10000x64xf32, #tpu.memory_space<vmem>>, vector<1x10000x64xf32>
    %swap3A_9 = vector.shape_cast %swap3A_8 : vector<1x10000x64xf32> to vector<10000x64xf32>
    %swap3A_10 = vector.shape_cast %slice3A : vector<10000x64xf32> to vector<1x10000x64xf32>
    tpu.vector_store %arg8[%swap3A, %swap3A_6, %swap3A_7], %swap3A_10 {strides = array<i32>} : memref<2x10000x64xf32, #tpu.memory_space<vmem>>, vector<1x10000x64xf32>,
    %slice3A_11 = vector.extract_strided_slice %mul3A_5 {offsets = [0, 64], sizes = [10000, 64], strides = [1, 1]} : vector<10000x128xf32> to vector<10000x64xf32>
    %swap3A_12 = arith.constant 1 : index
    %swap3A_13 = arith.constant 0 : index
    %swap3A_14 = arith.constant 0 : index
    %swap3A_15 = vector.load %arg8[%swap3A_12, %swap3A_13, %swap3A_14] : memref<2x10000x64xf32, #tpu.memory_space<vmem>>, vector<1x10000x64xf32>
    %swap3A_16 = vector.shape_cast %swap3A_15 : vector<1x10000x64xf32> to vector<10000x64xf32>
    %swap3A_17 = vector.shape_cast %slice3A_11 : vector<10000x64xf32> to vector<1x10000x64xf32>
    tpu.vector_store %arg8[%swap3A_12, %swap3A_13, %swap3A_14], %swap3A_17 {strides = array<i32>} : memref<2x10000x64xf32, #tpu.memory_space<vmem>>, vector<1x10000x64xf32>,
    %get3A_18 = arith.constant 0 : index
    %get3A_19 = arith.constant 0 : index
    %get3A_20 = vector.load %arg2[%get3A_18, %get3A_19] : memref<1x128xf32, #tpu.memory_space<vmem>>, vector<1x128xf32>
    %mul3A_21 = vector.broadcast %get3A_20 : vector<1x128xf32> to vector<10000x128xf32>
    %mul3A_22 = arith.mulf %get3A_1, %mul3A_21 : vector<10000x128xf32>
    %reduce_sum3A = arith.constant dense<0.000000e+00> : vector<10000xf32>
    %reduce_sum3A_23 = vector.multi_reduction <add>, %mul3A_22, %reduce_sum3A [1] : vector<10000x128xf32> to vector<10000xf32>
    %get3A_24 = arith.constant 0 : index
    %get3A_25 = arith.constant 0 : index
    %get3A_26 = vector.load %arg4[%get3A_24, %get3A_25] : memref<1x1xf32, #tpu.memory_space<vmem>>, vector<1x1xf32>
    %get3A_27 = vector.extract %get3A_26[0, 0] : f32 from vector<1x1xf32>
    %add3A = vector.broadcast %get3A_27 : f32 to vector<10000xf32>
    %add3A_28 = arith.addf %reduce_sum3A_23, %add3A : vector<10000xf32>
    %mul3A_29 = arith.constant 2.000000e+00 : f32
    %mul3A_30 = vector.broadcast %mul3A_29 : f32 to vector<10000xf32>
    %mul3A_31 = arith.mulf %mul3A_30, %add3A_28 : vector<10000xf32>
    %swap3A_32 = arith.constant 0 : index
    %swap3A_33 = vector.load %arg9[%swap3A_32] : memref<10000xf32, #tpu.memory_space<vmem>>, vector<10000xf32>
    tpu.vector_store %arg9[%swap3A_32], %mul3A_31 {strides = array<i32>} : memref<10000xf32, #tpu.memory_space<vmem>>, vector<10000xf32>,
    %get3A_34 = arith.constant 0 : index
    %get3A_35 = arith.constant 0 : index
    %get3A_36 = vector.load %arg3[%get3A_34, %get3A_35] : memref<1x128xf32, #tpu.memory_space<vmem>>, vector<1x128xf32>
    %mul3A_37 = vector.broadcast %get3A_36 : vector<1x128xf32> to vector<10000x128xf32>
    %mul3A_38 = arith.mulf %get3A_1, %mul3A_37 : vector<10000x128xf32>
    %reduce_sum3A_39 = arith.constant dense<0.000000e+00> : vector<10000xf32>
    %reduce_sum3A_40 = vector.multi_reduction <add>, %mul3A_38, %reduce_sum3A_39 [1] : vector<10000x128xf32> to vector<10000xf32>
    %mul3A_41 = arith.constant 2.000000e+00 : f32
    %mul3A_42 = vector.broadcast %mul3A_41 : f32 to vector<10000xf32>
    %mul3A_43 = arith.mulf %mul3A_42, %reduce_sum3A_40 : vector<10000xf32>
    %swap3A_44 = arith.constant 0 : index
    %swap3A_45 = vector.load %arg10[%swap3A_44] : memref<10000xf32, #tpu.memory_space<vmem>>, vector<10000xf32>
    tpu.vector_store %arg10[%swap3A_44], %mul3A_43 {strides = array<i32>} : memref<10000xf32, #tpu.memory_space<vmem>>, vector<10000xf32>,
    %get3A_46 = arith.constant 0 : index
    %get3A_47 = arith.constant 0 : index
    %get3A_48 = vector.load %arg5[%get3A_46, %get3A_47] : memref<2500x128xf32, #tpu.memory_space<vmem>>, vector<2500x128xf32>
    %get3A_49 = arith.constant 0 : index
    %get3A_50 = arith.constant 0 : index
    %get3A_51 = vector.load %arg6[%get3A_49, %get3A_50] : memref<1x1xf32, #tpu.memory_space<vmem>>, vector<1x1xf32>
    %get3A_52 = vector.extract %get3A_51[0, 0] : f32 from vector<1x1xf32>
    %mul3A_53 = vector.broadcast %get3A_52 : f32 to vector<2500x128xf32>
    %mul3A_54 = arith.mulf %get3A_48, %mul3A_53 : vector<2500x128xf32>
    %sub3A = arith.constant 1.000000e+00 : f32
    %sub3A_55 = vector.broadcast %sub3A : f32 to vector<2500x128xf32>
    %sub3A_56 = arith.subf %sub3A_55, %get3A_48 : vector<2500x128xf32>
    %get3A_57 = arith.constant 0 : index
    %get3A_58 = arith.constant 0 : index
    %get3A_59 = vector.load %arg7[%get3A_57, %get3A_58] : memref<1x1xf32, #tpu.memory_space<vmem>>, vector<1x1xf32>
    %get3A_60 = vector.extract %get3A_59[0, 0] : f32 from vector<1x1xf32>
    %mul3A_61 = vector.broadcast %get3A_60 : f32 to vector<2500x128xf32>
    %mul3A_62 = arith.mulf %sub3A_56, %mul3A_61 : vector<2500x128xf32>
    %add3A_63 = arith.addf %mul3A_54, %mul3A_62 : vector<2500x128xf32>
    %tanh3A = math.tanh %add3A_63 : vector<2500x128xf32>
    %add3A_64 = arith.constant 1.000000e+00 : f32
    %add3A_65 = vector.broadcast %add3A_64 : f32 to vector<2500x128xf32>
    %add3A_66 = arith.addf %add3A_65, %tanh3A : vector<2500x128xf32>
    %mul3A_67 = arith.constant 5.000000e-01 : f32
    %mul3A_68 = vector.broadcast %mul3A_67 : f32 to vector<2500x128xf32>
    %mul3A_69 = arith.mulf %mul3A_68, %add3A_66 : vector<2500x128xf32>
    %swap3A_70 = arith.constant 0 : index
    %swap3A_71 = arith.constant 0 : index
    %swap3A_72 = vector.load %arg11[%swap3A_70, %swap3A_71] : memref<2500x128xf32, #tpu.memory_space<vmem>>, vector<2500x128xf32>
    tpu.vector_store %arg11[%swap3A_70, %swap3A_71], %mul3A_69 {strides = array<i32>} : memref<2500x128xf32, #tpu.memory_space<vmem>>, vector<2500x128xf32>,
    return
  }
}

</mosaic_0001>

<sc_bundles>
// kernel: kernel.4.cloned.1.call-start
scs
__scs_entry_jumppad:
0x0: {  	(pc) =	sbr.rel $0x88, $3  }
0x1: {  	(tag) =	ssettag $0x0;
	lr =	simm.s32 $0x1  }
0x2: {  	[smem:$0x3F99] =	sst lr;
	_ =	strace $0xD0000000  }
0x3: {  	_ = 	snop  }
0x4: {  	_ = 	snop  }
0x5: {  	_ = 	snop  }
0x6: {  	_ = 	snop  }
0x7: {  	_ = 	snop  }
__scs_overlays_trampoline_lowered:
0x8: {  	[smem:$0x3FA8] =	sst s0  }
0x9: {  	[smem:$0x3FA9] =	sst s1  }
0xa: {  	[smem:$0x3FAA] =	sst s2  }
0xb: {  	[smem:$0x3FAB] =	sst s3  }
0xc: {  	[smem:$0x3FAC] =	sst s4  }
0xd: {  	[smem:$0x3FAD] =	sst s5  }
0xe: {  	[smem:$0x3FAE] =	sst s6  }
0xf: {  	[smem:$0x3FAF] =	sst s7  }
0x10: {  	[smem:$0x3FB0] =	sst s8  }
0x11: {  	[smem:$0x3FB1] =	sst s9;
	s0 =	simm.s32 @!p0 $0x0  }
0x12: {  	s1 =	sld [smem:$0x3F97];
	s0 =	simm.s32 @p0 $0x1  }
0x13: {  	[smem:$0x3FB2] =	sst s0;
	s0 =	simm.s32 @!p1 $0x0  }
0x14: {  	s2 =	sld [smem:$0x3F96];
	s0 =	simm.s32 @p1 $0x1  }
0x15: {  	[smem:$0x3FB3] =	sst s0;
	s0 =	simm.s32 @!p2 $0x0  }
0x16: {  	s3 =	sld [smem:$0x3FDB];
	s0 =	simm.s32 @p2 $0x1  }
0x17: {  	s4 =	simm.s32 $0x1BF5;
	[smem:$0x3FB5] =	sst s0  }
0x18: {  	s0 =	sld [smem:$0x3F98];
	_ =	swait.ge [sflag:s4], $0x0  }
0x19: {  	s7 =	sld [smem:$0x3F99]  }
0x1a: {  	s8 =	sadd.s32 $0xFFFFE003, lr  }
0x1b: {  	s9 =	sadd.s32 $0xFFFFFEF7, lr;
	s5 =	simm.s32 $0xFFFFFFFF;
	p2 =	slt.u32 s8, $0xFFFFF086  }
0x1c: {  	p1 =	slt.u32 s9, $0xF7A;
	s5 =	simm.s32 @!p2 $0x0  }
0x1d: {  	s5 =	simm.s32 @p1 $0x1;
	p0 =	seq.s32 s7, s2  }
0x1e: {  	s7 =	smul.u32 @!p0 $0xF7A, s2;
	p2 =	seq.s32 @!p0 s5, $0x0  }
0x1f: {  	s9 =	smul.u32 $0xF7A, s1;
	s8 =	simm.s32 @!p0 $0x1BF5;
	p2 =	por !p2, p0  }
0x20: {  	[sflag:s8] =	ssyncset.s32 @!p0 $0xFFFFF086;
	s6 =	sadd.s32 @!p0 s3, s7;
	s7 =	simm.s32 @!p0 $0x108  }
0x21: {  	s3 =	sadd.s32 s3, s9;
	s6 =	sadd.s32 @!p0 $0x88, s6;
	s7 =	simm.s32 @p2 $0x1082  }
0x22: {  	[simem:s7], [sflag:s8] =	dma.local @!p0 [hbm:s6], $0xF7A  }
0x23: {  	s9 =	sor.u32 $0xD0000000, s2;
	s6 =	simm.s32 $0x108;
	_ =	swait.ge @!p0 [sflag:s8], $0x0  }
0x24: {  	s3 =	sadd.s32 $0x88, s3;
	s6 =	simm.s32 @!p1 $0x1082;
	[sflag:s4] =	ssyncset.s32 $0xFFFFF086  }
0x25: {  	[simem:s6], [sflag:s4] =	dma.local [hbm:s3], $0xF7A  }
0x26: {  	[smem:$0x3F99] =	sst s1;
	(tag) =	ssettag s2;
	_ =	strace s9  }
0x27: {  	s1 =	sld [smem:$0x3FA9]  }
0x28: {  	s2 =	sld [smem:$0x3FAA]  }
0x29: {  	s4 =	sld [smem:$0x3FAC]  }
0x2a: {  	p0 =	seq.s32 s5, $0x0;
	s5 =	sld [smem:$0x3FAD]  }
0x2b: {  	s6 =	sld [smem:$0x3FAE]  }
0x2c: {  	s7 =	sld [smem:$0x3FAF]  }
0x2d: {  	s3 =	simm.s32 $0x108;
	s8 =	sld [smem:$0x3FB0]  }
0x2e: {  	s3 =	simm.s32 @!p0 $0x1082;
	s9 =	sld [smem:$0x3FB1]  }
0x2f: {  	lr =	sadd.s32 s0, s3;
	s0 =	sld [smem:$0x3FA8]  }
0x30: {  	s3 =	sld [smem:$0x3FAB]  }
0x31: {  	[smem:$0x3FB4] =	sst s10  }
0x32: {  	s10 =	sld [smem:$0x3FB2];
	_ =	sdelay $0x3  }
0x33: {  	p0 =	seq.s32 s10, $0x1;
	s10 =	sld [smem:$0x3FB4];
	_ =	sdelay $0x3  }
0x34: {  	[smem:$0x3FB4] =	sst s10  }
0x35: {  	s10 =	sld [smem:$0x3FB3];
	_ =	sdelay $0x3  }
0x36: {  	p1 =	seq.s32 s10, $0x1;
	s10 =	sld [smem:$0x3FB4];
	_ =	sdelay $0x3  }
0x37: {  	[smem:$0x3FB4] =	sst s10  }
0x38: {  	s10 =	sld [smem:$0x3FB5]  }
0x39: {  	_ = 	snop;
	(pc) =	sbr.ind lr, $3  }
0x3a: {  	_ = 	snop  }
0x3b: {  	_ = 	snop  }
0x3c: {  	p2 =	seq.s32 s10, $0x1;
	s10 =	sld [smem:$0x3FB4]  }
0x3d: {  	_ =	shalt  }
0x3e: {  	_ =	shalt  }
0x3f: {  	_ =	shalt  }
0x40: {  	_ =	shalt  }
0x41: {  	_ =	shalt  }
0x42: {  	_ =	shalt  }
0x43: {  	_ =	shalt  }
0x44: {  	_ =	shalt  }
0x45: {  	_ =	shalt  }
0x46: {  	_ =	shalt  }
0x47: {  	_ =	shalt  }
0x48: {  	_ =	shalt  }
0x49: {  	_ =	shalt  }
0x4a: {  	_ =	shalt  }
0x4b: {  	_ =	shalt  }
0x4c: {  	_ =	shalt  }
0x4d: {  	_ =	shalt  }
0x4e: {  	_ =	shalt  }
0x4f: {  	_ =	shalt  }
0x50: {  	_ =	shalt  }
0x51: {  	_ =	shalt  }
0x52: {  	_ =	shalt  }
0x53: {  	_ =	shalt  }
0x54: {  	_ =	shalt  }
0x55: {  	_ =	shalt  }
0x56: {  	_ =	shalt  }
0x57: {  	_ =	shalt  }
0x58: {  	_ =	shalt  }
0x59: {  	_ =	shalt  }
0x5a: {  	_ =	shalt  }
0x5b: {  	_ =	shalt  }
0x5c: {  	_ =	shalt  }
0x5d: {  	_ =	shalt  }
0x5e: {  	_ =	shalt  }
0x5f: {  	_ =	shalt  }
0x60: {  	_ =	shalt  }
0x61: {  	_ =	shalt  }
0x62: {  	_ =	shalt  }
0x63: {  	_ =	shalt  }
0x64: {  	_ =	shalt  }
0x65: {  	_ =	shalt  }
0x66: {  	_ =	shalt  }
0x67: {  	_ =	shalt  }
0x68: {  	_ =	shalt  }
0x69: {  	_ =	shalt  }
0x6a: {  	_ =	shalt  }
0x6b: {  	_ =	shalt  }
0x6c: {  	_ =	shalt  }
0x6d: {  	_ =	shalt  }
0x6e: {  	_ =	shalt  }
0x6f: {  	_ =	shalt  }
0x70: {  	_ =	shalt  }
0x71: {  	_ =	shalt  }
0x72: {  	_ =	shalt  }
0x73: {  	_ =	shalt  }
0x74: {  	_ =	shalt  }
0x75: {  	_ =	shalt  }
0x76: {  	_ =	shalt  }
0x77: {  	_ =	shalt  }
0x78: {  	_ =	shalt  }
0x79: {  	_ =	shalt  }
0x7a: {  	_ =	shalt  }
0x7b: {  	_ =	shalt  }
0x7c: {  	_ =	shalt  }
0x7d: {  	_ =	shalt  }
0x7e: {  	_ =	shalt  }
0x7f: {  	_ =	shalt  }
0x80: {  	_ =	shalt  }
0x81: {  	_ =	shalt  }
0x82: {  	_ =	shalt  }
0x83: {  	_ =	shalt  }
0x84: {  	_ =	shalt  }
0x85: {  	_ =	shalt  }
0x86: {  	_ =	shalt  }
0x87: {  	_ =	shalt  }
.Lfunc_end0:
.L_simem_size_0:
called_computation_lowered:
.L_overlay_start_0:
0x88: {  	s2 =	sld [smem:$0x3FD9]  }
0x89: {  	s3 =	sld [smem:$0x3FFE];
	_ =	sdelay $0x1  }
0x8a: {  	s1 =	srdreg.scid  }
0x8b: {  	s0 =	sand.u32 $0x1, s1  }
0x8c: {  	s17 =	sshll.u32 s0, $0xA;
	s2 =	sadd.s32 s3, s2  }
0x8d: {  	s2 =	sadd.s32 s2, s17  }
0x8e: {  	[smem:$0x3FC0] =	sst s2  }
0x8f: {  	_ = 	snop  }
0x90: {  	s2 =	sld [smem:$0x3FC6]  }
0x91: {  	s18 =	sld [smem:$0x3FD0];
	(tm) =	ssettm $0x1  }
0x92: {  	s4 =	sld [smem:$0x3FFB];
	_ =	sdelay $0x3  }
0x93: {  	_ =	strace s4  }
0x94: {  	s4 =	sld [smem:$0x3FFC];
	_ =	sdelay $0x3  }
0x95: {  	_ =	strace s4  }
0x96: {  	s4 =	sld [smem:$0x3FFD];
	_ =	sdelay $0x3  }
0x97: {  	_ =	strace s4  }
0x98: {  	_ =	strace $0x8FFFFFFF  }
0x99: {  	s19 =	sld [smem:$0x3FDB];
	_ =	sdelay $0x1  }
0x9a: {  	s5 =	simm.s32 $_scs_section_size  }
0x9b: {  	s6 =	simm.s32 $_size__tile_overlayer_lowered;
	s7 =	simm.s32 $_tile_overlayer_lowered  }
0x9c: {  	s22 =	simm.s32 $0x1BFF;
	s21 =	sshll.u32 s7, $0x1;
	s4 =	sadd.s32 s5, s19  }
0x9d: {  	s8 =	simm.s32 $0x0;
	s20 =	sshll.u32 s6, $0x1;
	s6 =	sadd.s32 s21, s4  }
0x9e: {  	[timem:s8], [sflag:s22] =	dma.local [hbm:s6], s20  }
0x9f: {  	_ =	swait.ge [sflag:s22], s20  }
0xa0: {  	s5 =	ssub.s32 $0x0, s20;
	[sflag:s22] =	ssyncset.done $0x0  }
0xa1: {  	[sflag:s22] =	ssyncadd.s32 s5;
	_ =	sdelay $0x1  }
0xa2: {  	s23 =	simm.s32 $0x1B8B  }
0xa3: {  	_ =	swait.ge [sflag:s23], $0x1  }
0xa4: {  	[sflag:s23] =	ssyncset.done $0x0  }
0xa5: {  	s25 =	simm.s32 $0x1B8E;
	s24 =	sld [smem:$0x3FFE];
	[sflag:s23] =	ssyncadd.s32 $0xFFFFFFFF  }
0xa6: {  	s26 =	simm.s32 $execute0_lowered;
	[smem:$0x3FD2] =	sst s25  }
0xa7: {  	s6 =	sshll.u32 s26, $0x1;
	_ =	strace $0x80000046;
	[dreg:$0x1] =	wrdreg $0xFFFFFFFF  }
0xa8: {  	s28 =	simm.s32 $_size_execute0_lowered;
	s4 =	sadd.s32 s4, s6;
	[dreg:$0x0] =	wrdreg $0x0  }
0xa9: {  	s6 =	sshll.u32 s28, $0x1;
	[dreg:$0x2] =	wrdreg s4  }
0xaa: {  	[dreg:$0x3] =	wrdreg s6  }
0xab: {  	[dreg:$0x4] =	wrdreg $0xC0  }
0xac: {  	_ =	task [dreg:s8], $0x5FFFF  }
0xad: {  	[dreg:$0x1] =	wrdreg $0xFFFFFFFF  }
0xae: {  	[dreg:$0x0] =	wrdreg $0x60  }
0xaf: {  	[dreg:$0x2] =	wrdreg s18  }
0xb0: {  	[dreg:$0x3] =	wrdreg s24  }
0xb1: {  	[dreg:$0x4] =	wrdreg s2  }
0xb2: {  	[dreg:$0x5] =	wrdreg $0x15AE00  }
0xb3: {  	[dreg:$0x6] =	wrdreg $0x9  }
0xb4: {  	_ =	task.clear_ibuf [dreg:s8], $0x7FFFF;
	_ =	strace $0x90000046  }
0xb5: {  	s29 =	simm.s32 $0x9;
	_ =	strace $0x80000048  }
0xb6: {  	_ =	swait.ge [sflag:s29], $0x1  }
0xb7: {  	[sflag:s29] =	ssyncadd.s32 $0xFFFFFFFF  }
0xb8: {  	_ =	strace $0x90000048  }
0xb9: {  	_ =	sfence  }
0xba: {  	s30 =	sld [smem:$0x0];
	_ =	sdelay $0x2  }
0xbb: {  	s31 =	sshll.u32 s1, $0xD;
	s1 =	sshrl.u32 s1, $0x2  }
0xbc: {  	s3 =	sand.u32 $0x4000, s31;
	s1 =	sadd.s32 s1, s30  }
0xbd: {  	s0 =	sor.u32 s3, s0;
	s1 =	sshll.u32 s1, $0x11  }
0xbe: {  	s0 =	sor.u32 s1, s0  }
0xbf: {  	s0 =	sadd.s32 $0x8F2B, s0  }
0xc0: {  	[sflag:s0] =	ssyncadd.remote.s32 $0x1  }
0xc1: {  	_ =	sfence.sel $0xFFFF  }
0xc2: {  	[dreg:$0x0] =	wrdreg $0xFFFFFFFF;
	(pc) =	sbr.abs _section_cstart, $3  }
0xc3: {  	[dreg:$0x1] =	wrdreg $0xFFFFFFFF  }
0xc4: {  	_ =	task.clear_ibuf [dreg:s8], $0x2FFFF;
	_ =	strace $0x9FFFFFFF  }
0xc5: {  	(tm) =	ssettm $0x7FFFFFFF  }
tec
execute0_lowered:
.L_overlay_start_1:
0x0: {  	(tag) =	ssettag $0x1  }
0x1: {  	s0 =	rddreg [dreg:$0x0]  }
0x2: {  	s1 =	rddreg [dreg:$0x1]  }
0x3: {  	s2 =	rddreg [dreg:$0x3];
	s4 =	simm.s32 $0x0  }
0x4: {  	s15 =	stileid.u32;
	s5 =	srdreg.scid;
	s29 =	simm.s32 $0x50  }
0x5: {  	[smem:$0x7FF] =	sst s4;
	s3 =	sadd.s32 $0x59200, s1;
	s19 =	smul.u32 $0x9C4, s15  }
0x6: {  	s6 =	sadd.s32 $0x59800, s1;
	s20 =	smul.u32 $0x9C40, s15;
	s5 =	sand.u32 $0x1, s5  }
0x7: {  	s7 =	sadd.s32 $0xAC00, s1;
	_ =	strace $0x80000047;
	[dreg:$0x5] =	wrdreg s3  }
0x8: {  	s8 =	sadd.s32 $0xE00, s1;
	s10 =	smul.u32 $0x4E20, s15;
	[dreg:$0x6] =	wrdreg s6  }
0x9: {  	s9 =	smul.u32 $0x13880, s5;
	s5 =	ssub.s32 $0x2, s5;
	s11 =	sshrl.u32 s20, $0x3  }
0xa: {  	s12 =	sadd.s32 s19, s1;
	s14 =	sshrl.u32 s5, $0x1;
	s21 =	sshrl.u32 s10, $0x3  }
0xb: {  	s10 =	smul.u32 $0xA, s15;
	s24 =	sadd.s32 s7, s19;
	s3 =	sadd.s32 s8, s19  }
0xc: {  	s28 =	sadd.s32 s20, s2;
	s19 =	simm.s32 $0x6D60;
	s20 =	simm.s32 $0x4  }
0xd: {  	s13 =	sadd.s32 s11, s1;
	s1 =	sadd.s32 s9, s1;
	[dreg:$0x8] =	wrdreg s24  }
0xe: {  	s5 =	ssub.s32 s5, s14;
	s22 =	sadd.s32 $0x4F400, s12;
	[dreg:$0x9] =	wrdreg s3  }
0xf: {  	s23 =	sadd.s32 $0xFA, s21;
	[dreg:$0xc] =	wrdreg s28;
	s17 =	sadd.s32 s0, s9  }
0x10: {  	s21 =	simm.s32 $0x9470;
	s0 =	simm.s32 $0x1;
	[dreg:$0x7] =	wrdreg s22  }
0x11: {  	s25 =	sadd.s32 s7, s23;
	s26 =	sadd.s32 s8, s23;
	s30 =	sadd.s32 $0x14A00, s13  }
0x12: {  	s31 =	sadd.s32 $0x59E00, s1;
	s18 =	smax.u32 s5, $0x1;
	[dreg:$0xa] =	wrdreg s25  }
0x13: {  	s22 =	simm.s32 $0xBB80;
	s1 =	simm.s32 $0x2;
	[dreg:$0xb] =	wrdreg s26  }
0x14: {  	s23 =	simm.s32 $0x0;
	[dreg:$0xd] =	wrdreg s30;
	s24 =	sadd.s32 s11, s31  }
.LBB2_1:
0x15: {  	s3 =	rddreg [dreg:$0x5]  }
0x16: {  	[tilespmem:s19], [sflag:$0x4] =	stream.linear.gather [hbm4b:s3+s4], $0x2710, $0x38;
	[tilespmem:$0x1F720] =	vst v63  }
0x17: {  	_ =	swait.ge [sflag:s20], $0x2710  }
0x18: {  	[sflag:s20] =	ssyncset.done $0x0  }
0x19: {  	s13 =	rddreg [dreg:$0x6];
	[sflag:s20] =	ssyncadd.s32 $0xFFFFD8F0  }
0x1a: {  	[tilespmem:s21], [sflag:$0x4] =	stream.linear.gather [hbm4b:s13+s4], $0x2710, $0x38;
	[tilespmem:$0x1F720] =	vst v63  }
0x1b: {  	_ =	swait.ge [sflag:s20], $0x2710  }
0x1c: {  	[sflag:s20] =	ssyncset.done $0x0  }
0x1d: {  	[sflag:s20] =	ssyncadd.s32 $0xFFFFD8F0  }
0x1e: {  	s14 =	rddreg [dreg:$0x2]  }
0x1f: {  	[tilespmem:s22], [sflag:$0x4] =	stream.linear.gather [hbm4b:s14+s4], $0x2710, $0x38;
	[tilespmem:$0x1F720] =	vst v63  }
0x20: {  	_ =	swait.ge [sflag:s20], $0x2710  }
0x21: {  	[sflag:s20] =	ssyncset.done $0x0  }
0x22: {  	s5 =	simm.s32 $0x1F40;
	s15 =	rddreg [dreg:$0x7];
	[sflag:s20] =	ssyncadd.s32 $0xFFFFD8F0  }
0x23: {  	[tilespmem:s5], [sflag:$0x4] =	stream.linear.gather [hbm4b:s15+s4], $0x4E20, $0x38;
	[tilespmem:$0x1F720] =	vst v63  }
0x24: {  	_ =	swait.ge [sflag:s20], $0x4E20  }
0x25: {  	[sflag:s20] =	ssyncset.done $0x0  }
0x26: {  	s16 =	rddreg [dreg:$0x8];
	[sflag:s20] =	ssyncadd.s32 $0xFFFFB1E0  }
0x27: {  	[tilespmem:s4], [sflag:$0x4] =	stream.linear.gather [hbm4b:s16+s4], $0x7D0, $0x38;
	[tilespmem:$0x1F720] =	vst v63  }
0x28: {  	_ =	swait.ge [sflag:s20], $0x7D0  }
0x29: {  	[sflag:s20] =	ssyncset.done $0x0  }
0x2a: {  	s26 =	simm.s32 $0xFA0;
	s25 =	rddreg [dreg:$0x9];
	[sflag:s20] =	ssyncadd.s32 $0xFFFFF830  }
0x2b: {  	[tilespmem:s26], [sflag:$0x4] =	stream.linear.gather [hbm4b:s25+s4], $0x7D0, $0x38;
	[tilespmem:$0x1F720] =	vst v63  }
0x2c: {  	_ =	swait.ge [sflag:s20], $0x7D0  }
0x2d: {  	s6 =	simm.s32 $0x7D0;
	s11 =	simm.s32 $0x1770;
	s5 =	rddreg [dreg:$0xa]  }
0x2e: {  	s12 =	stileid.u32;
	[sflag:s20] =	ssyncset.done $0x0;
	s9 =	rddreg [dreg:$0xb]  }
0x2f: {  	s3 =	sshll.u32 s12, $0x6;
	s13 =	rddreg [dreg:$0xc];
	[sflag:s20] =	ssyncadd.s32 $0xFFFFF830  }
0x30: {  	[tilespmem:s6], [sflag:$0x3] =	stream.linear.gather [hbm4b:s5+s4], $0x7D0, $0x38;
	[tilespmem:$0x1F720] =	vst v63  }
0x31: {  	s25 =	sor.u32 $0x1C04, s3;
	s14 =	rddreg [dreg:$0xd];
	s26 =	sshrl.u32 s13, $0x3  }
0x32: {  	[tilespmem:s11], [sflag:$0x3] =	stream.linear.gather [hbm4b:s9+s4], $0x7D0, $0x38;
	[tilespmem:$0x1F720] =	vst v63  }
0x33: {  	[spmem:s26], [sflag:s25] =	dma.local [hbm:s14], $0x1388  }
0x34: {  	s28 =	simm.s32 $0x1F60;
	s30 =	simm.s32 $0x0;
	_ =	swait.ge [sflag:s20], $0x1388  }
0x35: {  	s31 =	simm.s32 $0x0;
	s12 =	simm.s32 $0x0;
	[sflag:s20] =	ssyncset.done $0x0  }
0x36: {  	s15 =	simm.s32 $0xE2E0;
	s16 =	simm.s32 $0xF6E0;
	[sflag:s20] =	ssyncadd.s32 $0xFFFFEC78  }
0x37: {  	s3 =	simm.s32 $0x0;
	s5 =	simm.s32 $0x2;
	[bflag:$0x0] =	sbarrier.arrive $0xFFFF  }
0x38: {  	[tilespmem:s15], [sflag:$0x1] =	stream.indirect.gather [hbm4b:s17+s29], $0x40, s4, s29, $0xb8;
	[tilespmem:$0x1F720] =	vst v63  }
0x39: {  	s6 =	simm.s32 $0x0;
	s9 =	simm.s32 $0x2;
	s11 =	simm.s32 $0x0  }
0x3a: {  	[tilespmem:s16], [sflag:$0x1] =	stream.indirect.gather [hbm4b:s17+s29], $0x40, s29, s29, $0xb8;
	[tilespmem:$0x1F720] =	vst v63  }
.LBB2_2:
0x3b: {  	p0 =	sgt.u32 s12, $0xF7  }
0x3c: {  	p1 =	sne.s32 @!p0 s5, $0x0  }
0x3d: {  	p0 =	por p1, p0  }
0x3e: {  	s13 =	simm.s32 @!p0 $0x3  }
0x3f: {  	_ =	swait.ge @!p0 [sflag:s13], $0x7D0  }
0x40: {  	[sflag:s13] =	ssyncset.done @!p0 $0x0  }
0x41: {  	[sflag:s13] =	ssyncadd.s32 @!p0 $0xFFFFF830  }
0x42: {  	_ =	swait.ge @!p0 [sflag:s13], $0x7D0  }
0x43: {  	p1 =	slt.u32 s12, $0x4;
	[sflag:s13] =	ssyncset.done @!p0 $0x0  }
0x44: {  	[sflag:s13] =	ssyncadd.s32 @!p0 $0xFFFFF830;
	p0 =	sgt.u32 @!p1 s12, $0xF7  }
0x45: {  	s13 =	simm.s32 @!p1 $0x2;
	p0 =	por p1, !p0  }
0x46: {  	_ =	swait.ge @!p1 [sflag:s13], $0x1400;
	s14 =	smul.u32 @p0 $0x1F40, s31  }
0x47: {  	[sflag:s13] =	ssyncset.done @!p1 $0x0;
	s15 =	smul.u32 @p0 $0x140, s5  }
0x48: {  	[sflag:s13] =	ssyncadd.s32 @!p1 $0xFFFFEC00;
	s13 =	smul.u32 @p0 $0x5000, s9;
	_ =	sdelay $0x1  }
0x49: {  	s14 =	sshra.s32 @p0 s14, $0x2;
	s15 =	sshra.s32 @p0 s15, $0x2;
	s13 =	sshra.s32 @p0 s13, $0x2  }
0x4a: {  	s14 =	sadd.s32 @p0 s15, s14;
	s15 =	smul.u32 $0x50, s6;
	s13 =	sadd.s32 @p0 $0xE2E0, s13  }
0x4b: {  	[tilespmem:s13], [sflag:$0x1] =	stream.indirect.gather @p0 [hbm4b:s17+s29], $0x40, s14, s29, $0xb8;
	[tilespmem:$0x1F720] =	vst v63  }
0x4c: {  	s14 =	smul.u32 $0x7D0, s3;
	_ =	sdelay $0x1  }
0x4d: {  	s13 =	sadd.s32 s15, s14  }
0x4e: {  	v0 =	vld [tilespmem:s13+$0xFA0]  }
0x4f: {  	v1 =	vld [tilespmem:s13+$0x0];
	_ =	sdelay $0x6  }
0x50: {  	v2 =	vld.idx.msk [tilespmem:v0+s19+$0x0], $0xffff  }
0x51: {  	v1 =	vld.idx.msk [tilespmem:v1+s21+$0x0], $0xffff;
	_ =	sdelay $0x4  }
0x52: {  	v1 =	vadd.f32 v1, v2;
	_ =	sdelay $0x1  }
0x53: {  	v1 =	vmul.f32 $1.442695020e+00, v1;
	_ =	sdelay $0x1  }
0x54: {  	(erf) = vpow2.f32 v1;
	_ =	sdelay $0x8  }
0x55: {  	v1 =	vpop (erf)  }
0x56: {  	v1 =	vadd.f32 $1.000000000e+00, v1;
	_ =	sdelay $0x1  }
0x57: {  	(erf) = vrcp.f32 v1;
	_ =	sdelay $0x4  }
0x58: {  	v32 =	vld [tilespmem:s28+$0xFFFFFFE0];
	_ =	sdelay $0x1  }
0x59: {  	v0 =	vld.idx.msk [tilespmem:v0+s22+$0x0], $0xffff;
	_ =	sdelay $0x1  }
0x5a: {  	v33 =	vpop (erf)  }
0x5b: {  	v1 =	vsub.f32 v32, v33;
	_ =	sdelay $0x1  }
0x5c: {  	v0 =	vmul.f32 v1, v0;
	_ =	sdelay $0x1  }
0x5d: {  	[tilespmem:$0xE290] =	vst v0  }
0x5e: {  	v34 =	vld [tilespmem:s13+$0xFB0]  }
0x5f: {  	v35 =	vld [tilespmem:s13+$0x10];
	_ =	sdelay $0x6  }
0x60: {  	v3 =	vld.idx.msk [tilespmem:v34+s19+$0x0], $0xffff  }
0x61: {  	v2 =	vld.idx.msk [tilespmem:v35+s21+$0x0], $0xffff;
	_ =	sdelay $0x4  }
0x62: {  	v2 =	vadd.f32 v2, v3;
	_ =	sdelay $0x1  }
0x63: {  	v2 =	vmul.f32 $1.442695020e+00, v2;
	_ =	sdelay $0x1  }
0x64: {  	(erf) = vpow2.f32 v2;
	_ =	sdelay $0x8  }
0x65: {  	v2 =	vpop (erf)  }
0x66: {  	v2 =	vadd.f32 $1.000000000e+00, v2;
	_ =	sdelay $0x1  }
0x67: {  	(erf) = vrcp.f32 v2;
	_ =	sdelay $0x4  }
0x68: {  	v36 =	vld [tilespmem:s28+$0xFFFFFFF0];
	_ =	sdelay $0x1  }
0x69: {  	v1 =	vld.idx.msk [tilespmem:v34+s22+$0x0], $0xffff;
	_ =	sdelay $0x1  }
0x6a: {  	v37 =	vpop (erf)  }
0x6b: {  	v2 =	vsub.f32 v36, v37;
	_ =	sdelay $0x1  }
0x6c: {  	v1 =	vmul.f32 v2, v1;
	_ =	sdelay $0x1  }
0x6d: {  	[tilespmem:$0xE2A0] =	vst v1  }
0x6e: {  	v1 =	vld [tilespmem:s13+$0xFC0]  }
0x6f: {  	v38 =	vld [tilespmem:s13+$0x20];
	_ =	sdelay $0x6  }
0x70: {  	v39 =	vld.idx.msk [tilespmem:v1+s19+$0x0], $0xffff  }
0x71: {  	v2 =	vld.idx.msk [tilespmem:v38+s21+$0x0], $0xffff;
	_ =	sdelay $0x4  }
0x72: {  	v2 =	vadd.f32 v2, v39;
	_ =	sdelay $0x1  }
0x73: {  	v2 =	vmul.f32 $1.442695020e+00, v2;
	_ =	sdelay $0x1  }
0x74: {  	(erf) = vpow2.f32 v2;
	_ =	sdelay $0x8  }
0x75: {  	v2 =	vpop (erf)  }
0x76: {  	v2 =	vadd.f32 $1.000000000e+00, v2;
	_ =	sdelay $0x1  }
0x77: {  	(erf) = vrcp.f32 v2;
	_ =	sdelay $0x4  }
0x78: {  	v40 =	vld [tilespmem:s28+$0x0];
	_ =	sdelay $0x1  }
0x79: {  	v1 =	vld.idx.msk [tilespmem:v1+s22+$0x0], $0xffff;
	_ =	sdelay $0x1  }
0x7a: {  	v41 =	vpop (erf)  }
0x7b: {  	v2 =	vsub.f32 v40, v41;
	_ =	sdelay $0x1  }
0x7c: {  	v1 =	vmul.f32 v2, v1;
	_ =	sdelay $0x1  }
0x7d: {  	[tilespmem:$0xE2B0] =	vst v1  }
0x7e: {  	v1 =	vld [tilespmem:s13+$0xFD0]  }
0x7f: {  	v42 =	vld [tilespmem:s13+$0x30];
	_ =	sdelay $0x6  }
0x80: {  	v43 =	vld.idx.msk [tilespmem:v1+s19+$0x0], $0xffff  }
0x81: {  	v2 =	vld.idx.msk [tilespmem:v42+s21+$0x0], $0xffff;
	_ =	sdelay $0x4  }
0x82: {  	v2 =	vadd.f32 v2, v43;
	_ =	sdelay $0x1  }
0x83: {  	v2 =	vmul.f32 $1.442695020e+00, v2;
	_ =	sdelay $0x1  }
0x84: {  	(erf) = vpow2.f32 v2;
	_ =	sdelay $0x8  }
0x85: {  	v2 =	vpop (erf)  }
0x86: {  	v2 =	vadd.f32 $1.000000000e+00, v2;
	_ =	sdelay $0x1  }
0x87: {  	(erf) = vrcp.f32 v2;
	_ =	sdelay $0x4  }
0x88: {  	v44 =	vld [tilespmem:s28+$0x10];
	_ =	sdelay $0x1  }
0x89: {  	v1 =	vld.idx.msk [tilespmem:v1+s22+$0x0], $0xffff;
	_ =	sdelay $0x1  }
0x8a: {  	v45 =	vpop (erf)  }
0x8b: {  	v2 =	vsub.f32 v44, v45;
	_ =	sdelay $0x1  }
0x8c: {  	v1 =	vmul.f32 v2, v1;
	_ =	sdelay $0x1  }
0x8d: {  	[tilespmem:$0xE2C0] =	vst v1  }
0x8e: {  	v1 =	vld [tilespmem:s13+$0xFE0]  }
0x8f: {  	v46 =	vld [tilespmem:s13+$0x40];
	_ =	sdelay $0x6  }
0x90: {  	v47 =	vld.idx.msk [tilespmem:v1+s19+$0x0], $0xffff  }
0x91: {  	v2 =	vld.idx.msk [tilespmem:v46+s21+$0x0], $0xffff;
	_ =	sdelay $0x4  }
0x92: {  	v2 =	vadd.f32 v2, v47;
	_ =	sdelay $0x1  }
0x93: {  	v2 =	vmul.f32 $1.442695020e+00, v2;
	_ =	sdelay $0x1  }
0x94: {  	(erf) = vpow2.f32 v2;
	_ =	sdelay $0x8  }
0x95: {  	v2 =	vpop (erf)  }
0x96: {  	v2 =	vadd.f32 $1.000000000e+00, v2;
	_ =	sdelay $0x1  }
0x97: {  	(erf) = vrcp.f32 v2;
	_ =	sdelay $0x4  }
0x98: {  	v48 =	vld [tilespmem:s28+$0x20];
	_ =	sdelay $0x1  }
0x99: {  	v1 =	vld.idx.msk [tilespmem:v1+s22+$0x0], $0xffff;
	_ =	sdelay $0x1  }
0x9a: {  	v49 =	vpop (erf)  }
0x9b: {  	v2 =	vsub.f32 v48, v49;
	_ =	sdelay $0x1  }
0x9c: {  	v1 =	vmul.f32 v2, v1;
	_ =	sdelay $0x1  }
0x9d: {  	[tilespmem:$0xE2D0] =	vst v1  }
0x9e: {  	s16 =	smul.u32 $0x5000, s11;
	_ =	swait.ge [sflag:s0], $0x1400  }
0x9f: {  	[sflag:s0] =	ssyncset.done $0x0  }
0xa0: {  	s14 =	sshra.s32 s16, $0x2;
	[sflag:s0] =	ssyncadd.s32 $0xFFFFEC00  }
0xa1: {  	v50 =	vld [tilespmem:s14+$0xE2E0]  }
0xa2: {  	v51 =	vld [tilespmem:s14+$0xE2F0]  }
0xa3: {  	v52 =	vld [tilespmem:s14+$0xE300]  }
0xa4: {  	v4 =	vbroadcast v0, $0x0;
	v5 =	vld [tilespmem:s14+$0xE310]  }
0xa5: {  	v6 =	vld [tilespmem:s14+$0xE320]  }
0xa6: {  	v7 =	vld [tilespmem:s14+$0xE330];
	v1 =	vmul.f32 v50, v4  }
0xa7: {  	v8 =	vld [tilespmem:s14+$0xE340];
	v2 =	vmul.f32 v51, v4  }
0xa8: {  	v54 =	vbroadcast v0, $0x1;
	v9 =	vld [tilespmem:s14+$0xE350];
	v53 =	vmul.f32 v52, v4;
	[tilespmem:s14+$0xE2E0] =	vst v1  }
0xa9: {  	v56 =	vld [tilespmem:s14+$0xE360];
	v55 =	vmul.f32 v5, v4;
	[tilespmem:s14+$0xE2F0] =	vst v2  }
0xaa: {  	v58 =	vld [tilespmem:s14+$0xE370];
	v57 =	vmul.f32 v6, v54;
	[tilespmem:s14+$0xE300] =	vst v53  }
0xab: {  	v60 =	vld [tilespmem:s14+$0xE380];
	v59 =	vmul.f32 v7, v54;
	[tilespmem:s14+$0xE310] =	vst v55  }
0xac: {  	v62 =	vbroadcast v0, $0x2;
	v63 =	vld [tilespmem:s14+$0xE390];
	v61 =	vmul.f32 v8, v54;
	[tilespmem:s14+$0xE320] =	vst v57  }
0xad: {  	v12 =	vld [tilespmem:s14+$0xE3A0];
	v11 =	vmul.f32 v9, v54;
	[tilespmem:s14+$0xE330] =	vst v59  }
0xae: {  	v14 =	vld [tilespmem:s14+$0xE3B0];
	v13 =	vmul.f32 v56, v62;
	[tilespmem:s14+$0xE340] =	vst v61  }
0xaf: {  	v16 =	vld [tilespmem:s14+$0xE3C0];
	v15 =	vmul.f32 v58, v62;
	[tilespmem:s14+$0xE350] =	vst v11  }
0xb0: {  	v18 =	vbroadcast v0, $0x3;
	v19 =	vld [tilespmem:s14+$0xE3D0];
	v17 =	vmul.f32 v60, v62;
	[tilespmem:s14+$0xE360] =	vst v13  }
0xb1: {  	v21 =	vld [tilespmem:s14+$0xE3E0];
	v20 =	vmul.f32 v63, v62;
	[tilespmem:s14+$0xE370] =	vst v15  }
0xb2: {  	v23 =	vld [tilespmem:s14+$0xE3F0];
	v22 =	vmul.f32 v12, v18;
	[tilespmem:s14+$0xE380] =	vst v17  }
0xb3: {  	v25 =	vld [tilespmem:s14+$0xE400];
	v24 =	vmul.f32 v14, v18;
	[tilespmem:s14+$0xE390] =	vst v20  }
0xb4: {  	v27 =	vbroadcast v0, $0x4;
	v28 =	vld [tilespmem:s14+$0xE410];
	v26 =	vmul.f32 v16, v18;
	[tilespmem:s14+$0xE3A0] =	vst v22  }
0xb5: {  	v30 =	vld [tilespmem:s14+$0xE420];
	v29 =	vmul.f32 v19, v18;
	[tilespmem:s14+$0xE3B0] =	vst v24  }
0xb6: {  	v32 =	vld [tilespmem:s14+$0xE430];
	v31 =	vmul.f32 v21, v27;
	[tilespmem:s14+$0xE3C0] =	vst v26  }
0xb7: {  	v34 =	vld [tilespmem:s14+$0xE440];
	v33 =	vmul.f32 v23, v27;
	[tilespmem:s14+$0xE3D0] =	vst v29  }
0xb8: {  	v36 =	vbroadcast v0, $0x5;
	v37 =	vld [tilespmem:s14+$0xE450];
	v35 =	vmul.f32 v25, v27;
	[tilespmem:s14+$0xE3E0] =	vst v31  }
0xb9: {  	v39 =	vld [tilespmem:s14+$0xE460];
	v38 =	vmul.f32 v28, v27;
	[tilespmem:s14+$0xE3F0] =	vst v33  }
0xba: {  	v41 =	vld [tilespmem:s14+$0xE470];
	v40 =	vmul.f32 v30, v36;
	[tilespmem:s14+$0xE400] =	vst v35  }
0xbb: {  	v46 =	vld [tilespmem:s14+$0xE490];
	v42 =	vmul.f32 v32, v36;
	[tilespmem:s14+$0xE410] =	vst v38  }
0xbc: {  	v45 =	vbroadcast v0, $0x6;
	v43 =	vld [tilespmem:s14+$0xE480];
	v44 =	vmul.f32 v34, v36;
	[tilespmem:s14+$0xE420] =	vst v40  }
0xbd: {  	v48 =	vld [tilespmem:s14+$0xE4A0];
	v47 =	vmul.f32 v37, v36;
	[tilespmem:s14+$0xE430] =	vst v42  }
0xbe: {  	v49 =	vmul.f32 v39, v45;
	v50 =	vld [tilespmem:s14+$0xE4B0];
	[tilespmem:s14+$0xE440] =	vst v44  }
0xbf: {  	v51 =	vmul.f32 v41, v45;
	v52 =	vld [tilespmem:s14+$0xE4C0];
	[tilespmem:s14+$0xE450] =	vst v47  }
0xc0: {  	v54 =	vbroadcast v0, $0x7;
	v56 =	vmul.f32 v46, v45;
	v12 =	vld [tilespmem:s14+$0xE510];
	[tilespmem:s14+$0xE460] =	vst v49  }
0xc1: {  	v14 =	vld [tilespmem:s14+$0xE520];
	v53 =	vmul.f32 v43, v45;
	[tilespmem:s14+$0xE470] =	vst v51  }
0xc2: {  	v16 =	vld [tilespmem:s14+$0xE530];
	v58 =	vmul.f32 v48, v54;
	[tilespmem:s14+$0xE490] =	vst v56  }
0xc3: {  	v63 =	vbroadcast v0, $0x8;
	v18 =	vld [tilespmem:s14+$0xE540];
	[tilespmem:s14+$0xE480] =	vst v53;
	v60 =	vmul.f32 v50, v54  }
0xc4: {  	v21 =	vld [tilespmem:s14+$0xE550];
	v20 =	vbroadcast v0, $0x9;
	[tilespmem:s14+$0xE4A0] =	vst v58;
	v62 =	vmul.f32 v52, v54  }
0xc5: {  	v23 =	vld [tilespmem:s14+$0xE560];
	v22 =	vmul.f32 v12, v63;
	[tilespmem:s14+$0xE4B0] =	vst v60  }
0xc6: {  	v25 =	vld [tilespmem:s14+$0xE570];
	v24 =	vmul.f32 v14, v20;
	[tilespmem:s14+$0xE4C0] =	vst v62  }
0xc7: {  	v27 =	vld [tilespmem:s14+$0xE580];
	v26 =	vmul.f32 v16, v20;
	[tilespmem:s14+$0xE510] =	vst v22  }
0xc8: {  	v30 =	vld [tilespmem:s14+$0xE590];
	v29 =	vbroadcast v0, $0xA;
	v28 =	vmul.f32 v18, v20;
	[tilespmem:s14+$0xE520] =	vst v24  }
0xc9: {  	v32 =	vld [tilespmem:s14+$0xE5A0];
	v31 =	vmul.f32 v21, v20;
	[tilespmem:s14+$0xE530] =	vst v26  }
0xca: {  	v34 =	vld [tilespmem:s14+$0xE5B0];
	v33 =	vmul.f32 v23, v29;
	[tilespmem:s14+$0xE540] =	vst v28  }
0xcb: {  	v36 =	vld [tilespmem:s14+$0xE5C0];
	v35 =	vmul.f32 v25, v29;
	[tilespmem:s14+$0xE550] =	vst v31  }
0xcc: {  	v39 =	vld [tilespmem:s14+$0xE5D0];
	v38 =	vbroadcast v0, $0xB;
	v37 =	vmul.f32 v27, v29;
	[tilespmem:s14+$0xE560] =	vst v33  }
0xcd: {  	v41 =	vld [tilespmem:s14+$0xE5E0];
	v40 =	vmul.f32 v30, v29;
	[tilespmem:s14+$0xE570] =	vst v35  }
0xce: {  	v55 =	vld [tilespmem:s14+$0xE4D0];
	v42 =	vmul.f32 v32, v38;
	[tilespmem:s14+$0xE580] =	vst v37  }
0xcf: {  	v57 =	vld [tilespmem:s14+$0xE4E0];
	v44 =	vmul.f32 v34, v38;
	[tilespmem:s14+$0xE590] =	vst v40  }
0xd0: {  	v59 =	vld [tilespmem:s14+$0xE4F0];
	v47 =	vbroadcast v0, $0xC;
	v46 =	vmul.f32 v36, v38;
	[tilespmem:s14+$0xE5A0] =	vst v42  }
0xd1: {  	v61 =	vld [tilespmem:s14+$0xE500];
	v49 =	vmul.f32 v39, v38;
	[tilespmem:s14+$0xE5B0] =	vst v44  }
0xd2: {  	v43 =	vld [tilespmem:s14+$0xE5F0];
	v51 =	vmul.f32 v41, v47;
	[tilespmem:s14+$0xE5C0] =	vst v46  }
0xd3: {  	v45 =	vld [tilespmem:s14+$0xE600];
	v13 =	vmul.f32 v55, v54;
	[tilespmem:s14+$0xE5D0] =	vst v49  }
0xd4: {  	v48 =	vld [tilespmem:s14+$0xE610];
	v15 =	vmul.f32 v57, v63;
	[tilespmem:s14+$0xE5E0] =	vst v51  }
0xd5: {  	v50 =	vld [tilespmem:s14+$0xE620];
	v17 =	vmul.f32 v59, v63;
	[tilespmem:s14+$0xE4D0] =	vst v13  }
0xd6: {  	v52 =	vld [tilespmem:s14+$0xE630];
	v19 =	vmul.f32 v61, v63;
	[tilespmem:s14+$0xE4E0] =	vst v15  }
0xd7: {  	v14 =	vld [tilespmem:s14+$0xE690];
	v53 =	vmul.f32 v43, v47;
	[tilespmem:s14+$0xE4F0] =	vst v17  }
0xd8: {  	v56 =	vbroadcast v0, $0xD;
	v16 =	vld [tilespmem:s14+$0xE6A0];
	v55 =	vmul.f32 v45, v47;
	[tilespmem:s14+$0xE500] =	vst v19  }
0xd9: {  	v18 =	vld [tilespmem:s14+$0xE6B0];
	v58 =	vmul.f32 v48, v47;
	[tilespmem:s14+$0xE5F0] =	vst v53  }
0xda: {  	v20 =	vld [tilespmem:s14+$0xE6C0];
	[tilespmem:s14+$0xE600] =	vst v55;
	v13 =	vbroadcast v0, $0xE;
	v60 =	vmul.f32 v50, v56  }
0xdb: {  	v54 =	vld [tilespmem:s14+$0xE640];
	[tilespmem:s14+$0xE610] =	vst v58;
	v0 =	vbroadcast v0, $0xF;
	v62 =	vmul.f32 v52, v56  }
0xdc: {  	v57 =	vld [tilespmem:s14+$0xE650];
	v23 =	vmul.f32 v14, v13;
	[tilespmem:s14+$0xE620] =	vst v60  }
0xdd: {  	v59 =	vld [tilespmem:s14+$0xE660];
	v24 =	vmul.f32 v16, v0;
	[tilespmem:s14+$0xE630] =	vst v62  }
0xde: {  	v61 =	vld [tilespmem:s14+$0xE670];
	v25 =	vmul.f32 v18, v0;
	[tilespmem:s14+$0xE690] =	vst v23  }
0xdf: {  	v63 =	vld [tilespmem:s14+$0xE680];
	v26 =	vmul.f32 v20, v0;
	[tilespmem:s14+$0xE6A0] =	vst v24  }
0xe0: {  	v22 =	vld [tilespmem:s14+$0xE6D0];
	v12 =	vmul.f32 v54, v56;
	[tilespmem:s14+$0xE6B0] =	vst v25  }
0xe1: {  	v15 =	vmul.f32 v57, v56;
	[tilespmem:s14+$0xE6C0] =	vst v26  }
0xe2: {  	v17 =	vmul.f32 v59, v13;
	[tilespmem:s14+$0xE640] =	vst v12  }
0xe3: {  	v19 =	vmul.f32 v61, v13;
	[tilespmem:s14+$0xE650] =	vst v15  }
0xe4: {  	v21 =	vmul.f32 v63, v13;
	[tilespmem:s14+$0xE660] =	vst v17  }
0xe5: {  	v0 =	vmul.f32 v22, v0;
	[tilespmem:s14+$0xE670] =	vst v19  }
0xe6: {  	[tilespmem:s14+$0xE680] =	vst v21  }
0xe7: {  	[tilespmem:s14+$0xE6D0] =	vst v0  }
0xe8: {  	v0 =	vld [tilespmem:$0xE2A0];
	_ =	sdelay $0x1  }
0xe9: {  	v27 =	vld [tilespmem:s14+$0xE6E0]  }
0xea: {  	v28 =	vld [tilespmem:s14+$0xE6F0]  }
0xeb: {  	v29 =	vld [tilespmem:s14+$0xE700]  }
0xec: {  	v31 =	vld [tilespmem:s14+$0xE710];
	v30 =	vbroadcast v0, $0x0  }
0xed: {  	v32 =	vld [tilespmem:s14+$0xE720]  }
0xee: {  	v33 =	vld [tilespmem:s14+$0xE730];
	v1 =	vmul.f32 v30, v27  }
0xef: {  	v34 =	vld [tilespmem:s14+$0xE740];
	v2 =	vmul.f32 v28, v30  }
0xf0: {  	v37 =	vld [tilespmem:s14+$0xE750];
	v36 =	vbroadcast v0, $0x1;
	v35 =	vmul.f32 v29, v30;
	[tilespmem:s14+$0xE6E0] =	vst v1  }
0xf1: {  	v39 =	vld [tilespmem:s14+$0xE760];
	v38 =	vmul.f32 v31, v30;
	[tilespmem:s14+$0xE6F0] =	vst v2  }
0xf2: {  	v40 =	vmul.f32 v32, v36;
	[tilespmem:s14+$0xE700] =	vst v35  }
0xf3: {  	v41 =	vmul.f32 v33, v36;
	[tilespmem:s14+$0xE710] =	vst v38  }
0xf4: {  	v43 =	vbroadcast v0, $0x2;
	v42 =	vmul.f32 v34, v36;
	[tilespmem:s14+$0xE720] =	vst v40  }
0xf5: {  	v44 =	vmul.f32 v37, v36;
	[tilespmem:s14+$0xE730] =	vst v41  }
0xf6: {  	v45 =	vmul.f32 v39, v43;
	[tilespmem:s14+$0xE740] =	vst v42  }
0xf7: {  	[tilespmem:s14+$0xE750] =	vst v44  }
0xf8: {  	[tilespmem:s14+$0xE760] =	vst v45  }
0xf9: {  	v1 =	vld [tilespmem:s14+$0xE770]  }
0xfa: {  	v46 =	vld [tilespmem:s14+$0xE780]  }
0xfb: {  	v47 =	vld [tilespmem:s14+$0xE790]  }
0xfc: {  	v48 =	vld [tilespmem:s14+$0xE7A0]  }
0xfd: {  	v49 =	vld [tilespmem:s14+$0xE7B0]  }
0xfe: {  	v50 =	vld [tilespmem:s14+$0xE7C0];
	v1 =	vmul.f32 v1, v43  }
0xff: {  	v51 =	vbroadcast v0, $0x3;
	v52 =	vld [tilespmem:s14+$0xE7D0];
	v2 =	vmul.f32 v46, v43  }
0x100: {  	v54 =	vld [tilespmem:s14+$0xE7E0];
	v53 =	vmul.f32 v47, v43;
	[tilespmem:s14+$0xE770] =	vst v1  }
0x101: {  	v56 =	vld [tilespmem:s14+$0xE7F0];
	v55 =	vmul.f32 v48, v51;
	[tilespmem:s14+$0xE780] =	vst v2  }
0x102: {  	v58 =	vld [tilespmem:s14+$0xE800];
	v57 =	vmul.f32 v49, v51;
	[tilespmem:s14+$0xE790] =	vst v53  }
0x103: {  	v60 =	vbroadcast v0, $0x4;
	v61 =	vld [tilespmem:s14+$0xE810];
	v59 =	vmul.f32 v50, v51;
	[tilespmem:s14+$0xE7A0] =	vst v55  }
0x104: {  	v63 =	vld [tilespmem:s14+$0xE820];
	v62 =	vmul.f32 v52, v51;
	[tilespmem:s14+$0xE7B0] =	vst v57  }
0x105: {  	v13 =	vld [tilespmem:s14+$0xE830];
	v12 =	vmul.f32 v54, v60;
	[tilespmem:s14+$0xE7C0] =	vst v59  }
0x106: {  	v15 =	vld [tilespmem:s14+$0xE840];
	v14 =	vmul.f32 v56, v60;
	[tilespmem:s14+$0xE7D0] =	vst v62  }
0x107: {  	v17 =	vbroadcast v0, $0x5;
	v18 =	vld [tilespmem:s14+$0xE850];
	v16 =	vmul.f32 v58, v60;
	[tilespmem:s14+$0xE7E0] =	vst v12  }
0x108: {  	v20 =	vld [tilespmem:s14+$0xE860];
	v19 =	vmul.f32 v61, v60;
	[tilespmem:s14+$0xE7F0] =	vst v14  }
0x109: {  	v22 =	vld [tilespmem:s14+$0xE870];
	v21 =	vmul.f32 v63, v17;
	[tilespmem:s14+$0xE800] =	vst v16  }
0x10a: {  	v24 =	vld [tilespmem:s14+$0xE880];
	v23 =	vmul.f32 v13, v17;
	[tilespmem:s14+$0xE810] =	vst v19  }
0x10b: {  	v26 =	vbroadcast v0, $0x6;
	v27 =	vld [tilespmem:s14+$0xE890];
	v25 =	vmul.f32 v15, v17;
	[tilespmem:s14+$0xE820] =	vst v21  }
0x10c: {  	v29 =	vld [tilespmem:s14+$0xE8A0];
	v28 =	vmul.f32 v18, v17;
	[tilespmem:s14+$0xE830] =	vst v23  }
0x10d: {  	v31 =	vld [tilespmem:s14+$0xE8B0];
	v30 =	vmul.f32 v20, v26;
	[tilespmem:s14+$0xE840] =	vst v25  }
0x10e: {  	v33 =	vld [tilespmem:s14+$0xE8C0];
	v32 =	vmul.f32 v22, v26;
	[tilespmem:s14+$0xE850] =	vst v28  }
0x10f: {  	v35 =	vbroadcast v0, $0x7;
	v36 =	vld [tilespmem:s14+$0xE8D0];
	v34 =	vmul.f32 v24, v26;
	[tilespmem:s14+$0xE860] =	vst v30  }
0x110: {  	v38 =	vld [tilespmem:s14+$0xE8E0];
	v37 =	vmul.f32 v27, v26;
	[tilespmem:s14+$0xE870] =	vst v32  }
0x111: {  	v40 =	vld [tilespmem:s14+$0xE8F0];
	v39 =	vmul.f32 v29, v35;
	[tilespmem:s14+$0xE880] =	vst v34  }
0x112: {  	v42 =	vld [tilespmem:s14+$0xE900];
	v41 =	vmul.f32 v31, v35;
	[tilespmem:s14+$0xE890] =	vst v37  }
0x113: {  	v44 =	vbroadcast v0, $0x8;
	v45 =	vld [tilespmem:s14+$0xE910];
	v43 =	vmul.f32 v33, v35;
	[tilespmem:s14+$0xE8A0] =	vst v39  }
0x114: {  	v46 =	vmul.f32 v36, v35;
	v47 =	vld [tilespmem:s14+$0xE920];
	[tilespmem:s14+$0xE8B0] =	vst v41  }
0x115: {  	v48 =	vmul.f32 v38, v44;
	v49 =	vld [tilespmem:s14+$0xE930];
	[tilespmem:s14+$0xE8C0] =	vst v43  }
0x116: {  	v50 =	vmul.f32 v40, v44;
	v51 =	vld [tilespmem:s14+$0xE940];
	[tilespmem:s14+$0xE8D0] =	vst v46  }
0x117: {  	v52 =	vmul.f32 v42, v44;
	v54 =	vld [tilespmem:s14+$0xE950];
	[tilespmem:s14+$0xE8E0] =	vst v48;
	v53 =	vbroadcast v0, $0x9  }
0x118: {  	v56 =	vld [tilespmem:s14+$0xE960];
	[tilespmem:s14+$0xE8F0] =	vst v50;
	v55 =	vmul.f32 v45, v44  }
0x119: {  	v58 =	vld [tilespmem:s14+$0xE970];
	[tilespmem:s14+$0xE900] =	vst v52;
	v57 =	vmul.f32 v47, v53  }
0x11a: {  	v60 =	vld [tilespmem:s14+$0xE980];
	[tilespmem:s14+$0xE910] =	vst v55;
	v59 =	vmul.f32 v49, v53  }
0x11b: {  	v63 =	vld [tilespmem:s14+$0xE990];
	v62 =	vbroadcast v0, $0xA;
	v61 =	vmul.f32 v51, v53;
	[tilespmem:s14+$0xE920] =	vst v57  }
0x11c: {  	v13 =	vld [tilespmem:s14+$0xE9A0];
	v12 =	vmul.f32 v54, v53;
	[tilespmem:s14+$0xE930] =	vst v59  }
0x11d: {  	v15 =	vld [tilespmem:s14+$0xE9B0];
	v14 =	vmul.f32 v56, v62;
	[tilespmem:s14+$0xE940] =	vst v61  }
0x11e: {  	v17 =	vld [tilespmem:s14+$0xE9C0];
	v16 =	vmul.f32 v58, v62;
	[tilespmem:s14+$0xE950] =	vst v12  }
0x11f: {  	v20 =	vld [tilespmem:s14+$0xE9D0];
	v19 =	vbroadcast v0, $0xB;
	v18 =	vmul.f32 v60, v62;
	[tilespmem:s14+$0xE960] =	vst v14  }
0x120: {  	v22 =	vld [tilespmem:s14+$0xE9E0];
	v21 =	vmul.f32 v63, v62;
	[tilespmem:s14+$0xE970] =	vst v16  }
0x121: {  	v24 =	vld [tilespmem:s14+$0xE9F0];
	v23 =	vmul.f32 v13, v19;
	[tilespmem:s14+$0xE980] =	vst v18  }
0x122: {  	v26 =	vld [tilespmem:s14+$0xEA00];
	v25 =	vmul.f32 v15, v19;
	[tilespmem:s14+$0xE990] =	vst v21  }
0x123: {  	v29 =	vld [tilespmem:s14+$0xEA10];
	v28 =	vbroadcast v0, $0xC;
	v27 =	vmul.f32 v17, v19;
	[tilespmem:s14+$0xE9A0] =	vst v23  }
0x124: {  	v31 =	vld [tilespmem:s14+$0xEA20];
	v30 =	vmul.f32 v20, v19;
	[tilespmem:s14+$0xE9B0] =	vst v25  }
0x125: {  	v33 =	vld [tilespmem:s14+$0xEA30];
	v32 =	vmul.f32 v22, v28;
	[tilespmem:s14+$0xE9C0] =	vst v27  }
0x126: {  	v35 =	vld [tilespmem:s14+$0xEA40];
	v34 =	vmul.f32 v24, v28;
	[tilespmem:s14+$0xE9D0] =	vst v30  }
0x127: {  	v38 =	vld [tilespmem:s14+$0xEA50];
	v37 =	vbroadcast v0, $0xD;
	v36 =	vmul.f32 v26, v28;
	[tilespmem:s14+$0xE9E0] =	vst v32  }
0x128: {  	v40 =	vld [tilespmem:s14+$0xEA60];
	v39 =	vmul.f32 v29, v28;
	[tilespmem:s14+$0xE9F0] =	vst v34  }
0x129: {  	v42 =	vld [tilespmem:s14+$0xEA70];
	v41 =	vmul.f32 v31, v37;
	[tilespmem:s14+$0xEA00] =	vst v36  }
0x12a: {  	v44 =	vld [tilespmem:s14+$0xEA80];
	v43 =	vmul.f32 v33, v37;
	[tilespmem:s14+$0xEA10] =	vst v39  }
0x12b: {  	v46 =	vbroadcast v0, $0xE;
	v45 =	vmul.f32 v35, v37;
	v47 =	vld [tilespmem:s14+$0xEA90];
	[tilespmem:s14+$0xEA20] =	vst v41  }
0x12c: {  	v48 =	vmul.f32 v38, v37;
	v49 =	vld [tilespmem:s14+$0xEAA0];
	[tilespmem:s14+$0xEA30] =	vst v43  }
0x12d: {  	v50 =	vmul.f32 v40, v46;
	v51 =	vld [tilespmem:s14+$0xEAB0];
	[tilespmem:s14+$0xEA40] =	vst v45  }
0x12e: {  	v52 =	vmul.f32 v42, v46;
	v53 =	vld [tilespmem:s14+$0xEAC0];
	[tilespmem:s14+$0xEA50] =	vst v48  }
0x12f: {  	v0 =	vbroadcast v0, $0xF;
	v55 =	vld [tilespmem:s14+$0xEAD0];
	[tilespmem:s14+$0xEA60] =	vst v50;
	v54 =	vmul.f32 v44, v46  }
0x130: {  	[tilespmem:s14+$0xEA70] =	vst v52;
	v56 =	vmul.f32 v47, v46  }
0x131: {  	[tilespmem:s14+$0xEA80] =	vst v54;
	v57 =	vmul.f32 v49, v0  }
0x132: {  	v58 =	vmul.f32 v51, v0;
	[tilespmem:s14+$0xEA90] =	vst v56  }
0x133: {  	v59 =	vmul.f32 v53, v0;
	[tilespmem:s14+$0xEAA0] =	vst v57  }
0x134: {  	v0 =	vmul.f32 v55, v0;
	[tilespmem:s14+$0xEAB0] =	vst v58  }
0x135: {  	[tilespmem:s14+$0xEAC0] =	vst v59  }
0x136: {  	[tilespmem:s14+$0xEAD0] =	vst v0  }
0x137: {  	v0 =	vld [tilespmem:$0xE2B0];
	_ =	sdelay $0x1  }
0x138: {  	v60 =	vld [tilespmem:s14+$0xEAE0]  }
0x139: {  	v61 =	vld [tilespmem:s14+$0xEAF0]  }
0x13a: {  	v62 =	vld [tilespmem:s14+$0xEB00]  }
0x13b: {  	v12 =	vld [tilespmem:s14+$0xEB10];
	v63 =	vbroadcast v0, $0x0  }
0x13c: {  	v13 =	vld [tilespmem:s14+$0xEB20]  }
0x13d: {  	v14 =	vld [tilespmem:s14+$0xEB30];
	v1 =	vmul.f32 v63, v60  }
0x13e: {  	v15 =	vld [tilespmem:s14+$0xEB40];
	v2 =	vmul.f32 v61, v63  }
0x13f: {  	v18 =	vld [tilespmem:s14+$0xEB50];
	v17 =	vbroadcast v0, $0x1;
	v16 =	vmul.f32 v62, v63;
	[tilespmem:s14+$0xEAE0] =	vst v1  }
0x140: {  	v20 =	vld [tilespmem:s14+$0xEB60];
	v19 =	vmul.f32 v12, v63;
	[tilespmem:s14+$0xEAF0] =	vst v2  }
0x141: {  	v22 =	vld [tilespmem:s14+$0xEB70];
	v21 =	vmul.f32 v13, v17;
	[tilespmem:s14+$0xEB00] =	vst v16  }
0x142: {  	v24 =	vld [tilespmem:s14+$0xEB80];
	v23 =	vmul.f32 v14, v17;
	[tilespmem:s14+$0xEB10] =	vst v19  }
0x143: {  	v27 =	vld [tilespmem:s14+$0xEB90];
	v26 =	vbroadcast v0, $0x2;
	v25 =	vmul.f32 v15, v17;
	[tilespmem:s14+$0xEB20] =	vst v21  }
0x144: {  	v29 =	vld [tilespmem:s14+$0xEBA0];
	v28 =	vmul.f32 v18, v17;
	[tilespmem:s14+$0xEB30] =	vst v23  }
0x145: {  	v31 =	vld [tilespmem:s14+$0xEBB0];
	v30 =	vmul.f32 v20, v26;
	[tilespmem:s14+$0xEB40] =	vst v25  }
0x146: {  	v33 =	vld [tilespmem:s14+$0xEBC0];
	v32 =	vmul.f32 v22, v26;
	[tilespmem:s14+$0xEB50] =	vst v28  }
0x147: {  	v36 =	vld [tilespmem:s14+$0xEBD0];
	v35 =	vbroadcast v0, $0x3;
	v34 =	vmul.f32 v24, v26;
	[tilespmem:s14+$0xEB60] =	vst v30  }
0x148: {  	v38 =	vld [tilespmem:s14+$0xEBE0];
	v37 =	vmul.f32 v27, v26;
	[tilespmem:s14+$0xEB70] =	vst v32  }
0x149: {  	v40 =	vld [tilespmem:s14+$0xEBF0];
	v39 =	vmul.f32 v29, v35;
	[tilespmem:s14+$0xEB80] =	vst v34  }
0x14a: {  	v42 =	vld [tilespmem:s14+$0xEC00];
	v41 =	vmul.f32 v31, v35;
	[tilespmem:s14+$0xEB90] =	vst v37  }
0x14b: {  	v45 =	vld [tilespmem:s14+$0xEC10];
	v44 =	vbroadcast v0, $0x4;
	v43 =	vmul.f32 v33, v35;
	[tilespmem:s14+$0xEBA0] =	vst v39  }
0x14c: {  	v47 =	vld [tilespmem:s14+$0xEC20];
	v46 =	vmul.f32 v36, v35;
	[tilespmem:s14+$0xEBB0] =	vst v41  }
0x14d: {  	v49 =	vld [tilespmem:s14+$0xEC30];
	v48 =	vmul.f32 v38, v44;
	[tilespmem:s14+$0xEBC0] =	vst v43  }
0x14e: {  	v51 =	vld [tilespmem:s14+$0xEC40];
	v50 =	vmul.f32 v40, v44;
	[tilespmem:s14+$0xEBD0] =	vst v46  }
0x14f: {  	v54 =	vld [tilespmem:s14+$0xEC50];
	v53 =	vbroadcast v0, $0x5;
	v52 =	vmul.f32 v42, v44;
	[tilespmem:s14+$0xEBE0] =	vst v48  }
0x150: {  	v56 =	vld [tilespmem:s14+$0xEC60];
	v55 =	vmul.f32 v45, v44;
	[tilespmem:s14+$0xEBF0] =	vst v50  }
0x151: {  	v58 =	vld [tilespmem:s14+$0xEC70];
	v57 =	vmul.f32 v47, v53;
	[tilespmem:s14+$0xEC00] =	vst v52  }
0x152: {  	v59 =	vmul.f32 v49, v53;
	v60 =	vld [tilespmem:s14+$0xEC80];
	[tilespmem:s14+$0xEC10] =	vst v55  }
0x153: {  	v61 =	vmul.f32 v51, v53;
	v62 =	vbroadcast v0, $0x6;
	v63 =	vld [tilespmem:s14+$0xEC90];
	[tilespmem:s14+$0xEC20] =	vst v57  }
0x154: {  	v12 =	vmul.f32 v54, v53;
	v13 =	vld [tilespmem:s14+$0xECA0];
	[tilespmem:s14+$0xEC30] =	vst v59  }
0x155: {  	v15 =	vld [tilespmem:s14+$0xECB0];
	[tilespmem:s14+$0xEC40] =	vst v61;
	v14 =	vmul.f32 v56, v62  }
0x156: {  	v17 =	vld [tilespmem:s14+$0xECC0];
	[tilespmem:s14+$0xEC50] =	vst v12;
	v16 =	vmul.f32 v58, v62  }
0x157: {  	v20 =	vld [tilespmem:s14+$0xECD0];
	v19 =	vbroadcast v0, $0x7;
	[tilespmem:s14+$0xEC60] =	vst v14;
	v18 =	vmul.f32 v60, v62  }
0x158: {  	v22 =	vld [tilespmem:s14+$0xECE0];
	[tilespmem:s14+$0xEC70] =	vst v16;
	v21 =	vmul.f32 v63, v62  }
0x159: {  	v24 =	vld [tilespmem:s14+$0xECF0];
	v23 =	vmul.f32 v13, v19;
	[tilespmem:s14+$0xEC80] =	vst v18  }
0x15a: {  	v26 =	vld [tilespmem:s14+$0xED00];
	v25 =	vmul.f32 v15, v19;
	[tilespmem:s14+$0xEC90] =	vst v21  }
0x15b: {  	v29 =	vld [tilespmem:s14+$0xED10];
	v28 =	vbroadcast v0, $0x8;
	v27 =	vmul.f32 v17, v19;
	[tilespmem:s14+$0xECA0] =	vst v23  }
0x15c: {  	v31 =	vld [tilespmem:s14+$0xED20];
	v30 =	vmul.f32 v20, v19;
	[tilespmem:s14+$0xECB0] =	vst v25  }
0x15d: {  	v33 =	vld [tilespmem:s14+$0xED30];
	v32 =	vmul.f32 v22, v28;
	[tilespmem:s14+$0xECC0] =	vst v27  }
0x15e: {  	v35 =	vld [tilespmem:s14+$0xED40];
	v34 =	vmul.f32 v24, v28;
	[tilespmem:s14+$0xECD0] =	vst v30  }
0x15f: {  	v38 =	vld [tilespmem:s14+$0xED50];
	v37 =	vbroadcast v0, $0x9;
	v36 =	vmul.f32 v26, v28;
	[tilespmem:s14+$0xECE0] =	vst v32  }
0x160: {  	v40 =	vld [tilespmem:s14+$0xED60];
	v39 =	vmul.f32 v29, v28;
	[tilespmem:s14+$0xECF0] =	vst v34  }
0x161: {  	v42 =	vld [tilespmem:s14+$0xED70];
	v41 =	vmul.f32 v31, v37;
	[tilespmem:s14+$0xED00] =	vst v36  }
0x162: {  	v44 =	vld [tilespmem:s14+$0xED80];
	v43 =	vmul.f32 v33, v37;
	[tilespmem:s14+$0xED10] =	vst v39  }
0x163: {  	v47 =	vld [tilespmem:s14+$0xED90];
	v46 =	vbroadcast v0, $0xA;
	v45 =	vmul.f32 v35, v37;
	[tilespmem:s14+$0xED20] =	vst v41  }
0x164: {  	v49 =	vld [tilespmem:s14+$0xEDA0];
	v48 =	vmul.f32 v38, v37;
	[tilespmem:s14+$0xED30] =	vst v43  }
0x165: {  	v51 =	vld [tilespmem:s14+$0xEDB0];
	v50 =	vmul.f32 v40, v46;
	[tilespmem:s14+$0xED40] =	vst v45  }
0x166: {  	v53 =	vld [tilespmem:s14+$0xEDC0];
	v52 =	vmul.f32 v42, v46;
	[tilespmem:s14+$0xED50] =	vst v48  }
0x167: {  	v55 =	vbroadcast v0, $0xB;
	v56 =	vld [tilespmem:s14+$0xEDD0];
	v54 =	vmul.f32 v44, v46;
	[tilespmem:s14+$0xED60] =	vst v50  }
0x168: {  	v58 =	vld [tilespmem:s14+$0xEDE0];
	v57 =	vmul.f32 v47, v46;
	[tilespmem:s14+$0xED70] =	vst v52  }
0x169: {  	v59 =	vmul.f32 v49, v55;
	v60 =	vld [tilespmem:s14+$0xEDF0];
	[tilespmem:s14+$0xED80] =	vst v54  }
0x16a: {  	v61 =	vmul.f32 v51, v55;
	v62 =	vld [tilespmem:s14+$0xEE00];
	[tilespmem:s14+$0xED90] =	vst v57  }
0x16b: {  	v12 =	vbroadcast v0, $0xC;
	v63 =	vmul.f32 v53, v55;
	v13 =	vld [tilespmem:s14+$0xEE10];
	[tilespmem:s14+$0xEDA0] =	vst v59  }
0x16c: {  	v15 =	vld [tilespmem:s14+$0xEE20];
	[tilespmem:s14+$0xEDB0] =	vst v61;
	v14 =	vmul.f32 v56, v55  }
0x16d: {  	v17 =	vld [tilespmem:s14+$0xEE30];
	[tilespmem:s14+$0xEDC0] =	vst v63;
	v16 =	vmul.f32 v58, v12  }
0x16e: {  	v19 =	vld [tilespmem:s14+$0xEE40];
	[tilespmem:s14+$0xEDD0] =	vst v14;
	v18 =	vmul.f32 v60, v12  }
0x16f: {  	v22 =	vld [tilespmem:s14+$0xEE50];
	v21 =	vbroadcast v0, $0xD;
	[tilespmem:s14+$0xEDE0] =	vst v16;
	v20 =	vmul.f32 v62, v12  }
0x170: {  	v24 =	vld [tilespmem:s14+$0xEE60];
	v23 =	vmul.f32 v13, v12;
	[tilespmem:s14+$0xEDF0] =	vst v18  }
0x171: {  	v26 =	vld [tilespmem:s14+$0xEE70];
	v25 =	vmul.f32 v15, v21;
	[tilespmem:s14+$0xEE00] =	vst v20  }
0x172: {  	v28 =	vld [tilespmem:s14+$0xEE80];
	v27 =	vmul.f32 v17, v21;
	[tilespmem:s14+$0xEE10] =	vst v23  }
0x173: {  	v31 =	vld [tilespmem:s14+$0xEE90];
	v30 =	vbroadcast v0, $0xE;
	v29 =	vmul.f32 v19, v21;
	[tilespmem:s14+$0xEE20] =	vst v25  }
0x174: {  	v33 =	vld [tilespmem:s14+$0xEEA0];
	v32 =	vmul.f32 v22, v21;
	[tilespmem:s14+$0xEE30] =	vst v27  }
0x175: {  	v35 =	vld [tilespmem:s14+$0xEEB0];
	v34 =	vmul.f32 v24, v30;
	[tilespmem:s14+$0xEE40] =	vst v29  }
0x176: {  	v37 =	vld [tilespmem:s14+$0xEEC0];
	v36 =	vmul.f32 v26, v30;
	[tilespmem:s14+$0xEE50] =	vst v32  }
0x177: {  	v0 =	vbroadcast v0, $0xF;
	v39 =	vld [tilespmem:s14+$0xEED0];
	v38 =	vmul.f32 v28, v30;
	[tilespmem:s14+$0xEE60] =	vst v34  }
0x178: {  	v40 =	vmul.f32 v31, v30;
	[tilespmem:s14+$0xEE70] =	vst v36  }
0x179: {  	v41 =	vmul.f32 v33, v0;
	[tilespmem:s14+$0xEE80] =	vst v38  }
0x17a: {  	v42 =	vmul.f32 v35, v0;
	[tilespmem:s14+$0xEE90] =	vst v40  }
0x17b: {  	v43 =	vmul.f32 v37, v0;
	[tilespmem:s14+$0xEEA0] =	vst v41  }
0x17c: {  	[tilespmem:s14+$0xEEB0] =	vst v42;
	v0 =	vmul.f32 v39, v0  }
0x17d: {  	[tilespmem:s14+$0xEEC0] =	vst v43  }
0x17e: {  	[tilespmem:s14+$0xEED0] =	vst v0  }
0x17f: {  	v0 =	vld [tilespmem:$0xE2C0];
	_ =	sdelay $0x1  }
0x180: {  	v44 =	vld [tilespmem:s14+$0xEEE0]  }
0x181: {  	v45 =	vld [tilespmem:s14+$0xEEF0]  }
0x182: {  	v46 =	vld [tilespmem:s14+$0xEF00]  }
0x183: {  	v48 =	vld [tilespmem:s14+$0xEF10];
	v47 =	vbroadcast v0, $0x0  }
0x184: {  	v49 =	vld [tilespmem:s14+$0xEF20]  }
0x185: {  	v50 =	vld [tilespmem:s14+$0xEF30];
	v1 =	vmul.f32 v47, v44  }
0x186: {  	v51 =	vld [tilespmem:s14+$0xEF40];
	v2 =	vmul.f32 v45, v47  }
0x187: {  	v54 =	vld [tilespmem:s14+$0xEF50];
	v53 =	vbroadcast v0, $0x1;
	v52 =	vmul.f32 v46, v47;
	[tilespmem:s14+$0xEEE0] =	vst v1  }
0x188: {  	v56 =	vld [tilespmem:s14+$0xEF60];
	v55 =	vmul.f32 v48, v47;
	[tilespmem:s14+$0xEEF0] =	vst v2  }
0x189: {  	v58 =	vld [tilespmem:s14+$0xEF70];
	v57 =	vmul.f32 v49, v53;
	[tilespmem:s14+$0xEF00] =	vst v52  }
0x18a: {  	v60 =	vld [tilespmem:s14+$0xEF80];
	v59 =	vmul.f32 v50, v53;
	[tilespmem:s14+$0xEF10] =	vst v55  }
0x18b: {  	v63 =	vld [tilespmem:s14+$0xEF90];
	v62 =	vbroadcast v0, $0x2;
	v61 =	vmul.f32 v51, v53;
	[tilespmem:s14+$0xEF20] =	vst v57  }
0x18c: {  	v13 =	vld [tilespmem:s14+$0xEFA0];
	v12 =	vmul.f32 v54, v53;
	[tilespmem:s14+$0xEF30] =	vst v59  }
0x18d: {  	v15 =	vld [tilespmem:s14+$0xEFB0];
	v14 =	vmul.f32 v56, v62;
	[tilespmem:s14+$0xEF40] =	vst v61  }
0x18e: {  	v17 =	vld [tilespmem:s14+$0xEFC0];
	v16 =	vmul.f32 v58, v62;
	[tilespmem:s14+$0xEF50] =	vst v12  }
0x18f: {  	v20 =	vld [tilespmem:s14+$0xEFD0];
	v19 =	vbroadcast v0, $0x3;
	v18 =	vmul.f32 v60, v62;
	[tilespmem:s14+$0xEF60] =	vst v14  }
0x190: {  	v22 =	vld [tilespmem:s14+$0xEFE0];
	v21 =	vmul.f32 v63, v62;
	[tilespmem:s14+$0xEF70] =	vst v16  }
0x191: {  	v24 =	vld [tilespmem:s14+$0xEFF0];
	v23 =	vmul.f32 v13, v19;
	[tilespmem:s14+$0xEF80] =	vst v18  }
0x192: {  	v26 =	vld [tilespmem:s14+$0xF000];
	v25 =	vmul.f32 v15, v19;
	[tilespmem:s14+$0xEF90] =	vst v21  }
0x193: {  	v29 =	vld [tilespmem:s14+$0xF010];
	v28 =	vbroadcast v0, $0x4;
	v27 =	vmul.f32 v17, v19;
	[tilespmem:s14+$0xEFA0] =	vst v23  }
0x194: {  	v31 =	vld [tilespmem:s14+$0xF020];
	v30 =	vmul.f32 v20, v19;
	[tilespmem:s14+$0xEFB0] =	vst v25  }
0x195: {  	v33 =	vld [tilespmem:s14+$0xF030];
	v32 =	vmul.f32 v22, v28;
	[tilespmem:s14+$0xEFC0] =	vst v27  }
0x196: {  	v35 =	vld [tilespmem:s14+$0xF040];
	v34 =	vmul.f32 v24, v28;
	[tilespmem:s14+$0xEFD0] =	vst v30  }
0x197: {  	v38 =	vld [tilespmem:s14+$0xF050];
	v37 =	vbroadcast v0, $0x5;
	v36 =	vmul.f32 v26, v28;
	[tilespmem:s14+$0xEFE0] =	vst v32  }
0x198: {  	v40 =	vld [tilespmem:s14+$0xF060];
	v39 =	vmul.f32 v29, v28;
	[tilespmem:s14+$0xEFF0] =	vst v34  }
0x199: {  	v42 =	vld [tilespmem:s14+$0xF070];
	v41 =	vmul.f32 v31, v37;
	[tilespmem:s14+$0xF000] =	vst v36  }
0x19a: {  	v43 =	vmul.f32 v33, v37;
	v44 =	vld [tilespmem:s14+$0xF080];
	[tilespmem:s14+$0xF010] =	vst v39  }
0x19b: {  	v45 =	vmul.f32 v35, v37;
	v46 =	vbroadcast v0, $0x6;
	v47 =	vld [tilespmem:s14+$0xF090];
	[tilespmem:s14+$0xF020] =	vst v41  }
0x19c: {  	v48 =	vmul.f32 v38, v37;
	v49 =	vld [tilespmem:s14+$0xF0A0];
	[tilespmem:s14+$0xF030] =	vst v43  }
0x19d: {  	v51 =	vld [tilespmem:s14+$0xF0B0];
	[tilespmem:s14+$0xF040] =	vst v45;
	v50 =	vmul.f32 v40, v46  }
0x19e: {  	v53 =	vld [tilespmem:s14+$0xF0C0];
	[tilespmem:s14+$0xF050] =	vst v48;
	v52 =	vmul.f32 v42, v46  }
0x19f: {  	v56 =	vld [tilespmem:s14+$0xF0D0];
	v55 =	vbroadcast v0, $0x7;
	[tilespmem:s14+$0xF060] =	vst v50;
	v54 =	vmul.f32 v44, v46  }
0x1a0: {  	v58 =	vld [tilespmem:s14+$0xF0E0];
	[tilespmem:s14+$0xF070] =	vst v52;
	v57 =	vmul.f32 v47, v46  }
0x1a1: {  	v60 =	vld [tilespmem:s14+$0xF0F0];
	v59 =	vmul.f32 v49, v55;
	[tilespmem:s14+$0xF080] =	vst v54  }
0x1a2: {  	v62 =	vld [tilespmem:s14+$0xF100];
	v61 =	vmul.f32 v51, v55;
	[tilespmem:s14+$0xF090] =	vst v57  }
0x1a3: {  	v13 =	vld [tilespmem:s14+$0xF110];
	v12 =	vbroadcast v0, $0x8;
	v63 =	vmul.f32 v53, v55;
	[tilespmem:s14+$0xF0A0] =	vst v59  }
0x1a4: {  	v15 =	vld [tilespmem:s14+$0xF120];
	v14 =	vmul.f32 v56, v55;
	[tilespmem:s14+$0xF0B0] =	vst v61  }
0x1a5: {  	v17 =	vld [tilespmem:s14+$0xF130];
	v16 =	vmul.f32 v58, v12;
	[tilespmem:s14+$0xF0C0] =	vst v63  }
0x1a6: {  	v19 =	vld [tilespmem:s14+$0xF140];
	v18 =	vmul.f32 v60, v12;
	[tilespmem:s14+$0xF0D0] =	vst v14  }
0x1a7: {  	v22 =	vld [tilespmem:s14+$0xF150];
	v21 =	vbroadcast v0, $0x9;
	v20 =	vmul.f32 v62, v12;
	[tilespmem:s14+$0xF0E0] =	vst v16  }
0x1a8: {  	v24 =	vld [tilespmem:s14+$0xF160];
	v23 =	vmul.f32 v13, v12;
	[tilespmem:s14+$0xF0F0] =	vst v18  }
0x1a9: {  	v26 =	vld [tilespmem:s14+$0xF170];
	v25 =	vmul.f32 v15, v21;
	[tilespmem:s14+$0xF100] =	vst v20  }
0x1aa: {  	v28 =	vld [tilespmem:s14+$0xF180];
	v27 =	vmul.f32 v17, v21;
	[tilespmem:s14+$0xF110] =	vst v23  }
0x1ab: {  	v31 =	vld [tilespmem:s14+$0xF190];
	v30 =	vbroadcast v0, $0xA;
	v29 =	vmul.f32 v19, v21;
	[tilespmem:s14+$0xF120] =	vst v25  }
0x1ac: {  	v33 =	vld [tilespmem:s14+$0xF1A0];
	v32 =	vmul.f32 v22, v21;
	[tilespmem:s14+$0xF130] =	vst v27  }
0x1ad: {  	v35 =	vld [tilespmem:s14+$0xF1B0];
	v34 =	vmul.f32 v24, v30;
	[tilespmem:s14+$0xF140] =	vst v29  }
0x1ae: {  	v37 =	vld [tilespmem:s14+$0xF1C0];
	v36 =	vmul.f32 v26, v30;
	[tilespmem:s14+$0xF150] =	vst v32  }
0x1af: {  	v39 =	vbroadcast v0, $0xB;
	v40 =	vld [tilespmem:s14+$0xF1D0];
	v38 =	vmul.f32 v28, v30;
	[tilespmem:s14+$0xF160] =	vst v34  }
0x1b0: {  	v42 =	vld [tilespmem:s14+$0xF1E0];
	v41 =	vmul.f32 v31, v30;
	[tilespmem:s14+$0xF170] =	vst v36  }
0x1b1: {  	v43 =	vmul.f32 v33, v39;
	v44 =	vld [tilespmem:s14+$0xF1F0];
	[tilespmem:s14+$0xF180] =	vst v38  }
0x1b2: {  	v45 =	vmul.f32 v35, v39;
	v46 =	vld [tilespmem:s14+$0xF200];
	[tilespmem:s14+$0xF190] =	vst v41  }
0x1b3: {  	v48 =	vbroadcast v0, $0xC;
	v47 =	vmul.f32 v37, v39;
	v49 =	vld [tilespmem:s14+$0xF210];
	[tilespmem:s14+$0xF1A0] =	vst v43  }
0x1b4: {  	v51 =	vld [tilespmem:s14+$0xF220];
	[tilespmem:s14+$0xF1B0] =	vst v45;
	v50 =	vmul.f32 v40, v39  }
0x1b5: {  	v53 =	vld [tilespmem:s14+$0xF230];
	[tilespmem:s14+$0xF1C0] =	vst v47;
	v52 =	vmul.f32 v42, v48  }
0x1b6: {  	v55 =	vld [tilespmem:s14+$0xF240];
	[tilespmem:s14+$0xF1D0] =	vst v50;
	v54 =	vmul.f32 v44, v48  }
0x1b7: {  	v58 =	vld [tilespmem:s14+$0xF250];
	v57 =	vbroadcast v0, $0xD;
	[tilespmem:s14+$0xF1E0] =	vst v52;
	v56 =	vmul.f32 v46, v48  }
0x1b8: {  	v60 =	vld [tilespmem:s14+$0xF260];
	v59 =	vmul.f32 v49, v48;
	[tilespmem:s14+$0xF1F0] =	vst v54  }
0x1b9: {  	v62 =	vld [tilespmem:s14+$0xF270];
	v61 =	vmul.f32 v51, v57;
	[tilespmem:s14+$0xF200] =	vst v56  }
0x1ba: {  	v12 =	vld [tilespmem:s14+$0xF280];
	v63 =	vmul.f32 v53, v57;
	[tilespmem:s14+$0xF210] =	vst v59  }
0x1bb: {  	v15 =	vld [tilespmem:s14+$0xF290];
	v14 =	vbroadcast v0, $0xE;
	v13 =	vmul.f32 v55, v57;
	[tilespmem:s14+$0xF220] =	vst v61  }
0x1bc: {  	v17 =	vld [tilespmem:s14+$0xF2A0];
	v16 =	vmul.f32 v58, v57;
	[tilespmem:s14+$0xF230] =	vst v63  }
0x1bd: {  	v19 =	vld [tilespmem:s14+$0xF2B0];
	v18 =	vmul.f32 v60, v14;
	[tilespmem:s14+$0xF240] =	vst v13  }
0x1be: {  	v21 =	vld [tilespmem:s14+$0xF2C0];
	v20 =	vmul.f32 v62, v14;
	[tilespmem:s14+$0xF250] =	vst v16  }
0x1bf: {  	v0 =	vbroadcast v0, $0xF;
	v23 =	vld [tilespmem:s14+$0xF2D0];
	v22 =	vmul.f32 v12, v14;
	[tilespmem:s14+$0xF260] =	vst v18  }
0x1c0: {  	v24 =	vmul.f32 v15, v14;
	[tilespmem:s14+$0xF270] =	vst v20  }
0x1c1: {  	v25 =	vmul.f32 v17, v0;
	[tilespmem:s14+$0xF280] =	vst v22  }
0x1c2: {  	v26 =	vmul.f32 v19, v0;
	[tilespmem:s14+$0xF290] =	vst v24  }
0x1c3: {  	v27 =	vmul.f32 v21, v0;
	[tilespmem:s14+$0xF2A0] =	vst v25  }
0x1c4: {  	[tilespmem:s14+$0xF2B0] =	vst v26;
	v0 =	vmul.f32 v23, v0  }
0x1c5: {  	[tilespmem:s14+$0xF2C0] =	vst v27  }
0x1c6: {  	[tilespmem:s14+$0xF2D0] =	vst v0  }
0x1c7: {  	v0 =	vld [tilespmem:$0xE2D0];
	_ =	sdelay $0x1  }
0x1c8: {  	v28 =	vld [tilespmem:s14+$0xF2E0]  }
0x1c9: {  	v29 =	vld [tilespmem:s14+$0xF2F0]  }
0x1ca: {  	v30 =	vld [tilespmem:s14+$0xF300]  }
0x1cb: {  	v32 =	vld [tilespmem:s14+$0xF310];
	v31 =	vbroadcast v0, $0x0  }
0x1cc: {  	v33 =	vld [tilespmem:s14+$0xF320]  }
0x1cd: {  	v34 =	vld [tilespmem:s14+$0xF330];
	v1 =	vmul.f32 v31, v28  }
0x1ce: {  	v35 =	vld [tilespmem:s14+$0xF340];
	v2 =	vmul.f32 v29, v31  }
0x1cf: {  	v38 =	vld [tilespmem:s14+$0xF350];
	v37 =	vbroadcast v0, $0x1;
	v36 =	vmul.f32 v30, v31;
	[tilespmem:s14+$0xF2E0] =	vst v1  }
0x1d0: {  	v40 =	vld [tilespmem:s14+$0xF360];
	v39 =	vmul.f32 v32, v31;
	[tilespmem:s14+$0xF2F0] =	vst v2  }
0x1d1: {  	v42 =	vld [tilespmem:s14+$0xF370];
	v41 =	vmul.f32 v33, v37;
	[tilespmem:s14+$0xF300] =	vst v36  }
0x1d2: {  	v44 =	vld [tilespmem:s14+$0xF380];
	v43 =	vmul.f32 v34, v37;
	[tilespmem:s14+$0xF310] =	vst v39  }
0x1d3: {  	v47 =	vld [tilespmem:s14+$0xF390];
	v46 =	vbroadcast v0, $0x2;
	v45 =	vmul.f32 v35, v37;
	[tilespmem:s14+$0xF320] =	vst v41  }
0x1d4: {  	v49 =	vld [tilespmem:s14+$0xF3A0];
	v48 =	vmul.f32 v38, v37;
	[tilespmem:s14+$0xF330] =	vst v43  }
0x1d5: {  	v51 =	vld [tilespmem:s14+$0xF3B0];
	v50 =	vmul.f32 v40, v46;
	[tilespmem:s14+$0xF340] =	vst v45  }
0x1d6: {  	v53 =	vld [tilespmem:s14+$0xF3C0];
	v52 =	vmul.f32 v42, v46;
	[tilespmem:s14+$0xF350] =	vst v48  }
0x1d7: {  	v56 =	vld [tilespmem:s14+$0xF3D0];
	v55 =	vbroadcast v0, $0x3;
	v54 =	vmul.f32 v44, v46;
	[tilespmem:s14+$0xF360] =	vst v50  }
0x1d8: {  	v58 =	vld [tilespmem:s14+$0xF3E0];
	v57 =	vmul.f32 v47, v46;
	[tilespmem:s14+$0xF370] =	vst v52  }
0x1d9: {  	v60 =	vld [tilespmem:s14+$0xF3F0];
	v59 =	vmul.f32 v49, v55;
	[tilespmem:s14+$0xF380] =	vst v54  }
0x1da: {  	v62 =	vld [tilespmem:s14+$0xF400];
	v61 =	vmul.f32 v51, v55;
	[tilespmem:s14+$0xF390] =	vst v57  }
0x1db: {  	v13 =	vld [tilespmem:s14+$0xF410];
	v12 =	vbroadcast v0, $0x4;
	v63 =	vmul.f32 v53, v55;
	[tilespmem:s14+$0xF3A0] =	vst v59  }
0x1dc: {  	v15 =	vld [tilespmem:s14+$0xF420];
	v14 =	vmul.f32 v56, v55;
	[tilespmem:s14+$0xF3B0] =	vst v61  }
0x1dd: {  	v17 =	vld [tilespmem:s14+$0xF430];
	v16 =	vmul.f32 v58, v12;
	[tilespmem:s14+$0xF3C0] =	vst v63  }
0x1de: {  	v19 =	vld [tilespmem:s14+$0xF440];
	v18 =	vmul.f32 v60, v12;
	[tilespmem:s14+$0xF3D0] =	vst v14  }
0x1df: {  	v22 =	vld [tilespmem:s14+$0xF450];
	v21 =	vbroadcast v0, $0x5;
	v20 =	vmul.f32 v62, v12;
	[tilespmem:s14+$0xF3E0] =	vst v16  }
0x1e0: {  	v24 =	vld [tilespmem:s14+$0xF460];
	v23 =	vmul.f32 v13, v12;
	[tilespmem:s14+$0xF3F0] =	vst v18  }
0x1e1: {  	v26 =	vld [tilespmem:s14+$0xF470];
	v25 =	vmul.f32 v15, v21;
	[tilespmem:s14+$0xF400] =	vst v20  }
0x1e2: {  	v27 =	vmul.f32 v17, v21;
	v28 =	vld [tilespmem:s14+$0xF480];
	[tilespmem:s14+$0xF410] =	vst v23  }
0x1e3: {  	v29 =	vmul.f32 v19, v21;
	v30 =	vbroadcast v0, $0x6;
	v31 =	vld [tilespmem:s14+$0xF490];
	[tilespmem:s14+$0xF420] =	vst v25  }
0x1e4: {  	v32 =	vmul.f32 v22, v21;
	v33 =	vld [tilespmem:s14+$0xF4A0];
	[tilespmem:s14+$0xF430] =	vst v27  }
0x1e5: {  	v35 =	vld [tilespmem:s14+$0xF4B0];
	[tilespmem:s14+$0xF440] =	vst v29;
	v34 =	vmul.f32 v24, v30  }
0x1e6: {  	v37 =	vld [tilespmem:s14+$0xF4C0];
	[tilespmem:s14+$0xF450] =	vst v32;
	v36 =	vmul.f32 v26, v30  }
0x1e7: {  	v40 =	vld [tilespmem:s14+$0xF4D0];
	v39 =	vbroadcast v0, $0x7;
	[tilespmem:s14+$0xF460] =	vst v34;
	v38 =	vmul.f32 v28, v30  }
0x1e8: {  	v42 =	vld [tilespmem:s14+$0xF4E0];
	[tilespmem:s14+$0xF470] =	vst v36;
	v41 =	vmul.f32 v31, v30  }
0x1e9: {  	v44 =	vld [tilespmem:s14+$0xF4F0];
	v43 =	vmul.f32 v33, v39;
	[tilespmem:s14+$0xF480] =	vst v38  }
0x1ea: {  	v46 =	vld [tilespmem:s14+$0xF500];
	v45 =	vmul.f32 v35, v39;
	[tilespmem:s14+$0xF490] =	vst v41  }
0x1eb: {  	v49 =	vld [tilespmem:s14+$0xF510];
	v48 =	vbroadcast v0, $0x8;
	v47 =	vmul.f32 v37, v39;
	[tilespmem:s14+$0xF4A0] =	vst v43  }
0x1ec: {  	v51 =	vld [tilespmem:s14+$0xF520];
	v50 =	vmul.f32 v40, v39;
	[tilespmem:s14+$0xF4B0] =	vst v45  }
0x1ed: {  	v53 =	vld [tilespmem:s14+$0xF530];
	v52 =	vmul.f32 v42, v48;
	[tilespmem:s14+$0xF4C0] =	vst v47  }
0x1ee: {  	v55 =	vld [tilespmem:s14+$0xF540];
	v54 =	vmul.f32 v44, v48;
	[tilespmem:s14+$0xF4D0] =	vst v50  }
0x1ef: {  	v58 =	vld [tilespmem:s14+$0xF550];
	v57 =	vbroadcast v0, $0x9;
	v56 =	vmul.f32 v46, v48;
	[tilespmem:s14+$0xF4E0] =	vst v52  }
0x1f0: {  	v60 =	vld [tilespmem:s14+$0xF560];
	v59 =	vmul.f32 v49, v48;
	[tilespmem:s14+$0xF4F0] =	vst v54  }
0x1f1: {  	v62 =	vld [tilespmem:s14+$0xF570];
	v61 =	vmul.f32 v51, v57;
	[tilespmem:s14+$0xF500] =	vst v56  }
0x1f2: {  	v12 =	vld [tilespmem:s14+$0xF580];
	v63 =	vmul.f32 v53, v57;
	[tilespmem:s14+$0xF510] =	vst v59  }
0x1f3: {  	v15 =	vld [tilespmem:s14+$0xF590];
	v14 =	vbroadcast v0, $0xA;
	v13 =	vmul.f32 v55, v57;
	[tilespmem:s14+$0xF520] =	vst v61  }
0x1f4: {  	v17 =	vld [tilespmem:s14+$0xF5A0];
	v16 =	vmul.f32 v58, v57;
	[tilespmem:s14+$0xF530] =	vst v63  }
0x1f5: {  	v19 =	vld [tilespmem:s14+$0xF5B0];
	v18 =	vmul.f32 v60, v14;
	[tilespmem:s14+$0xF540] =	vst v13  }
0x1f6: {  	v21 =	vld [tilespmem:s14+$0xF5C0];
	v20 =	vmul.f32 v62, v14;
	[tilespmem:s14+$0xF550] =	vst v16  }
0x1f7: {  	v23 =	vbroadcast v0, $0xB;
	v24 =	vld [tilespmem:s14+$0xF5D0];
	v22 =	vmul.f32 v12, v14;
	[tilespmem:s14+$0xF560] =	vst v18  }
0x1f8: {  	v26 =	vld [tilespmem:s14+$0xF5E0];
	v25 =	vmul.f32 v15, v14;
	[tilespmem:s14+$0xF570] =	vst v20  }
0x1f9: {  	v27 =	vmul.f32 v17, v23;
	v28 =	vld [tilespmem:s14+$0xF5F0];
	[tilespmem:s14+$0xF580] =	vst v22  }
0x1fa: {  	v29 =	vmul.f32 v19, v23;
	v30 =	vld [tilespmem:s14+$0xF600];
	[tilespmem:s14+$0xF590] =	vst v25  }
0x1fb: {  	v32 =	vbroadcast v0, $0xC;
	v31 =	vmul.f32 v21, v23;
	v33 =	vld [tilespmem:s14+$0xF610];
	[tilespmem:s14+$0xF5A0] =	vst v27  }
0x1fc: {  	v35 =	vld [tilespmem:s14+$0xF620];
	[tilespmem:s14+$0xF5B0] =	vst v29;
	v34 =	vmul.f32 v24, v23  }
0x1fd: {  	v37 =	vld [tilespmem:s14+$0xF630];
	[tilespmem:s14+$0xF5C0] =	vst v31;
	v36 =	vmul.f32 v26, v32  }
0x1fe: {  	v39 =	vld [tilespmem:s14+$0xF640];
	[tilespmem:s14+$0xF5D0] =	vst v34;
	v38 =	vmul.f32 v28, v32  }
0x1ff: {  	v42 =	vld [tilespmem:s14+$0xF650];
	v41 =	vbroadcast v0, $0xD;
	[tilespmem:s14+$0xF5E0] =	vst v36;
	v40 =	vmul.f32 v30, v32  }
0x200: {  	v44 =	vld [tilespmem:s14+$0xF660];
	v43 =	vmul.f32 v33, v32;
	[tilespmem:s14+$0xF5F0] =	vst v38  }
0x201: {  	v46 =	vld [tilespmem:s14+$0xF670];
	v45 =	vmul.f32 v35, v41;
	[tilespmem:s14+$0xF600] =	vst v40  }
0x202: {  	v48 =	vld [tilespmem:s14+$0xF680];
	v47 =	vmul.f32 v37, v41;
	[tilespmem:s14+$0xF610] =	vst v43  }
0x203: {  	v51 =	vld [tilespmem:s14+$0xF690];
	v50 =	vbroadcast v0, $0xE;
	v49 =	vmul.f32 v39, v41;
	[tilespmem:s14+$0xF620] =	vst v45  }
0x204: {  	v53 =	vld [tilespmem:s14+$0xF6A0];
	v52 =	vmul.f32 v42, v41;
	[tilespmem:s14+$0xF630] =	vst v47  }
0x205: {  	v55 =	vld [tilespmem:s14+$0xF6B0];
	v54 =	vmul.f32 v44, v50;
	[tilespmem:s14+$0xF640] =	vst v49  }
0x206: {  	v57 =	vld [tilespmem:s14+$0xF6C0];
	v56 =	vmul.f32 v46, v50;
	[tilespmem:s14+$0xF650] =	vst v52  }
0x207: {  	v0 =	vbroadcast v0, $0xF;
	v59 =	vld [tilespmem:s14+$0xF6D0];
	v58 =	vmul.f32 v48, v50;
	[tilespmem:s14+$0xF660] =	vst v54  }
0x208: {  	v60 =	vmul.f32 v51, v50;
	[tilespmem:s14+$0xF670] =	vst v56  }
0x209: {  	v61 =	vmul.f32 v53, v0;
	[tilespmem:s14+$0xF680] =	vst v58  }
0x20a: {  	p0 =	sne.s32 s6, $0x4;
	s15 =	sadd.s32 $0xFFFFFFFF, s30;
	v62 =	vmul.f32 v55, v0;
	[tilespmem:s14+$0xF690] =	vst v60  }
0x20b: {  	p1 =	sgt.u32 @!p0 s15, $0x7;
	v63 =	vmul.f32 v57, v0;
	[tilespmem:s14+$0xF6A0] =	vst v61  }
0x20c: {  	p0 =	por p1, p0;
	[tilespmem:s14+$0xF6B0] =	vst v62;
	v0 =	vmul.f32 v59, v0  }
0x20d: {  	s15 =	sadd.s32 @!p0 s10, s30;
	[tilespmem:s14+$0xF6C0] =	vst v63  }
0x20e: {  	s16 =	sadd.s32 $0xE2E0, s14;
	s13 =	sadd.s32 $0xFA0, s13;
	[tilespmem:s14+$0xF6D0] =	vst v0;
	s14 =	smul.u32 @!p0 $0x7D0, s15  }
0x20f: {  	[spmem:s2] =	stream.indirect.scatter.add.f32 [tilespmem:s16], [sflag:$0x2], $0x40, s13, s29, $0xb8;
	[tilespmem:$0x1F720] =	vst v63  }
0x210: {  	s13 =	sxor.u32 @!p0 $0x1, s3;
	s14 =	sshrl.u32 @!p0 s14, $0x3  }
0x211: {  	s13 =	smul.u32 @!p0 $0x7D0, s13;
	s14 =	sadd.s32 @!p0 $0xFA, s14  }
0x212: {  	s16 =	simm.s32 @!p0 $0x0;
	s15 =	sadd.s32 @!p0 s7, s14  }
0x213: {  	[tilespmem:s13], [sflag:$0x3] =	stream.linear.gather @!p0 [hbm4b:s15+s16], $0x7D0, $0x38;
	[tilespmem:$0x1F720] =	vst v63  }
0x214: {  	s12 =	sadd.s32 $0x1, s12;
	s14 =	sadd.s32 @!p0 s8, s14;
	s13 =	sadd.s32 @!p0 $0xFA0, s13  }
0x215: {  	[tilespmem:s13], [sflag:$0x3] =	stream.linear.gather @!p0 [hbm4b:s14+s16], $0x7D0, $0x38;
	[tilespmem:$0x1F720] =	vst v63  }
0x216: {  	p0 =	seq.s32 s11, $0x5;
	s11 =	sadd.s32 $0x1, s11;
	s14 =	simm.s32 $0x1  }
0x217: {  	s11 =	simm.s32 @p0 $0x0;
	p0 =	seq.s32 s5, $0x18;
	s5 =	sadd.s32 $0x1, s5  }
0x218: {  	s5 =	simm.s32 @p0 $0x0;
	s14 =	simm.s32 @!p0 $0x0;
	p0 =	sne.s32 s12, $0xFA  }
.Ltmp0:
0x219: {  	p2 =	seq.s32 s9, $0x5;
	s9 =	sadd.s32 $0x1, s9;
	(pc) =	sbr.rel @p0 .LBB2_2-.Ltmp0, $4  }
0x21a: {  	s9 =	simm.s32 @p2 $0x0  }
0x21b: {  	p1 =	seq.s32 s6, $0x18;
	s6 =	sadd.s32 $0x1, s6;
	s13 =	simm.s32 $0x1  }
0x21c: {  	s6 =	simm.s32 @p1 $0x0;
	s28 =	sadd.s32 $0x50, s28;
	s13 =	simm.s32 @!p1 $0x0  }
0x21d: {  	s3 =	sxor.u32 s13, s3;
	s30 =	sadd.s32 s13, s30;
	s31 =	sxor.u32 s14, s31  }
0x21e: {  	_ =	swait.ge [sflag:s1], $0x1400  }
0x21f: {  	[sflag:s1] =	ssyncset.done $0x0  }
0x220: {  	[sflag:s1] =	ssyncadd.s32 $0xFFFFEC00  }
0x221: {  	_ =	swait.ge [sflag:s1], $0x1400  }
0x222: {  	[sflag:s1] =	ssyncset.done $0x0  }
0x223: {  	[sflag:s1] =	ssyncadd.s32 $0xFFFFEC00  }
0x224: {  	_ =	swait.ge [sflag:s1], $0x1400  }
0x225: {  	[sflag:s1] =	ssyncset.done $0x0  }
0x226: {  	[sflag:s1] =	ssyncadd.s32 $0xFFFFEC00  }
0x227: {  	_ =	swait.ge [sflag:s1], $0x1400  }
0x228: {  	s23 =	sadd.s32 $0x1, s23;
	[sflag:s1] =	ssyncset.done $0x0  }
0x229: {  	p0 =	sne.s32 s23, s18;
	[sflag:s1] =	ssyncadd.s32 $0xFFFFEC00  }
.Ltmp1:
0x22a: {  	[bflag:$0x0] =	sbarrier.arrive $0xFFFF;
	(pc) =	sbr.rel @p0 .LBB2_1-.Ltmp1, $4  }
0x22b: {  	[hbm:s24], [sflag:s25] =	dma.local [spmem:s26], $0x1388  }
0x22c: {  	_ =	swait.ge [sflag:s20], $0x1388  }
0x22d: {  	[sflag:s20] =	ssyncset.done $0x0  }
0x22e: {  	[sflag:s20] =	ssyncadd.s32 $0xFFFFEC78  }
0x22f: {  	_ =	sfence.sel $0x180000  }
0x230: {  	[bflag:$0x0] =	sbarrier.arrive $0xFFFF  }
0x231: {  	_ =	strace $0x90000047  }
0x232: {  	s0 =	stileid.u32;
	[bflag:$0x2] =	sbarrier.arrive $0xFFFF  }
0x233: {  	p0 =	sne.s32 s0, $0x0;
	s0 =	rddreg [dreg:$0x4]  }
0x234: {  	s0 =	sadd.s32 @!p0 $0x100000, s0  }
0x235: {  	[sflag:s0] =	ssyncadd.tile.s32 @!p0 $0x1;
	_ =	shalt  }
.Lfunc_end2:
_tile_overlayer_lowered:
.L_overlay_start_2:
0x236: {  	(tag) =	ssettag $0x2  }
0x237: {  	s0 =	rddreg [dreg:$0x0];
	s2 =	stileid.u32  }
0x238: {  	s1 =	rddreg [dreg:$0x1];
	p0 =	sne.s32 s2, $0x0  }
0x239: {  	s3 =	rddreg [dreg:$0x2];
	[bflag:$0x3] =	sbarrier.arrive $0xFFFF;
	s2 =	simm.s32 @!p0 $0x1C04  }
0x23a: {  	[timem:s3], [sflag:s2] =	dma.local @!p0 [hbm:s0], s1  }
0x23b: {  	s0 =	simm.s32 @!p0 $0x4  }
0x23c: {  	_ =	swait.ge @!p0 [sflag:s0], s1  }
0x23d: {  	s1 =	ssub.s32 @!p0 $0x0, s1;
	[sflag:s0] =	ssyncset.done @!p0 $0x0  }
0x23e: {  	[sflag:s0] =	ssyncadd.s32 @!p0 s1  }
0x23f: {  	[bflag:$0x3] =	sbarrier.arrive $0xFFFF  }
0x240: {  	_ =	shalt  }

</sc_bundles>
